<compile_context>
chip_gen: v7x
topology: tpu7x:2x2x1
jax: 0.10.2.dev20260603
libtpu: 0.0.44.dev20260713+nightly
codegen_flags: <defaults>
</compile_context>

<pallas_src>
import functools

import jax
import jax.numpy as jnp
from jax import lax
from jax.experimental import pallas as pl
from jax.experimental.pallas import tpu as pltpu
from jax.experimental.pallas import tpu_sc as plsc

NC = 2
NS = 16
NW = NC * NS
LANES = 16

C = 128
RBUF = 2
IBUF = 4
OBUF = 2
UNROLL = 4


def _build_sc_kernel(e_pad: int, n_nodes: int, dim: int):
    assert dim == 64
    nch = e_pad // (NW * C)
    assert nch % UNROLL == 0 and nch >= 2 * UNROLL
    mesh = plsc.VectorSubcoreMesh(core_axis_name="c", subcore_axis_name="s")

    @functools.partial(
        pl.kernel,
        out_type=jax.ShapeDtypeStruct((NW * nch, C), jnp.float32),
        mesh=mesh,
        compiler_params=pltpu.CompilerParams(
            needs_layout_passes=False, use_tc_tiling_on_sc=False),
        scratch_types=(
            [pltpu.VMEM((2, C), jnp.int32) for _ in range(IBUF)]
            + [pltpu.VMEM((C, 64), jnp.bfloat16) for _ in range(2 * RBUF)]
            + [pltpu.VMEM((C,), jnp.float32) for _ in range(OBUF)]
            + [pltpu.VMEM_SHARED((n_nodes, 64), jnp.bfloat16)]
            + [pltpu.SemaphoreType.DMA for _ in range(IBUF + 2 * RBUF + OBUF)]
        ),
    )
    def k(cidx_hbm, emb_hbm, out_hbm, *rest):
        idxs = rest[:IBUF]
        rowbufs = rest[IBUF:IBUF + 2 * RBUF]
        outvs = rest[IBUF + 2 * RBUF:IBUF + 2 * RBUF + OBUF]
        table_sh = rest[IBUF + 2 * RBUF + OBUF]
        sems = rest[IBUF + 2 * RBUF + OBUF + 1:]
        sem_i = sems[:IBUF]
        sem_r = sems[IBUF:IBUF + 2 * RBUF]
        sem_o = sems[IBUF + 2 * RBUF:]
        srows = tuple(rowbufs[2 * b] for b in range(RBUF))
        trows = tuple(rowbufs[2 * b + 1] for b in range(RBUF))

        wid = lax.axis_index("s") * NC + lax.axis_index("c")
        lane = lax.iota(jnp.int32, LANES)

        def idx_desc(c, j):
            return pltpu.make_async_copy(
                cidx_hbm.at[wid * nch + c], idxs[j], sem_i[j])

        def gather_descs(c, b, j):
            return (
                pltpu.make_async_copy(
                    table_sh.at[idxs[j].at[0]], srows[b], sem_r[2 * b]),
                pltpu.make_async_copy(
                    table_sh.at[idxs[j].at[1]], trows[b], sem_r[2 * b + 1]),
            )

        def out_desc(c, b):
            return pltpu.make_async_copy(
                outvs[b], out_hbm.at[wid * nch + c], sem_o[b])

        for j in range(IBUF):
            idx_desc(j, j).start()

        for c in range(RBUF):
            idx_desc(c, c).wait()
            pltpu.make_async_copy(
                emb_hbm.at[idxs[c].at[0]], srows[c], sem_r[2 * c]).start()
            pltpu.make_async_copy(
                emb_hbm.at[idxs[c].at[1]], trows[c], sem_r[2 * c + 1]).start()

        sub = lax.axis_index("s")
        rpt = n_nodes // NS
        rem = n_nodes - rpt * NS
        pltpu.sync_copy(emb_hbm.at[pl.ds(sub * rpt, rpt), :],
                        table_sh.at[pl.ds(sub * rpt, rpt), :])

        @pl.when(sub == 0)
        def _():
            if rem:
                pltpu.sync_copy(emb_hbm.at[pl.ds(NS * rpt, rem), :],
                                table_sh.at[pl.ds(NS * rpt, rem), :])

        plsc.subcore_barrier()

        def compute(sr, tr, outv):
            def group(g, _):
                e0 = g * 16
                tot = jnp.zeros((LANES,), jnp.float32)
                for kk in range(0, 16, 8):
                    sl, sh, tl, th = [], [], [], []
                    for i in range(8):
                        s = sr.at[e0 + kk + i]
                        t = tr.at[e0 + kk + i]
                        sl.append(s[pl.ds(0, 32)])
                        sh.append(s[pl.ds(32, 32)])
                        tl.append(t[pl.ds(0, 32)])
                        th.append(t[pl.ds(32, 32)])
                    acc32 = [sl[i] * tl[i] + sh[i] * th[i] for i in range(8)]
                    for i in range(8):
                        hi, lo = plsc.unpack(
                            acc32[i], format=plsc.PackFormat.INTERLEAVED)
                        tot = jnp.where(lane == kk + i,
                                        jnp.sum(hi + lo, axis=0), tot)
                outv[pl.ds(e0, 16)] = tot
                return 0

            lax.fori_loop(0, C // 16, group, 0)

        def macro(m, _):
            for u in range(UNROLL):
                c = m * UNROLL + u
                b = u % RBUF
                jo = u % OBUF
                for d in gather_descs(c, b, u):
                    d.wait()

                @pl.when(c + IBUF < nch)
                def _():
                    idx_desc(c + IBUF, u % IBUF).start()

                @pl.when(c >= OBUF)
                def _():
                    out_desc(c - OBUF, jo).wait()

                compute(srows[b], trows[b], outvs[jo])
                out_desc(c, jo).start()

                @pl.when(c + RBUF < nch)
                def _():
                    idx_desc(c + RBUF, (u + RBUF) % IBUF).wait()
                    for d in gather_descs(c + RBUF, b, (u + RBUF) % IBUF):
                        d.start()

            return 0

        lax.fori_loop(0, nch // UNROLL, macro, 0)
        for c in range(nch - OBUF, nch):
            out_desc(c, c % OBUF).wait()

    return k


def kernel(edge_index, emb1):
    n_nodes, dim = emb1.shape
    e = edge_index.shape[1]
    block = NW * C * UNROLL
    e_pad = ((e + block - 1) // block) * block
    src = edge_index[0]
    dst = edge_index[1]
    if e_pad != e:
        pad = jnp.zeros((e_pad - e,), jnp.int32)
        src = jnp.concatenate([src, pad])
        dst = jnp.concatenate([dst, pad])
    nch = e_pad // (NW * C)
    cidx = jnp.stack([src.reshape(NW * nch, C), dst.reshape(NW * nch, C)],
                     axis=1)
    out = _build_sc_kernel(e_pad, n_nodes, dim)(
        cidx, emb1.astype(jnp.bfloat16))
    return out.reshape(e_pad)[:e]

# --- scband reference (transcript-rebuilt; emitter-appended) ---
"""Pipeline reference for scband-line-49555332661714 (READ-ONLY COPY).

The authoritative reference and input builder live on the scoring server;
editing this copy changes nothing except your own understanding.
"""

import jax, jax.numpy as jnp
import numpy as np

N_NODES = 50000
N_EDGES = 800000
DIM = 64

def setup_inputs(seed: int = 0) -> dict:
    key = jax.random.key(seed)
    k1, k2 = jax.random.split(key)
    edge_index = jax.random.randint(k1, (2, N_EDGES), 0, N_NODES, dtype=jnp.int32)
    emb1 = jax.random.normal(k2, (N_NODES, DIM), dtype=jnp.float32)
    return {"edge_index": edge_index, "emb1": emb1}

def reference(edge_index, emb1):
    # LINE order=1: first-order proximity score per edge
    z1_s = jnp.take(emb1, edge_index[0], axis=0)
    z1_t = jnp.take(emb1, edge_index[1], axis=0)
    z1 = jnp.sum(z1_s * z1_t, axis=-1)
    return z1

if __name__ == "__main__":
    import jax
    _d = setup_inputs()
    print(jax.jit(kernel)(*tuple(_d.values())))

</pallas_src>

<mosaic_0001>
#map = affine_map<(d0, d1) -> (0, 0, 0)>
#map1 = affine_map<(d0, d1) -> (0, 0)>
module attributes {stable_mosaic.version = 14 : i64} {
  func.func @k(%arg0: i32, %arg1: i32, %arg2: memref<6272x2x128xi32, #tpu.memory_space<hbm>>, %arg3: memref<50000x64xbf16, #tpu.memory_space<hbm>>, %arg4: memref<6272x128xf32, #tpu.memory_space<hbm>>, %arg5: memref<2x128xi32, #tpu.memory_space<vmem>>, %arg6: memref<2x128xi32, #tpu.memory_space<vmem>>, %arg7: memref<2x128xi32, #tpu.memory_space<vmem>>, %arg8: memref<2x128xi32, #tpu.memory_space<vmem>>, %arg9: memref<128x64xbf16, #tpu.memory_space<vmem>>, %arg10: memref<128x64xbf16, #tpu.memory_space<vmem>>, %arg11: memref<128x64xbf16, #tpu.memory_space<vmem>>, %arg12: memref<128x64xbf16, #tpu.memory_space<vmem>>, %arg13: memref<128xf32, #tpu.memory_space<vmem>>, %arg14: memref<128xf32, #tpu.memory_space<vmem>>, %arg15: memref<50000x64xbf16, #tpu.memory_space<vmem_shared>>, %arg16: memref<!tpu.dma_semaphore, #tpu.memory_space<semaphore_mem>>, %arg17: memref<!tpu.dma_semaphore, #tpu.memory_space<semaphore_mem>>, %arg18: memref<!tpu.dma_semaphore, #tpu.memory_space<semaphore_mem>>, %arg19: memref<!tpu.dma_semaphore, #tpu.memory_space<semaphore_mem>>, %arg20: memref<!tpu.dma_semaphore, #tpu.memory_space<semaphore_mem>>, %arg21: memref<!tpu.dma_semaphore, #tpu.memory_space<semaphore_mem>>, %arg22: memref<!tpu.dma_semaphore, #tpu.memory_space<semaphore_mem>>, %arg23: memref<!tpu.dma_semaphore, #tpu.memory_space<semaphore_mem>>, %arg24: memref<!tpu.dma_semaphore, #tpu.memory_space<semaphore_mem>>, %arg25: memref<!tpu.dma_semaphore, #tpu.memory_space<semaphore_mem>>) attributes {dimension_semantics = [#tpu.dimension_semantics<core_parallel>, #tpu.dimension_semantics<subcore_parallel>], iteration_bounds = array<i64: 2, 16>, scalar_prefetch = 0 : i64, scratch_operands = 21 : i64, tpu.core_type = #tpu.core_type<sc_vector_subcore>, window_params = [{transform_indices = #map}, {transform_indices = #map1}, {transform_indices = #map1}]} {
    %mul3A = arith.constant 2 : i32
    %mul3A_0 = arith.muli %arg1, %mul3A : i32
    %add3A = arith.addi %mul3A_0, %arg0 : i32
    %iota3A = tpu.iota {dimensions = array<i32: 0>} : vector<16xi32>
    %mul3A_1 = arith.constant 196 : i32
    %mul3A_2 = arith.muli %add3A, %mul3A_1 : i32
    %add3A_3 = arith.constant 0 : i32
    %add3A_4 = arith.addi %mul3A_2, %add3A_3 : i32
    %dma_start3A = arith.constant 0 : i32
    %dma_start3A_5 = arith.constant 0 : i32
    %dma_start3A_6 = tpu.memref_slice %arg2[%add3A_4, %dma_start3A, %dma_start3A_5] : memref<6272x2x128xi32, #tpu.memory_space<hbm>> -> memref<1x2x128xi32, #tpu.memory_space<hbm>>
    %dma_start3A_7 = tpu.memref_squeeze %dma_start3A_6 : memref<1x2x128xi32, #tpu.memory_space<hbm>> -> memref<2x128xi32, #tpu.memory_space<hbm>>
    %dma_start3A_8 = arith.constant 0 : i32
    %dma_start3A_9 = arith.constant 0 : i32
    %dma_start3A_10 = tpu.memref_slice %arg2[%add3A_4, %dma_start3A_8, %dma_start3A_9] : memref<6272x2x128xi32, #tpu.memory_space<hbm>> -> memref<1x2x128xi32, #tpu.memory_space<hbm>>
    %dma_start3A_11 = tpu.memref_squeeze %dma_start3A_10 : memref<1x2x128xi32, #tpu.memory_space<hbm>> -> memref<2x128xi32, #tpu.memory_space<hbm>>
    tpu.enqueue_dma source(%dma_start3A_11 : memref<2x128xi32, #tpu.memory_space<hbm>>) target(%arg5 : memref<2x128xi32, #tpu.memory_space<vmem>>) target_semaphore(%arg16 : memref<!tpu.dma_semaphore, #tpu.memory_space<semaphore_mem>>)
    %mul3A_12 = arith.constant 196 : i32
    %mul3A_13 = arith.muli %add3A, %mul3A_12 : i32
    %add3A_14 = arith.constant 1 : i32
    %add3A_15 = arith.addi %mul3A_13, %add3A_14 : i32
    %dma_start3A_16 = arith.constant 0 : i32
    %dma_start3A_17 = arith.constant 0 : i32
    %dma_start3A_18 = tpu.memref_slice %arg2[%add3A_15, %dma_start3A_16, %dma_start3A_17] : memref<6272x2x128xi32, #tpu.memory_space<hbm>> -> memref<1x2x128xi32, #tpu.memory_space<hbm>>
    %dma_start3A_19 = tpu.memref_squeeze %dma_start3A_18 : memref<1x2x128xi32, #tpu.memory_space<hbm>> -> memref<2x128xi32, #tpu.memory_space<hbm>>
    %dma_start3A_20 = arith.constant 0 : i32
    %dma_start3A_21 = arith.constant 0 : i32
    %dma_start3A_22 = tpu.memref_slice %arg2[%add3A_15, %dma_start3A_20, %dma_start3A_21] : memref<6272x2x128xi32, #tpu.memory_space<hbm>> -> memref<1x2x128xi32, #tpu.memory_space<hbm>>
    %dma_start3A_23 = tpu.memref_squeeze %dma_start3A_22 : memref<1x2x128xi32, #tpu.memory_space<hbm>> -> memref<2x128xi32, #tpu.memory_space<hbm>>
    tpu.enqueue_dma source(%dma_start3A_23 : memref<2x128xi32, #tpu.memory_space<hbm>>) target(%arg6 : memref<2x128xi32, #tpu.memory_space<vmem>>) target_semaphore(%arg17 : memref<!tpu.dma_semaphore, #tpu.memory_space<semaphore_mem>>)
    %mul3A_24 = arith.constant 196 : i32
    %mul3A_25 = arith.muli %add3A, %mul3A_24 : i32
    %add3A_26 = arith.constant 2 : i32
    %add3A_27 = arith.addi %mul3A_25, %add3A_26 : i32
    %dma_start3A_28 = arith.constant 0 : i32
    %dma_start3A_29 = arith.constant 0 : i32
    %dma_start3A_30 = tpu.memref_slice %arg2[%add3A_27, %dma_start3A_28, %dma_start3A_29] : memref<6272x2x128xi32, #tpu.memory_space<hbm>> -> memref<1x2x128xi32, #tpu.memory_space<hbm>>
    %dma_start3A_31 = tpu.memref_squeeze %dma_start3A_30 : memref<1x2x128xi32, #tpu.memory_space<hbm>> -> memref<2x128xi32, #tpu.memory_space<hbm>>
    %dma_start3A_32 = arith.constant 0 : i32
    %dma_start3A_33 = arith.constant 0 : i32
    %dma_start3A_34 = tpu.memref_slice %arg2[%add3A_27, %dma_start3A_32, %dma_start3A_33] : memref<6272x2x128xi32, #tpu.memory_space<hbm>> -> memref<1x2x128xi32, #tpu.memory_space<hbm>>
    %dma_start3A_35 = tpu.memref_squeeze %dma_start3A_34 : memref<1x2x128xi32, #tpu.memory_space<hbm>> -> memref<2x128xi32, #tpu.memory_space<hbm>>
    tpu.enqueue_dma source(%dma_start3A_35 : memref<2x128xi32, #tpu.memory_space<hbm>>) target(%arg7 : memref<2x128xi32, #tpu.memory_space<vmem>>) target_semaphore(%arg18 : memref<!tpu.dma_semaphore, #tpu.memory_space<semaphore_mem>>)
    %mul3A_36 = arith.constant 196 : i32
    %mul3A_37 = arith.muli %add3A, %mul3A_36 : i32
    %add3A_38 = arith.constant 3 : i32
    %add3A_39 = arith.addi %mul3A_37, %add3A_38 : i32
    %dma_start3A_40 = arith.constant 0 : i32
    %dma_start3A_41 = arith.constant 0 : i32
    %dma_start3A_42 = tpu.memref_slice %arg2[%add3A_39, %dma_start3A_40, %dma_start3A_41] : memref<6272x2x128xi32, #tpu.memory_space<hbm>> -> memref<1x2x128xi32, #tpu.memory_space<hbm>>
    %dma_start3A_43 = tpu.memref_squeeze %dma_start3A_42 : memref<1x2x128xi32, #tpu.memory_space<hbm>> -> memref<2x128xi32, #tpu.memory_space<hbm>>
    %dma_start3A_44 = arith.constant 0 : i32
    %dma_start3A_45 = arith.constant 0 : i32
    %dma_start3A_46 = tpu.memref_slice %arg2[%add3A_39, %dma_start3A_44, %dma_start3A_45] : memref<6272x2x128xi32, #tpu.memory_space<hbm>> -> memref<1x2x128xi32, #tpu.memory_space<hbm>>
    %dma_start3A_47 = tpu.memref_squeeze %dma_start3A_46 : memref<1x2x128xi32, #tpu.memory_space<hbm>> -> memref<2x128xi32, #tpu.memory_space<hbm>>
    tpu.enqueue_dma source(%dma_start3A_47 : memref<2x128xi32, #tpu.memory_space<hbm>>) target(%arg8 : memref<2x128xi32, #tpu.memory_space<vmem>>) target_semaphore(%arg19 : memref<!tpu.dma_semaphore, #tpu.memory_space<semaphore_mem>>)
    %mul3A_48 = arith.constant 196 : i32
    %mul3A_49 = arith.muli %add3A, %mul3A_48 : i32
    %add3A_50 = arith.constant 0 : i32
    %add3A_51 = arith.addi %mul3A_49, %add3A_50 : i32
    %dma_wait3A = arith.constant 0 : i32
    %dma_wait3A_52 = arith.constant 0 : i32
    %dma_wait3A_53 = tpu.memref_slice %arg2[%add3A_51, %dma_wait3A, %dma_wait3A_52] : memref<6272x2x128xi32, #tpu.memory_space<hbm>> -> memref<1x2x128xi32, #tpu.memory_space<hbm>>
    %dma_wait3A_54 = tpu.memref_squeeze %dma_wait3A_53 : memref<1x2x128xi32, #tpu.memory_space<hbm>> -> memref<2x128xi32, #tpu.memory_space<hbm>>
    %dma_wait3A_55 = arith.constant 0 : i32
    %dma_wait3A_56 = arith.constant 0 : i32
    %dma_wait3A_57 = tpu.memref_slice %arg2[%add3A_51, %dma_wait3A_55, %dma_wait3A_56] : memref<6272x2x128xi32, #tpu.memory_space<hbm>> -> memref<1x2x128xi32, #tpu.memory_space<hbm>>
    %dma_wait3A_58 = tpu.memref_squeeze %dma_wait3A_57 : memref<1x2x128xi32, #tpu.memory_space<hbm>> -> memref<2x128xi32, #tpu.memory_space<hbm>>
    tpu.wait_dma2 semaphore(%arg16 : memref<!tpu.dma_semaphore, #tpu.memory_space<semaphore_mem>>) src(%dma_wait3A_58 : memref<2x128xi32, #tpu.memory_space<hbm>>) dst(%arg5 : memref<2x128xi32, #tpu.memory_space<vmem>>)
    %dma_start3A_59 = arith.constant 0 : i32
    %dma_start3A_60 = arith.constant 0 : i32
    %dma_start3A_61 = tpu.memref_slice %arg5[%dma_start3A_59, %dma_start3A_60] : memref<2x128xi32, #tpu.memory_space<vmem>> -> memref<1x128xi32, #tpu.memory_space<vmem>>
    %dma_start3A_62 = tpu.memref_squeeze %dma_start3A_61 : memref<1x128xi32, #tpu.memory_space<vmem>> -> memref<128xi32, #tpu.memory_space<vmem>>
    %dma_start3A_63 = arith.constant 0 : i32
    %dma_start3A_64 = arith.constant 0 : i32
    %dma_start3A_65 = tpu.memref_slice %arg3[%dma_start3A_63, %dma_start3A_64] : memref<50000x64xbf16, #tpu.memory_space<hbm>> -> memref<50000x64xbf16, #tpu.memory_space<hbm>>
    tpu.enqueue_indirect_dma source(%dma_start3A_65 : memref<50000x64xbf16, #tpu.memory_space<hbm>>) target(%arg9 : memref<128x64xbf16, #tpu.memory_space<vmem>>) offsets(%dma_start3A_62 : memref<128xi32, #tpu.memory_space<vmem>>) semaphore(%arg20 : memref<!tpu.dma_semaphore, #tpu.memory_space<semaphore_mem>>)
    %dma_start3A_66 = arith.constant 1 : i32
    %dma_start3A_67 = arith.constant 0 : i32
    %dma_start3A_68 = tpu.memref_slice %arg5[%dma_start3A_66, %dma_start3A_67] : memref<2x128xi32, #tpu.memory_space<vmem>> -> memref<1x128xi32, #tpu.memory_space<vmem>>
    %dma_start3A_69 = tpu.memref_squeeze %dma_start3A_68 : memref<1x128xi32, #tpu.memory_space<vmem>> -> memref<128xi32, #tpu.memory_space<vmem>>
    %dma_start3A_70 = arith.constant 0 : i32
    %dma_start3A_71 = arith.constant 0 : i32
    %dma_start3A_72 = tpu.memref_slice %arg3[%dma_start3A_70, %dma_start3A_71] : memref<50000x64xbf16, #tpu.memory_space<hbm>> -> memref<50000x64xbf16, #tpu.memory_space<hbm>>
    tpu.enqueue_indirect_dma source(%dma_start3A_72 : memref<50000x64xbf16, #tpu.memory_space<hbm>>) target(%arg10 : memref<128x64xbf16, #tpu.memory_space<vmem>>) offsets(%dma_start3A_69 : memref<128xi32, #tpu.memory_space<vmem>>) semaphore(%arg21 : memref<!tpu.dma_semaphore, #tpu.memory_space<semaphore_mem>>)
    %mul3A_73 = arith.constant 196 : i32
    %mul3A_74 = arith.muli %add3A, %mul3A_73 : i32
    %add3A_75 = arith.constant 1 : i32
    %add3A_76 = arith.addi %mul3A_74, %add3A_75 : i32
    %dma_wait3A_77 = arith.constant 0 : i32
    %dma_wait3A_78 = arith.constant 0 : i32
    %dma_wait3A_79 = tpu.memref_slice %arg2[%add3A_76, %dma_wait3A_77, %dma_wait3A_78] : memref<6272x2x128xi32, #tpu.memory_space<hbm>> -> memref<1x2x128xi32, #tpu.memory_space<hbm>>
    %dma_wait3A_80 = tpu.memref_squeeze %dma_wait3A_79 : memref<1x2x128xi32, #tpu.memory_space<hbm>> -> memref<2x128xi32, #tpu.memory_space<hbm>>
    %dma_wait3A_81 = arith.constant 0 : i32
    %dma_wait3A_82 = arith.constant 0 : i32
    %dma_wait3A_83 = tpu.memref_slice %arg2[%add3A_76, %dma_wait3A_81, %dma_wait3A_82] : memref<6272x2x128xi32, #tpu.memory_space<hbm>> -> memref<1x2x128xi32, #tpu.memory_space<hbm>>
    %dma_wait3A_84 = tpu.memref_squeeze %dma_wait3A_83 : memref<1x2x128xi32, #tpu.memory_space<hbm>> -> memref<2x128xi32, #tpu.memory_space<hbm>>
    tpu.wait_dma2 semaphore(%arg17 : memref<!tpu.dma_semaphore, #tpu.memory_space<semaphore_mem>>) src(%dma_wait3A_84 : memref<2x128xi32, #tpu.memory_space<hbm>>) dst(%arg6 : memref<2x128xi32, #tpu.memory_space<vmem>>)
    %dma_start3A_85 = arith.constant 0 : i32
    %dma_start3A_86 = arith.constant 0 : i32
    %dma_start3A_87 = tpu.memref_slice %arg6[%dma_start3A_85, %dma_start3A_86] : memref<2x128xi32, #tpu.memory_space<vmem>> -> memref<1x128xi32, #tpu.memory_space<vmem>>
    %dma_start3A_88 = tpu.memref_squeeze %dma_start3A_87 : memref<1x128xi32, #tpu.memory_space<vmem>> -> memref<128xi32, #tpu.memory_space<vmem>>
    %dma_start3A_89 = arith.constant 0 : i32
    %dma_start3A_90 = arith.constant 0 : i32
    %dma_start3A_91 = tpu.memref_slice %arg3[%dma_start3A_89, %dma_start3A_90] : memref<50000x64xbf16, #tpu.memory_space<hbm>> -> memref<50000x64xbf16, #tpu.memory_space<hbm>>
    tpu.enqueue_indirect_dma source(%dma_start3A_91 : memref<50000x64xbf16, #tpu.memory_space<hbm>>) target(%arg11 : memref<128x64xbf16, #tpu.memory_space<vmem>>) offsets(%dma_start3A_88 : memref<128xi32, #tpu.memory_space<vmem>>) semaphore(%arg22 : memref<!tpu.dma_semaphore, #tpu.memory_space<semaphore_mem>>)
    %dma_start3A_92 = arith.constant 1 : i32
    %dma_start3A_93 = arith.constant 0 : i32
    %dma_start3A_94 = tpu.memref_slice %arg6[%dma_start3A_92, %dma_start3A_93] : memref<2x128xi32, #tpu.memory_space<vmem>> -> memref<1x128xi32, #tpu.memory_space<vmem>>
    %dma_start3A_95 = tpu.memref_squeeze %dma_start3A_94 : memref<1x128xi32, #tpu.memory_space<vmem>> -> memref<128xi32, #tpu.memory_space<vmem>>
    %dma_start3A_96 = arith.constant 0 : i32
    %dma_start3A_97 = arith.constant 0 : i32
    %dma_start3A_98 = tpu.memref_slice %arg3[%dma_start3A_96, %dma_start3A_97] : memref<50000x64xbf16, #tpu.memory_space<hbm>> -> memref<50000x64xbf16, #tpu.memory_space<hbm>>
    tpu.enqueue_indirect_dma source(%dma_start3A_98 : memref<50000x64xbf16, #tpu.memory_space<hbm>>) target(%arg12 : memref<128x64xbf16, #tpu.memory_space<vmem>>) offsets(%dma_start3A_95 : memref<128xi32, #tpu.memory_space<vmem>>) semaphore(%arg23 : memref<!tpu.dma_semaphore, #tpu.memory_space<semaphore_mem>>)
    %mul3A_99 = arith.constant 3125 : i32
    %mul3A_100 = arith.muli %arg1, %mul3A_99 : i32
    %mul3A_101 = arith.constant 3125 : i32
    %mul3A_102 = arith.muli %arg1, %mul3A_101 : i32
    "tpu.region"() ({
      %run_scoped3A = tpu.sem_alloc : memref<!tpu.dma_semaphore, #tpu.memory_space<semaphore_mem>>
      %dma_start3A_131 = arith.constant 0 : i32
      %dma_start3A_132 = tpu.memref_slice %arg15[%mul3A_102, %dma_start3A_131] : memref<50000x64xbf16, #tpu.memory_space<vmem_shared>> -> memref<3125x64xbf16, #tpu.memory_space<vmem_shared>>
      %dma_start3A_133 = arith.constant 0 : i32
      %dma_start3A_134 = tpu.memref_slice %arg3[%mul3A_100, %dma_start3A_133] : memref<50000x64xbf16, #tpu.memory_space<hbm>> -> memref<3125x64xbf16, #tpu.memory_space<hbm>>
      tpu.enqueue_dma source(%dma_start3A_134 : memref<3125x64xbf16, #tpu.memory_space<hbm>>) target(%dma_start3A_132 : memref<3125x64xbf16, #tpu.memory_space<vmem_shared>>) target_semaphore(%run_scoped3A : memref<!tpu.dma_semaphore, #tpu.memory_space<semaphore_mem>>)
      %dma_wait3A_135 = arith.constant 0 : i32
      %dma_wait3A_136 = tpu.memref_slice %arg15[%mul3A_102, %dma_wait3A_135] : memref<50000x64xbf16, #tpu.memory_space<vmem_shared>> -> memref<3125x64xbf16, #tpu.memory_space<vmem_shared>>
      %dma_wait3A_137 = arith.constant 0 : i32
      %dma_wait3A_138 = tpu.memref_slice %arg3[%mul3A_100, %dma_wait3A_137] : memref<50000x64xbf16, #tpu.memory_space<hbm>> -> memref<3125x64xbf16, #tpu.memory_space<hbm>>
      tpu.wait_dma2 semaphore(%run_scoped3A : memref<!tpu.dma_semaphore, #tpu.memory_space<semaphore_mem>>) src(%dma_wait3A_138 : memref<3125x64xbf16, #tpu.memory_space<hbm>>) dst(%dma_wait3A_136 : memref<3125x64xbf16, #tpu.memory_space<vmem_shared>>)
      tpu.yield
    }) : () -> ()
    %eq3A = arith.constant 0 : i32
    %eq3A_103 = arith.cmpi eq, %arg1, %eq3A : i32
    %convert_element_type3A = arith.extui %eq3A_103 : i1 to i32
    %cond3A = arith.constant 0 : i32
    %cond3A_104 = arith.cmpi ne, %convert_element_type3A, %cond3A : i32
    scf.if %cond3A_104 {
    } else {
    }
    %barrier3A = arith.constant 0 : index
    tpu.barrier barrier_id(%barrier3A)
    %scan3A = arith.constant 0 : i32
    %scan3A_105 = arith.constant 0 : i32
    %scan3A_106 = arith.constant 49 : i32
    %scan3A_107 = arith.addi %scan3A_105, %scan3A_106 : i32
    %scan3A_108 = arith.constant 1 : i32
    %scan3A_109 = scf.for %scan3A_131 = %scan3A_105 to %scan3A_107 step %scan3A_108 iter_args(%scan3A_132 = %scan3A) -> (i32)  : i32 {
      %mul3A_133 = arith.constant 4 : i32
      %mul3A_134 = arith.muli %scan3A_131, %mul3A_133 : i32
      %add3A_135 = arith.constant 0 : i32
      %add3A_136 = arith.addi %mul3A_134, %add3A_135 : i32
      %dma_wait3A_137 = arith.constant 0 : i32
      %dma_wait3A_138 = arith.constant 0 : i32
      %dma_wait3A_139 = tpu.memref_slice %arg5[%dma_wait3A_137, %dma_wait3A_138] : memref<2x128xi32, #tpu.memory_space<vmem>> -> memref<1x128xi32, #tpu.memory_space<vmem>>
      %dma_wait3A_140 = tpu.memref_squeeze %dma_wait3A_139 : memref<1x128xi32, #tpu.memory_space<vmem>> -> memref<128xi32, #tpu.memory_space<vmem>>
      %dma_wait3A_141 = arith.constant 0 : i32
      %dma_wait3A_142 = arith.constant 0 : i32
      %dma_wait3A_143 = tpu.memref_slice %arg15[%dma_wait3A_141, %dma_wait3A_142] : memref<50000x64xbf16, #tpu.memory_space<vmem_shared>> -> memref<50000x64xbf16, #tpu.memory_space<vmem_shared>>
      tpu.wait_indirect_dma semaphore(%arg20 : memref<!tpu.dma_semaphore, #tpu.memory_space<semaphore_mem>>) src(%dma_wait3A_143 : memref<50000x64xbf16, #tpu.memory_space<vmem_shared>>) dst(%arg9 : memref<128x64xbf16, #tpu.memory_space<vmem>>)
      %dma_wait3A_144 = arith.constant 1 : i32
      %dma_wait3A_145 = arith.constant 0 : i32
      %dma_wait3A_146 = tpu.memref_slice %arg5[%dma_wait3A_144, %dma_wait3A_145] : memref<2x128xi32, #tpu.memory_space<vmem>> -> memref<1x128xi32, #tpu.memory_space<vmem>>
      %dma_wait3A_147 = tpu.memref_squeeze %dma_wait3A_146 : memref<1x128xi32, #tpu.memory_space<vmem>> -> memref<128xi32, #tpu.memory_space<vmem>>
      %dma_wait3A_148 = arith.constant 0 : i32
      %dma_wait3A_149 = arith.constant 0 : i32
      %dma_wait3A_150 = tpu.memref_slice %arg15[%dma_wait3A_148, %dma_wait3A_149] : memref<50000x64xbf16, #tpu.memory_space<vmem_shared>> -> memref<50000x64xbf16, #tpu.memory_space<vmem_shared>>
      tpu.wait_indirect_dma semaphore(%arg21 : memref<!tpu.dma_semaphore, #tpu.memory_space<semaphore_mem>>) src(%dma_wait3A_150 : memref<50000x64xbf16, #tpu.memory_space<vmem_shared>>) dst(%arg10 : memref<128x64xbf16, #tpu.memory_space<vmem>>)
      %add3A_151 = arith.constant 4 : i32
      %add3A_152 = arith.addi %add3A_136, %add3A_151 : i32
      %lt3A = arith.constant 196 : i32
      %lt3A_153 = arith.cmpi slt, %add3A_152, %lt3A : i32
      %convert_element_type3A_154 = arith.extui %lt3A_153 : i1 to i32
      %cond3A_155 = arith.constant 0 : i32
      %cond3A_156 = arith.cmpi ne, %convert_element_type3A_154, %cond3A_155 : i32
      scf.if %cond3A_156 {
        %add3A_344 = arith.constant 4 : i32
        %add3A_345 = arith.addi %add3A_136, %add3A_344 : i32
        %mul3A_346 = arith.constant 196 : i32
        %mul3A_347 = arith.muli %add3A, %mul3A_346 : i32
        %add3A_348 = arith.addi %mul3A_347, %add3A_345 : i32
        %dma_start3A_349 = arith.constant 0 : i32
        %dma_start3A_350 = arith.constant 0 : i32
        %dma_start3A_351 = tpu.memref_slice %arg2[%add3A_348, %dma_start3A_349, %dma_start3A_350] : memref<6272x2x128xi32, #tpu.memory_space<hbm>> -> memref<1x2x128xi32, #tpu.memory_space<hbm>>
        %dma_start3A_352 = tpu.memref_squeeze %dma_start3A_351 : memref<1x2x128xi32, #tpu.memory_space<hbm>> -> memref<2x128xi32, #tpu.memory_space<hbm>>
        %dma_start3A_353 = arith.constant 0 : i32
        %dma_start3A_354 = arith.constant 0 : i32
        %dma_start3A_355 = tpu.memref_slice %arg2[%add3A_348, %dma_start3A_353, %dma_start3A_354] : memref<6272x2x128xi32, #tpu.memory_space<hbm>> -> memref<1x2x128xi32, #tpu.memory_space<hbm>>
        %dma_start3A_356 = tpu.memref_squeeze %dma_start3A_355 : memref<1x2x128xi32, #tpu.memory_space<hbm>> -> memref<2x128xi32, #tpu.memory_space<hbm>>
        tpu.enqueue_dma source(%dma_start3A_356 : memref<2x128xi32, #tpu.memory_space<hbm>>) target(%arg5 : memref<2x128xi32, #tpu.memory_space<vmem>>) target_semaphore(%arg16 : memref<!tpu.dma_semaphore, #tpu.memory_space<semaphore_mem>>)
      } else {
      }
      %ge3A = arith.constant 2 : i32
      %ge3A_157 = arith.cmpi sge, %add3A_136, %ge3A : i32
      %convert_element_type3A_158 = arith.extui %ge3A_157 : i1 to i32
      %cond3A_159 = arith.constant 0 : i32
      %cond3A_160 = arith.cmpi ne, %convert_element_type3A_158, %cond3A_159 : i32
      scf.if %cond3A_160 {
        %sub3A = arith.constant 2 : i32
        %sub3A_344 = arith.subi %add3A_136, %sub3A : i32
        %mul3A_345 = arith.constant 196 : i32
        %mul3A_346 = arith.muli %add3A, %mul3A_345 : i32
        %add3A_347 = arith.addi %mul3A_346, %sub3A_344 : i32
        %dma_wait3A_348 = arith.constant 0 : i32
        %dma_wait3A_349 = tpu.memref_slice %arg4[%add3A_347, %dma_wait3A_348] : memref<6272x128xf32, #tpu.memory_space<hbm>> -> memref<1x128xf32, #tpu.memory_space<hbm>>
        %dma_wait3A_350 = tpu.memref_squeeze %dma_wait3A_349 : memref<1x128xf32, #tpu.memory_space<hbm>> -> memref<128xf32, #tpu.memory_space<hbm>>
        %dma_wait3A_351 = arith.constant 0 : i32
        %dma_wait3A_352 = tpu.memref_slice %arg4[%add3A_347, %dma_wait3A_351] : memref<6272x128xf32, #tpu.memory_space<hbm>> -> memref<1x128xf32, #tpu.memory_space<hbm>>
        %dma_wait3A_353 = tpu.memref_squeeze %dma_wait3A_352 : memref<1x128xf32, #tpu.memory_space<hbm>> -> memref<128xf32, #tpu.memory_space<hbm>>
        tpu.wait_dma2 semaphore(%arg24 : memref<!tpu.dma_semaphore, #tpu.memory_space<semaphore_mem>>) src(%arg13 : memref<128xf32, #tpu.memory_space<vmem>>) dst(%dma_wait3A_353 : memref<128xf32, #tpu.memory_space<hbm>>)
      } else {
      }
      %scan3A_161 = arith.constant 0 : i32
      %scan3A_162 = arith.constant 0 : i32
      %scan3A_163 = arith.constant 8 : i32
      %scan3A_164 = arith.addi %scan3A_162, %scan3A_163 : i32
      %scan3A_165 = arith.constant 1 : i32
      %scan3A_166 = scf.for %scan3A_344 = %scan3A_162 to %scan3A_164 step %scan3A_165 iter_args(%scan3A_345 = %scan3A_161) -> (i32)  : i32 {
        %mul3A_346 = arith.constant 16 : i32
        %mul3A_347 = arith.muli %scan3A_344, %mul3A_346 : i32
        %broadcast_in_dim3A = arith.constant 0.000000e+00 : f32
        %broadcast_in_dim3A_348 = vector.broadcast %broadcast_in_dim3A : f32 to vector<16xf32>
        %add3A_349 = arith.constant 0 : i32
        %add3A_350 = arith.addi %mul3A_347, %add3A_349 : i32
        %add3A_351 = arith.constant 0 : i32
        %add3A_352 = arith.addi %add3A_350, %add3A_351 : i32
        %add3A_353 = arith.constant 0 : i32
        %add3A_354 = arith.addi %mul3A_347, %add3A_353 : i32
        %add3A_355 = arith.constant 0 : i32
        %add3A_356 = arith.addi %add3A_354, %add3A_355 : i32
        %get3A = arith.constant 0 : i32
        %get3A_357 = tpu.memref_slice %arg9[%add3A_352, %get3A] : memref<128x64xbf16, #tpu.memory_space<vmem>> -> memref<1x64xbf16, #tpu.memory_space<vmem>>
        %get3A_358 = tpu.memref_squeeze %get3A_357 : memref<1x64xbf16, #tpu.memory_space<vmem>> -> memref<64xbf16, #tpu.memory_space<vmem>>
        %get3A_359 = arith.constant 0 : index
        %get3A_360 = tpu.vector_load %get3A_358[%get3A_359] {strides = array<i32>} : memref<64xbf16, #tpu.memory_space<vmem>>, vector<32xbf16>,
        %get3A_361 = arith.constant 0 : i32
        %get3A_362 = tpu.memref_slice %arg9[%add3A_352, %get3A_361] : memref<128x64xbf16, #tpu.memory_space<vmem>> -> memref<1x64xbf16, #tpu.memory_space<vmem>>
        %get3A_363 = tpu.memref_squeeze %get3A_362 : memref<1x64xbf16, #tpu.memory_space<vmem>> -> memref<64xbf16, #tpu.memory_space<vmem>>
        %get3A_364 = arith.constant 32 : index
        %get3A_365 = tpu.vector_load %get3A_363[%get3A_364] {strides = array<i32>} : memref<64xbf16, #tpu.memory_space<vmem>>, vector<32xbf16>,
        %get3A_366 = arith.constant 0 : i32
        %get3A_367 = tpu.memref_slice %arg10[%add3A_356, %get3A_366] : memref<128x64xbf16, #tpu.memory_space<vmem>> -> memref<1x64xbf16, #tpu.memory_space<vmem>>
        %get3A_368 = tpu.memref_squeeze %get3A_367 : memref<1x64xbf16, #tpu.memory_space<vmem>> -> memref<64xbf16, #tpu.memory_space<vmem>>
        %get3A_369 = arith.constant 0 : index
        %get3A_370 = tpu.vector_load %get3A_368[%get3A_369] {strides = array<i32>} : memref<64xbf16, #tpu.memory_space<vmem>>, vector<32xbf16>,
        %get3A_371 = arith.constant 0 : i32
        %get3A_372 = tpu.memref_slice %arg10[%add3A_356, %get3A_371] : memref<128x64xbf16, #tpu.memory_space<vmem>> -> memref<1x64xbf16, #tpu.memory_space<vmem>>
        %get3A_373 = tpu.memref_squeeze %get3A_372 : memref<1x64xbf16, #tpu.memory_space<vmem>> -> memref<64xbf16, #tpu.memory_space<vmem>>
        %get3A_374 = arith.constant 32 : index
        %get3A_375 = tpu.vector_load %get3A_373[%get3A_374] {strides = array<i32>} : memref<64xbf16, #tpu.memory_space<vmem>>, vector<32xbf16>,
        %add3A_376 = arith.constant 0 : i32
        %add3A_377 = arith.addi %mul3A_347, %add3A_376 : i32
        %add3A_378 = arith.constant 1 : i32
        %add3A_379 = arith.addi %add3A_377, %add3A_378 : i32
        %add3A_380 = arith.constant 0 : i32
        %add3A_381 = arith.addi %mul3A_347, %add3A_380 : i32
        %add3A_382 = arith.constant 1 : i32
        %add3A_383 = arith.addi %add3A_381, %add3A_382 : i32
        %get3A_384 = arith.constant 0 : i32
        %get3A_385 = tpu.memref_slice %arg9[%add3A_379, %get3A_384] : memref<128x64xbf16, #tpu.memory_space<vmem>> -> memref<1x64xbf16, #tpu.memory_space<vmem>>
        %get3A_386 = tpu.memref_squeeze %get3A_385 : memref<1x64xbf16, #tpu.memory_space<vmem>> -> memref<64xbf16, #tpu.memory_space<vmem>>
        %get3A_387 = arith.constant 0 : index
        %get3A_388 = tpu.vector_load %get3A_386[%get3A_387] {strides = array<i32>} : memref<64xbf16, #tpu.memory_space<vmem>>, vector<32xbf16>,
        %get3A_389 = arith.constant 0 : i32
        %get3A_390 = tpu.memref_slice %arg9[%add3A_379, %get3A_389] : memref<128x64xbf16, #tpu.memory_space<vmem>> -> memref<1x64xbf16, #tpu.memory_space<vmem>>
        %get3A_391 = tpu.memref_squeeze %get3A_390 : memref<1x64xbf16, #tpu.memory_space<vmem>> -> memref<64xbf16, #tpu.memory_space<vmem>>
        %get3A_392 = arith.constant 32 : index
        %get3A_393 = tpu.vector_load %get3A_391[%get3A_392] {strides = array<i32>} : memref<64xbf16, #tpu.memory_space<vmem>>, vector<32xbf16>,
        %get3A_394 = arith.constant 0 : i32
        %get3A_395 = tpu.memref_slice %arg10[%add3A_383, %get3A_394] : memref<128x64xbf16, #tpu.memory_space<vmem>> -> memref<1x64xbf16, #tpu.memory_space<vmem>>
        %get3A_396 = tpu.memref_squeeze %get3A_395 : memref<1x64xbf16, #tpu.memory_space<vmem>> -> memref<64xbf16, #tpu.memory_space<vmem>>
        %get3A_397 = arith.constant 0 : index
        %get3A_398 = tpu.vector_load %get3A_396[%get3A_397] {strides = array<i32>} : memref<64xbf16, #tpu.memory_space<vmem>>, vector<32xbf16>,
        %get3A_399 = arith.constant 0 : i32
        %get3A_400 = tpu.memref_slice %arg10[%add3A_383, %get3A_399] : memref<128x64xbf16, #tpu.memory_space<vmem>> -> memref<1x64xbf16, #tpu.memory_space<vmem>>
        %get3A_401 = tpu.memref_squeeze %get3A_400 : memref<1x64xbf16, #tpu.memory_space<vmem>> -> memref<64xbf16, #tpu.memory_space<vmem>>
        %get3A_402 = arith.constant 32 : index
        %get3A_403 = tpu.vector_load %get3A_401[%get3A_402] {strides = array<i32>} : memref<64xbf16, #tpu.memory_space<vmem>>, vector<32xbf16>,
        %add3A_404 = arith.constant 0 : i32
        %add3A_405 = arith.addi %mul3A_347, %add3A_404 : i32
        %add3A_406 = arith.constant 2 : i32
        %add3A_407 = arith.addi %add3A_405, %add3A_406 : i32
        %add3A_408 = arith.constant 0 : i32
        %add3A_409 = arith.addi %mul3A_347, %add3A_408 : i32
        %add3A_410 = arith.constant 2 : i32
        %add3A_411 = arith.addi %add3A_409, %add3A_410 : i32
        %get3A_412 = arith.constant 0 : i32
        %get3A_413 = tpu.memref_slice %arg9[%add3A_407, %get3A_412] : memref<128x64xbf16, #tpu.memory_space<vmem>> -> memref<1x64xbf16, #tpu.memory_space<vmem>>
        %get3A_414 = tpu.memref_squeeze %get3A_413 : memref<1x64xbf16, #tpu.memory_space<vmem>> -> memref<64xbf16, #tpu.memory_space<vmem>>
        %get3A_415 = arith.constant 0 : index
        %get3A_416 = tpu.vector_load %get3A_414[%get3A_415] {strides = array<i32>} : memref<64xbf16, #tpu.memory_space<vmem>>, vector<32xbf16>,
        %get3A_417 = arith.constant 0 : i32
        %get3A_418 = tpu.memref_slice %arg9[%add3A_407, %get3A_417] : memref<128x64xbf16, #tpu.memory_space<vmem>> -> memref<1x64xbf16, #tpu.memory_space<vmem>>
        %get3A_419 = tpu.memref_squeeze %get3A_418 : memref<1x64xbf16, #tpu.memory_space<vmem>> -> memref<64xbf16, #tpu.memory_space<vmem>>
        %get3A_420 = arith.constant 32 : index
        %get3A_421 = tpu.vector_load %get3A_419[%get3A_420] {strides = array<i32>} : memref<64xbf16, #tpu.memory_space<vmem>>, vector<32xbf16>,
        %get3A_422 = arith.constant 0 : i32
        %get3A_423 = tpu.memref_slice %arg10[%add3A_411, %get3A_422] : memref<128x64xbf16, #tpu.memory_space<vmem>> -> memref<1x64xbf16, #tpu.memory_space<vmem>>
        %get3A_424 = tpu.memref_squeeze %get3A_423 : memref<1x64xbf16, #tpu.memory_space<vmem>> -> memref<64xbf16, #tpu.memory_space<vmem>>
        %get3A_425 = arith.constant 0 : index
        %get3A_426 = tpu.vector_load %get3A_424[%get3A_425] {strides = array<i32>} : memref<64xbf16, #tpu.memory_space<vmem>>, vector<32xbf16>,
        %get3A_427 = arith.constant 0 : i32
        %get3A_428 = tpu.memref_slice %arg10[%add3A_411, %get3A_427] : memref<128x64xbf16, #tpu.memory_space<vmem>> -> memref<1x64xbf16, #tpu.memory_space<vmem>>
        %get3A_429 = tpu.memref_squeeze %get3A_428 : memref<1x64xbf16, #tpu.memory_space<vmem>> -> memref<64xbf16, #tpu.memory_space<vmem>>
        %get3A_430 = arith.constant 32 : index
        %get3A_431 = tpu.vector_load %get3A_429[%get3A_430] {strides = array<i32>} : memref<64xbf16, #tpu.memory_space<vmem>>, vector<32xbf16>,
        %add3A_432 = arith.constant 0 : i32
        %add3A_433 = arith.addi %mul3A_347, %add3A_432 : i32
        %add3A_434 = arith.constant 3 : i32
        %add3A_435 = arith.addi %add3A_433, %add3A_434 : i32
        %add3A_436 = arith.constant 0 : i32
        %add3A_437 = arith.addi %mul3A_347, %add3A_436 : i32
        %add3A_438 = arith.constant 3 : i32
        %add3A_439 = arith.addi %add3A_437, %add3A_438 : i32
        %get3A_440 = arith.constant 0 : i32
        %get3A_441 = tpu.memref_slice %arg9[%add3A_435, %get3A_440] : memref<128x64xbf16, #tpu.memory_space<vmem>> -> memref<1x64xbf16, #tpu.memory_space<vmem>>
        %get3A_442 = tpu.memref_squeeze %get3A_441 : memref<1x64xbf16, #tpu.memory_space<vmem>> -> memref<64xbf16, #tpu.memory_space<vmem>>
        %get3A_443 = arith.constant 0 : index
        %get3A_444 = tpu.vector_load %get3A_442[%get3A_443] {strides = array<i32>} : memref<64xbf16, #tpu.memory_space<vmem>>, vector<32xbf16>,
        %get3A_445 = arith.constant 0 : i32
        %get3A_446 = tpu.memref_slice %arg9[%add3A_435, %get3A_445] : memref<128x64xbf16, #tpu.memory_space<vmem>> -> memref<1x64xbf16, #tpu.memory_space<vmem>>
        %get3A_447 = tpu.memref_squeeze %get3A_446 : memref<1x64xbf16, #tpu.memory_space<vmem>> -> memref<64xbf16, #tpu.memory_space<vmem>>
        %get3A_448 = arith.constant 32 : index
        %get3A_449 = tpu.vector_load %get3A_447[%get3A_448] {strides = array<i32>} : memref<64xbf16, #tpu.memory_space<vmem>>, vector<32xbf16>,
        %get3A_450 = arith.constant 0 : i32
        %get3A_451 = tpu.memref_slice %arg10[%add3A_439, %get3A_450] : memref<128x64xbf16, #tpu.memory_space<vmem>> -> memref<1x64xbf16, #tpu.memory_space<vmem>>
        %get3A_452 = tpu.memref_squeeze %get3A_451 : memref<1x64xbf16, #tpu.memory_space<vmem>> -> memref<64xbf16, #tpu.memory_space<vmem>>
        %get3A_453 = arith.constant 0 : index
        %get3A_454 = tpu.vector_load %get3A_452[%get3A_453] {strides = array<i32>} : memref<64xbf16, #tpu.memory_space<vmem>>, vector<32xbf16>,
        %get3A_455 = arith.constant 0 : i32
        %get3A_456 = tpu.memref_slice %arg10[%add3A_439, %get3A_455] : memref<128x64xbf16, #tpu.memory_space<vmem>> -> memref<1x64xbf16, #tpu.memory_space<vmem>>
        %get3A_457 = tpu.memref_squeeze %get3A_456 : memref<1x64xbf16, #tpu.memory_space<vmem>> -> memref<64xbf16, #tpu.memory_space<vmem>>
        %get3A_458 = arith.constant 32 : index
        %get3A_459 = tpu.vector_load %get3A_457[%get3A_458] {strides = array<i32>} : memref<64xbf16, #tpu.memory_space<vmem>>, vector<32xbf16>,
        %add3A_460 = arith.constant 0 : i32
        %add3A_461 = arith.addi %mul3A_347, %add3A_460 : i32
        %add3A_462 = arith.constant 4 : i32
        %add3A_463 = arith.addi %add3A_461, %add3A_462 : i32
        %add3A_464 = arith.constant 0 : i32
        %add3A_465 = arith.addi %mul3A_347, %add3A_464 : i32
        %add3A_466 = arith.constant 4 : i32
        %add3A_467 = arith.addi %add3A_465, %add3A_466 : i32
        %get3A_468 = arith.constant 0 : i32
        %get3A_469 = tpu.memref_slice %arg9[%add3A_463, %get3A_468] : memref<128x64xbf16, #tpu.memory_space<vmem>> -> memref<1x64xbf16, #tpu.memory_space<vmem>>
        %get3A_470 = tpu.memref_squeeze %get3A_469 : memref<1x64xbf16, #tpu.memory_space<vmem>> -> memref<64xbf16, #tpu.memory_space<vmem>>
        %get3A_471 = arith.constant 0 : index
        %get3A_472 = tpu.vector_load %get3A_470[%get3A_471] {strides = array<i32>} : memref<64xbf16, #tpu.memory_space<vmem>>, vector<32xbf16>,
        %get3A_473 = arith.constant 0 : i32
        %get3A_474 = tpu.memref_slice %arg9[%add3A_463, %get3A_473] : memref<128x64xbf16, #tpu.memory_space<vmem>> -> memref<1x64xbf16, #tpu.memory_space<vmem>>
        %get3A_475 = tpu.memref_squeeze %get3A_474 : memref<1x64xbf16, #tpu.memory_space<vmem>> -> memref<64xbf16, #tpu.memory_space<vmem>>
        %get3A_476 = arith.constant 32 : index
        %get3A_477 = tpu.vector_load %get3A_475[%get3A_476] {strides = array<i32>} : memref<64xbf16, #tpu.memory_space<vmem>>, vector<32xbf16>,
        %get3A_478 = arith.constant 0 : i32
        %get3A_479 = tpu.memref_slice %arg10[%add3A_467, %get3A_478] : memref<128x64xbf16, #tpu.memory_space<vmem>> -> memref<1x64xbf16, #tpu.memory_space<vmem>>
        %get3A_480 = tpu.memref_squeeze %get3A_479 : memref<1x64xbf16, #tpu.memory_space<vmem>> -> memref<64xbf16, #tpu.memory_space<vmem>>
        %get3A_481 = arith.constant 0 : index
        %get3A_482 = tpu.vector_load %get3A_480[%get3A_481] {strides = array<i32>} : memref<64xbf16, #tpu.memory_space<vmem>>, vector<32xbf16>,
        %get3A_483 = arith.constant 0 : i32
        %get3A_484 = tpu.memref_slice %arg10[%add3A_467, %get3A_483] : memref<128x64xbf16, #tpu.memory_space<vmem>> -> memref<1x64xbf16, #tpu.memory_space<vmem>>
        %get3A_485 = tpu.memref_squeeze %get3A_484 : memref<1x64xbf16, #tpu.memory_space<vmem>> -> memref<64xbf16, #tpu.memory_space<vmem>>
        %get3A_486 = arith.constant 32 : index
        %get3A_487 = tpu.vector_load %get3A_485[%get3A_486] {strides = array<i32>} : memref<64xbf16, #tpu.memory_space<vmem>>, vector<32xbf16>,
        %add3A_488 = arith.constant 0 : i32
        %add3A_489 = arith.addi %mul3A_347, %add3A_488 : i32
        %add3A_490 = arith.constant 5 : i32
        %add3A_491 = arith.addi %add3A_489, %add3A_490 : i32
        %add3A_492 = arith.constant 0 : i32
        %add3A_493 = arith.addi %mul3A_347, %add3A_492 : i32
        %add3A_494 = arith.constant 5 : i32
        %add3A_495 = arith.addi %add3A_493, %add3A_494 : i32
        %get3A_496 = arith.constant 0 : i32
        %get3A_497 = tpu.memref_slice %arg9[%add3A_491, %get3A_496] : memref<128x64xbf16, #tpu.memory_space<vmem>> -> memref<1x64xbf16, #tpu.memory_space<vmem>>
        %get3A_498 = tpu.memref_squeeze %get3A_497 : memref<1x64xbf16, #tpu.memory_space<vmem>> -> memref<64xbf16, #tpu.memory_space<vmem>>
        %get3A_499 = arith.constant 0 : index
        %get3A_500 = tpu.vector_load %get3A_498[%get3A_499] {strides = array<i32>} : memref<64xbf16, #tpu.memory_space<vmem>>, vector<32xbf16>,
        %get3A_501 = arith.constant 0 : i32
        %get3A_502 = tpu.memref_slice %arg9[%add3A_491, %get3A_501] : memref<128x64xbf16, #tpu.memory_space<vmem>> -> memref<1x64xbf16, #tpu.memory_space<vmem>>
        %get3A_503 = tpu.memref_squeeze %get3A_502 : memref<1x64xbf16, #tpu.memory_space<vmem>> -> memref<64xbf16, #tpu.memory_space<vmem>>
        %get3A_504 = arith.constant 32 : index
        %get3A_505 = tpu.vector_load %get3A_503[%get3A_504] {strides = array<i32>} : memref<64xbf16, #tpu.memory_space<vmem>>, vector<32xbf16>,
        %get3A_506 = arith.constant 0 : i32
        %get3A_507 = tpu.memref_slice %arg10[%add3A_495, %get3A_506] : memref<128x64xbf16, #tpu.memory_space<vmem>> -> memref<1x64xbf16, #tpu.memory_space<vmem>>
        %get3A_508 = tpu.memref_squeeze %get3A_507 : memref<1x64xbf16, #tpu.memory_space<vmem>> -> memref<64xbf16, #tpu.memory_space<vmem>>
        %get3A_509 = arith.constant 0 : index
        %get3A_510 = tpu.vector_load %get3A_508[%get3A_509] {strides = array<i32>} : memref<64xbf16, #tpu.memory_space<vmem>>, vector<32xbf16>,
        %get3A_511 = arith.constant 0 : i32
        %get3A_512 = tpu.memref_slice %arg10[%add3A_495, %get3A_511] : memref<128x64xbf16, #tpu.memory_space<vmem>> -> memref<1x64xbf16, #tpu.memory_space<vmem>>
        %get3A_513 = tpu.memref_squeeze %get3A_512 : memref<1x64xbf16, #tpu.memory_space<vmem>> -> memref<64xbf16, #tpu.memory_space<vmem>>
        %get3A_514 = arith.constant 32 : index
        %get3A_515 = tpu.vector_load %get3A_513[%get3A_514] {strides = array<i32>} : memref<64xbf16, #tpu.memory_space<vmem>>, vector<32xbf16>,
        %add3A_516 = arith.constant 0 : i32
        %add3A_517 = arith.addi %mul3A_347, %add3A_516 : i32
        %add3A_518 = arith.constant 6 : i32
        %add3A_519 = arith.addi %add3A_517, %add3A_518 : i32
        %add3A_520 = arith.constant 0 : i32
        %add3A_521 = arith.addi %mul3A_347, %add3A_520 : i32
        %add3A_522 = arith.constant 6 : i32
        %add3A_523 = arith.addi %add3A_521, %add3A_522 : i32
        %get3A_524 = arith.constant 0 : i32
        %get3A_525 = tpu.memref_slice %arg9[%add3A_519, %get3A_524] : memref<128x64xbf16, #tpu.memory_space<vmem>> -> memref<1x64xbf16, #tpu.memory_space<vmem>>
        %get3A_526 = tpu.memref_squeeze %get3A_525 : memref<1x64xbf16, #tpu.memory_space<vmem>> -> memref<64xbf16, #tpu.memory_space<vmem>>
        %get3A_527 = arith.constant 0 : index
        %get3A_528 = tpu.vector_load %get3A_526[%get3A_527] {strides = array<i32>} : memref<64xbf16, #tpu.memory_space<vmem>>, vector<32xbf16>,
        %get3A_529 = arith.constant 0 : i32
        %get3A_530 = tpu.memref_slice %arg9[%add3A_519, %get3A_529] : memref<128x64xbf16, #tpu.memory_space<vmem>> -> memref<1x64xbf16, #tpu.memory_space<vmem>>
        %get3A_531 = tpu.memref_squeeze %get3A_530 : memref<1x64xbf16, #tpu.memory_space<vmem>> -> memref<64xbf16, #tpu.memory_space<vmem>>
        %get3A_532 = arith.constant 32 : index
        %get3A_533 = tpu.vector_load %get3A_531[%get3A_532] {strides = array<i32>} : memref<64xbf16, #tpu.memory_space<vmem>>, vector<32xbf16>,
        %get3A_534 = arith.constant 0 : i32
        %get3A_535 = tpu.memref_slice %arg10[%add3A_523, %get3A_534] : memref<128x64xbf16, #tpu.memory_space<vmem>> -> memref<1x64xbf16, #tpu.memory_space<vmem>>
        %get3A_536 = tpu.memref_squeeze %get3A_535 : memref<1x64xbf16, #tpu.memory_space<vmem>> -> memref<64xbf16, #tpu.memory_space<vmem>>
        %get3A_537 = arith.constant 0 : index
        %get3A_538 = tpu.vector_load %get3A_536[%get3A_537] {strides = array<i32>} : memref<64xbf16, #tpu.memory_space<vmem>>, vector<32xbf16>,
        %get3A_539 = arith.constant 0 : i32
        %get3A_540 = tpu.memref_slice %arg10[%add3A_523, %get3A_539] : memref<128x64xbf16, #tpu.memory_space<vmem>> -> memref<1x64xbf16, #tpu.memory_space<vmem>>
        %get3A_541 = tpu.memref_squeeze %get3A_540 : memref<1x64xbf16, #tpu.memory_space<vmem>> -> memref<64xbf16, #tpu.memory_space<vmem>>
        %get3A_542 = arith.constant 32 : index
        %get3A_543 = tpu.vector_load %get3A_541[%get3A_542] {strides = array<i32>} : memref<64xbf16, #tpu.memory_space<vmem>>, vector<32xbf16>,
        %add3A_544 = arith.constant 0 : i32
        %add3A_545 = arith.addi %mul3A_347, %add3A_544 : i32
        %add3A_546 = arith.constant 7 : i32
        %add3A_547 = arith.addi %add3A_545, %add3A_546 : i32
        %add3A_548 = arith.constant 0 : i32
        %add3A_549 = arith.addi %mul3A_347, %add3A_548 : i32
        %add3A_550 = arith.constant 7 : i32
        %add3A_551 = arith.addi %add3A_549, %add3A_550 : i32
        %get3A_552 = arith.constant 0 : i32
        %get3A_553 = tpu.memref_slice %arg9[%add3A_547, %get3A_552] : memref<128x64xbf16, #tpu.memory_space<vmem>> -> memref<1x64xbf16, #tpu.memory_space<vmem>>
        %get3A_554 = tpu.memref_squeeze %get3A_553 : memref<1x64xbf16, #tpu.memory_space<vmem>> -> memref<64xbf16, #tpu.memory_space<vmem>>
        %get3A_555 = arith.constant 0 : index
        %get3A_556 = tpu.vector_load %get3A_554[%get3A_555] {strides = array<i32>} : memref<64xbf16, #tpu.memory_space<vmem>>, vector<32xbf16>,
        %get3A_557 = arith.constant 0 : i32
        %get3A_558 = tpu.memref_slice %arg9[%add3A_547, %get3A_557] : memref<128x64xbf16, #tpu.memory_space<vmem>> -> memref<1x64xbf16, #tpu.memory_space<vmem>>
        %get3A_559 = tpu.memref_squeeze %get3A_558 : memref<1x64xbf16, #tpu.memory_space<vmem>> -> memref<64xbf16, #tpu.memory_space<vmem>>
        %get3A_560 = arith.constant 32 : index
        %get3A_561 = tpu.vector_load %get3A_559[%get3A_560] {strides = array<i32>} : memref<64xbf16, #tpu.memory_space<vmem>>, vector<32xbf16>,
        %get3A_562 = arith.constant 0 : i32
        %get3A_563 = tpu.memref_slice %arg10[%add3A_551, %get3A_562] : memref<128x64xbf16, #tpu.memory_space<vmem>> -> memref<1x64xbf16, #tpu.memory_space<vmem>>
        %get3A_564 = tpu.memref_squeeze %get3A_563 : memref<1x64xbf16, #tpu.memory_space<vmem>> -> memref<64xbf16, #tpu.memory_space<vmem>>
        %get3A_565 = arith.constant 0 : index
        %get3A_566 = tpu.vector_load %get3A_564[%get3A_565] {strides = array<i32>} : memref<64xbf16, #tpu.memory_space<vmem>>, vector<32xbf16>,
        %get3A_567 = arith.constant 0 : i32
        %get3A_568 = tpu.memref_slice %arg10[%add3A_551, %get3A_567] : memref<128x64xbf16, #tpu.memory_space<vmem>> -> memref<1x64xbf16, #tpu.memory_space<vmem>>
        %get3A_569 = tpu.memref_squeeze %get3A_568 : memref<1x64xbf16, #tpu.memory_space<vmem>> -> memref<64xbf16, #tpu.memory_space<vmem>>
        %get3A_570 = arith.constant 32 : index
        %get3A_571 = tpu.vector_load %get3A_569[%get3A_570] {strides = array<i32>} : memref<64xbf16, #tpu.memory_space<vmem>>, vector<32xbf16>,
        %mul3A_572 = arith.mulf %get3A_360, %get3A_370 : vector<32xbf16>
        %mul3A_573 = arith.mulf %get3A_365, %get3A_375 : vector<32xbf16>
        %add3A_574 = arith.addf %mul3A_572, %mul3A_573 : vector<32xbf16>
        %mul3A_575 = arith.mulf %get3A_388, %get3A_398 : vector<32xbf16>
        %mul3A_576 = arith.mulf %get3A_393, %get3A_403 : vector<32xbf16>
        %add3A_577 = arith.addf %mul3A_575, %mul3A_576 : vector<32xbf16>
        %mul3A_578 = arith.mulf %get3A_416, %get3A_426 : vector<32xbf16>
        %mul3A_579 = arith.mulf %get3A_421, %get3A_431 : vector<32xbf16>
        %add3A_580 = arith.addf %mul3A_578, %mul3A_579 : vector<32xbf16>
        %mul3A_581 = arith.mulf %get3A_444, %get3A_454 : vector<32xbf16>
        %mul3A_582 = arith.mulf %get3A_449, %get3A_459 : vector<32xbf16>
        %add3A_583 = arith.addf %mul3A_581, %mul3A_582 : vector<32xbf16>
        %mul3A_584 = arith.mulf %get3A_472, %get3A_482 : vector<32xbf16>
        %mul3A_585 = arith.mulf %get3A_477, %get3A_487 : vector<32xbf16>
        %add3A_586 = arith.addf %mul3A_584, %mul3A_585 : vector<32xbf16>
        %mul3A_587 = arith.mulf %get3A_500, %get3A_510 : vector<32xbf16>
        %mul3A_588 = arith.mulf %get3A_505, %get3A_515 : vector<32xbf16>
        %add3A_589 = arith.addf %mul3A_587, %mul3A_588 : vector<32xbf16>
        %mul3A_590 = arith.mulf %get3A_528, %get3A_538 : vector<32xbf16>
        %mul3A_591 = arith.mulf %get3A_533, %get3A_543 : vector<32xbf16>
        %add3A_592 = arith.addf %mul3A_590, %mul3A_591 : vector<32xbf16>
        %mul3A_593 = arith.mulf %get3A_556, %get3A_566 : vector<32xbf16>
        %mul3A_594 = arith.mulf %get3A_561, %get3A_571 : vector<32xbf16>
        %add3A_595 = arith.addf %mul3A_593, %mul3A_594 : vector<32xbf16>
        %unpack3A = tpu.unpack_subelements %add3A_574, 0 {pack_format = #tpu.pack_format<interleaved>} : vector<32xbf16> -> vector<16xf32>
        %unpack3A_596 = tpu.unpack_subelements %add3A_574, 1 {pack_format = #tpu.pack_format<interleaved>} : vector<32xbf16> -> vector<16xf32>
        %eq3A_597 = arith.constant 0 : i32
        %eq3A_598 = vector.broadcast %eq3A_597 : i32 to vector<16xi32>
        %eq3A_599 = arith.cmpi eq, %iota3A, %eq3A_598 : vector<16xi32>
        %add3A_600 = arith.addf %unpack3A, %unpack3A_596 : vector<16xf32>
        %reduce_sum3A = arith.constant true
        %reduce_sum3A_601 = vector.broadcast %reduce_sum3A : i1 to vector<16xi1>
        %reduce_sum3A_602 = tpu.scan <sum>, %add3A_600 masked %reduce_sum3A_601 : vector<16xf32>, vector<16xi1> -> vector<16xf32>
        %reduce_sum3A_603 = vector.extract %reduce_sum3A_602[15] : f32 from vector<16xf32>
        %broadcast_in_dim3A_604 = vector.broadcast %reduce_sum3A_603 : f32 to vector<16xf32>
        %select_n3A = arith.select %eq3A_599, %broadcast_in_dim3A_604, %broadcast_in_dim3A_348 : vector<16xi1>, vector<16xf32>
        %unpack3A_605 = tpu.unpack_subelements %add3A_577, 0 {pack_format = #tpu.pack_format<interleaved>} : vector<32xbf16> -> vector<16xf32>
        %unpack3A_606 = tpu.unpack_subelements %add3A_577, 1 {pack_format = #tpu.pack_format<interleaved>} : vector<32xbf16> -> vector<16xf32>
        %eq3A_607 = arith.constant 1 : i32
        %eq3A_608 = vector.broadcast %eq3A_607 : i32 to vector<16xi32>
        %eq3A_609 = arith.cmpi eq, %iota3A, %eq3A_608 : vector<16xi32>
        %add3A_610 = arith.addf %unpack3A_605, %unpack3A_606 : vector<16xf32>
        %reduce_sum3A_611 = arith.constant true
        %reduce_sum3A_612 = vector.broadcast %reduce_sum3A_611 : i1 to vector<16xi1>
        %reduce_sum3A_613 = tpu.scan <sum>, %add3A_610 masked %reduce_sum3A_612 : vector<16xf32>, vector<16xi1> -> vector<16xf32>
        %reduce_sum3A_614 = vector.extract %reduce_sum3A_613[15] : f32 from vector<16xf32>
        %broadcast_in_dim3A_615 = vector.broadcast %reduce_sum3A_614 : f32 to vector<16xf32>
        %select_n3A_616 = arith.select %eq3A_609, %broadcast_in_dim3A_615, %select_n3A : vector<16xi1>, vector<16xf32>
        %unpack3A_617 = tpu.unpack_subelements %add3A_580, 0 {pack_format = #tpu.pack_format<interleaved>} : vector<32xbf16> -> vector<16xf32>
        %unpack3A_618 = tpu.unpack_subelements %add3A_580, 1 {pack_format = #tpu.pack_format<interleaved>} : vector<32xbf16> -> vector<16xf32>
        %eq3A_619 = arith.constant 2 : i32
        %eq3A_620 = vector.broadcast %eq3A_619 : i32 to vector<16xi32>
        %eq3A_621 = arith.cmpi eq, %iota3A, %eq3A_620 : vector<16xi32>
        %add3A_622 = arith.addf %unpack3A_617, %unpack3A_618 : vector<16xf32>
        %reduce_sum3A_623 = arith.constant true
        %reduce_sum3A_624 = vector.broadcast %reduce_sum3A_623 : i1 to vector<16xi1>
        %reduce_sum3A_625 = tpu.scan <sum>, %add3A_622 masked %reduce_sum3A_624 : vector<16xf32>, vector<16xi1> -> vector<16xf32>
        %reduce_sum3A_626 = vector.extract %reduce_sum3A_625[15] : f32 from vector<16xf32>
        %broadcast_in_dim3A_627 = vector.broadcast %reduce_sum3A_626 : f32 to vector<16xf32>
        %select_n3A_628 = arith.select %eq3A_621, %broadcast_in_dim3A_627, %select_n3A_616 : vector<16xi1>, vector<16xf32>
        %unpack3A_629 = tpu.unpack_subelements %add3A_583, 0 {pack_format = #tpu.pack_format<interleaved>} : vector<32xbf16> -> vector<16xf32>
        %unpack3A_630 = tpu.unpack_subelements %add3A_583, 1 {pack_format = #tpu.pack_format<interleaved>} : vector<32xbf16> -> vector<16xf32>
        %eq3A_631 = arith.constant 3 : i32
        %eq3A_632 = vector.broadcast %eq3A_631 : i32 to vector<16xi32>
        %eq3A_633 = arith.cmpi eq, %iota3A, %eq3A_632 : vector<16xi32>
        %add3A_634 = arith.addf %unpack3A_629, %unpack3A_630 : vector<16xf32>
        %reduce_sum3A_635 = arith.constant true
        %reduce_sum3A_636 = vector.broadcast %reduce_sum3A_635 : i1 to vector<16xi1>
        %reduce_sum3A_637 = tpu.scan <sum>, %add3A_634 masked %reduce_sum3A_636 : vector<16xf32>, vector<16xi1> -> vector<16xf32>
        %reduce_sum3A_638 = vector.extract %reduce_sum3A_637[15] : f32 from vector<16xf32>
        %broadcast_in_dim3A_639 = vector.broadcast %reduce_sum3A_638 : f32 to vector<16xf32>
        %select_n3A_640 = arith.select %eq3A_633, %broadcast_in_dim3A_639, %select_n3A_628 : vector<16xi1>, vector<16xf32>
        %unpack3A_641 = tpu.unpack_subelements %add3A_586, 0 {pack_format = #tpu.pack_format<interleaved>} : vector<32xbf16> -> vector<16xf32>
        %unpack3A_642 = tpu.unpack_subelements %add3A_586, 1 {pack_format = #tpu.pack_format<interleaved>} : vector<32xbf16> -> vector<16xf32>
        %eq3A_643 = arith.constant 4 : i32
        %eq3A_644 = vector.broadcast %eq3A_643 : i32 to vector<16xi32>
        %eq3A_645 = arith.cmpi eq, %iota3A, %eq3A_644 : vector<16xi32>
        %add3A_646 = arith.addf %unpack3A_641, %unpack3A_642 : vector<16xf32>
        %reduce_sum3A_647 = arith.constant true
        %reduce_sum3A_648 = vector.broadcast %reduce_sum3A_647 : i1 to vector<16xi1>
        %reduce_sum3A_649 = tpu.scan <sum>, %add3A_646 masked %reduce_sum3A_648 : vector<16xf32>, vector<16xi1> -> vector<16xf32>
        %reduce_sum3A_650 = vector.extract %reduce_sum3A_649[15] : f32 from vector<16xf32>
        %broadcast_in_dim3A_651 = vector.broadcast %reduce_sum3A_650 : f32 to vector<16xf32>
        %select_n3A_652 = arith.select %eq3A_645, %broadcast_in_dim3A_651, %select_n3A_640 : vector<16xi1>, vector<16xf32>
        %unpack3A_653 = tpu.unpack_subelements %add3A_589, 0 {pack_format = #tpu.pack_format<interleaved>} : vector<32xbf16> -> vector<16xf32>
        %unpack3A_654 = tpu.unpack_subelements %add3A_589, 1 {pack_format = #tpu.pack_format<interleaved>} : vector<32xbf16> -> vector<16xf32>
        %eq3A_655 = arith.constant 5 : i32
        %eq3A_656 = vector.broadcast %eq3A_655 : i32 to vector<16xi32>
        %eq3A_657 = arith.cmpi eq, %iota3A, %eq3A_656 : vector<16xi32>
        %add3A_658 = arith.addf %unpack3A_653, %unpack3A_654 : vector<16xf32>
        %reduce_sum3A_659 = arith.constant true
        %reduce_sum3A_660 = vector.broadcast %reduce_sum3A_659 : i1 to vector<16xi1>
        %reduce_sum3A_661 = tpu.scan <sum>, %add3A_658 masked %reduce_sum3A_660 : vector<16xf32>, vector<16xi1> -> vector<16xf32>
        %reduce_sum3A_662 = vector.extract %reduce_sum3A_661[15] : f32 from vector<16xf32>
        %broadcast_in_dim3A_663 = vector.broadcast %reduce_sum3A_662 : f32 to vector<16xf32>
        %select_n3A_664 = arith.select %eq3A_657, %broadcast_in_dim3A_663, %select_n3A_652 : vector<16xi1>, vector<16xf32>
        %unpack3A_665 = tpu.unpack_subelements %add3A_592, 0 {pack_format = #tpu.pack_format<interleaved>} : vector<32xbf16> -> vector<16xf32>
        %unpack3A_666 = tpu.unpack_subelements %add3A_592, 1 {pack_format = #tpu.pack_format<interleaved>} : vector<32xbf16> -> vector<16xf32>
        %eq3A_667 = arith.constant 6 : i32
        %eq3A_668 = vector.broadcast %eq3A_667 : i32 to vector<16xi32>
        %eq3A_669 = arith.cmpi eq, %iota3A, %eq3A_668 : vector<16xi32>
        %add3A_670 = arith.addf %unpack3A_665, %unpack3A_666 : vector<16xf32>
        %reduce_sum3A_671 = arith.constant true
        %reduce_sum3A_672 = vector.broadcast %reduce_sum3A_671 : i1 to vector<16xi1>
        %reduce_sum3A_673 = tpu.scan <sum>, %add3A_670 masked %reduce_sum3A_672 : vector<16xf32>, vector<16xi1> -> vector<16xf32>
        %reduce_sum3A_674 = vector.extract %reduce_sum3A_673[15] : f32 from vector<16xf32>
        %broadcast_in_dim3A_675 = vector.broadcast %reduce_sum3A_674 : f32 to vector<16xf32>
        %select_n3A_676 = arith.select %eq3A_669, %broadcast_in_dim3A_675, %select_n3A_664 : vector<16xi1>, vector<16xf32>
        %unpack3A_677 = tpu.unpack_subelements %add3A_595, 0 {pack_format = #tpu.pack_format<interleaved>} : vector<32xbf16> -> vector<16xf32>
        %unpack3A_678 = tpu.unpack_subelements %add3A_595, 1 {pack_format = #tpu.pack_format<interleaved>} : vector<32xbf16> -> vector<16xf32>
        %eq3A_679 = arith.constant 7 : i32
        %eq3A_680 = vector.broadcast %eq3A_679 : i32 to vector<16xi32>
        %eq3A_681 = arith.cmpi eq, %iota3A, %eq3A_680 : vector<16xi32>
        %add3A_682 = arith.addf %unpack3A_677, %unpack3A_678 : vector<16xf32>
        %reduce_sum3A_683 = arith.constant true
        %reduce_sum3A_684 = vector.broadcast %reduce_sum3A_683 : i1 to vector<16xi1>
        %reduce_sum3A_685 = tpu.scan <sum>, %add3A_682 masked %reduce_sum3A_684 : vector<16xf32>, vector<16xi1> -> vector<16xf32>
        %reduce_sum3A_686 = vector.extract %reduce_sum3A_685[15] : f32 from vector<16xf32>
        %broadcast_in_dim3A_687 = vector.broadcast %reduce_sum3A_686 : f32 to vector<16xf32>
        %select_n3A_688 = arith.select %eq3A_681, %broadcast_in_dim3A_687, %select_n3A_676 : vector<16xi1>, vector<16xf32>
        %add3A_689 = arith.constant 8 : i32
        %add3A_690 = arith.addi %mul3A_347, %add3A_689 : i32
        %add3A_691 = arith.constant 0 : i32
        %add3A_692 = arith.addi %add3A_690, %add3A_691 : i32
        %add3A_693 = arith.constant 8 : i32
        %add3A_694 = arith.addi %mul3A_347, %add3A_693 : i32
        %add3A_695 = arith.constant 0 : i32
        %add3A_696 = arith.addi %add3A_694, %add3A_695 : i32
        %get3A_697 = arith.constant 0 : i32
        %get3A_698 = tpu.memref_slice %arg9[%add3A_692, %get3A_697] : memref<128x64xbf16, #tpu.memory_space<vmem>> -> memref<1x64xbf16, #tpu.memory_space<vmem>>
        %get3A_699 = tpu.memref_squeeze %get3A_698 : memref<1x64xbf16, #tpu.memory_space<vmem>> -> memref<64xbf16, #tpu.memory_space<vmem>>
        %get3A_700 = arith.constant 0 : index
        %get3A_701 = tpu.vector_load %get3A_699[%get3A_700] {strides = array<i32>} : memref<64xbf16, #tpu.memory_space<vmem>>, vector<32xbf16>,
        %get3A_702 = arith.constant 0 : i32
        %get3A_703 = tpu.memref_slice %arg9[%add3A_692, %get3A_702] : memref<128x64xbf16, #tpu.memory_space<vmem>> -> memref<1x64xbf16, #tpu.memory_space<vmem>>
        %get3A_704 = tpu.memref_squeeze %get3A_703 : memref<1x64xbf16, #tpu.memory_space<vmem>> -> memref<64xbf16, #tpu.memory_space<vmem>>
        %get3A_705 = arith.constant 32 : index
        %get3A_706 = tpu.vector_load %get3A_704[%get3A_705] {strides = array<i32>} : memref<64xbf16, #tpu.memory_space<vmem>>, vector<32xbf16>,
        %get3A_707 = arith.constant 0 : i32
        %get3A_708 = tpu.memref_slice %arg10[%add3A_696, %get3A_707] : memref<128x64xbf16, #tpu.memory_space<vmem>> -> memref<1x64xbf16, #tpu.memory_space<vmem>>
        %get3A_709 = tpu.memref_squeeze %get3A_708 : memref<1x64xbf16, #tpu.memory_space<vmem>> -> memref<64xbf16, #tpu.memory_space<vmem>>
        %get3A_710 = arith.constant 0 : index
        %get3A_711 = tpu.vector_load %get3A_709[%get3A_710] {strides = array<i32>} : memref<64xbf16, #tpu.memory_space<vmem>>, vector<32xbf16>,
        %get3A_712 = arith.constant 0 : i32
        %get3A_713 = tpu.memref_slice %arg10[%add3A_696, %get3A_712] : memref<128x64xbf16, #tpu.memory_space<vmem>> -> memref<1x64xbf16, #tpu.memory_space<vmem>>
        %get3A_714 = tpu.memref_squeeze %get3A_713 : memref<1x64xbf16, #tpu.memory_space<vmem>> -> memref<64xbf16, #tpu.memory_space<vmem>>
        %get3A_715 = arith.constant 32 : index
        %get3A_716 = tpu.vector_load %get3A_714[%get3A_715] {strides = array<i32>} : memref<64xbf16, #tpu.memory_space<vmem>>, vector<32xbf16>,
        %add3A_717 = arith.constant 8 : i32
        %add3A_718 = arith.addi %mul3A_347, %add3A_717 : i32
        %add3A_719 = arith.constant 1 : i32
        %add3A_720 = arith.addi %add3A_718, %add3A_719 : i32
        %add3A_721 = arith.constant 8 : i32
        %add3A_722 = arith.addi %mul3A_347, %add3A_721 : i32
        %add3A_723 = arith.constant 1 : i32
        %add3A_724 = arith.addi %add3A_722, %add3A_723 : i32
        %get3A_725 = arith.constant 0 : i32
        %get3A_726 = tpu.memref_slice %arg9[%add3A_720, %get3A_725] : memref<128x64xbf16, #tpu.memory_space<vmem>> -> memref<1x64xbf16, #tpu.memory_space<vmem>>
        %get3A_727 = tpu.memref_squeeze %get3A_726 : memref<1x64xbf16, #tpu.memory_space<vmem>> -> memref<64xbf16, #tpu.memory_space<vmem>>
        %get3A_728 = arith.constant 0 : index
        %get3A_729 = tpu.vector_load %get3A_727[%get3A_728] {strides = array<i32>} : memref<64xbf16, #tpu.memory_space<vmem>>, vector<32xbf16>,
        %get3A_730 = arith.constant 0 : i32
        %get3A_731 = tpu.memref_slice %arg9[%add3A_720, %get3A_730] : memref<128x64xbf16, #tpu.memory_space<vmem>> -> memref<1x64xbf16, #tpu.memory_space<vmem>>
        %get3A_732 = tpu.memref_squeeze %get3A_731 : memref<1x64xbf16, #tpu.memory_space<vmem>> -> memref<64xbf16, #tpu.memory_space<vmem>>
        %get3A_733 = arith.constant 32 : index
        %get3A_734 = tpu.vector_load %get3A_732[%get3A_733] {strides = array<i32>} : memref<64xbf16, #tpu.memory_space<vmem>>, vector<32xbf16>,
        %get3A_735 = arith.constant 0 : i32
        %get3A_736 = tpu.memref_slice %arg10[%add3A_724, %get3A_735] : memref<128x64xbf16, #tpu.memory_space<vmem>> -> memref<1x64xbf16, #tpu.memory_space<vmem>>
        %get3A_737 = tpu.memref_squeeze %get3A_736 : memref<1x64xbf16, #tpu.memory_space<vmem>> -> memref<64xbf16, #tpu.memory_space<vmem>>
        %get3A_738 = arith.constant 0 : index
        %get3A_739 = tpu.vector_load %get3A_737[%get3A_738] {strides = array<i32>} : memref<64xbf16, #tpu.memory_space<vmem>>, vector<32xbf16>,
        %get3A_740 = arith.constant 0 : i32
        %get3A_741 = tpu.memref_slice %arg10[%add3A_724, %get3A_740] : memref<128x64xbf16, #tpu.memory_space<vmem>> -> memref<1x64xbf16, #tpu.memory_space<vmem>>
        %get3A_742 = tpu.memref_squeeze %get3A_741 : memref<1x64xbf16, #tpu.memory_space<vmem>> -> memref<64xbf16, #tpu.memory_space<vmem>>
        %get3A_743 = arith.constant 32 : index
        %get3A_744 = tpu.vector_load %get3A_742[%get3A_743] {strides = array<i32>} : memref<64xbf16, #tpu.memory_space<vmem>>, vector<32xbf16>,
        %add3A_745 = arith.constant 8 : i32
        %add3A_746 = arith.addi %mul3A_347, %add3A_745 : i32
        %add3A_747 = arith.constant 2 : i32
        %add3A_748 = arith.addi %add3A_746, %add3A_747 : i32
        %add3A_749 = arith.constant 8 : i32
        %add3A_750 = arith.addi %mul3A_347, %add3A_749 : i32
        %add3A_751 = arith.constant 2 : i32
        %add3A_752 = arith.addi %add3A_750, %add3A_751 : i32
        %get3A_753 = arith.constant 0 : i32
        %get3A_754 = tpu.memref_slice %arg9[%add3A_748, %get3A_753] : memref<128x64xbf16, #tpu.memory_space<vmem>> -> memref<1x64xbf16, #tpu.memory_space<vmem>>
        %get3A_755 = tpu.memref_squeeze %get3A_754 : memref<1x64xbf16, #tpu.memory_space<vmem>> -> memref<64xbf16, #tpu.memory_space<vmem>>
        %get3A_756 = arith.constant 0 : index
        %get3A_757 = tpu.vector_load %get3A_755[%get3A_756] {strides = array<i32>} : memref<64xbf16, #tpu.memory_space<vmem>>, vector<32xbf16>,
        %get3A_758 = arith.constant 0 : i32
        %get3A_759 = tpu.memref_slice %arg9[%add3A_748, %get3A_758] : memref<128x64xbf16, #tpu.memory_space<vmem>> -> memref<1x64xbf16, #tpu.memory_space<vmem>>
        %get3A_760 = tpu.memref_squeeze %get3A_759 : memref<1x64xbf16, #tpu.memory_space<vmem>> -> memref<64xbf16, #tpu.memory_space<vmem>>
        %get3A_761 = arith.constant 32 : index
        %get3A_762 = tpu.vector_load %get3A_760[%get3A_761] {strides = array<i32>} : memref<64xbf16, #tpu.memory_space<vmem>>, vector<32xbf16>,
        %get3A_763 = arith.constant 0 : i32
        %get3A_764 = tpu.memref_slice %arg10[%add3A_752, %get3A_763] : memref<128x64xbf16, #tpu.memory_space<vmem>> -> memref<1x64xbf16, #tpu.memory_space<vmem>>
        %get3A_765 = tpu.memref_squeeze %get3A_764 : memref<1x64xbf16, #tpu.memory_space<vmem>> -> memref<64xbf16, #tpu.memory_space<vmem>>
        %get3A_766 = arith.constant 0 : index
        %get3A_767 = tpu.vector_load %get3A_765[%get3A_766] {strides = array<i32>} : memref<64xbf16, #tpu.memory_space<vmem>>, vector<32xbf16>,
        %get3A_768 = arith.constant 0 : i32
        %get3A_769 = tpu.memref_slice %arg10[%add3A_752, %get3A_768] : memref<128x64xbf16, #tpu.memory_space<vmem>> -> memref<1x64xbf16, #tpu.memory_space<vmem>>
        %get3A_770 = tpu.memref_squeeze %get3A_769 : memref<1x64xbf16, #tpu.memory_space<vmem>> -> memref<64xbf16, #tpu.memory_space<vmem>>
        %get3A_771 = arith.constant 32 : index
        %get3A_772 = tpu.vector_load %get3A_770[%get3A_771] {strides = array<i32>} : memref<64xbf16, #tpu.memory_space<vmem>>, vector<32xbf16>,
        %add3A_773 = arith.constant 8 : i32
        %add3A_774 = arith.addi %mul3A_347, %add3A_773 : i32
        %add3A_775 = arith.constant 3 : i32
        %add3A_776 = arith.addi %add3A_774, %add3A_775 : i32
        %add3A_777 = arith.constant 8 : i32
        %add3A_778 = arith.addi %mul3A_347, %add3A_777 : i32
        %add3A_779 = arith.constant 3 : i32
        %add3A_780 = arith.addi %add3A_778, %add3A_779 : i32
        %get3A_781 = arith.constant 0 : i32
        %get3A_782 = tpu.memref_slice %arg9[%add3A_776, %get3A_781] : memref<128x64xbf16, #tpu.memory_space<vmem>> -> memref<1x64xbf16, #tpu.memory_space<vmem>>
        %get3A_783 = tpu.memref_squeeze %get3A_782 : memref<1x64xbf16, #tpu.memory_space<vmem>> -> memref<64xbf16, #tpu.memory_space<vmem>>
        %get3A_784 = arith.constant 0 : index
        %get3A_785 = tpu.vector_load %get3A_783[%get3A_784] {strides = array<i32>} : memref<64xbf16, #tpu.memory_space<vmem>>, vector<32xbf16>,
        %get3A_786 = arith.constant 0 : i32
        %get3A_787 = tpu.memref_slice %arg9[%add3A_776, %get3A_786] : memref<128x64xbf16, #tpu.memory_space<vmem>> -> memref<1x64xbf16, #tpu.memory_space<vmem>>
        %get3A_788 = tpu.memref_squeeze %get3A_787 : memref<1x64xbf16, #tpu.memory_space<vmem>> -> memref<64xbf16, #tpu.memory_space<vmem>>
        %get3A_789 = arith.constant 32 : index
        %get3A_790 = tpu.vector_load %get3A_788[%get3A_789] {strides = array<i32>} : memref<64xbf16, #tpu.memory_space<vmem>>, vector<32xbf16>,
        %get3A_791 = arith.constant 0 : i32
        %get3A_792 = tpu.memref_slice %arg10[%add3A_780, %get3A_791] : memref<128x64xbf16, #tpu.memory_space<vmem>> -> memref<1x64xbf16, #tpu.memory_space<vmem>>
        %get3A_793 = tpu.memref_squeeze %get3A_792 : memref<1x64xbf16, #tpu.memory_space<vmem>> -> memref<64xbf16, #tpu.memory_space<vmem>>
        %get3A_794 = arith.constant 0 : index
        %get3A_795 = tpu.vector_load %get3A_793[%get3A_794] {strides = array<i32>} : memref<64xbf16, #tpu.memory_space<vmem>>, vector<32xbf16>,
        %get3A_796 = arith.constant 0 : i32
        %get3A_797 = tpu.memref_slice %arg10[%add3A_780, %get3A_796] : memref<128x64xbf16, #tpu.memory_space<vmem>> -> memref<1x64xbf16, #tpu.memory_space<vmem>>
        %get3A_798 = tpu.memref_squeeze %get3A_797 : memref<1x64xbf16, #tpu.memory_space<vmem>> -> memref<64xbf16, #tpu.memory_space<vmem>>
        %get3A_799 = arith.constant 32 : index
        %get3A_800 = tpu.vector_load %get3A_798[%get3A_799] {strides = array<i32>} : memref<64xbf16, #tpu.memory_space<vmem>>, vector<32xbf16>,
        %add3A_801 = arith.constant 8 : i32
        %add3A_802 = arith.addi %mul3A_347, %add3A_801 : i32
        %add3A_803 = arith.constant 4 : i32
        %add3A_804 = arith.addi %add3A_802, %add3A_803 : i32
        %add3A_805 = arith.constant 8 : i32
        %add3A_806 = arith.addi %mul3A_347, %add3A_805 : i32
        %add3A_807 = arith.constant 4 : i32
        %add3A_808 = arith.addi %add3A_806, %add3A_807 : i32
        %get3A_809 = arith.constant 0 : i32
        %get3A_810 = tpu.memref_slice %arg9[%add3A_804, %get3A_809] : memref<128x64xbf16, #tpu.memory_space<vmem>> -> memref<1x64xbf16, #tpu.memory_space<vmem>>
        %get3A_811 = tpu.memref_squeeze %get3A_810 : memref<1x64xbf16, #tpu.memory_space<vmem>> -> memref<64xbf16, #tpu.memory_space<vmem>>
        %get3A_812 = arith.constant 0 : index
        %get3A_813 = tpu.vector_load %get3A_811[%get3A_812] {strides = array<i32>} : memref<64xbf16, #tpu.memory_space<vmem>>, vector<32xbf16>,
        %get3A_814 = arith.constant 0 : i32
        %get3A_815 = tpu.memref_slice %arg9[%add3A_804, %get3A_814] : memref<128x64xbf16, #tpu.memory_space<vmem>> -> memref<1x64xbf16, #tpu.memory_space<vmem>>
        %get3A_816 = tpu.memref_squeeze %get3A_815 : memref<1x64xbf16, #tpu.memory_space<vmem>> -> memref<64xbf16, #tpu.memory_space<vmem>>
        %get3A_817 = arith.constant 32 : index
        %get3A_818 = tpu.vector_load %get3A_816[%get3A_817] {strides = array<i32>} : memref<64xbf16, #tpu.memory_space<vmem>>, vector<32xbf16>,
        %get3A_819 = arith.constant 0 : i32
        %get3A_820 = tpu.memref_slice %arg10[%add3A_808, %get3A_819] : memref<128x64xbf16, #tpu.memory_space<vmem>> -> memref<1x64xbf16, #tpu.memory_space<vmem>>
        %get3A_821 = tpu.memref_squeeze %get3A_820 : memref<1x64xbf16, #tpu.memory_space<vmem>> -> memref<64xbf16, #tpu.memory_space<vmem>>
        %get3A_822 = arith.constant 0 : index
        %get3A_823 = tpu.vector_load %get3A_821[%get3A_822] {strides = array<i32>} : memref<64xbf16, #tpu.memory_space<vmem>>, vector<32xbf16>,
        %get3A_824 = arith.constant 0 : i32
        %get3A_825 = tpu.memref_slice %arg10[%add3A_808, %get3A_824] : memref<128x64xbf16, #tpu.memory_space<vmem>> -> memref<1x64xbf16, #tpu.memory_space<vmem>>
        %get3A_826 = tpu.memref_squeeze %get3A_825 : memref<1x64xbf16, #tpu.memory_space<vmem>> -> memref<64xbf16, #tpu.memory_space<vmem>>
        %get3A_827 = arith.constant 32 : index
        %get3A_828 = tpu.vector_load %get3A_826[%get3A_827] {strides = array<i32>} : memref<64xbf16, #tpu.memory_space<vmem>>, vector<32xbf16>,
        %add3A_829 = arith.constant 8 : i32
        %add3A_830 = arith.addi %mul3A_347, %add3A_829 : i32
        %add3A_831 = arith.constant 5 : i32
        %add3A_832 = arith.addi %add3A_830, %add3A_831 : i32
        %add3A_833 = arith.constant 8 : i32
        %add3A_834 = arith.addi %mul3A_347, %add3A_833 : i32
        %add3A_835 = arith.constant 5 : i32
        %add3A_836 = arith.addi %add3A_834, %add3A_835 : i32
        %get3A_837 = arith.constant 0 : i32
        %get3A_838 = tpu.memref_slice %arg9[%add3A_832, %get3A_837] : memref<128x64xbf16, #tpu.memory_space<vmem>> -> memref<1x64xbf16, #tpu.memory_space<vmem>>
        %get3A_839 = tpu.memref_squeeze %get3A_838 : memref<1x64xbf16, #tpu.memory_space<vmem>> -> memref<64xbf16, #tpu.memory_space<vmem>>
        %get3A_840 = arith.constant 0 : index
        %get3A_841 = tpu.vector_load %get3A_839[%get3A_840] {strides = array<i32>} : memref<64xbf16, #tpu.memory_space<vmem>>, vector<32xbf16>,
        %get3A_842 = arith.constant 0 : i32
        %get3A_843 = tpu.memref_slice %arg9[%add3A_832, %get3A_842] : memref<128x64xbf16, #tpu.memory_space<vmem>> -> memref<1x64xbf16, #tpu.memory_space<vmem>>
        %get3A_844 = tpu.memref_squeeze %get3A_843 : memref<1x64xbf16, #tpu.memory_space<vmem>> -> memref<64xbf16, #tpu.memory_space<vmem>>
        %get3A_845 = arith.constant 32 : index
        %get3A_846 = tpu.vector_load %get3A_844[%get3A_845] {strides = array<i32>} : memref<64xbf16, #tpu.memory_space<vmem>>, vector<32xbf16>,
        %get3A_847 = arith.constant 0 : i32
        %get3A_848 = tpu.memref_slice %arg10[%add3A_836, %get3A_847] : memref<128x64xbf16, #tpu.memory_space<vmem>> -> memref<1x64xbf16, #tpu.memory_space<vmem>>
        %get3A_849 = tpu.memref_squeeze %get3A_848 : memref<1x64xbf16, #tpu.memory_space<vmem>> -> memref<64xbf16, #tpu.memory_space<vmem>>
        %get3A_850 = arith.constant 0 : index
        %get3A_851 = tpu.vector_load %get3A_849[%get3A_850] {strides = array<i32>} : memref<64xbf16, #tpu.memory_space<vmem>>, vector<32xbf16>,
        %get3A_852 = arith.constant 0 : i32
        %get3A_853 = tpu.memref_slice %arg10[%add3A_836, %get3A_852] : memref<128x64xbf16, #tpu.memory_space<vmem>> -> memref<1x64xbf16, #tpu.memory_space<vmem>>
        %get3A_854 = tpu.memref_squeeze %get3A_853 : memref<1x64xbf16, #tpu.memory_space<vmem>> -> memref<64xbf16, #tpu.memory_space<vmem>>
        %get3A_855 = arith.constant 32 : index
        %get3A_856 = tpu.vector_load %get3A_854[%get3A_855] {strides = array<i32>} : memref<64xbf16, #tpu.memory_space<vmem>>, vector<32xbf16>,
        %add3A_857 = arith.constant 8 : i32
        %add3A_858 = arith.addi %mul3A_347, %add3A_857 : i32
        %add3A_859 = arith.constant 6 : i32
        %add3A_860 = arith.addi %add3A_858, %add3A_859 : i32
        %add3A_861 = arith.constant 8 : i32
        %add3A_862 = arith.addi %mul3A_347, %add3A_861 : i32
        %add3A_863 = arith.constant 6 : i32
        %add3A_864 = arith.addi %add3A_862, %add3A_863 : i32
        %get3A_865 = arith.constant 0 : i32
        %get3A_866 = tpu.memref_slice %arg9[%add3A_860, %get3A_865] : memref<128x64xbf16, #tpu.memory_space<vmem>> -> memref<1x64xbf16, #tpu.memory_space<vmem>>
        %get3A_867 = tpu.memref_squeeze %get3A_866 : memref<1x64xbf16, #tpu.memory_space<vmem>> -> memref<64xbf16, #tpu.memory_space<vmem>>
        %get3A_868 = arith.constant 0 : index
        %get3A_869 = tpu.vector_load %get3A_867[%get3A_868] {strides = array<i32>} : memref<64xbf16, #tpu.memory_space<vmem>>, vector<32xbf16>,
        %get3A_870 = arith.constant 0 : i32
        %get3A_871 = tpu.memref_slice %arg9[%add3A_860, %get3A_870] : memref<128x64xbf16, #tpu.memory_space<vmem>> -> memref<1x64xbf16, #tpu.memory_space<vmem>>
        %get3A_872 = tpu.memref_squeeze %get3A_871 : memref<1x64xbf16, #tpu.memory_space<vmem>> -> memref<64xbf16, #tpu.memory_space<vmem>>
        %get3A_873 = arith.constant 32 : index
        %get3A_874 = tpu.vector_load %get3A_872[%get3A_873] {strides = array<i32>} : memref<64xbf16, #tpu.memory_space<vmem>>, vector<32xbf16>,
        %get3A_875 = arith.constant 0 : i32
        %get3A_876 = tpu.memref_slice %arg10[%add3A_864, %get3A_875] : memref<128x64xbf16, #tpu.memory_space<vmem>> -> memref<1x64xbf16, #tpu.memory_space<vmem>>
        %get3A_877 = tpu.memref_squeeze %get3A_876 : memref<1x64xbf16, #tpu.memory_space<vmem>> -> memref<64xbf16, #tpu.memory_space<vmem>>
        %get3A_878 = arith.constant 0 : index
        %get3A_879 = tpu.vector_load %get3A_877[%get3A_878] {strides = array<i32>} : memref<64xbf16, #tpu.memory_space<vmem>>, vector<32xbf16>,
        %get3A_880 = arith.constant 0 : i32
        %get3A_881 = tpu.memref_slice %arg10[%add3A_864, %get3A_880] : memref<128x64xbf16, #tpu.memory_space<vmem>> -> memref<1x64xbf16, #tpu.memory_space<vmem>>
        %get3A_882 = tpu.memref_squeeze %get3A_881 : memref<1x64xbf16, #tpu.memory_space<vmem>> -> memref<64xbf16, #tpu.memory_space<vmem>>
        %get3A_883 = arith.constant 32 : index
        %get3A_884 = tpu.vector_load %get3A_882[%get3A_883] {strides = array<i32>} : memref<64xbf16, #tpu.memory_space<vmem>>, vector<32xbf16>,
        %add3A_885 = arith.constant 8 : i32
        %add3A_886 = arith.addi %mul3A_347, %add3A_885 : i32
        %add3A_887 = arith.constant 7 : i32
        %add3A_888 = arith.addi %add3A_886, %add3A_887 : i32
        %add3A_889 = arith.constant 8 : i32
        %add3A_890 = arith.addi %mul3A_347, %add3A_889 : i32
        %add3A_891 = arith.constant 7 : i32
        %add3A_892 = arith.addi %add3A_890, %add3A_891 : i32
        %get3A_893 = arith.constant 0 : i32
        %get3A_894 = tpu.memref_slice %arg9[%add3A_888, %get3A_893] : memref<128x64xbf16, #tpu.memory_space<vmem>> -> memref<1x64xbf16, #tpu.memory_space<vmem>>
        %get3A_895 = tpu.memref_squeeze %get3A_894 : memref<1x64xbf16, #tpu.memory_space<vmem>> -> memref<64xbf16, #tpu.memory_space<vmem>>
        %get3A_896 = arith.constant 0 : index
        %get3A_897 = tpu.vector_load %get3A_895[%get3A_896] {strides = array<i32>} : memref<64xbf16, #tpu.memory_space<vmem>>, vector<32xbf16>,
        %get3A_898 = arith.constant 0 : i32
        %get3A_899 = tpu.memref_slice %arg9[%add3A_888, %get3A_898] : memref<128x64xbf16, #tpu.memory_space<vmem>> -> memref<1x64xbf16, #tpu.memory_space<vmem>>
        %get3A_900 = tpu.memref_squeeze %get3A_899 : memref<1x64xbf16, #tpu.memory_space<vmem>> -> memref<64xbf16, #tpu.memory_space<vmem>>
        %get3A_901 = arith.constant 32 : index
        %get3A_902 = tpu.vector_load %get3A_900[%get3A_901] {strides = array<i32>} : memref<64xbf16, #tpu.memory_space<vmem>>, vector<32xbf16>,
        %get3A_903 = arith.constant 0 : i32
        %get3A_904 = tpu.memref_slice %arg10[%add3A_892, %get3A_903] : memref<128x64xbf16, #tpu.memory_space<vmem>> -> memref<1x64xbf16, #tpu.memory_space<vmem>>
        %get3A_905 = tpu.memref_squeeze %get3A_904 : memref<1x64xbf16, #tpu.memory_space<vmem>> -> memref<64xbf16, #tpu.memory_space<vmem>>
        %get3A_906 = arith.constant 0 : index
        %get3A_907 = tpu.vector_load %get3A_905[%get3A_906] {strides = array<i32>} : memref<64xbf16, #tpu.memory_space<vmem>>, vector<32xbf16>,
        %get3A_908 = arith.constant 0 : i32
        %get3A_909 = tpu.memref_slice %arg10[%add3A_892, %get3A_908] : memref<128x64xbf16, #tpu.memory_space<vmem>> -> memref<1x64xbf16, #tpu.memory_space<vmem>>
        %get3A_910 = tpu.memref_squeeze %get3A_909 : memref<1x64xbf16, #tpu.memory_space<vmem>> -> memref<64xbf16, #tpu.memory_space<vmem>>
        %get3A_911 = arith.constant 32 : index
        %get3A_912 = tpu.vector_load %get3A_910[%get3A_911] {strides = array<i32>} : memref<64xbf16, #tpu.memory_space<vmem>>, vector<32xbf16>,
        %mul3A_913 = arith.mulf %get3A_701, %get3A_711 : vector<32xbf16>
        %mul3A_914 = arith.mulf %get3A_706, %get3A_716 : vector<32xbf16>
        %add3A_915 = arith.addf %mul3A_913, %mul3A_914 : vector<32xbf16>
        %mul3A_916 = arith.mulf %get3A_729, %get3A_739 : vector<32xbf16>
        %mul3A_917 = arith.mulf %get3A_734, %get3A_744 : vector<32xbf16>
        %add3A_918 = arith.addf %mul3A_916, %mul3A_917 : vector<32xbf16>
        %mul3A_919 = arith.mulf %get3A_757, %get3A_767 : vector<32xbf16>
        %mul3A_920 = arith.mulf %get3A_762, %get3A_772 : vector<32xbf16>
        %add3A_921 = arith.addf %mul3A_919, %mul3A_920 : vector<32xbf16>
        %mul3A_922 = arith.mulf %get3A_785, %get3A_795 : vector<32xbf16>
        %mul3A_923 = arith.mulf %get3A_790, %get3A_800 : vector<32xbf16>
        %add3A_924 = arith.addf %mul3A_922, %mul3A_923 : vector<32xbf16>
        %mul3A_925 = arith.mulf %get3A_813, %get3A_823 : vector<32xbf16>
        %mul3A_926 = arith.mulf %get3A_818, %get3A_828 : vector<32xbf16>
        %add3A_927 = arith.addf %mul3A_925, %mul3A_926 : vector<32xbf16>
        %mul3A_928 = arith.mulf %get3A_841, %get3A_851 : vector<32xbf16>
        %mul3A_929 = arith.mulf %get3A_846, %get3A_856 : vector<32xbf16>
        %add3A_930 = arith.addf %mul3A_928, %mul3A_929 : vector<32xbf16>
        %mul3A_931 = arith.mulf %get3A_869, %get3A_879 : vector<32xbf16>
        %mul3A_932 = arith.mulf %get3A_874, %get3A_884 : vector<32xbf16>
        %add3A_933 = arith.addf %mul3A_931, %mul3A_932 : vector<32xbf16>
        %mul3A_934 = arith.mulf %get3A_897, %get3A_907 : vector<32xbf16>
        %mul3A_935 = arith.mulf %get3A_902, %get3A_912 : vector<32xbf16>
        %add3A_936 = arith.addf %mul3A_934, %mul3A_935 : vector<32xbf16>
        %unpack3A_937 = tpu.unpack_subelements %add3A_915, 0 {pack_format = #tpu.pack_format<interleaved>} : vector<32xbf16> -> vector<16xf32>
        %unpack3A_938 = tpu.unpack_subelements %add3A_915, 1 {pack_format = #tpu.pack_format<interleaved>} : vector<32xbf16> -> vector<16xf32>
        %eq3A_939 = arith.constant 8 : i32
        %eq3A_940 = vector.broadcast %eq3A_939 : i32 to vector<16xi32>
        %eq3A_941 = arith.cmpi eq, %iota3A, %eq3A_940 : vector<16xi32>
        %add3A_942 = arith.addf %unpack3A_937, %unpack3A_938 : vector<16xf32>
        %reduce_sum3A_943 = arith.constant true
        %reduce_sum3A_944 = vector.broadcast %reduce_sum3A_943 : i1 to vector<16xi1>
        %reduce_sum3A_945 = tpu.scan <sum>, %add3A_942 masked %reduce_sum3A_944 : vector<16xf32>, vector<16xi1> -> vector<16xf32>
        %reduce_sum3A_946 = vector.extract %reduce_sum3A_945[15] : f32 from vector<16xf32>
        %broadcast_in_dim3A_947 = vector.broadcast %reduce_sum3A_946 : f32 to vector<16xf32>
        %select_n3A_948 = arith.select %eq3A_941, %broadcast_in_dim3A_947, %select_n3A_688 : vector<16xi1>, vector<16xf32>
        %unpack3A_949 = tpu.unpack_subelements %add3A_918, 0 {pack_format = #tpu.pack_format<interleaved>} : vector<32xbf16> -> vector<16xf32>
        %unpack3A_950 = tpu.unpack_subelements %add3A_918, 1 {pack_format = #tpu.pack_format<interleaved>} : vector<32xbf16> -> vector<16xf32>
        %eq3A_951 = arith.constant 9 : i32
        %eq3A_952 = vector.broadcast %eq3A_951 : i32 to vector<16xi32>
        %eq3A_953 = arith.cmpi eq, %iota3A, %eq3A_952 : vector<16xi32>
        %add3A_954 = arith.addf %unpack3A_949, %unpack3A_950 : vector<16xf32>
        %reduce_sum3A_955 = arith.constant true
        %reduce_sum3A_956 = vector.broadcast %reduce_sum3A_955 : i1 to vector<16xi1>
        %reduce_sum3A_957 = tpu.scan <sum>, %add3A_954 masked %reduce_sum3A_956 : vector<16xf32>, vector<16xi1> -> vector<16xf32>
        %reduce_sum3A_958 = vector.extract %reduce_sum3A_957[15] : f32 from vector<16xf32>
        %broadcast_in_dim3A_959 = vector.broadcast %reduce_sum3A_958 : f32 to vector<16xf32>
        %select_n3A_960 = arith.select %eq3A_953, %broadcast_in_dim3A_959, %select_n3A_948 : vector<16xi1>, vector<16xf32>
        %unpack3A_961 = tpu.unpack_subelements %add3A_921, 0 {pack_format = #tpu.pack_format<interleaved>} : vector<32xbf16> -> vector<16xf32>
        %unpack3A_962 = tpu.unpack_subelements %add3A_921, 1 {pack_format = #tpu.pack_format<interleaved>} : vector<32xbf16> -> vector<16xf32>
        %eq3A_963 = arith.constant 10 : i32
        %eq3A_964 = vector.broadcast %eq3A_963 : i32 to vector<16xi32>
        %eq3A_965 = arith.cmpi eq, %iota3A, %eq3A_964 : vector<16xi32>
        %add3A_966 = arith.addf %unpack3A_961, %unpack3A_962 : vector<16xf32>
        %reduce_sum3A_967 = arith.constant true
        %reduce_sum3A_968 = vector.broadcast %reduce_sum3A_967 : i1 to vector<16xi1>
        %reduce_sum3A_969 = tpu.scan <sum>, %add3A_966 masked %reduce_sum3A_968 : vector<16xf32>, vector<16xi1> -> vector<16xf32>
        %reduce_sum3A_970 = vector.extract %reduce_sum3A_969[15] : f32 from vector<16xf32>
        %broadcast_in_dim3A_971 = vector.broadcast %reduce_sum3A_970 : f32 to vector<16xf32>
        %select_n3A_972 = arith.select %eq3A_965, %broadcast_in_dim3A_971, %select_n3A_960 : vector<16xi1>, vector<16xf32>
        %unpack3A_973 = tpu.unpack_subelements %add3A_924, 0 {pack_format = #tpu.pack_format<interleaved>} : vector<32xbf16> -> vector<16xf32>
        %unpack3A_974 = tpu.unpack_subelements %add3A_924, 1 {pack_format = #tpu.pack_format<interleaved>} : vector<32xbf16> -> vector<16xf32>
        %eq3A_975 = arith.constant 11 : i32
        %eq3A_976 = vector.broadcast %eq3A_975 : i32 to vector<16xi32>
        %eq3A_977 = arith.cmpi eq, %iota3A, %eq3A_976 : vector<16xi32>
        %add3A_978 = arith.addf %unpack3A_973, %unpack3A_974 : vector<16xf32>
        %reduce_sum3A_979 = arith.constant true
        %reduce_sum3A_980 = vector.broadcast %reduce_sum3A_979 : i1 to vector<16xi1>
        %reduce_sum3A_981 = tpu.scan <sum>, %add3A_978 masked %reduce_sum3A_980 : vector<16xf32>, vector<16xi1> -> vector<16xf32>
        %reduce_sum3A_982 = vector.extract %reduce_sum3A_981[15] : f32 from vector<16xf32>
        %broadcast_in_dim3A_983 = vector.broadcast %reduce_sum3A_982 : f32 to vector<16xf32>
        %select_n3A_984 = arith.select %eq3A_977, %broadcast_in_dim3A_983, %select_n3A_972 : vector<16xi1>, vector<16xf32>
        %unpack3A_985 = tpu.unpack_subelements %add3A_927, 0 {pack_format = #tpu.pack_format<interleaved>} : vector<32xbf16> -> vector<16xf32>
        %unpack3A_986 = tpu.unpack_subelements %add3A_927, 1 {pack_format = #tpu.pack_format<interleaved>} : vector<32xbf16> -> vector<16xf32>
        %eq3A_987 = arith.constant 12 : i32
        %eq3A_988 = vector.broadcast %eq3A_987 : i32 to vector<16xi32>
        %eq3A_989 = arith.cmpi eq, %iota3A, %eq3A_988 : vector<16xi32>
        %add3A_990 = arith.addf %unpack3A_985, %unpack3A_986 : vector<16xf32>
        %reduce_sum3A_991 = arith.constant true
        %reduce_sum3A_992 = vector.broadcast %reduce_sum3A_991 : i1 to vector<16xi1>
        %reduce_sum3A_993 = tpu.scan <sum>, %add3A_990 masked %reduce_sum3A_992 : vector<16xf32>, vector<16xi1> -> vector<16xf32>
        %reduce_sum3A_994 = vector.extract %reduce_sum3A_993[15] : f32 from vector<16xf32>
        %broadcast_in_dim3A_995 = vector.broadcast %reduce_sum3A_994 : f32 to vector<16xf32>
        %select_n3A_996 = arith.select %eq3A_989, %broadcast_in_dim3A_995, %select_n3A_984 : vector<16xi1>, vector<16xf32>
        %unpack3A_997 = tpu.unpack_subelements %add3A_930, 0 {pack_format = #tpu.pack_format<interleaved>} : vector<32xbf16> -> vector<16xf32>
        %unpack3A_998 = tpu.unpack_subelements %add3A_930, 1 {pack_format = #tpu.pack_format<interleaved>} : vector<32xbf16> -> vector<16xf32>
        %eq3A_999 = arith.constant 13 : i32
        %eq3A_1000 = vector.broadcast %eq3A_999 : i32 to vector<16xi32>
        %eq3A_1001 = arith.cmpi eq, %iota3A, %eq3A_1000 : vector<16xi32>
        %add3A_1002 = arith.addf %unpack3A_997, %unpack3A_998 : vector<16xf32>
        %reduce_sum3A_1003 = arith.constant true
        %reduce_sum3A_1004 = vector.broadcast %reduce_sum3A_1003 : i1 to vector<16xi1>
        %reduce_sum3A_1005 = tpu.scan <sum>, %add3A_1002 masked %reduce_sum3A_1004 : vector<16xf32>, vector<16xi1> -> vector<16xf32>
        %reduce_sum3A_1006 = vector.extract %reduce_sum3A_1005[15] : f32 from vector<16xf32>
        %broadcast_in_dim3A_1007 = vector.broadcast %reduce_sum3A_1006 : f32 to vector<16xf32>
        %select_n3A_1008 = arith.select %eq3A_1001, %broadcast_in_dim3A_1007, %select_n3A_996 : vector<16xi1>, vector<16xf32>
        %unpack3A_1009 = tpu.unpack_subelements %add3A_933, 0 {pack_format = #tpu.pack_format<interleaved>} : vector<32xbf16> -> vector<16xf32>
        %unpack3A_1010 = tpu.unpack_subelements %add3A_933, 1 {pack_format = #tpu.pack_format<interleaved>} : vector<32xbf16> -> vector<16xf32>
        %eq3A_1011 = arith.constant 14 : i32
        %eq3A_1012 = vector.broadcast %eq3A_1011 : i32 to vector<16xi32>
        %eq3A_1013 = arith.cmpi eq, %iota3A, %eq3A_1012 : vector<16xi32>
        %add3A_1014 = arith.addf %unpack3A_1009, %unpack3A_1010 : vector<16xf32>
        %reduce_sum3A_1015 = arith.constant true
        %reduce_sum3A_1016 = vector.broadcast %reduce_sum3A_1015 : i1 to vector<16xi1>
        %reduce_sum3A_1017 = tpu.scan <sum>, %add3A_1014 masked %reduce_sum3A_1016 : vector<16xf32>, vector<16xi1> -> vector<16xf32>
        %reduce_sum3A_1018 = vector.extract %reduce_sum3A_1017[15] : f32 from vector<16xf32>
        %broadcast_in_dim3A_1019 = vector.broadcast %reduce_sum3A_1018 : f32 to vector<16xf32>
        %select_n3A_1020 = arith.select %eq3A_1013, %broadcast_in_dim3A_1019, %select_n3A_1008 : vector<16xi1>, vector<16xf32>
        %unpack3A_1021 = tpu.unpack_subelements %add3A_936, 0 {pack_format = #tpu.pack_format<interleaved>} : vector<32xbf16> -> vector<16xf32>
        %unpack3A_1022 = tpu.unpack_subelements %add3A_936, 1 {pack_format = #tpu.pack_format<interleaved>} : vector<32xbf16> -> vector<16xf32>
        %eq3A_1023 = arith.constant 15 : i32
        %eq3A_1024 = vector.broadcast %eq3A_1023 : i32 to vector<16xi32>
        %eq3A_1025 = arith.cmpi eq, %iota3A, %eq3A_1024 : vector<16xi32>
        %add3A_1026 = arith.addf %unpack3A_1021, %unpack3A_1022 : vector<16xf32>
        %reduce_sum3A_1027 = arith.constant true
        %reduce_sum3A_1028 = vector.broadcast %reduce_sum3A_1027 : i1 to vector<16xi1>
        %reduce_sum3A_1029 = tpu.scan <sum>, %add3A_1026 masked %reduce_sum3A_1028 : vector<16xf32>, vector<16xi1> -> vector<16xf32>
        %reduce_sum3A_1030 = vector.extract %reduce_sum3A_1029[15] : f32 from vector<16xf32>
        %broadcast_in_dim3A_1031 = vector.broadcast %reduce_sum3A_1030 : f32 to vector<16xf32>
        %select_n3A_1032 = arith.select %eq3A_1025, %broadcast_in_dim3A_1031, %select_n3A_1020 : vector<16xi1>, vector<16xf32>
        %swap3A = arith.index_cast %mul3A_347 : i32 to index
        %swap3A_1033 = tpu.vector_load %arg13[%swap3A] {strides = array<i32>} : memref<128xf32, #tpu.memory_space<vmem>>, vector<16xf32>,
        tpu.vector_store %arg13[%swap3A], %select_n3A_1032 {strides = array<i32>} : memref<128xf32, #tpu.memory_space<vmem>>, vector<16xf32>,
        %scan3A_1034 = arith.constant 0 : i32
        scf.yield %scan3A_1034 : i32
      }
      %scan3A_167 = arith.constant 8 : i32
      %mul3A_168 = arith.constant 196 : i32
      %mul3A_169 = arith.muli %add3A, %mul3A_168 : i32
      %add3A_170 = arith.addi %mul3A_169, %add3A_136 : i32
      %dma_start3A_171 = arith.constant 0 : i32
      %dma_start3A_172 = tpu.memref_slice %arg4[%add3A_170, %dma_start3A_171] : memref<6272x128xf32, #tpu.memory_space<hbm>> -> memref<1x128xf32, #tpu.memory_space<hbm>>
      %dma_start3A_173 = tpu.memref_squeeze %dma_start3A_172 : memref<1x128xf32, #tpu.memory_space<hbm>> -> memref<128xf32, #tpu.memory_space<hbm>>
      %dma_start3A_174 = arith.constant 0 : i32
      %dma_start3A_175 = tpu.memref_slice %arg4[%add3A_170, %dma_start3A_174] : memref<6272x128xf32, #tpu.memory_space<hbm>> -> memref<1x128xf32, #tpu.memory_space<hbm>>
      %dma_start3A_176 = tpu.memref_squeeze %dma_start3A_175 : memref<1x128xf32, #tpu.memory_space<hbm>> -> memref<128xf32, #tpu.memory_space<hbm>>
      tpu.enqueue_dma source(%arg13 : memref<128xf32, #tpu.memory_space<vmem>>) target(%dma_start3A_176 : memref<128xf32, #tpu.memory_space<hbm>>) target_semaphore(%arg24 : memref<!tpu.dma_semaphore, #tpu.memory_space<semaphore_mem>>)
      %add3A_177 = arith.constant 2 : i32
      %add3A_178 = arith.addi %add3A_136, %add3A_177 : i32
      %lt3A_179 = arith.constant 196 : i32
      %lt3A_180 = arith.cmpi slt, %add3A_178, %lt3A_179 : i32
      %convert_element_type3A_181 = arith.extui %lt3A_180 : i1 to i32
      %cond3A_182 = arith.constant 0 : i32
      %cond3A_183 = arith.cmpi ne, %convert_element_type3A_181, %cond3A_182 : i32
      scf.if %cond3A_183 {
        %add3A_344 = arith.constant 2 : i32
        %add3A_345 = arith.addi %add3A_136, %add3A_344 : i32
        %mul3A_346 = arith.constant 196 : i32
        %mul3A_347 = arith.muli %add3A, %mul3A_346 : i32
        %add3A_348 = arith.addi %mul3A_347, %add3A_345 : i32
        %dma_wait3A_349 = arith.constant 0 : i32
        %dma_wait3A_350 = arith.constant 0 : i32
        %dma_wait3A_351 = tpu.memref_slice %arg2[%add3A_348, %dma_wait3A_349, %dma_wait3A_350] : memref<6272x2x128xi32, #tpu.memory_space<hbm>> -> memref<1x2x128xi32, #tpu.memory_space<hbm>>
        %dma_wait3A_352 = tpu.memref_squeeze %dma_wait3A_351 : memref<1x2x128xi32, #tpu.memory_space<hbm>> -> memref<2x128xi32, #tpu.memory_space<hbm>>
        %dma_wait3A_353 = arith.constant 0 : i32
        %dma_wait3A_354 = arith.constant 0 : i32
        %dma_wait3A_355 = tpu.memref_slice %arg2[%add3A_348, %dma_wait3A_353, %dma_wait3A_354] : memref<6272x2x128xi32, #tpu.memory_space<hbm>> -> memref<1x2x128xi32, #tpu.memory_space<hbm>>
        %dma_wait3A_356 = tpu.memref_squeeze %dma_wait3A_355 : memref<1x2x128xi32, #tpu.memory_space<hbm>> -> memref<2x128xi32, #tpu.memory_space<hbm>>
        tpu.wait_dma2 semaphore(%arg18 : memref<!tpu.dma_semaphore, #tpu.memory_space<semaphore_mem>>) src(%dma_wait3A_356 : memref<2x128xi32, #tpu.memory_space<hbm>>) dst(%arg7 : memref<2x128xi32, #tpu.memory_space<vmem>>)
        %add3A_357 = arith.constant 2 : i32
        %add3A_358 = arith.addi %add3A_136, %add3A_357 : i32
        %dma_start3A_359 = arith.constant 0 : i32
        %dma_start3A_360 = arith.constant 0 : i32
        %dma_start3A_361 = tpu.memref_slice %arg7[%dma_start3A_359, %dma_start3A_360] : memref<2x128xi32, #tpu.memory_space<vmem>> -> memref<1x128xi32, #tpu.memory_space<vmem>>
        %dma_start3A_362 = tpu.memref_squeeze %dma_start3A_361 : memref<1x128xi32, #tpu.memory_space<vmem>> -> memref<128xi32, #tpu.memory_space<vmem>>
        %dma_start3A_363 = arith.constant 0 : i32
        %dma_start3A_364 = arith.constant 0 : i32
        %dma_start3A_365 = tpu.memref_slice %arg15[%dma_start3A_363, %dma_start3A_364] : memref<50000x64xbf16, #tpu.memory_space<vmem_shared>> -> memref<50000x64xbf16, #tpu.memory_space<vmem_shared>>
        tpu.enqueue_indirect_dma source(%dma_start3A_365 : memref<50000x64xbf16, #tpu.memory_space<vmem_shared>>) target(%arg9 : memref<128x64xbf16, #tpu.memory_space<vmem>>) offsets(%dma_start3A_362 : memref<128xi32, #tpu.memory_space<vmem>>) semaphore(%arg20 : memref<!tpu.dma_semaphore, #tpu.memory_space<semaphore_mem>>)
        %dma_start3A_366 = arith.constant 1 : i32
        %dma_start3A_367 = arith.constant 0 : i32
        %dma_start3A_368 = tpu.memref_slice %arg7[%dma_start3A_366, %dma_start3A_367] : memref<2x128xi32, #tpu.memory_space<vmem>> -> memref<1x128xi32, #tpu.memory_space<vmem>>
        %dma_start3A_369 = tpu.memref_squeeze %dma_start3A_368 : memref<1x128xi32, #tpu.memory_space<vmem>> -> memref<128xi32, #tpu.memory_space<vmem>>
        %dma_start3A_370 = arith.constant 0 : i32
        %dma_start3A_371 = arith.constant 0 : i32
        %dma_start3A_372 = tpu.memref_slice %arg15[%dma_start3A_370, %dma_start3A_371] : memref<50000x64xbf16, #tpu.memory_space<vmem_shared>> -> memref<50000x64xbf16, #tpu.memory_space<vmem_shared>>
        tpu.enqueue_indirect_dma source(%dma_start3A_372 : memref<50000x64xbf16, #tpu.memory_space<vmem_shared>>) target(%arg10 : memref<128x64xbf16, #tpu.memory_space<vmem>>) offsets(%dma_start3A_369 : memref<128xi32, #tpu.memory_space<vmem>>) semaphore(%arg21 : memref<!tpu.dma_semaphore, #tpu.memory_space<semaphore_mem>>)
      } else {
      }
      %mul3A_184 = arith.constant 4 : i32
      %mul3A_185 = arith.muli %scan3A_131, %mul3A_184 : i32
      %add3A_186 = arith.constant 1 : i32
      %add3A_187 = arith.addi %mul3A_185, %add3A_186 : i32
      %dma_wait3A_188 = arith.constant 0 : i32
      %dma_wait3A_189 = arith.constant 0 : i32
      %dma_wait3A_190 = tpu.memref_slice %arg6[%dma_wait3A_188, %dma_wait3A_189] : memref<2x128xi32, #tpu.memory_space<vmem>> -> memref<1x128xi32, #tpu.memory_space<vmem>>
      %dma_wait3A_191 = tpu.memref_squeeze %dma_wait3A_190 : memref<1x128xi32, #tpu.memory_space<vmem>> -> memref<128xi32, #tpu.memory_space<vmem>>
      %dma_wait3A_192 = arith.constant 0 : i32
      %dma_wait3A_193 = arith.constant 0 : i32
      %dma_wait3A_194 = tpu.memref_slice %arg15[%dma_wait3A_192, %dma_wait3A_193] : memref<50000x64xbf16, #tpu.memory_space<vmem_shared>> -> memref<50000x64xbf16, #tpu.memory_space<vmem_shared>>
      tpu.wait_indirect_dma semaphore(%arg22 : memref<!tpu.dma_semaphore, #tpu.memory_space<semaphore_mem>>) src(%dma_wait3A_194 : memref<50000x64xbf16, #tpu.memory_space<vmem_shared>>) dst(%arg11 : memref<128x64xbf16, #tpu.memory_space<vmem>>)
      %dma_wait3A_195 = arith.constant 1 : i32
      %dma_wait3A_196 = arith.constant 0 : i32
      %dma_wait3A_197 = tpu.memref_slice %arg6[%dma_wait3A_195, %dma_wait3A_196] : memref<2x128xi32, #tpu.memory_space<vmem>> -> memref<1x128xi32, #tpu.memory_space<vmem>>
      %dma_wait3A_198 = tpu.memref_squeeze %dma_wait3A_197 : memref<1x128xi32, #tpu.memory_space<vmem>> -> memref<128xi32, #tpu.memory_space<vmem>>
      %dma_wait3A_199 = arith.constant 0 : i32
      %dma_wait3A_200 = arith.constant 0 : i32
      %dma_wait3A_201 = tpu.memref_slice %arg15[%dma_wait3A_199, %dma_wait3A_200] : memref<50000x64xbf16, #tpu.memory_space<vmem_shared>> -> memref<50000x64xbf16, #tpu.memory_space<vmem_shared>>
      tpu.wait_indirect_dma semaphore(%arg23 : memref<!tpu.dma_semaphore, #tpu.memory_space<semaphore_mem>>) src(%dma_wait3A_201 : memref<50000x64xbf16, #tpu.memory_space<vmem_shared>>) dst(%arg12 : memref<128x64xbf16, #tpu.memory_space<vmem>>)
      %add3A_202 = arith.constant 4 : i32
      %add3A_203 = arith.addi %add3A_187, %add3A_202 : i32
      %lt3A_204 = arith.constant 196 : i32
      %lt3A_205 = arith.cmpi slt, %add3A_203, %lt3A_204 : i32
      %convert_element_type3A_206 = arith.extui %lt3A_205 : i1 to i32
      %cond3A_207 = arith.constant 0 : i32
      %cond3A_208 = arith.cmpi ne, %convert_element_type3A_206, %cond3A_207 : i32
      scf.if %cond3A_208 {
        %add3A_344 = arith.constant 4 : i32
        %add3A_345 = arith.addi %add3A_187, %add3A_344 : i32
        %mul3A_346 = arith.constant 196 : i32
        %mul3A_347 = arith.muli %add3A, %mul3A_346 : i32
        %add3A_348 = arith.addi %mul3A_347, %add3A_345 : i32
        %dma_start3A_349 = arith.constant 0 : i32
        %dma_start3A_350 = arith.constant 0 : i32
        %dma_start3A_351 = tpu.memref_slice %arg2[%add3A_348, %dma_start3A_349, %dma_start3A_350] : memref<6272x2x128xi32, #tpu.memory_space<hbm>> -> memref<1x2x128xi32, #tpu.memory_space<hbm>>
        %dma_start3A_352 = tpu.memref_squeeze %dma_start3A_351 : memref<1x2x128xi32, #tpu.memory_space<hbm>> -> memref<2x128xi32, #tpu.memory_space<hbm>>
        %dma_start3A_353 = arith.constant 0 : i32
        %dma_start3A_354 = arith.constant 0 : i32
        %dma_start3A_355 = tpu.memref_slice %arg2[%add3A_348, %dma_start3A_353, %dma_start3A_354] : memref<6272x2x128xi32, #tpu.memory_space<hbm>> -> memref<1x2x128xi32, #tpu.memory_space<hbm>>
        %dma_start3A_356 = tpu.memref_squeeze %dma_start3A_355 : memref<1x2x128xi32, #tpu.memory_space<hbm>> -> memref<2x128xi32, #tpu.memory_space<hbm>>
        tpu.enqueue_dma source(%dma_start3A_356 : memref<2x128xi32, #tpu.memory_space<hbm>>) target(%arg6 : memref<2x128xi32, #tpu.memory_space<vmem>>) target_semaphore(%arg17 : memref<!tpu.dma_semaphore, #tpu.memory_space<semaphore_mem>>)
      } else {
      }
      %ge3A_209 = arith.constant 2 : i32
      %ge3A_210 = arith.cmpi sge, %add3A_187, %ge3A_209 : i32
      %convert_element_type3A_211 = arith.extui %ge3A_210 : i1 to i32
      %cond3A_212 = arith.constant 0 : i32
      %cond3A_213 = arith.cmpi ne, %convert_element_type3A_211, %cond3A_212 : i32
      scf.if %cond3A_213 {
        %sub3A = arith.constant 2 : i32
        %sub3A_344 = arith.subi %add3A_187, %sub3A : i32
        %mul3A_345 = arith.constant 196 : i32
        %mul3A_346 = arith.muli %add3A, %mul3A_345 : i32
        %add3A_347 = arith.addi %mul3A_346, %sub3A_344 : i32
        %dma_wait3A_348 = arith.constant 0 : i32
        %dma_wait3A_349 = tpu.memref_slice %arg4[%add3A_347, %dma_wait3A_348] : memref<6272x128xf32, #tpu.memory_space<hbm>> -> memref<1x128xf32, #tpu.memory_space<hbm>>
        %dma_wait3A_350 = tpu.memref_squeeze %dma_wait3A_349 : memref<1x128xf32, #tpu.memory_space<hbm>> -> memref<128xf32, #tpu.memory_space<hbm>>
        %dma_wait3A_351 = arith.constant 0 : i32
        %dma_wait3A_352 = tpu.memref_slice %arg4[%add3A_347, %dma_wait3A_351] : memref<6272x128xf32, #tpu.memory_space<hbm>> -> memref<1x128xf32, #tpu.memory_space<hbm>>
        %dma_wait3A_353 = tpu.memref_squeeze %dma_wait3A_352 : memref<1x128xf32, #tpu.memory_space<hbm>> -> memref<128xf32, #tpu.memory_space<hbm>>
        tpu.wait_dma2 semaphore(%arg25 : memref<!tpu.dma_semaphore, #tpu.memory_space<semaphore_mem>>) src(%arg14 : memref<128xf32, #tpu.memory_space<vmem>>) dst(%dma_wait3A_353 : memref<128xf32, #tpu.memory_space<hbm>>)
      } else {
      }
      %scan3A_214 = arith.constant 0 : i32
      %scan3A_215 = arith.constant 0 : i32
      %scan3A_216 = arith.constant 8 : i32
      %scan3A_217 = arith.addi %scan3A_215, %scan3A_216 : i32
      %scan3A_218 = arith.constant 1 : i32
      %scan3A_219 = scf.for %scan3A_344 = %scan3A_215 to %scan3A_217 step %scan3A_218 iter_args(%scan3A_345 = %scan3A_214) -> (i32)  : i32 {
        %mul3A_346 = arith.constant 16 : i32
        %mul3A_347 = arith.muli %scan3A_344, %mul3A_346 : i32
        %broadcast_in_dim3A = arith.constant 0.000000e+00 : f32
        %broadcast_in_dim3A_348 = vector.broadcast %broadcast_in_dim3A : f32 to vector<16xf32>
        %add3A_349 = arith.constant 0 : i32
        %add3A_350 = arith.addi %mul3A_347, %add3A_349 : i32
        %add3A_351 = arith.constant 0 : i32
        %add3A_352 = arith.addi %add3A_350, %add3A_351 : i32
        %add3A_353 = arith.constant 0 : i32
        %add3A_354 = arith.addi %mul3A_347, %add3A_353 : i32
        %add3A_355 = arith.constant 0 : i32
        %add3A_356 = arith.addi %add3A_354, %add3A_355 : i32
        %get3A = arith.constant 0 : i32
        %get3A_357 = tpu.memref_slice %arg11[%add3A_352, %get3A] : memref<128x64xbf16, #tpu.memory_space<vmem>> -> memref<1x64xbf16, #tpu.memory_space<vmem>>
        %get3A_358 = tpu.memref_squeeze %get3A_357 : memref<1x64xbf16, #tpu.memory_space<vmem>> -> memref<64xbf16, #tpu.memory_space<vmem>>
        %get3A_359 = arith.constant 0 : index
        %get3A_360 = tpu.vector_load %get3A_358[%get3A_359] {strides = array<i32>} : memref<64xbf16, #tpu.memory_space<vmem>>, vector<32xbf16>,
        %get3A_361 = arith.constant 0 : i32
        %get3A_362 = tpu.memref_slice %arg11[%add3A_352, %get3A_361] : memref<128x64xbf16, #tpu.memory_space<vmem>> -> memref<1x64xbf16, #tpu.memory_space<vmem>>
        %get3A_363 = tpu.memref_squeeze %get3A_362 : memref<1x64xbf16, #tpu.memory_space<vmem>> -> memref<64xbf16, #tpu.memory_space<vmem>>
        %get3A_364 = arith.constant 32 : index
        %get3A_365 = tpu.vector_load %get3A_363[%get3A_364] {strides = array<i32>} : memref<64xbf16, #tpu.memory_space<vmem>>, vector<32xbf16>,
        %get3A_366 = arith.constant 0 : i32
        %get3A_367 = tpu.memref_slice %arg12[%add3A_356, %get3A_366] : memref<128x64xbf16, #tpu.memory_space<vmem>> -> memref<1x64xbf16, #tpu.memory_space<vmem>>
        %get3A_368 = tpu.memref_squeeze %get3A_367 : memref<1x64xbf16, #tpu.memory_space<vmem>> -> memref<64xbf16, #tpu.memory_space<vmem>>
        %get3A_369 = arith.constant 0 : index
        %get3A_370 = tpu.vector_load %get3A_368[%get3A_369] {strides = array<i32>} : memref<64xbf16, #tpu.memory_space<vmem>>, vector<32xbf16>,
        %get3A_371 = arith.constant 0 : i32
        %get3A_372 = tpu.memref_slice %arg12[%add3A_356, %get3A_371] : memref<128x64xbf16, #tpu.memory_space<vmem>> -> memref<1x64xbf16, #tpu.memory_space<vmem>>
        %get3A_373 = tpu.memref_squeeze %get3A_372 : memref<1x64xbf16, #tpu.memory_space<vmem>> -> memref<64xbf16, #tpu.memory_space<vmem>>
        %get3A_374 = arith.constant 32 : index
        %get3A_375 = tpu.vector_load %get3A_373[%get3A_374] {strides = array<i32>} : memref<64xbf16, #tpu.memory_space<vmem>>, vector<32xbf16>,
        %add3A_376 = arith.constant 0 : i32
        %add3A_377 = arith.addi %mul3A_347, %add3A_376 : i32
        %add3A_378 = arith.constant 1 : i32
        %add3A_379 = arith.addi %add3A_377, %add3A_378 : i32
        %add3A_380 = arith.constant 0 : i32
        %add3A_381 = arith.addi %mul3A_347, %add3A_380 : i32
        %add3A_382 = arith.constant 1 : i32
        %add3A_383 = arith.addi %add3A_381, %add3A_382 : i32
        %get3A_384 = arith.constant 0 : i32
        %get3A_385 = tpu.memref_slice %arg11[%add3A_379, %get3A_384] : memref<128x64xbf16, #tpu.memory_space<vmem>> -> memref<1x64xbf16, #tpu.memory_space<vmem>>
        %get3A_386 = tpu.memref_squeeze %get3A_385 : memref<1x64xbf16, #tpu.memory_space<vmem>> -> memref<64xbf16, #tpu.memory_space<vmem>>
        %get3A_387 = arith.constant 0 : index
        %get3A_388 = tpu.vector_load %get3A_386[%get3A_387] {strides = array<i32>} : memref<64xbf16, #tpu.memory_space<vmem>>, vector<32xbf16>,
        %get3A_389 = arith.constant 0 : i32
        %get3A_390 = tpu.memref_slice %arg11[%add3A_379, %get3A_389] : memref<128x64xbf16, #tpu.memory_space<vmem>> -> memref<1x64xbf16, #tpu.memory_space<vmem>>
        %get3A_391 = tpu.memref_squeeze %get3A_390 : memref<1x64xbf16, #tpu.memory_space<vmem>> -> memref<64xbf16, #tpu.memory_space<vmem>>
        %get3A_392 = arith.constant 32 : index
        %get3A_393 = tpu.vector_load %get3A_391[%get3A_392] {strides = array<i32>} : memref<64xbf16, #tpu.memory_space<vmem>>, vector<32xbf16>,
        %get3A_394 = arith.constant 0 : i32
        %get3A_395 = tpu.memref_slice %arg12[%add3A_383, %get3A_394] : memref<128x64xbf16, #tpu.memory_space<vmem>> -> memref<1x64xbf16, #tpu.memory_space<vmem>>
        %get3A_396 = tpu.memref_squeeze %get3A_395 : memref<1x64xbf16, #tpu.memory_space<vmem>> -> memref<64xbf16, #tpu.memory_space<vmem>>
        %get3A_397 = arith.constant 0 : index
        %get3A_398 = tpu.vector_load %get3A_396[%get3A_397] {strides = array<i32>} : memref<64xbf16, #tpu.memory_space<vmem>>, vector<32xbf16>,
        %get3A_399 = arith.constant 0 : i32
        %get3A_400 = tpu.memref_slice %arg12[%add3A_383, %get3A_399] : memref<128x64xbf16, #tpu.memory_space<vmem>> -> memref<1x64xbf16, #tpu.memory_space<vmem>>
        %get3A_401 = tpu.memref_squeeze %get3A_400 : memref<1x64xbf16, #tpu.memory_space<vmem>> -> memref<64xbf16, #tpu.memory_space<vmem>>
        %get3A_402 = arith.constant 32 : index
        %get3A_403 = tpu.vector_load %get3A_401[%get3A_402] {strides = array<i32>} : memref<64xbf16, #tpu.memory_space<vmem>>, vector<32xbf16>,
        %add3A_404 = arith.constant 0 : i32
        %add3A_405 = arith.addi %mul3A_347, %add3A_404 : i32
        %add3A_406 = arith.constant 2 : i32
        %add3A_407 = arith.addi %add3A_405, %add3A_406 : i32
        %add3A_408 = arith.constant 0 : i32
        %add3A_409 = arith.addi %mul3A_347, %add3A_408 : i32
        %add3A_410 = arith.constant 2 : i32
        %add3A_411 = arith.addi %add3A_409, %add3A_410 : i32
        %get3A_412 = arith.constant 0 : i32
        %get3A_413 = tpu.memref_slice %arg11[%add3A_407, %get3A_412] : memref<128x64xbf16, #tpu.memory_space<vmem>> -> memref<1x64xbf16, #tpu.memory_space<vmem>>
        %get3A_414 = tpu.memref_squeeze %get3A_413 : memref<1x64xbf16, #tpu.memory_space<vmem>> -> memref<64xbf16, #tpu.memory_space<vmem>>
        %get3A_415 = arith.constant 0 : index
        %get3A_416 = tpu.vector_load %get3A_414[%get3A_415] {strides = array<i32>} : memref<64xbf16, #tpu.memory_space<vmem>>, vector<32xbf16>,
        %get3A_417 = arith.constant 0 : i32
        %get3A_418 = tpu.memref_slice %arg11[%add3A_407, %get3A_417] : memref<128x64xbf16, #tpu.memory_space<vmem>> -> memref<1x64xbf16, #tpu.memory_space<vmem>>
        %get3A_419 = tpu.memref_squeeze %get3A_418 : memref<1x64xbf16, #tpu.memory_space<vmem>> -> memref<64xbf16, #tpu.memory_space<vmem>>
        %get3A_420 = arith.constant 32 : index
        %get3A_421 = tpu.vector_load %get3A_419[%get3A_420] {strides = array<i32>} : memref<64xbf16, #tpu.memory_space<vmem>>, vector<32xbf16>,
        %get3A_422 = arith.constant 0 : i32
        %get3A_423 = tpu.memref_slice %arg12[%add3A_411, %get3A_422] : memref<128x64xbf16, #tpu.memory_space<vmem>> -> memref<1x64xbf16, #tpu.memory_space<vmem>>
        %get3A_424 = tpu.memref_squeeze %get3A_423 : memref<1x64xbf16, #tpu.memory_space<vmem>> -> memref<64xbf16, #tpu.memory_space<vmem>>
        %get3A_425 = arith.constant 0 : index
        %get3A_426 = tpu.vector_load %get3A_424[%get3A_425] {strides = array<i32>} : memref<64xbf16, #tpu.memory_space<vmem>>, vector<32xbf16>,
        %get3A_427 = arith.constant 0 : i32
        %get3A_428 = tpu.memref_slice %arg12[%add3A_411, %get3A_427] : memref<128x64xbf16, #tpu.memory_space<vmem>> -> memref<1x64xbf16, #tpu.memory_space<vmem>>
        %get3A_429 = tpu.memref_squeeze %get3A_428 : memref<1x64xbf16, #tpu.memory_space<vmem>> -> memref<64xbf16, #tpu.memory_space<vmem>>
        %get3A_430 = arith.constant 32 : index
        %get3A_431 = tpu.vector_load %get3A_429[%get3A_430] {strides = array<i32>} : memref<64xbf16, #tpu.memory_space<vmem>>, vector<32xbf16>,
        %add3A_432 = arith.constant 0 : i32
        %add3A_433 = arith.addi %mul3A_347, %add3A_432 : i32
        %add3A_434 = arith.constant 3 : i32
        %add3A_435 = arith.addi %add3A_433, %add3A_434 : i32
        %add3A_436 = arith.constant 0 : i32
        %add3A_437 = arith.addi %mul3A_347, %add3A_436 : i32
        %add3A_438 = arith.constant 3 : i32
        %add3A_439 = arith.addi %add3A_437, %add3A_438 : i32
        %get3A_440 = arith.constant 0 : i32
        %get3A_441 = tpu.memref_slice %arg11[%add3A_435, %get3A_440] : memref<128x64xbf16, #tpu.memory_space<vmem>> -> memref<1x64xbf16, #tpu.memory_space<vmem>>
        %get3A_442 = tpu.memref_squeeze %get3A_441 : memref<1x64xbf16, #tpu.memory_space<vmem>> -> memref<64xbf16, #tpu.memory_space<vmem>>
        %get3A_443 = arith.constant 0 : index
        %get3A_444 = tpu.vector_load %get3A_442[%get3A_443] {strides = array<i32>} : memref<64xbf16, #tpu.memory_space<vmem>>, vector<32xbf16>,
        %get3A_445 = arith.constant 0 : i32
        %get3A_446 = tpu.memref_slice %arg11[%add3A_435, %get3A_445] : memref<128x64xbf16, #tpu.memory_space<vmem>> -> memref<1x64xbf16, #tpu.memory_space<vmem>>
        %get3A_447 = tpu.memref_squeeze %get3A_446 : memref<1x64xbf16, #tpu.memory_space<vmem>> -> memref<64xbf16, #tpu.memory_space<vmem>>
        %get3A_448 = arith.constant 32 : index
        %get3A_449 = tpu.vector_load %get3A_447[%get3A_448] {strides = array<i32>} : memref<64xbf16, #tpu.memory_space<vmem>>, vector<32xbf16>,
        %get3A_450 = arith.constant 0 : i32
        %get3A_451 = tpu.memref_slice %arg12[%add3A_439, %get3A_450] : memref<128x64xbf16, #tpu.memory_space<vmem>> -> memref<1x64xbf16, #tpu.memory_space<vmem>>
        %get3A_452 = tpu.memref_squeeze %get3A_451 : memref<1x64xbf16, #tpu.memory_space<vmem>> -> memref<64xbf16, #tpu.memory_space<vmem>>
        %get3A_453 = arith.constant 0 : index
        %get3A_454 = tpu.vector_load %get3A_452[%get3A_453] {strides = array<i32>} : memref<64xbf16, #tpu.memory_space<vmem>>, vector<32xbf16>,
        %get3A_455 = arith.constant 0 : i32
        %get3A_456 = tpu.memref_slice %arg12[%add3A_439, %get3A_455] : memref<128x64xbf16, #tpu.memory_space<vmem>> -> memref<1x64xbf16, #tpu.memory_space<vmem>>
        %get3A_457 = tpu.memref_squeeze %get3A_456 : memref<1x64xbf16, #tpu.memory_space<vmem>> -> memref<64xbf16, #tpu.memory_space<vmem>>
        %get3A_458 = arith.constant 32 : index
        %get3A_459 = tpu.vector_load %get3A_457[%get3A_458] {strides = array<i32>} : memref<64xbf16, #tpu.memory_space<vmem>>, vector<32xbf16>,
        %add3A_460 = arith.constant 0 : i32
        %add3A_461 = arith.addi %mul3A_347, %add3A_460 : i32
        %add3A_462 = arith.constant 4 : i32
        %add3A_463 = arith.addi %add3A_461, %add3A_462 : i32
        %add3A_464 = arith.constant 0 : i32
        %add3A_465 = arith.addi %mul3A_347, %add3A_464 : i32
        %add3A_466 = arith.constant 4 : i32
        %add3A_467 = arith.addi %add3A_465, %add3A_466 : i32
        %get3A_468 = arith.constant 0 : i32
        %get3A_469 = tpu.memref_slice %arg11[%add3A_463, %get3A_468] : memref<128x64xbf16, #tpu.memory_space<vmem>> -> memref<1x64xbf16, #tpu.memory_space<vmem>>
        %get3A_470 = tpu.memref_squeeze %get3A_469 : memref<1x64xbf16, #tpu.memory_space<vmem>> -> memref<64xbf16, #tpu.memory_space<vmem>>
        %get3A_471 = arith.constant 0 : index
        %get3A_472 = tpu.vector_load %get3A_470[%get3A_471] {strides = array<i32>} : memref<64xbf16, #tpu.memory_space<vmem>>, vector<32xbf16>,
        %get3A_473 = arith.constant 0 : i32
        %get3A_474 = tpu.memref_slice %arg11[%add3A_463, %get3A_473] : memref<128x64xbf16, #tpu.memory_space<vmem>> -> memref<1x64xbf16, #tpu.memory_space<vmem>>
        %get3A_475 = tpu.memref_squeeze %get3A_474 : memref<1x64xbf16, #tpu.memory_space<vmem>> -> memref<64xbf16, #tpu.memory_space<vmem>>
        %get3A_476 = arith.constant 32 : index
        %get3A_477 = tpu.vector_load %get3A_475[%get3A_476] {strides = array<i32>} : memref<64xbf16, #tpu.memory_space<vmem>>, vector<32xbf16>,
        %get3A_478 = arith.constant 0 : i32
        %get3A_479 = tpu.memref_slice %arg12[%add3A_467, %get3A_478] : memref<128x64xbf16, #tpu.memory_space<vmem>> -> memref<1x64xbf16, #tpu.memory_space<vmem>>
        %get3A_480 = tpu.memref_squeeze %get3A_479 : memref<1x64xbf16, #tpu.memory_space<vmem>> -> memref<64xbf16, #tpu.memory_space<vmem>>
        %get3A_481 = arith.constant 0 : index
        %get3A_482 = tpu.vector_load %get3A_480[%get3A_481] {strides = array<i32>} : memref<64xbf16, #tpu.memory_space<vmem>>, vector<32xbf16>,
        %get3A_483 = arith.constant 0 : i32
        %get3A_484 = tpu.memref_slice %arg12[%add3A_467, %get3A_483] : memref<128x64xbf16, #tpu.memory_space<vmem>> -> memref<1x64xbf16, #tpu.memory_space<vmem>>
        %get3A_485 = tpu.memref_squeeze %get3A_484 : memref<1x64xbf16, #tpu.memory_space<vmem>> -> memref<64xbf16, #tpu.memory_space<vmem>>
        %get3A_486 = arith.constant 32 : index
        %get3A_487 = tpu.vector_load %get3A_485[%get3A_486] {strides = array<i32>} : memref<64xbf16, #tpu.memory_space<vmem>>, vector<32xbf16>,
        %add3A_488 = arith.constant 0 : i32
        %add3A_489 = arith.addi %mul3A_347, %add3A_488 : i32
        %add3A_490 = arith.constant 5 : i32
        %add3A_491 = arith.addi %add3A_489, %add3A_490 : i32
        %add3A_492 = arith.constant 0 : i32
        %add3A_493 = arith.addi %mul3A_347, %add3A_492 : i32
        %add3A_494 = arith.constant 5 : i32
        %add3A_495 = arith.addi %add3A_493, %add3A_494 : i32
        %get3A_496 = arith.constant 0 : i32
        %get3A_497 = tpu.memref_slice %arg11[%add3A_491, %get3A_496] : memref<128x64xbf16, #tpu.memory_space<vmem>> -> memref<1x64xbf16, #tpu.memory_space<vmem>>
        %get3A_498 = tpu.memref_squeeze %get3A_497 : memref<1x64xbf16, #tpu.memory_space<vmem>> -> memref<64xbf16, #tpu.memory_space<vmem>>
        %get3A_499 = arith.constant 0 : index
        %get3A_500 = tpu.vector_load %get3A_498[%get3A_499] {strides = array<i32>} : memref<64xbf16, #tpu.memory_space<vmem>>, vector<32xbf16>,
        %get3A_501 = arith.constant 0 : i32
        %get3A_502 = tpu.memref_slice %arg11[%add3A_491, %get3A_501] : memref<128x64xbf16, #tpu.memory_space<vmem>> -> memref<1x64xbf16, #tpu.memory_space<vmem>>
        %get3A_503 = tpu.memref_squeeze %get3A_502 : memref<1x64xbf16, #tpu.memory_space<vmem>> -> memref<64xbf16, #tpu.memory_space<vmem>>
        %get3A_504 = arith.constant 32 : index
        %get3A_505 = tpu.vector_load %get3A_503[%get3A_504] {strides = array<i32>} : memref<64xbf16, #tpu.memory_space<vmem>>, vector<32xbf16>,
        %get3A_506 = arith.constant 0 : i32
        %get3A_507 = tpu.memref_slice %arg12[%add3A_495, %get3A_506] : memref<128x64xbf16, #tpu.memory_space<vmem>> -> memref<1x64xbf16, #tpu.memory_space<vmem>>
        %get3A_508 = tpu.memref_squeeze %get3A_507 : memref<1x64xbf16, #tpu.memory_space<vmem>> -> memref<64xbf16, #tpu.memory_space<vmem>>
        %get3A_509 = arith.constant 0 : index
        %get3A_510 = tpu.vector_load %get3A_508[%get3A_509] {strides = array<i32>} : memref<64xbf16, #tpu.memory_space<vmem>>, vector<32xbf16>,
        %get3A_511 = arith.constant 0 : i32
        %get3A_512 = tpu.memref_slice %arg12[%add3A_495, %get3A_511] : memref<128x64xbf16, #tpu.memory_space<vmem>> -> memref<1x64xbf16, #tpu.memory_space<vmem>>
        %get3A_513 = tpu.memref_squeeze %get3A_512 : memref<1x64xbf16, #tpu.memory_space<vmem>> -> memref<64xbf16, #tpu.memory_space<vmem>>
        %get3A_514 = arith.constant 32 : index
        %get3A_515 = tpu.vector_load %get3A_513[%get3A_514] {strides = array<i32>} : memref<64xbf16, #tpu.memory_space<vmem>>, vector<32xbf16>,
        %add3A_516 = arith.constant 0 : i32
        %add3A_517 = arith.addi %mul3A_347, %add3A_516 : i32
        %add3A_518 = arith.constant 6 : i32
        %add3A_519 = arith.addi %add3A_517, %add3A_518 : i32
        %add3A_520 = arith.constant 0 : i32
        %add3A_521 = arith.addi %mul3A_347, %add3A_520 : i32
        %add3A_522 = arith.constant 6 : i32
        %add3A_523 = arith.addi %add3A_521, %add3A_522 : i32
        %get3A_524 = arith.constant 0 : i32
        %get3A_525 = tpu.memref_slice %arg11[%add3A_519, %get3A_524] : memref<128x64xbf16, #tpu.memory_space<vmem>> -> memref<1x64xbf16, #tpu.memory_space<vmem>>
        %get3A_526 = tpu.memref_squeeze %get3A_525 : memref<1x64xbf16, #tpu.memory_space<vmem>> -> memref<64xbf16, #tpu.memory_space<vmem>>
        %get3A_527 = arith.constant 0 : index
        %get3A_528 = tpu.vector_load %get3A_526[%get3A_527] {strides = array<i32>} : memref<64xbf16, #tpu.memory_space<vmem>>, vector<32xbf16>,
        %get3A_529 = arith.constant 0 : i32
        %get3A_530 = tpu.memref_slice %arg11[%add3A_519, %get3A_529] : memref<128x64xbf16, #tpu.memory_space<vmem>> -> memref<1x64xbf16, #tpu.memory_space<vmem>>
        %get3A_531 = tpu.memref_squeeze %get3A_530 : memref<1x64xbf16, #tpu.memory_space<vmem>> -> memref<64xbf16, #tpu.memory_space<vmem>>
        %get3A_532 = arith.constant 32 : index
        %get3A_533 = tpu.vector_load %get3A_531[%get3A_532] {strides = array<i32>} : memref<64xbf16, #tpu.memory_space<vmem>>, vector<32xbf16>,
        %get3A_534 = arith.constant 0 : i32
        %get3A_535 = tpu.memref_slice %arg12[%add3A_523, %get3A_534] : memref<128x64xbf16, #tpu.memory_space<vmem>> -> memref<1x64xbf16, #tpu.memory_space<vmem>>
        %get3A_536 = tpu.memref_squeeze %get3A_535 : memref<1x64xbf16, #tpu.memory_space<vmem>> -> memref<64xbf16, #tpu.memory_space<vmem>>
        %get3A_537 = arith.constant 0 : index
        %get3A_538 = tpu.vector_load %get3A_536[%get3A_537] {strides = array<i32>} : memref<64xbf16, #tpu.memory_space<vmem>>, vector<32xbf16>,
        %get3A_539 = arith.constant 0 : i32
        %get3A_540 = tpu.memref_slice %arg12[%add3A_523, %get3A_539] : memref<128x64xbf16, #tpu.memory_space<vmem>> -> memref<1x64xbf16, #tpu.memory_space<vmem>>
        %get3A_541 = tpu.memref_squeeze %get3A_540 : memref<1x64xbf16, #tpu.memory_space<vmem>> -> memref<64xbf16, #tpu.memory_space<vmem>>
        %get3A_542 = arith.constant 32 : index
        %get3A_543 = tpu.vector_load %get3A_541[%get3A_542] {strides = array<i32>} : memref<64xbf16, #tpu.memory_space<vmem>>, vector<32xbf16>,
        %add3A_544 = arith.constant 0 : i32
        %add3A_545 = arith.addi %mul3A_347, %add3A_544 : i32
        %add3A_546 = arith.constant 7 : i32
        %add3A_547 = arith.addi %add3A_545, %add3A_546 : i32
        %add3A_548 = arith.constant 0 : i32
        %add3A_549 = arith.addi %mul3A_347, %add3A_548 : i32
        %add3A_550 = arith.constant 7 : i32
        %add3A_551 = arith.addi %add3A_549, %add3A_550 : i32
        %get3A_552 = arith.constant 0 : i32
        %get3A_553 = tpu.memref_slice %arg11[%add3A_547, %get3A_552] : memref<128x64xbf16, #tpu.memory_space<vmem>> -> memref<1x64xbf16, #tpu.memory_space<vmem>>
        %get3A_554 = tpu.memref_squeeze %get3A_553 : memref<1x64xbf16, #tpu.memory_space<vmem>> -> memref<64xbf16, #tpu.memory_space<vmem>>
        %get3A_555 = arith.constant 0 : index
        %get3A_556 = tpu.vector_load %get3A_554[%get3A_555] {strides = array<i32>} : memref<64xbf16, #tpu.memory_space<vmem>>, vector<32xbf16>,
        %get3A_557 = arith.constant 0 : i32
        %get3A_558 = tpu.memref_slice %arg11[%add3A_547, %get3A_557] : memref<128x64xbf16, #tpu.memory_space<vmem>> -> memref<1x64xbf16, #tpu.memory_space<vmem>>
        %get3A_559 = tpu.memref_squeeze %get3A_558 : memref<1x64xbf16, #tpu.memory_space<vmem>> -> memref<64xbf16, #tpu.memory_space<vmem>>
        %get3A_560 = arith.constant 32 : index
        %get3A_561 = tpu.vector_load %get3A_559[%get3A_560] {strides = array<i32>} : memref<64xbf16, #tpu.memory_space<vmem>>, vector<32xbf16>,
        %get3A_562 = arith.constant 0 : i32
        %get3A_563 = tpu.memref_slice %arg12[%add3A_551, %get3A_562] : memref<128x64xbf16, #tpu.memory_space<vmem>> -> memref<1x64xbf16, #tpu.memory_space<vmem>>
        %get3A_564 = tpu.memref_squeeze %get3A_563 : memref<1x64xbf16, #tpu.memory_space<vmem>> -> memref<64xbf16, #tpu.memory_space<vmem>>
        %get3A_565 = arith.constant 0 : index
        %get3A_566 = tpu.vector_load %get3A_564[%get3A_565] {strides = array<i32>} : memref<64xbf16, #tpu.memory_space<vmem>>, vector<32xbf16>,
        %get3A_567 = arith.constant 0 : i32
        %get3A_568 = tpu.memref_slice %arg12[%add3A_551, %get3A_567] : memref<128x64xbf16, #tpu.memory_space<vmem>> -> memref<1x64xbf16, #tpu.memory_space<vmem>>
        %get3A_569 = tpu.memref_squeeze %get3A_568 : memref<1x64xbf16, #tpu.memory_space<vmem>> -> memref<64xbf16, #tpu.memory_space<vmem>>
        %get3A_570 = arith.constant 32 : index
        %get3A_571 = tpu.vector_load %get3A_569[%get3A_570] {strides = array<i32>} : memref<64xbf16, #tpu.memory_space<vmem>>, vector<32xbf16>,
        %mul3A_572 = arith.mulf %get3A_360, %get3A_370 : vector<32xbf16>
        %mul3A_573 = arith.mulf %get3A_365, %get3A_375 : vector<32xbf16>
        %add3A_574 = arith.addf %mul3A_572, %mul3A_573 : vector<32xbf16>
        %mul3A_575 = arith.mulf %get3A_388, %get3A_398 : vector<32xbf16>
        %mul3A_576 = arith.mulf %get3A_393, %get3A_403 : vector<32xbf16>
        %add3A_577 = arith.addf %mul3A_575, %mul3A_576 : vector<32xbf16>
        %mul3A_578 = arith.mulf %get3A_416, %get3A_426 : vector<32xbf16>
        %mul3A_579 = arith.mulf %get3A_421, %get3A_431 : vector<32xbf16>
        %add3A_580 = arith.addf %mul3A_578, %mul3A_579 : vector<32xbf16>
        %mul3A_581 = arith.mulf %get3A_444, %get3A_454 : vector<32xbf16>
        %mul3A_582 = arith.mulf %get3A_449, %get3A_459 : vector<32xbf16>
        %add3A_583 = arith.addf %mul3A_581, %mul3A_582 : vector<32xbf16>
        %mul3A_584 = arith.mulf %get3A_472, %get3A_482 : vector<32xbf16>
        %mul3A_585 = arith.mulf %get3A_477, %get3A_487 : vector<32xbf16>
        %add3A_586 = arith.addf %mul3A_584, %mul3A_585 : vector<32xbf16>
        %mul3A_587 = arith.mulf %get3A_500, %get3A_510 : vector<32xbf16>
        %mul3A_588 = arith.mulf %get3A_505, %get3A_515 : vector<32xbf16>
        %add3A_589 = arith.addf %mul3A_587, %mul3A_588 : vector<32xbf16>
        %mul3A_590 = arith.mulf %get3A_528, %get3A_538 : vector<32xbf16>
        %mul3A_591 = arith.mulf %get3A_533, %get3A_543 : vector<32xbf16>
        %add3A_592 = arith.addf %mul3A_590, %mul3A_591 : vector<32xbf16>
        %mul3A_593 = arith.mulf %get3A_556, %get3A_566 : vector<32xbf16>
        %mul3A_594 = arith.mulf %get3A_561, %get3A_571 : vector<32xbf16>
        %add3A_595 = arith.addf %mul3A_593, %mul3A_594 : vector<32xbf16>
        %unpack3A = tpu.unpack_subelements %add3A_574, 0 {pack_format = #tpu.pack_format<interleaved>} : vector<32xbf16> -> vector<16xf32>
        %unpack3A_596 = tpu.unpack_subelements %add3A_574, 1 {pack_format = #tpu.pack_format<interleaved>} : vector<32xbf16> -> vector<16xf32>
        %eq3A_597 = arith.constant 0 : i32
        %eq3A_598 = vector.broadcast %eq3A_597 : i32 to vector<16xi32>
        %eq3A_599 = arith.cmpi eq, %iota3A, %eq3A_598 : vector<16xi32>
        %add3A_600 = arith.addf %unpack3A, %unpack3A_596 : vector<16xf32>
        %reduce_sum3A = arith.constant true
        %reduce_sum3A_601 = vector.broadcast %reduce_sum3A : i1 to vector<16xi1>
        %reduce_sum3A_602 = tpu.scan <sum>, %add3A_600 masked %reduce_sum3A_601 : vector<16xf32>, vector<16xi1> -> vector<16xf32>
        %reduce_sum3A_603 = vector.extract %reduce_sum3A_602[15] : f32 from vector<16xf32>
        %broadcast_in_dim3A_604 = vector.broadcast %reduce_sum3A_603 : f32 to vector<16xf32>
        %select_n3A = arith.select %eq3A_599, %broadcast_in_dim3A_604, %broadcast_in_dim3A_348 : vector<16xi1>, vector<16xf32>
        %unpack3A_605 = tpu.unpack_subelements %add3A_577, 0 {pack_format = #tpu.pack_format<interleaved>} : vector<32xbf16> -> vector<16xf32>
        %unpack3A_606 = tpu.unpack_subelements %add3A_577, 1 {pack_format = #tpu.pack_format<interleaved>} : vector<32xbf16> -> vector<16xf32>
        %eq3A_607 = arith.constant 1 : i32
        %eq3A_608 = vector.broadcast %eq3A_607 : i32 to vector<16xi32>
        %eq3A_609 = arith.cmpi eq, %iota3A, %eq3A_608 : vector<16xi32>
        %add3A_610 = arith.addf %unpack3A_605, %unpack3A_606 : vector<16xf32>
        %reduce_sum3A_611 = arith.constant true
        %reduce_sum3A_612 = vector.broadcast %reduce_sum3A_611 : i1 to vector<16xi1>
        %reduce_sum3A_613 = tpu.scan <sum>, %add3A_610 masked %reduce_sum3A_612 : vector<16xf32>, vector<16xi1> -> vector<16xf32>
        %reduce_sum3A_614 = vector.extract %reduce_sum3A_613[15] : f32 from vector<16xf32>
        %broadcast_in_dim3A_615 = vector.broadcast %reduce_sum3A_614 : f32 to vector<16xf32>
        %select_n3A_616 = arith.select %eq3A_609, %broadcast_in_dim3A_615, %select_n3A : vector<16xi1>, vector<16xf32>
        %unpack3A_617 = tpu.unpack_subelements %add3A_580, 0 {pack_format = #tpu.pack_format<interleaved>} : vector<32xbf16> -> vector<16xf32>
        %unpack3A_618 = tpu.unpack_subelements %add3A_580, 1 {pack_format = #tpu.pack_format<interleaved>} : vector<32xbf16> -> vector<16xf32>
        %eq3A_619 = arith.constant 2 : i32
        %eq3A_620 = vector.broadcast %eq3A_619 : i32 to vector<16xi32>
        %eq3A_621 = arith.cmpi eq, %iota3A, %eq3A_620 : vector<16xi32>
        %add3A_622 = arith.addf %unpack3A_617, %unpack3A_618 : vector<16xf32>
        %reduce_sum3A_623 = arith.constant true
        %reduce_sum3A_624 = vector.broadcast %reduce_sum3A_623 : i1 to vector<16xi1>
        %reduce_sum3A_625 = tpu.scan <sum>, %add3A_622 masked %reduce_sum3A_624 : vector<16xf32>, vector<16xi1> -> vector<16xf32>
        %reduce_sum3A_626 = vector.extract %reduce_sum3A_625[15] : f32 from vector<16xf32>
        %broadcast_in_dim3A_627 = vector.broadcast %reduce_sum3A_626 : f32 to vector<16xf32>
        %select_n3A_628 = arith.select %eq3A_621, %broadcast_in_dim3A_627, %select_n3A_616 : vector<16xi1>, vector<16xf32>
        %unpack3A_629 = tpu.unpack_subelements %add3A_583, 0 {pack_format = #tpu.pack_format<interleaved>} : vector<32xbf16> -> vector<16xf32>
        %unpack3A_630 = tpu.unpack_subelements %add3A_583, 1 {pack_format = #tpu.pack_format<interleaved>} : vector<32xbf16> -> vector<16xf32>
        %eq3A_631 = arith.constant 3 : i32
        %eq3A_632 = vector.broadcast %eq3A_631 : i32 to vector<16xi32>
        %eq3A_633 = arith.cmpi eq, %iota3A, %eq3A_632 : vector<16xi32>
        %add3A_634 = arith.addf %unpack3A_629, %unpack3A_630 : vector<16xf32>
        %reduce_sum3A_635 = arith.constant true
        %reduce_sum3A_636 = vector.broadcast %reduce_sum3A_635 : i1 to vector<16xi1>
        %reduce_sum3A_637 = tpu.scan <sum>, %add3A_634 masked %reduce_sum3A_636 : vector<16xf32>, vector<16xi1> -> vector<16xf32>
        %reduce_sum3A_638 = vector.extract %reduce_sum3A_637[15] : f32 from vector<16xf32>
        %broadcast_in_dim3A_639 = vector.broadcast %reduce_sum3A_638 : f32 to vector<16xf32>
        %select_n3A_640 = arith.select %eq3A_633, %broadcast_in_dim3A_639, %select_n3A_628 : vector<16xi1>, vector<16xf32>
        %unpack3A_641 = tpu.unpack_subelements %add3A_586, 0 {pack_format = #tpu.pack_format<interleaved>} : vector<32xbf16> -> vector<16xf32>
        %unpack3A_642 = tpu.unpack_subelements %add3A_586, 1 {pack_format = #tpu.pack_format<interleaved>} : vector<32xbf16> -> vector<16xf32>
        %eq3A_643 = arith.constant 4 : i32
        %eq3A_644 = vector.broadcast %eq3A_643 : i32 to vector<16xi32>
        %eq3A_645 = arith.cmpi eq, %iota3A, %eq3A_644 : vector<16xi32>
        %add3A_646 = arith.addf %unpack3A_641, %unpack3A_642 : vector<16xf32>
        %reduce_sum3A_647 = arith.constant true
        %reduce_sum3A_648 = vector.broadcast %reduce_sum3A_647 : i1 to vector<16xi1>
        %reduce_sum3A_649 = tpu.scan <sum>, %add3A_646 masked %reduce_sum3A_648 : vector<16xf32>, vector<16xi1> -> vector<16xf32>
        %reduce_sum3A_650 = vector.extract %reduce_sum3A_649[15] : f32 from vector<16xf32>
        %broadcast_in_dim3A_651 = vector.broadcast %reduce_sum3A_650 : f32 to vector<16xf32>
        %select_n3A_652 = arith.select %eq3A_645, %broadcast_in_dim3A_651, %select_n3A_640 : vector<16xi1>, vector<16xf32>
        %unpack3A_653 = tpu.unpack_subelements %add3A_589, 0 {pack_format = #tpu.pack_format<interleaved>} : vector<32xbf16> -> vector<16xf32>
        %unpack3A_654 = tpu.unpack_subelements %add3A_589, 1 {pack_format = #tpu.pack_format<interleaved>} : vector<32xbf16> -> vector<16xf32>
        %eq3A_655 = arith.constant 5 : i32
        %eq3A_656 = vector.broadcast %eq3A_655 : i32 to vector<16xi32>
        %eq3A_657 = arith.cmpi eq, %iota3A, %eq3A_656 : vector<16xi32>
        %add3A_658 = arith.addf %unpack3A_653, %unpack3A_654 : vector<16xf32>
        %reduce_sum3A_659 = arith.constant true
        %reduce_sum3A_660 = vector.broadcast %reduce_sum3A_659 : i1 to vector<16xi1>
        %reduce_sum3A_661 = tpu.scan <sum>, %add3A_658 masked %reduce_sum3A_660 : vector<16xf32>, vector<16xi1> -> vector<16xf32>
        %reduce_sum3A_662 = vector.extract %reduce_sum3A_661[15] : f32 from vector<16xf32>
        %broadcast_in_dim3A_663 = vector.broadcast %reduce_sum3A_662 : f32 to vector<16xf32>
        %select_n3A_664 = arith.select %eq3A_657, %broadcast_in_dim3A_663, %select_n3A_652 : vector<16xi1>, vector<16xf32>
        %unpack3A_665 = tpu.unpack_subelements %add3A_592, 0 {pack_format = #tpu.pack_format<interleaved>} : vector<32xbf16> -> vector<16xf32>
        %unpack3A_666 = tpu.unpack_subelements %add3A_592, 1 {pack_format = #tpu.pack_format<interleaved>} : vector<32xbf16> -> vector<16xf32>
        %eq3A_667 = arith.constant 6 : i32
        %eq3A_668 = vector.broadcast %eq3A_667 : i32 to vector<16xi32>
        %eq3A_669 = arith.cmpi eq, %iota3A, %eq3A_668 : vector<16xi32>
        %add3A_670 = arith.addf %unpack3A_665, %unpack3A_666 : vector<16xf32>
        %reduce_sum3A_671 = arith.constant true
        %reduce_sum3A_672 = vector.broadcast %reduce_sum3A_671 : i1 to vector<16xi1>
        %reduce_sum3A_673 = tpu.scan <sum>, %add3A_670 masked %reduce_sum3A_672 : vector<16xf32>, vector<16xi1> -> vector<16xf32>
        %reduce_sum3A_674 = vector.extract %reduce_sum3A_673[15] : f32 from vector<16xf32>
        %broadcast_in_dim3A_675 = vector.broadcast %reduce_sum3A_674 : f32 to vector<16xf32>
        %select_n3A_676 = arith.select %eq3A_669, %broadcast_in_dim3A_675, %select_n3A_664 : vector<16xi1>, vector<16xf32>
        %unpack3A_677 = tpu.unpack_subelements %add3A_595, 0 {pack_format = #tpu.pack_format<interleaved>} : vector<32xbf16> -> vector<16xf32>
        %unpack3A_678 = tpu.unpack_subelements %add3A_595, 1 {pack_format = #tpu.pack_format<interleaved>} : vector<32xbf16> -> vector<16xf32>
        %eq3A_679 = arith.constant 7 : i32
        %eq3A_680 = vector.broadcast %eq3A_679 : i32 to vector<16xi32>
        %eq3A_681 = arith.cmpi eq, %iota3A, %eq3A_680 : vector<16xi32>
        %add3A_682 = arith.addf %unpack3A_677, %unpack3A_678 : vector<16xf32>
        %reduce_sum3A_683 = arith.constant true
        %reduce_sum3A_684 = vector.broadcast %reduce_sum3A_683 : i1 to vector<16xi1>
        %reduce_sum3A_685 = tpu.scan <sum>, %add3A_682 masked %reduce_sum3A_684 : vector<16xf32>, vector<16xi1> -> vector<16xf32>
        %reduce_sum3A_686 = vector.extract %reduce_sum3A_685[15] : f32 from vector<16xf32>
        %broadcast_in_dim3A_687 = vector.broadcast %reduce_sum3A_686 : f32 to vector<16xf32>
        %select_n3A_688 = arith.select %eq3A_681, %broadcast_in_dim3A_687, %select_n3A_676 : vector<16xi1>, vector<16xf32>
        %add3A_689 = arith.constant 8 : i32
        %add3A_690 = arith.addi %mul3A_347, %add3A_689 : i32
        %add3A_691 = arith.constant 0 : i32
        %add3A_692 = arith.addi %add3A_690, %add3A_691 : i32
        %add3A_693 = arith.constant 8 : i32
        %add3A_694 = arith.addi %mul3A_347, %add3A_693 : i32
        %add3A_695 = arith.constant 0 : i32
        %add3A_696 = arith.addi %add3A_694, %add3A_695 : i32
        %get3A_697 = arith.constant 0 : i32
        %get3A_698 = tpu.memref_slice %arg11[%add3A_692, %get3A_697] : memref<128x64xbf16, #tpu.memory_space<vmem>> -> memref<1x64xbf16, #tpu.memory_space<vmem>>
        %get3A_699 = tpu.memref_squeeze %get3A_698 : memref<1x64xbf16, #tpu.memory_space<vmem>> -> memref<64xbf16, #tpu.memory_space<vmem>>
        %get3A_700 = arith.constant 0 : index
        %get3A_701 = tpu.vector_load %get3A_699[%get3A_700] {strides = array<i32>} : memref<64xbf16, #tpu.memory_space<vmem>>, vector<32xbf16>,
        %get3A_702 = arith.constant 0 : i32
        %get3A_703 = tpu.memref_slice %arg11[%add3A_692, %get3A_702] : memref<128x64xbf16, #tpu.memory_space<vmem>> -> memref<1x64xbf16, #tpu.memory_space<vmem>>
        %get3A_704 = tpu.memref_squeeze %get3A_703 : memref<1x64xbf16, #tpu.memory_space<vmem>> -> memref<64xbf16, #tpu.memory_space<vmem>>
        %get3A_705 = arith.constant 32 : index
        %get3A_706 = tpu.vector_load %get3A_704[%get3A_705] {strides = array<i32>} : memref<64xbf16, #tpu.memory_space<vmem>>, vector<32xbf16>,
        %get3A_707 = arith.constant 0 : i32
        %get3A_708 = tpu.memref_slice %arg12[%add3A_696, %get3A_707] : memref<128x64xbf16, #tpu.memory_space<vmem>> -> memref<1x64xbf16, #tpu.memory_space<vmem>>
        %get3A_709 = tpu.memref_squeeze %get3A_708 : memref<1x64xbf16, #tpu.memory_space<vmem>> -> memref<64xbf16, #tpu.memory_space<vmem>>
        %get3A_710 = arith.constant 0 : index
        %get3A_711 = tpu.vector_load %get3A_709[%get3A_710] {strides = array<i32>} : memref<64xbf16, #tpu.memory_space<vmem>>, vector<32xbf16>,
        %get3A_712 = arith.constant 0 : i32
        %get3A_713 = tpu.memref_slice %arg12[%add3A_696, %get3A_712] : memref<128x64xbf16, #tpu.memory_space<vmem>> -> memref<1x64xbf16, #tpu.memory_space<vmem>>
        %get3A_714 = tpu.memref_squeeze %get3A_713 : memref<1x64xbf16, #tpu.memory_space<vmem>> -> memref<64xbf16, #tpu.memory_space<vmem>>
        %get3A_715 = arith.constant 32 : index
        %get3A_716 = tpu.vector_load %get3A_714[%get3A_715] {strides = array<i32>} : memref<64xbf16, #tpu.memory_space<vmem>>, vector<32xbf16>,
        %add3A_717 = arith.constant 8 : i32
        %add3A_718 = arith.addi %mul3A_347, %add3A_717 : i32
        %add3A_719 = arith.constant 1 : i32
        %add3A_720 = arith.addi %add3A_718, %add3A_719 : i32
        %add3A_721 = arith.constant 8 : i32
        %add3A_722 = arith.addi %mul3A_347, %add3A_721 : i32
        %add3A_723 = arith.constant 1 : i32
        %add3A_724 = arith.addi %add3A_722, %add3A_723 : i32
        %get3A_725 = arith.constant 0 : i32
        %get3A_726 = tpu.memref_slice %arg11[%add3A_720, %get3A_725] : memref<128x64xbf16, #tpu.memory_space<vmem>> -> memref<1x64xbf16, #tpu.memory_space<vmem>>
        %get3A_727 = tpu.memref_squeeze %get3A_726 : memref<1x64xbf16, #tpu.memory_space<vmem>> -> memref<64xbf16, #tpu.memory_space<vmem>>
        %get3A_728 = arith.constant 0 : index
        %get3A_729 = tpu.vector_load %get3A_727[%get3A_728] {strides = array<i32>} : memref<64xbf16, #tpu.memory_space<vmem>>, vector<32xbf16>,
        %get3A_730 = arith.constant 0 : i32
        %get3A_731 = tpu.memref_slice %arg11[%add3A_720, %get3A_730] : memref<128x64xbf16, #tpu.memory_space<vmem>> -> memref<1x64xbf16, #tpu.memory_space<vmem>>
        %get3A_732 = tpu.memref_squeeze %get3A_731 : memref<1x64xbf16, #tpu.memory_space<vmem>> -> memref<64xbf16, #tpu.memory_space<vmem>>
        %get3A_733 = arith.constant 32 : index
        %get3A_734 = tpu.vector_load %get3A_732[%get3A_733] {strides = array<i32>} : memref<64xbf16, #tpu.memory_space<vmem>>, vector<32xbf16>,
        %get3A_735 = arith.constant 0 : i32
        %get3A_736 = tpu.memref_slice %arg12[%add3A_724, %get3A_735] : memref<128x64xbf16, #tpu.memory_space<vmem>> -> memref<1x64xbf16, #tpu.memory_space<vmem>>
        %get3A_737 = tpu.memref_squeeze %get3A_736 : memref<1x64xbf16, #tpu.memory_space<vmem>> -> memref<64xbf16, #tpu.memory_space<vmem>>
        %get3A_738 = arith.constant 0 : index
        %get3A_739 = tpu.vector_load %get3A_737[%get3A_738] {strides = array<i32>} : memref<64xbf16, #tpu.memory_space<vmem>>, vector<32xbf16>,
        %get3A_740 = arith.constant 0 : i32
        %get3A_741 = tpu.memref_slice %arg12[%add3A_724, %get3A_740] : memref<128x64xbf16, #tpu.memory_space<vmem>> -> memref<1x64xbf16, #tpu.memory_space<vmem>>
        %get3A_742 = tpu.memref_squeeze %get3A_741 : memref<1x64xbf16, #tpu.memory_space<vmem>> -> memref<64xbf16, #tpu.memory_space<vmem>>
        %get3A_743 = arith.constant 32 : index
        %get3A_744 = tpu.vector_load %get3A_742[%get3A_743] {strides = array<i32>} : memref<64xbf16, #tpu.memory_space<vmem>>, vector<32xbf16>,
        %add3A_745 = arith.constant 8 : i32
        %add3A_746 = arith.addi %mul3A_347, %add3A_745 : i32
        %add3A_747 = arith.constant 2 : i32
        %add3A_748 = arith.addi %add3A_746, %add3A_747 : i32
        %add3A_749 = arith.constant 8 : i32
        %add3A_750 = arith.addi %mul3A_347, %add3A_749 : i32
        %add3A_751 = arith.constant 2 : i32
        %add3A_752 = arith.addi %add3A_750, %add3A_751 : i32
        %get3A_753 = arith.constant 0 : i32
        %get3A_754 = tpu.memref_slice %arg11[%add3A_748, %get3A_753] : memref<128x64xbf16, #tpu.memory_space<vmem>> -> memref<1x64xbf16, #tpu.memory_space<vmem>>
        %get3A_755 = tpu.memref_squeeze %get3A_754 : memref<1x64xbf16, #tpu.memory_space<vmem>> -> memref<64xbf16, #tpu.memory_space<vmem>>
        %get3A_756 = arith.constant 0 : index
        %get3A_757 = tpu.vector_load %get3A_755[%get3A_756] {strides = array<i32>} : memref<64xbf16, #tpu.memory_space<vmem>>, vector<32xbf16>,
        %get3A_758 = arith.constant 0 : i32
        %get3A_759 = tpu.memref_slice %arg11[%add3A_748, %get3A_758] : memref<128x64xbf16, #tpu.memory_space<vmem>> -> memref<1x64xbf16, #tpu.memory_space<vmem>>
        %get3A_760 = tpu.memref_squeeze %get3A_759 : memref<1x64xbf16, #tpu.memory_space<vmem>> -> memref<64xbf16, #tpu.memory_space<vmem>>
        %get3A_761 = arith.constant 32 : index
        %get3A_762 = tpu.vector_load %get3A_760[%get3A_761] {strides = array<i32>} : memref<64xbf16, #tpu.memory_space<vmem>>, vector<32xbf16>,
        %get3A_763 = arith.constant 0 : i32
        %get3A_764 = tpu.memref_slice %arg12[%add3A_752, %get3A_763] : memref<128x64xbf16, #tpu.memory_space<vmem>> -> memref<1x64xbf16, #tpu.memory_space<vmem>>
        %get3A_765 = tpu.memref_squeeze %get3A_764 : memref<1x64xbf16, #tpu.memory_space<vmem>> -> memref<64xbf16, #tpu.memory_space<vmem>>
        %get3A_766 = arith.constant 0 : index
        %get3A_767 = tpu.vector_load %get3A_765[%get3A_766] {strides = array<i32>} : memref<64xbf16, #tpu.memory_space<vmem>>, vector<32xbf16>,
        %get3A_768 = arith.constant 0 : i32
        %get3A_769 = tpu.memref_slice %arg12[%add3A_752, %get3A_768] : memref<128x64xbf16, #tpu.memory_space<vmem>> -> memref<1x64xbf16, #tpu.memory_space<vmem>>
        %get3A_770 = tpu.memref_squeeze %get3A_769 : memref<1x64xbf16, #tpu.memory_space<vmem>> -> memref<64xbf16, #tpu.memory_space<vmem>>
        %get3A_771 = arith.constant 32 : index
        %get3A_772 = tpu.vector_load %get3A_770[%get3A_771] {strides = array<i32>} : memref<64xbf16, #tpu.memory_space<vmem>>, vector<32xbf16>,
        %add3A_773 = arith.constant 8 : i32
        %add3A_774 = arith.addi %mul3A_347, %add3A_773 : i32
        %add3A_775 = arith.constant 3 : i32
        %add3A_776 = arith.addi %add3A_774, %add3A_775 : i32
        %add3A_777 = arith.constant 8 : i32
        %add3A_778 = arith.addi %mul3A_347, %add3A_777 : i32
        %add3A_779 = arith.constant 3 : i32
        %add3A_780 = arith.addi %add3A_778, %add3A_779 : i32
        %get3A_781 = arith.constant 0 : i32
        %get3A_782 = tpu.memref_slice %arg11[%add3A_776, %get3A_781] : memref<128x64xbf16, #tpu.memory_space<vmem>> -> memref<1x64xbf16, #tpu.memory_space<vmem>>
        %get3A_783 = tpu.memref_squeeze %get3A_782 : memref<1x64xbf16, #tpu.memory_space<vmem>> -> memref<64xbf16, #tpu.memory_space<vmem>>
        %get3A_784 = arith.constant 0 : index
        %get3A_785 = tpu.vector_load %get3A_783[%get3A_784] {strides = array<i32>} : memref<64xbf16, #tpu.memory_space<vmem>>, vector<32xbf16>,
        %get3A_786 = arith.constant 0 : i32
        %get3A_787 = tpu.memref_slice %arg11[%add3A_776, %get3A_786] : memref<128x64xbf16, #tpu.memory_space<vmem>> -> memref<1x64xbf16, #tpu.memory_space<vmem>>
        %get3A_788 = tpu.memref_squeeze %get3A_787 : memref<1x64xbf16, #tpu.memory_space<vmem>> -> memref<64xbf16, #tpu.memory_space<vmem>>
        %get3A_789 = arith.constant 32 : index
        %get3A_790 = tpu.vector_load %get3A_788[%get3A_789] {strides = array<i32>} : memref<64xbf16, #tpu.memory_space<vmem>>, vector<32xbf16>,
        %get3A_791 = arith.constant 0 : i32
        %get3A_792 = tpu.memref_slice %arg12[%add3A_780, %get3A_791] : memref<128x64xbf16, #tpu.memory_space<vmem>> -> memref<1x64xbf16, #tpu.memory_space<vmem>>
        %get3A_793 = tpu.memref_squeeze %get3A_792 : memref<1x64xbf16, #tpu.memory_space<vmem>> -> memref<64xbf16, #tpu.memory_space<vmem>>
        %get3A_794 = arith.constant 0 : index
        %get3A_795 = tpu.vector_load %get3A_793[%get3A_794] {strides = array<i32>} : memref<64xbf16, #tpu.memory_space<vmem>>, vector<32xbf16>,
        %get3A_796 = arith.constant 0 : i32
        %get3A_797 = tpu.memref_slice %arg12[%add3A_780, %get3A_796] : memref<128x64xbf16, #tpu.memory_space<vmem>> -> memref<1x64xbf16, #tpu.memory_space<vmem>>
        %get3A_798 = tpu.memref_squeeze %get3A_797 : memref<1x64xbf16, #tpu.memory_space<vmem>> -> memref<64xbf16, #tpu.memory_space<vmem>>
        %get3A_799 = arith.constant 32 : index
        %get3A_800 = tpu.vector_load %get3A_798[%get3A_799] {strides = array<i32>} : memref<64xbf16, #tpu.memory_space<vmem>>, vector<32xbf16>,
        %add3A_801 = arith.constant 8 : i32
        %add3A_802 = arith.addi %mul3A_347, %add3A_801 : i32
        %add3A_803 = arith.constant 4 : i32
        %add3A_804 = arith.addi %add3A_802, %add3A_803 : i32
        %add3A_805 = arith.constant 8 : i32
        %add3A_806 = arith.addi %mul3A_347, %add3A_805 : i32
        %add3A_807 = arith.constant 4 : i32
        %add3A_808 = arith.addi %add3A_806, %add3A_807 : i32
        %get3A_809 = arith.constant 0 : i32
        %get3A_810 = tpu.memref_slice %arg11[%add3A_804, %get3A_809] : memref<128x64xbf16, #tpu.memory_space<vmem>> -> memref<1x64xbf16, #tpu.memory_space<vmem>>
        %get3A_811 = tpu.memref_squeeze %get3A_810 : memref<1x64xbf16, #tpu.memory_space<vmem>> -> memref<64xbf16, #tpu.memory_space<vmem>>
        %get3A_812 = arith.constant 0 : index
        %get3A_813 = tpu.vector_load %get3A_811[%get3A_812] {strides = array<i32>} : memref<64xbf16, #tpu.memory_space<vmem>>, vector<32xbf16>,
        %get3A_814 = arith.constant 0 : i32
        %get3A_815 = tpu.memref_slice %arg11[%add3A_804, %get3A_814] : memref<128x64xbf16, #tpu.memory_space<vmem>> -> memref<1x64xbf16, #tpu.memory_space<vmem>>
        %get3A_816 = tpu.memref_squeeze %get3A_815 : memref<1x64xbf16, #tpu.memory_space<vmem>> -> memref<64xbf16, #tpu.memory_space<vmem>>
        %get3A_817 = arith.constant 32 : index
        %get3A_818 = tpu.vector_load %get3A_816[%get3A_817] {strides = array<i32>} : memref<64xbf16, #tpu.memory_space<vmem>>, vector<32xbf16>,
        %get3A_819 = arith.constant 0 : i32
        %get3A_820 = tpu.memref_slice %arg12[%add3A_808, %get3A_819] : memref<128x64xbf16, #tpu.memory_space<vmem>> -> memref<1x64xbf16, #tpu.memory_space<vmem>>
        %get3A_821 = tpu.memref_squeeze %get3A_820 : memref<1x64xbf16, #tpu.memory_space<vmem>> -> memref<64xbf16, #tpu.memory_space<vmem>>
        %get3A_822 = arith.constant 0 : index
        %get3A_823 = tpu.vector_load %get3A_821[%get3A_822] {strides = array<i32>} : memref<64xbf16, #tpu.memory_space<vmem>>, vector<32xbf16>,
        %get3A_824 = arith.constant 0 : i32
        %get3A_825 = tpu.memref_slice %arg12[%add3A_808, %get3A_824] : memref<128x64xbf16, #tpu.memory_space<vmem>> -> memref<1x64xbf16, #tpu.memory_space<vmem>>
        %get3A_826 = tpu.memref_squeeze %get3A_825 : memref<1x64xbf16, #tpu.memory_space<vmem>> -> memref<64xbf16, #tpu.memory_space<vmem>>
        %get3A_827 = arith.constant 32 : index
        %get3A_828 = tpu.vector_load %get3A_826[%get3A_827] {strides = array<i32>} : memref<64xbf16, #tpu.memory_space<vmem>>, vector<32xbf16>,
        %add3A_829 = arith.constant 8 : i32
        %add3A_830 = arith.addi %mul3A_347, %add3A_829 : i32
        %add3A_831 = arith.constant 5 : i32
        %add3A_832 = arith.addi %add3A_830, %add3A_831 : i32
        %add3A_833 = arith.constant 8 : i32
        %add3A_834 = arith.addi %mul3A_347, %add3A_833 : i32
        %add3A_835 = arith.constant 5 : i32
        %add3A_836 = arith.addi %add3A_834, %add3A_835 : i32
        %get3A_837 = arith.constant 0 : i32
        %get3A_838 = tpu.memref_slice %arg11[%add3A_832, %get3A_837] : memref<128x64xbf16, #tpu.memory_space<vmem>> -> memref<1x64xbf16, #tpu.memory_space<vmem>>
        %get3A_839 = tpu.memref_squeeze %get3A_838 : memref<1x64xbf16, #tpu.memory_space<vmem>> -> memref<64xbf16, #tpu.memory_space<vmem>>
        %get3A_840 = arith.constant 0 : index
        %get3A_841 = tpu.vector_load %get3A_839[%get3A_840] {strides = array<i32>} : memref<64xbf16, #tpu.memory_space<vmem>>, vector<32xbf16>,
        %get3A_842 = arith.constant 0 : i32
        %get3A_843 = tpu.memref_slice %arg11[%add3A_832, %get3A_842] : memref<128x64xbf16, #tpu.memory_space<vmem>> -> memref<1x64xbf16, #tpu.memory_space<vmem>>
        %get3A_844 = tpu.memref_squeeze %get3A_843 : memref<1x64xbf16, #tpu.memory_space<vmem>> -> memref<64xbf16, #tpu.memory_space<vmem>>
        %get3A_845 = arith.constant 32 : index
        %get3A_846 = tpu.vector_load %get3A_844[%get3A_845] {strides = array<i32>} : memref<64xbf16, #tpu.memory_space<vmem>>, vector<32xbf16>,
        %get3A_847 = arith.constant 0 : i32
        %get3A_848 = tpu.memref_slice %arg12[%add3A_836, %get3A_847] : memref<128x64xbf16, #tpu.memory_space<vmem>> -> memref<1x64xbf16, #tpu.memory_space<vmem>>
        %get3A_849 = tpu.memref_squeeze %get3A_848 : memref<1x64xbf16, #tpu.memory_space<vmem>> -> memref<64xbf16, #tpu.memory_space<vmem>>
        %get3A_850 = arith.constant 0 : index
        %get3A_851 = tpu.vector_load %get3A_849[%get3A_850] {strides = array<i32>} : memref<64xbf16, #tpu.memory_space<vmem>>, vector<32xbf16>,
        %get3A_852 = arith.constant 0 : i32
        %get3A_853 = tpu.memref_slice %arg12[%add3A_836, %get3A_852] : memref<128x64xbf16, #tpu.memory_space<vmem>> -> memref<1x64xbf16, #tpu.memory_space<vmem>>
        %get3A_854 = tpu.memref_squeeze %get3A_853 : memref<1x64xbf16, #tpu.memory_space<vmem>> -> memref<64xbf16, #tpu.memory_space<vmem>>
        %get3A_855 = arith.constant 32 : index
        %get3A_856 = tpu.vector_load %get3A_854[%get3A_855] {strides = array<i32>} : memref<64xbf16, #tpu.memory_space<vmem>>, vector<32xbf16>,
        %add3A_857 = arith.constant 8 : i32
        %add3A_858 = arith.addi %mul3A_347, %add3A_857 : i32
        %add3A_859 = arith.constant 6 : i32
        %add3A_860 = arith.addi %add3A_858, %add3A_859 : i32
        %add3A_861 = arith.constant 8 : i32
        %add3A_862 = arith.addi %mul3A_347, %add3A_861 : i32
        %add3A_863 = arith.constant 6 : i32
        %add3A_864 = arith.addi %add3A_862, %add3A_863 : i32
        %get3A_865 = arith.constant 0 : i32
        %get3A_866 = tpu.memref_slice %arg11[%add3A_860, %get3A_865] : memref<128x64xbf16, #tpu.memory_space<vmem>> -> memref<1x64xbf16, #tpu.memory_space<vmem>>
        %get3A_867 = tpu.memref_squeeze %get3A_866 : memref<1x64xbf16, #tpu.memory_space<vmem>> -> memref<64xbf16, #tpu.memory_space<vmem>>
        %get3A_868 = arith.constant 0 : index
        %get3A_869 = tpu.vector_load %get3A_867[%get3A_868] {strides = array<i32>} : memref<64xbf16, #tpu.memory_space<vmem>>, vector<32xbf16>,
        %get3A_870 = arith.constant 0 : i32
        %get3A_871 = tpu.memref_slice %arg11[%add3A_860, %get3A_870] : memref<128x64xbf16, #tpu.memory_space<vmem>> -> memref<1x64xbf16, #tpu.memory_space<vmem>>
        %get3A_872 = tpu.memref_squeeze %get3A_871 : memref<1x64xbf16, #tpu.memory_space<vmem>> -> memref<64xbf16, #tpu.memory_space<vmem>>
        %get3A_873 = arith.constant 32 : index
        %get3A_874 = tpu.vector_load %get3A_872[%get3A_873] {strides = array<i32>} : memref<64xbf16, #tpu.memory_space<vmem>>, vector<32xbf16>,
        %get3A_875 = arith.constant 0 : i32
        %get3A_876 = tpu.memref_slice %arg12[%add3A_864, %get3A_875] : memref<128x64xbf16, #tpu.memory_space<vmem>> -> memref<1x64xbf16, #tpu.memory_space<vmem>>
        %get3A_877 = tpu.memref_squeeze %get3A_876 : memref<1x64xbf16, #tpu.memory_space<vmem>> -> memref<64xbf16, #tpu.memory_space<vmem>>
        %get3A_878 = arith.constant 0 : index
        %get3A_879 = tpu.vector_load %get3A_877[%get3A_878] {strides = array<i32>} : memref<64xbf16, #tpu.memory_space<vmem>>, vector<32xbf16>,
        %get3A_880 = arith.constant 0 : i32
        %get3A_881 = tpu.memref_slice %arg12[%add3A_864, %get3A_880] : memref<128x64xbf16, #tpu.memory_space<vmem>> -> memref<1x64xbf16, #tpu.memory_space<vmem>>
        %get3A_882 = tpu.memref_squeeze %get3A_881 : memref<1x64xbf16, #tpu.memory_space<vmem>> -> memref<64xbf16, #tpu.memory_space<vmem>>
        %get3A_883 = arith.constant 32 : index
        %get3A_884 = tpu.vector_load %get3A_882[%get3A_883] {strides = array<i32>} : memref<64xbf16, #tpu.memory_space<vmem>>, vector<32xbf16>,
        %add3A_885 = arith.constant 8 : i32
        %add3A_886 = arith.addi %mul3A_347, %add3A_885 : i32
        %add3A_887 = arith.constant 7 : i32
        %add3A_888 = arith.addi %add3A_886, %add3A_887 : i32
        %add3A_889 = arith.constant 8 : i32
        %add3A_890 = arith.addi %mul3A_347, %add3A_889 : i32
        %add3A_891 = arith.constant 7 : i32
        %add3A_892 = arith.addi %add3A_890, %add3A_891 : i32
        %get3A_893 = arith.constant 0 : i32
        %get3A_894 = tpu.memref_slice %arg11[%add3A_888, %get3A_893] : memref<128x64xbf16, #tpu.memory_space<vmem>> -> memref<1x64xbf16, #tpu.memory_space<vmem>>
        %get3A_895 = tpu.memref_squeeze %get3A_894 : memref<1x64xbf16, #tpu.memory_space<vmem>> -> memref<64xbf16, #tpu.memory_space<vmem>>
        %get3A_896 = arith.constant 0 : index
        %get3A_897 = tpu.vector_load %get3A_895[%get3A_896] {strides = array<i32>} : memref<64xbf16, #tpu.memory_space<vmem>>, vector<32xbf16>,
        %get3A_898 = arith.constant 0 : i32
        %get3A_899 = tpu.memref_slice %arg11[%add3A_888, %get3A_898] : memref<128x64xbf16, #tpu.memory_space<vmem>> -> memref<1x64xbf16, #tpu.memory_space<vmem>>
        %get3A_900 = tpu.memref_squeeze %get3A_899 : memref<1x64xbf16, #tpu.memory_space<vmem>> -> memref<64xbf16, #tpu.memory_space<vmem>>
        %get3A_901 = arith.constant 32 : index
        %get3A_902 = tpu.vector_load %get3A_900[%get3A_901] {strides = array<i32>} : memref<64xbf16, #tpu.memory_space<vmem>>, vector<32xbf16>,
        %get3A_903 = arith.constant 0 : i32
        %get3A_904 = tpu.memref_slice %arg12[%add3A_892, %get3A_903] : memref<128x64xbf16, #tpu.memory_space<vmem>> -> memref<1x64xbf16, #tpu.memory_space<vmem>>
        %get3A_905 = tpu.memref_squeeze %get3A_904 : memref<1x64xbf16, #tpu.memory_space<vmem>> -> memref<64xbf16, #tpu.memory_space<vmem>>
        %get3A_906 = arith.constant 0 : index
        %get3A_907 = tpu.vector_load %get3A_905[%get3A_906] {strides = array<i32>} : memref<64xbf16, #tpu.memory_space<vmem>>, vector<32xbf16>,
        %get3A_908 = arith.constant 0 : i32
        %get3A_909 = tpu.memref_slice %arg12[%add3A_892, %get3A_908] : memref<128x64xbf16, #tpu.memory_space<vmem>> -> memref<1x64xbf16, #tpu.memory_space<vmem>>
        %get3A_910 = tpu.memref_squeeze %get3A_909 : memref<1x64xbf16, #tpu.memory_space<vmem>> -> memref<64xbf16, #tpu.memory_space<vmem>>
        %get3A_911 = arith.constant 32 : index
        %get3A_912 = tpu.vector_load %get3A_910[%get3A_911] {strides = array<i32>} : memref<64xbf16, #tpu.memory_space<vmem>>, vector<32xbf16>,
        %mul3A_913 = arith.mulf %get3A_701, %get3A_711 : vector<32xbf16>
        %mul3A_914 = arith.mulf %get3A_706, %get3A_716 : vector<32xbf16>
        %add3A_915 = arith.addf %mul3A_913, %mul3A_914 : vector<32xbf16>
        %mul3A_916 = arith.mulf %get3A_729, %get3A_739 : vector<32xbf16>
        %mul3A_917 = arith.mulf %get3A_734, %get3A_744 : vector<32xbf16>
        %add3A_918 = arith.addf %mul3A_916, %mul3A_917 : vector<32xbf16>
        %mul3A_919 = arith.mulf %get3A_757, %get3A_767 : vector<32xbf16>
        %mul3A_920 = arith.mulf %get3A_762, %get3A_772 : vector<32xbf16>
        %add3A_921 = arith.addf %mul3A_919, %mul3A_920 : vector<32xbf16>
        %mul3A_922 = arith.mulf %get3A_785, %get3A_795 : vector<32xbf16>
        %mul3A_923 = arith.mulf %get3A_790, %get3A_800 : vector<32xbf16>
        %add3A_924 = arith.addf %mul3A_922, %mul3A_923 : vector<32xbf16>
        %mul3A_925 = arith.mulf %get3A_813, %get3A_823 : vector<32xbf16>
        %mul3A_926 = arith.mulf %get3A_818, %get3A_828 : vector<32xbf16>
        %add3A_927 = arith.addf %mul3A_925, %mul3A_926 : vector<32xbf16>
        %mul3A_928 = arith.mulf %get3A_841, %get3A_851 : vector<32xbf16>
        %mul3A_929 = arith.mulf %get3A_846, %get3A_856 : vector<32xbf16>
        %add3A_930 = arith.addf %mul3A_928, %mul3A_929 : vector<32xbf16>
        %mul3A_931 = arith.mulf %get3A_869, %get3A_879 : vector<32xbf16>
        %mul3A_932 = arith.mulf %get3A_874, %get3A_884 : vector<32xbf16>
        %add3A_933 = arith.addf %mul3A_931, %mul3A_932 : vector<32xbf16>
        %mul3A_934 = arith.mulf %get3A_897, %get3A_907 : vector<32xbf16>
        %mul3A_935 = arith.mulf %get3A_902, %get3A_912 : vector<32xbf16>
        %add3A_936 = arith.addf %mul3A_934, %mul3A_935 : vector<32xbf16>
        %unpack3A_937 = tpu.unpack_subelements %add3A_915, 0 {pack_format = #tpu.pack_format<interleaved>} : vector<32xbf16> -> vector<16xf32>
        %unpack3A_938 = tpu.unpack_subelements %add3A_915, 1 {pack_format = #tpu.pack_format<interleaved>} : vector<32xbf16> -> vector<16xf32>
        %eq3A_939 = arith.constant 8 : i32
        %eq3A_940 = vector.broadcast %eq3A_939 : i32 to vector<16xi32>
        %eq3A_941 = arith.cmpi eq, %iota3A, %eq3A_940 : vector<16xi32>
        %add3A_942 = arith.addf %unpack3A_937, %unpack3A_938 : vector<16xf32>
        %reduce_sum3A_943 = arith.constant true
        %reduce_sum3A_944 = vector.broadcast %reduce_sum3A_943 : i1 to vector<16xi1>
        %reduce_sum3A_945 = tpu.scan <sum>, %add3A_942 masked %reduce_sum3A_944 : vector<16xf32>, vector<16xi1> -> vector<16xf32>
        %reduce_sum3A_946 = vector.extract %reduce_sum3A_945[15] : f32 from vector<16xf32>
        %broadcast_in_dim3A_947 = vector.broadcast %reduce_sum3A_946 : f32 to vector<16xf32>
        %select_n3A_948 = arith.select %eq3A_941, %broadcast_in_dim3A_947, %select_n3A_688 : vector<16xi1>, vector<16xf32>
        %unpack3A_949 = tpu.unpack_subelements %add3A_918, 0 {pack_format = #tpu.pack_format<interleaved>} : vector<32xbf16> -> vector<16xf32>
        %unpack3A_950 = tpu.unpack_subelements %add3A_918, 1 {pack_format = #tpu.pack_format<interleaved>} : vector<32xbf16> -> vector<16xf32>
        %eq3A_951 = arith.constant 9 : i32
        %eq3A_952 = vector.broadcast %eq3A_951 : i32 to vector<16xi32>
        %eq3A_953 = arith.cmpi eq, %iota3A, %eq3A_952 : vector<16xi32>
        %add3A_954 = arith.addf %unpack3A_949, %unpack3A_950 : vector<16xf32>
        %reduce_sum3A_955 = arith.constant true
        %reduce_sum3A_956 = vector.broadcast %reduce_sum3A_955 : i1 to vector<16xi1>
        %reduce_sum3A_957 = tpu.scan <sum>, %add3A_954 masked %reduce_sum3A_956 : vector<16xf32>, vector<16xi1> -> vector<16xf32>
        %reduce_sum3A_958 = vector.extract %reduce_sum3A_957[15] : f32 from vector<16xf32>
        %broadcast_in_dim3A_959 = vector.broadcast %reduce_sum3A_958 : f32 to vector<16xf32>
        %select_n3A_960 = arith.select %eq3A_953, %broadcast_in_dim3A_959, %select_n3A_948 : vector<16xi1>, vector<16xf32>
        %unpack3A_961 = tpu.unpack_subelements %add3A_921, 0 {pack_format = #tpu.pack_format<interleaved>} : vector<32xbf16> -> vector<16xf32>
        %unpack3A_962 = tpu.unpack_subelements %add3A_921, 1 {pack_format = #tpu.pack_format<interleaved>} : vector<32xbf16> -> vector<16xf32>
        %eq3A_963 = arith.constant 10 : i32
        %eq3A_964 = vector.broadcast %eq3A_963 : i32 to vector<16xi32>
        %eq3A_965 = arith.cmpi eq, %iota3A, %eq3A_964 : vector<16xi32>
        %add3A_966 = arith.addf %unpack3A_961, %unpack3A_962 : vector<16xf32>
        %reduce_sum3A_967 = arith.constant true
        %reduce_sum3A_968 = vector.broadcast %reduce_sum3A_967 : i1 to vector<16xi1>
        %reduce_sum3A_969 = tpu.scan <sum>, %add3A_966 masked %reduce_sum3A_968 : vector<16xf32>, vector<16xi1> -> vector<16xf32>
        %reduce_sum3A_970 = vector.extract %reduce_sum3A_969[15] : f32 from vector<16xf32>
        %broadcast_in_dim3A_971 = vector.broadcast %reduce_sum3A_970 : f32 to vector<16xf32>
        %select_n3A_972 = arith.select %eq3A_965, %broadcast_in_dim3A_971, %select_n3A_960 : vector<16xi1>, vector<16xf32>
        %unpack3A_973 = tpu.unpack_subelements %add3A_924, 0 {pack_format = #tpu.pack_format<interleaved>} : vector<32xbf16> -> vector<16xf32>
        %unpack3A_974 = tpu.unpack_subelements %add3A_924, 1 {pack_format = #tpu.pack_format<interleaved>} : vector<32xbf16> -> vector<16xf32>
        %eq3A_975 = arith.constant 11 : i32
        %eq3A_976 = vector.broadcast %eq3A_975 : i32 to vector<16xi32>
        %eq3A_977 = arith.cmpi eq, %iota3A, %eq3A_976 : vector<16xi32>
        %add3A_978 = arith.addf %unpack3A_973, %unpack3A_974 : vector<16xf32>
        %reduce_sum3A_979 = arith.constant true
        %reduce_sum3A_980 = vector.broadcast %reduce_sum3A_979 : i1 to vector<16xi1>
        %reduce_sum3A_981 = tpu.scan <sum>, %add3A_978 masked %reduce_sum3A_980 : vector<16xf32>, vector<16xi1> -> vector<16xf32>
        %reduce_sum3A_982 = vector.extract %reduce_sum3A_981[15] : f32 from vector<16xf32>
        %broadcast_in_dim3A_983 = vector.broadcast %reduce_sum3A_982 : f32 to vector<16xf32>
        %select_n3A_984 = arith.select %eq3A_977, %broadcast_in_dim3A_983, %select_n3A_972 : vector<16xi1>, vector<16xf32>
        %unpack3A_985 = tpu.unpack_subelements %add3A_927, 0 {pack_format = #tpu.pack_format<interleaved>} : vector<32xbf16> -> vector<16xf32>
        %unpack3A_986 = tpu.unpack_subelements %add3A_927, 1 {pack_format = #tpu.pack_format<interleaved>} : vector<32xbf16> -> vector<16xf32>
        %eq3A_987 = arith.constant 12 : i32
        %eq3A_988 = vector.broadcast %eq3A_987 : i32 to vector<16xi32>
        %eq3A_989 = arith.cmpi eq, %iota3A, %eq3A_988 : vector<16xi32>
        %add3A_990 = arith.addf %unpack3A_985, %unpack3A_986 : vector<16xf32>
        %reduce_sum3A_991 = arith.constant true
        %reduce_sum3A_992 = vector.broadcast %reduce_sum3A_991 : i1 to vector<16xi1>
        %reduce_sum3A_993 = tpu.scan <sum>, %add3A_990 masked %reduce_sum3A_992 : vector<16xf32>, vector<16xi1> -> vector<16xf32>
        %reduce_sum3A_994 = vector.extract %reduce_sum3A_993[15] : f32 from vector<16xf32>
        %broadcast_in_dim3A_995 = vector.broadcast %reduce_sum3A_994 : f32 to vector<16xf32>
        %select_n3A_996 = arith.select %eq3A_989, %broadcast_in_dim3A_995, %select_n3A_984 : vector<16xi1>, vector<16xf32>
        %unpack3A_997 = tpu.unpack_subelements %add3A_930, 0 {pack_format = #tpu.pack_format<interleaved>} : vector<32xbf16> -> vector<16xf32>
        %unpack3A_998 = tpu.unpack_subelements %add3A_930, 1 {pack_format = #tpu.pack_format<interleaved>} : vector<32xbf16> -> vector<16xf32>
        %eq3A_999 = arith.constant 13 : i32
        %eq3A_1000 = vector.broadcast %eq3A_999 : i32 to vector<16xi32>
        %eq3A_1001 = arith.cmpi eq, %iota3A, %eq3A_1000 : vector<16xi32>
        %add3A_1002 = arith.addf %unpack3A_997, %unpack3A_998 : vector<16xf32>
        %reduce_sum3A_1003 = arith.constant true
        %reduce_sum3A_1004 = vector.broadcast %reduce_sum3A_1003 : i1 to vector<16xi1>
        %reduce_sum3A_1005 = tpu.scan <sum>, %add3A_1002 masked %reduce_sum3A_1004 : vector<16xf32>, vector<16xi1> -> vector<16xf32>
        %reduce_sum3A_1006 = vector.extract %reduce_sum3A_1005[15] : f32 from vector<16xf32>
        %broadcast_in_dim3A_1007 = vector.broadcast %reduce_sum3A_1006 : f32 to vector<16xf32>
        %select_n3A_1008 = arith.select %eq3A_1001, %broadcast_in_dim3A_1007, %select_n3A_996 : vector<16xi1>, vector<16xf32>
        %unpack3A_1009 = tpu.unpack_subelements %add3A_933, 0 {pack_format = #tpu.pack_format<interleaved>} : vector<32xbf16> -> vector<16xf32>
        %unpack3A_1010 = tpu.unpack_subelements %add3A_933, 1 {pack_format = #tpu.pack_format<interleaved>} : vector<32xbf16> -> vector<16xf32>
        %eq3A_1011 = arith.constant 14 : i32
        %eq3A_1012 = vector.broadcast %eq3A_1011 : i32 to vector<16xi32>
        %eq3A_1013 = arith.cmpi eq, %iota3A, %eq3A_1012 : vector<16xi32>
        %add3A_1014 = arith.addf %unpack3A_1009, %unpack3A_1010 : vector<16xf32>
        %reduce_sum3A_1015 = arith.constant true
        %reduce_sum3A_1016 = vector.broadcast %reduce_sum3A_1015 : i1 to vector<16xi1>
        %reduce_sum3A_1017 = tpu.scan <sum>, %add3A_1014 masked %reduce_sum3A_1016 : vector<16xf32>, vector<16xi1> -> vector<16xf32>
        %reduce_sum3A_1018 = vector.extract %reduce_sum3A_1017[15] : f32 from vector<16xf32>
        %broadcast_in_dim3A_1019 = vector.broadcast %reduce_sum3A_1018 : f32 to vector<16xf32>
        %select_n3A_1020 = arith.select %eq3A_1013, %broadcast_in_dim3A_1019, %select_n3A_1008 : vector<16xi1>, vector<16xf32>
        %unpack3A_1021 = tpu.unpack_subelements %add3A_936, 0 {pack_format = #tpu.pack_format<interleaved>} : vector<32xbf16> -> vector<16xf32>
        %unpack3A_1022 = tpu.unpack_subelements %add3A_936, 1 {pack_format = #tpu.pack_format<interleaved>} : vector<32xbf16> -> vector<16xf32>
        %eq3A_1023 = arith.constant 15 : i32
        %eq3A_1024 = vector.broadcast %eq3A_1023 : i32 to vector<16xi32>
        %eq3A_1025 = arith.cmpi eq, %iota3A, %eq3A_1024 : vector<16xi32>
        %add3A_1026 = arith.addf %unpack3A_1021, %unpack3A_1022 : vector<16xf32>
        %reduce_sum3A_1027 = arith.constant true
        %reduce_sum3A_1028 = vector.broadcast %reduce_sum3A_1027 : i1 to vector<16xi1>
        %reduce_sum3A_1029 = tpu.scan <sum>, %add3A_1026 masked %reduce_sum3A_1028 : vector<16xf32>, vector<16xi1> -> vector<16xf32>
        %reduce_sum3A_1030 = vector.extract %reduce_sum3A_1029[15] : f32 from vector<16xf32>
        %broadcast_in_dim3A_1031 = vector.broadcast %reduce_sum3A_1030 : f32 to vector<16xf32>
        %select_n3A_1032 = arith.select %eq3A_1025, %broadcast_in_dim3A_1031, %select_n3A_1020 : vector<16xi1>, vector<16xf32>
        %swap3A = arith.index_cast %mul3A_347 : i32 to index
        %swap3A_1033 = tpu.vector_load %arg14[%swap3A] {strides = array<i32>} : memref<128xf32, #tpu.memory_space<vmem>>, vector<16xf32>,
        tpu.vector_store %arg14[%swap3A], %select_n3A_1032 {strides = array<i32>} : memref<128xf32, #tpu.memory_space<vmem>>, vector<16xf32>,
        %scan3A_1034 = arith.constant 0 : i32
        scf.yield %scan3A_1034 : i32
      }
      %scan3A_220 = arith.constant 8 : i32
      %mul3A_221 = arith.constant 196 : i32
      %mul3A_222 = arith.muli %add3A, %mul3A_221 : i32
      %add3A_223 = arith.addi %mul3A_222, %add3A_187 : i32
      %dma_start3A_224 = arith.constant 0 : i32
      %dma_start3A_225 = tpu.memref_slice %arg4[%add3A_223, %dma_start3A_224] : memref<6272x128xf32, #tpu.memory_space<hbm>> -> memref<1x128xf32, #tpu.memory_space<hbm>>
      %dma_start3A_226 = tpu.memref_squeeze %dma_start3A_225 : memref<1x128xf32, #tpu.memory_space<hbm>> -> memref<128xf32, #tpu.memory_space<hbm>>
      %dma_start3A_227 = arith.constant 0 : i32
      %dma_start3A_228 = tpu.memref_slice %arg4[%add3A_223, %dma_start3A_227] : memref<6272x128xf32, #tpu.memory_space<hbm>> -> memref<1x128xf32, #tpu.memory_space<hbm>>
      %dma_start3A_229 = tpu.memref_squeeze %dma_start3A_228 : memref<1x128xf32, #tpu.memory_space<hbm>> -> memref<128xf32, #tpu.memory_space<hbm>>
      tpu.enqueue_dma source(%arg14 : memref<128xf32, #tpu.memory_space<vmem>>) target(%dma_start3A_229 : memref<128xf32, #tpu.memory_space<hbm>>) target_semaphore(%arg25 : memref<!tpu.dma_semaphore, #tpu.memory_space<semaphore_mem>>)
      %add3A_230 = arith.constant 2 : i32
      %add3A_231 = arith.addi %add3A_187, %add3A_230 : i32
      %lt3A_232 = arith.constant 196 : i32
      %lt3A_233 = arith.cmpi slt, %add3A_231, %lt3A_232 : i32
      %convert_element_type3A_234 = arith.extui %lt3A_233 : i1 to i32
      %cond3A_235 = arith.constant 0 : i32
      %cond3A_236 = arith.cmpi ne, %convert_element_type3A_234, %cond3A_235 : i32
      scf.if %cond3A_236 {
        %add3A_344 = arith.constant 2 : i32
        %add3A_345 = arith.addi %add3A_187, %add3A_344 : i32
        %mul3A_346 = arith.constant 196 : i32
        %mul3A_347 = arith.muli %add3A, %mul3A_346 : i32
        %add3A_348 = arith.addi %mul3A_347, %add3A_345 : i32
        %dma_wait3A_349 = arith.constant 0 : i32
        %dma_wait3A_350 = arith.constant 0 : i32
        %dma_wait3A_351 = tpu.memref_slice %arg2[%add3A_348, %dma_wait3A_349, %dma_wait3A_350] : memref<6272x2x128xi32, #tpu.memory_space<hbm>> -> memref<1x2x128xi32, #tpu.memory_space<hbm>>
        %dma_wait3A_352 = tpu.memref_squeeze %dma_wait3A_351 : memref<1x2x128xi32, #tpu.memory_space<hbm>> -> memref<2x128xi32, #tpu.memory_space<hbm>>
        %dma_wait3A_353 = arith.constant 0 : i32
        %dma_wait3A_354 = arith.constant 0 : i32
        %dma_wait3A_355 = tpu.memref_slice %arg2[%add3A_348, %dma_wait3A_353, %dma_wait3A_354] : memref<6272x2x128xi32, #tpu.memory_space<hbm>> -> memref<1x2x128xi32, #tpu.memory_space<hbm>>
        %dma_wait3A_356 = tpu.memref_squeeze %dma_wait3A_355 : memref<1x2x128xi32, #tpu.memory_space<hbm>> -> memref<2x128xi32, #tpu.memory_space<hbm>>
        tpu.wait_dma2 semaphore(%arg19 : memref<!tpu.dma_semaphore, #tpu.memory_space<semaphore_mem>>) src(%dma_wait3A_356 : memref<2x128xi32, #tpu.memory_space<hbm>>) dst(%arg8 : memref<2x128xi32, #tpu.memory_space<vmem>>)
        %add3A_357 = arith.constant 2 : i32
        %add3A_358 = arith.addi %add3A_187, %add3A_357 : i32
        %dma_start3A_359 = arith.constant 0 : i32
        %dma_start3A_360 = arith.constant 0 : i32
        %dma_start3A_361 = tpu.memref_slice %arg8[%dma_start3A_359, %dma_start3A_360] : memref<2x128xi32, #tpu.memory_space<vmem>> -> memref<1x128xi32, #tpu.memory_space<vmem>>
        %dma_start3A_362 = tpu.memref_squeeze %dma_start3A_361 : memref<1x128xi32, #tpu.memory_space<vmem>> -> memref<128xi32, #tpu.memory_space<vmem>>
        %dma_start3A_363 = arith.constant 0 : i32
        %dma_start3A_364 = arith.constant 0 : i32
        %dma_start3A_365 = tpu.memref_slice %arg15[%dma_start3A_363, %dma_start3A_364] : memref<50000x64xbf16, #tpu.memory_space<vmem_shared>> -> memref<50000x64xbf16, #tpu.memory_space<vmem_shared>>
        tpu.enqueue_indirect_dma source(%dma_start3A_365 : memref<50000x64xbf16, #tpu.memory_space<vmem_shared>>) target(%arg11 : memref<128x64xbf16, #tpu.memory_space<vmem>>) offsets(%dma_start3A_362 : memref<128xi32, #tpu.memory_space<vmem>>) semaphore(%arg22 : memref<!tpu.dma_semaphore, #tpu.memory_space<semaphore_mem>>)
        %dma_start3A_366 = arith.constant 1 : i32
        %dma_start3A_367 = arith.constant 0 : i32
        %dma_start3A_368 = tpu.memref_slice %arg8[%dma_start3A_366, %dma_start3A_367] : memref<2x128xi32, #tpu.memory_space<vmem>> -> memref<1x128xi32, #tpu.memory_space<vmem>>
        %dma_start3A_369 = tpu.memref_squeeze %dma_start3A_368 : memref<1x128xi32, #tpu.memory_space<vmem>> -> memref<128xi32, #tpu.memory_space<vmem>>
        %dma_start3A_370 = arith.constant 0 : i32
        %dma_start3A_371 = arith.constant 0 : i32
        %dma_start3A_372 = tpu.memref_slice %arg15[%dma_start3A_370, %dma_start3A_371] : memref<50000x64xbf16, #tpu.memory_space<vmem_shared>> -> memref<50000x64xbf16, #tpu.memory_space<vmem_shared>>
        tpu.enqueue_indirect_dma source(%dma_start3A_372 : memref<50000x64xbf16, #tpu.memory_space<vmem_shared>>) target(%arg12 : memref<128x64xbf16, #tpu.memory_space<vmem>>) offsets(%dma_start3A_369 : memref<128xi32, #tpu.memory_space<vmem>>) semaphore(%arg23 : memref<!tpu.dma_semaphore, #tpu.memory_space<semaphore_mem>>)
      } else {
      }
      %mul3A_237 = arith.constant 4 : i32
      %mul3A_238 = arith.muli %scan3A_131, %mul3A_237 : i32
      %add3A_239 = arith.constant 2 : i32
      %add3A_240 = arith.addi %mul3A_238, %add3A_239 : i32
      %dma_wait3A_241 = arith.constant 0 : i32
      %dma_wait3A_242 = arith.constant 0 : i32
      %dma_wait3A_243 = tpu.memref_slice %arg7[%dma_wait3A_241, %dma_wait3A_242] : memref<2x128xi32, #tpu.memory_space<vmem>> -> memref<1x128xi32, #tpu.memory_space<vmem>>
      %dma_wait3A_244 = tpu.memref_squeeze %dma_wait3A_243 : memref<1x128xi32, #tpu.memory_space<vmem>> -> memref<128xi32, #tpu.memory_space<vmem>>
      %dma_wait3A_245 = arith.constant 0 : i32
      %dma_wait3A_246 = arith.constant 0 : i32
      %dma_wait3A_247 = tpu.memref_slice %arg15[%dma_wait3A_245, %dma_wait3A_246] : memref<50000x64xbf16, #tpu.memory_space<vmem_shared>> -> memref<50000x64xbf16, #tpu.memory_space<vmem_shared>>
      tpu.wait_indirect_dma semaphore(%arg20 : memref<!tpu.dma_semaphore, #tpu.memory_space<semaphore_mem>>) src(%dma_wait3A_247 : memref<50000x64xbf16, #tpu.memory_space<vmem_shared>>) dst(%arg9 : memref<128x64xbf16, #tpu.memory_space<vmem>>)
      %dma_wait3A_248 = arith.constant 1 : i32
      %dma_wait3A_249 = arith.constant 0 : i32
      %dma_wait3A_250 = tpu.memref_slice %arg7[%dma_wait3A_248, %dma_wait3A_249] : memref<2x128xi32, #tpu.memory_space<vmem>> -> memref<1x128xi32, #tpu.memory_space<vmem>>
      %dma_wait3A_251 = tpu.memref_squeeze %dma_wait3A_250 : memref<1x128xi32, #tpu.memory_space<vmem>> -> memref<128xi32, #tpu.memory_space<vmem>>
      %dma_wait3A_252 = arith.constant 0 : i32
      %dma_wait3A_253 = arith.constant 0 : i32
      %dma_wait3A_254 = tpu.memref_slice %arg15[%dma_wait3A_252, %dma_wait3A_253] : memref<50000x64xbf16, #tpu.memory_space<vmem_shared>> -> memref<50000x64xbf16, #tpu.memory_space<vmem_shared>>
      tpu.wait_indirect_dma semaphore(%arg21 : memref<!tpu.dma_semaphore, #tpu.memory_space<semaphore_mem>>) src(%dma_wait3A_254 : memref<50000x64xbf16, #tpu.memory_space<vmem_shared>>) dst(%arg10 : memref<128x64xbf16, #tpu.memory_space<vmem>>)
      %add3A_255 = arith.constant 4 : i32
      %add3A_256 = arith.addi %add3A_240, %add3A_255 : i32
      %lt3A_257 = arith.constant 196 : i32
      %lt3A_258 = arith.cmpi slt, %add3A_256, %lt3A_257 : i32
      %convert_element_type3A_259 = arith.extui %lt3A_258 : i1 to i32
      %cond3A_260 = arith.constant 0 : i32
      %cond3A_261 = arith.cmpi ne, %convert_element_type3A_259, %cond3A_260 : i32
      scf.if %cond3A_261 {
        %add3A_344 = arith.constant 4 : i32
        %add3A_345 = arith.addi %add3A_240, %add3A_344 : i32
        %mul3A_346 = arith.constant 196 : i32
        %mul3A_347 = arith.muli %add3A, %mul3A_346 : i32
        %add3A_348 = arith.addi %mul3A_347, %add3A_345 : i32
        %dma_start3A_349 = arith.constant 0 : i32
        %dma_start3A_350 = arith.constant 0 : i32
        %dma_start3A_351 = tpu.memref_slice %arg2[%add3A_348, %dma_start3A_349, %dma_start3A_350] : memref<6272x2x128xi32, #tpu.memory_space<hbm>> -> memref<1x2x128xi32, #tpu.memory_space<hbm>>
        %dma_start3A_352 = tpu.memref_squeeze %dma_start3A_351 : memref<1x2x128xi32, #tpu.memory_space<hbm>> -> memref<2x128xi32, #tpu.memory_space<hbm>>
        %dma_start3A_353 = arith.constant 0 : i32
        %dma_start3A_354 = arith.constant 0 : i32
        %dma_start3A_355 = tpu.memref_slice %arg2[%add3A_348, %dma_start3A_353, %dma_start3A_354] : memref<6272x2x128xi32, #tpu.memory_space<hbm>> -> memref<1x2x128xi32, #tpu.memory_space<hbm>>
        %dma_start3A_356 = tpu.memref_squeeze %dma_start3A_355 : memref<1x2x128xi32, #tpu.memory_space<hbm>> -> memref<2x128xi32, #tpu.memory_space<hbm>>
        tpu.enqueue_dma source(%dma_start3A_356 : memref<2x128xi32, #tpu.memory_space<hbm>>) target(%arg7 : memref<2x128xi32, #tpu.memory_space<vmem>>) target_semaphore(%arg18 : memref<!tpu.dma_semaphore, #tpu.memory_space<semaphore_mem>>)
      } else {
      }
      %ge3A_262 = arith.constant 2 : i32
      %ge3A_263 = arith.cmpi sge, %add3A_240, %ge3A_262 : i32
      %convert_element_type3A_264 = arith.extui %ge3A_263 : i1 to i32
      %cond3A_265 = arith.constant 0 : i32
      %cond3A_266 = arith.cmpi ne, %convert_element_type3A_264, %cond3A_265 : i32
      scf.if %cond3A_266 {
        %sub3A = arith.constant 2 : i32
        %sub3A_344 = arith.subi %add3A_240, %sub3A : i32
        %mul3A_345 = arith.constant 196 : i32
        %mul3A_346 = arith.muli %add3A, %mul3A_345 : i32
        %add3A_347 = arith.addi %mul3A_346, %sub3A_344 : i32
        %dma_wait3A_348 = arith.constant 0 : i32
        %dma_wait3A_349 = tpu.memref_slice %arg4[%add3A_347, %dma_wait3A_348] : memref<6272x128xf32, #tpu.memory_space<hbm>> -> memref<1x128xf32, #tpu.memory_space<hbm>>
        %dma_wait3A_350 = tpu.memref_squeeze %dma_wait3A_349 : memref<1x128xf32, #tpu.memory_space<hbm>> -> memref<128xf32, #tpu.memory_space<hbm>>
        %dma_wait3A_351 = arith.constant 0 : i32
        %dma_wait3A_352 = tpu.memref_slice %arg4[%add3A_347, %dma_wait3A_351] : memref<6272x128xf32, #tpu.memory_space<hbm>> -> memref<1x128xf32, #tpu.memory_space<hbm>>
        %dma_wait3A_353 = tpu.memref_squeeze %dma_wait3A_352 : memref<1x128xf32, #tpu.memory_space<hbm>> -> memref<128xf32, #tpu.memory_space<hbm>>
        tpu.wait_dma2 semaphore(%arg24 : memref<!tpu.dma_semaphore, #tpu.memory_space<semaphore_mem>>) src(%arg13 : memref<128xf32, #tpu.memory_space<vmem>>) dst(%dma_wait3A_353 : memref<128xf32, #tpu.memory_space<hbm>>)
      } else {
      }
      %scan3A_267 = arith.constant 0 : i32
      %scan3A_268 = arith.constant 0 : i32
      %scan3A_269 = arith.constant 8 : i32
      %scan3A_270 = arith.addi %scan3A_268, %scan3A_269 : i32
      %scan3A_271 = arith.constant 1 : i32
      %scan3A_272 = scf.for %scan3A_344 = %scan3A_268 to %scan3A_270 step %scan3A_271 iter_args(%scan3A_345 = %scan3A_267) -> (i32)  : i32 {
        %mul3A_346 = arith.constant 16 : i32
        %mul3A_347 = arith.muli %scan3A_344, %mul3A_346 : i32
        %broadcast_in_dim3A = arith.constant 0.000000e+00 : f32
        %broadcast_in_dim3A_348 = vector.broadcast %broadcast_in_dim3A : f32 to vector<16xf32>
        %add3A_349 = arith.constant 0 : i32
        %add3A_350 = arith.addi %mul3A_347, %add3A_349 : i32
        %add3A_351 = arith.constant 0 : i32
        %add3A_352 = arith.addi %add3A_350, %add3A_351 : i32
        %add3A_353 = arith.constant 0 : i32
        %add3A_354 = arith.addi %mul3A_347, %add3A_353 : i32
        %add3A_355 = arith.constant 0 : i32
        %add3A_356 = arith.addi %add3A_354, %add3A_355 : i32
        %get3A = arith.constant 0 : i32
        %get3A_357 = tpu.memref_slice %arg9[%add3A_352, %get3A] : memref<128x64xbf16, #tpu.memory_space<vmem>> -> memref<1x64xbf16, #tpu.memory_space<vmem>>
        %get3A_358 = tpu.memref_squeeze %get3A_357 : memref<1x64xbf16, #tpu.memory_space<vmem>> -> memref<64xbf16, #tpu.memory_space<vmem>>
        %get3A_359 = arith.constant 0 : index
        %get3A_360 = tpu.vector_load %get3A_358[%get3A_359] {strides = array<i32>} : memref<64xbf16, #tpu.memory_space<vmem>>, vector<32xbf16>,
        %get3A_361 = arith.constant 0 : i32
        %get3A_362 = tpu.memref_slice %arg9[%add3A_352, %get3A_361] : memref<128x64xbf16, #tpu.memory_space<vmem>> -> memref<1x64xbf16, #tpu.memory_space<vmem>>
        %get3A_363 = tpu.memref_squeeze %get3A_362 : memref<1x64xbf16, #tpu.memory_space<vmem>> -> memref<64xbf16, #tpu.memory_space<vmem>>
        %get3A_364 = arith.constant 32 : index
        %get3A_365 = tpu.vector_load %get3A_363[%get3A_364] {strides = array<i32>} : memref<64xbf16, #tpu.memory_space<vmem>>, vector<32xbf16>,
        %get3A_366 = arith.constant 0 : i32
        %get3A_367 = tpu.memref_slice %arg10[%add3A_356, %get3A_366] : memref<128x64xbf16, #tpu.memory_space<vmem>> -> memref<1x64xbf16, #tpu.memory_space<vmem>>
        %get3A_368 = tpu.memref_squeeze %get3A_367 : memref<1x64xbf16, #tpu.memory_space<vmem>> -> memref<64xbf16, #tpu.memory_space<vmem>>
        %get3A_369 = arith.constant 0 : index
        %get3A_370 = tpu.vector_load %get3A_368[%get3A_369] {strides = array<i32>} : memref<64xbf16, #tpu.memory_space<vmem>>, vector<32xbf16>,
        %get3A_371 = arith.constant 0 : i32
        %get3A_372 = tpu.memref_slice %arg10[%add3A_356, %get3A_371] : memref<128x64xbf16, #tpu.memory_space<vmem>> -> memref<1x64xbf16, #tpu.memory_space<vmem>>
        %get3A_373 = tpu.memref_squeeze %get3A_372 : memref<1x64xbf16, #tpu.memory_space<vmem>> -> memref<64xbf16, #tpu.memory_space<vmem>>
        %get3A_374 = arith.constant 32 : index
        %get3A_375 = tpu.vector_load %get3A_373[%get3A_374] {strides = array<i32>} : memref<64xbf16, #tpu.memory_space<vmem>>, vector<32xbf16>,
        %add3A_376 = arith.constant 0 : i32
        %add3A_377 = arith.addi %mul3A_347, %add3A_376 : i32
        %add3A_378 = arith.constant 1 : i32
        %add3A_379 = arith.addi %add3A_377, %add3A_378 : i32
        %add3A_380 = arith.constant 0 : i32
        %add3A_381 = arith.addi %mul3A_347, %add3A_380 : i32
        %add3A_382 = arith.constant 1 : i32
        %add3A_383 = arith.addi %add3A_381, %add3A_382 : i32
        %get3A_384 = arith.constant 0 : i32
        %get3A_385 = tpu.memref_slice %arg9[%add3A_379, %get3A_384] : memref<128x64xbf16, #tpu.memory_space<vmem>> -> memref<1x64xbf16, #tpu.memory_space<vmem>>
        %get3A_386 = tpu.memref_squeeze %get3A_385 : memref<1x64xbf16, #tpu.memory_space<vmem>> -> memref<64xbf16, #tpu.memory_space<vmem>>
        %get3A_387 = arith.constant 0 : index
        %get3A_388 = tpu.vector_load %get3A_386[%get3A_387] {strides = array<i32>} : memref<64xbf16, #tpu.memory_space<vmem>>, vector<32xbf16>,
        %get3A_389 = arith.constant 0 : i32
        %get3A_390 = tpu.memref_slice %arg9[%add3A_379, %get3A_389] : memref<128x64xbf16, #tpu.memory_space<vmem>> -> memref<1x64xbf16, #tpu.memory_space<vmem>>
        %get3A_391 = tpu.memref_squeeze %get3A_390 : memref<1x64xbf16, #tpu.memory_space<vmem>> -> memref<64xbf16, #tpu.memory_space<vmem>>
        %get3A_392 = arith.constant 32 : index
        %get3A_393 = tpu.vector_load %get3A_391[%get3A_392] {strides = array<i32>} : memref<64xbf16, #tpu.memory_space<vmem>>, vector<32xbf16>,
        %get3A_394 = arith.constant 0 : i32
        %get3A_395 = tpu.memref_slice %arg10[%add3A_383, %get3A_394] : memref<128x64xbf16, #tpu.memory_space<vmem>> -> memref<1x64xbf16, #tpu.memory_space<vmem>>
        %get3A_396 = tpu.memref_squeeze %get3A_395 : memref<1x64xbf16, #tpu.memory_space<vmem>> -> memref<64xbf16, #tpu.memory_space<vmem>>
        %get3A_397 = arith.constant 0 : index
        %get3A_398 = tpu.vector_load %get3A_396[%get3A_397] {strides = array<i32>} : memref<64xbf16, #tpu.memory_space<vmem>>, vector<32xbf16>,
        %get3A_399 = arith.constant 0 : i32
        %get3A_400 = tpu.memref_slice %arg10[%add3A_383, %get3A_399] : memref<128x64xbf16, #tpu.memory_space<vmem>> -> memref<1x64xbf16, #tpu.memory_space<vmem>>
        %get3A_401 = tpu.memref_squeeze %get3A_400 : memref<1x64xbf16, #tpu.memory_space<vmem>> -> memref<64xbf16, #tpu.memory_space<vmem>>
        %get3A_402 = arith.constant 32 : index
        %get3A_403 = tpu.vector_load %get3A_401[%get3A_402] {strides = array<i32>} : memref<64xbf16, #tpu.memory_space<vmem>>, vector<32xbf16>,
        %add3A_404 = arith.constant 0 : i32
        %add3A_405 = arith.addi %mul3A_347, %add3A_404 : i32
        %add3A_406 = arith.constant 2 : i32
        %add3A_407 = arith.addi %add3A_405, %add3A_406 : i32
        %add3A_408 = arith.constant 0 : i32
        %add3A_409 = arith.addi %mul3A_347, %add3A_408 : i32
        %add3A_410 = arith.constant 2 : i32
        %add3A_411 = arith.addi %add3A_409, %add3A_410 : i32
        %get3A_412 = arith.constant 0 : i32
        %get3A_413 = tpu.memref_slice %arg9[%add3A_407, %get3A_412] : memref<128x64xbf16, #tpu.memory_space<vmem>> -> memref<1x64xbf16, #tpu.memory_space<vmem>>
        %get3A_414 = tpu.memref_squeeze %get3A_413 : memref<1x64xbf16, #tpu.memory_space<vmem>> -> memref<64xbf16, #tpu.memory_space<vmem>>
        %get3A_415 = arith.constant 0 : index
        %get3A_416 = tpu.vector_load %get3A_414[%get3A_415] {strides = array<i32>} : memref<64xbf16, #tpu.memory_space<vmem>>, vector<32xbf16>,
        %get3A_417 = arith.constant 0 : i32
        %get3A_418 = tpu.memref_slice %arg9[%add3A_407, %get3A_417] : memref<128x64xbf16, #tpu.memory_space<vmem>> -> memref<1x64xbf16, #tpu.memory_space<vmem>>
        %get3A_419 = tpu.memref_squeeze %get3A_418 : memref<1x64xbf16, #tpu.memory_space<vmem>> -> memref<64xbf16, #tpu.memory_space<vmem>>
        %get3A_420 = arith.constant 32 : index
        %get3A_421 = tpu.vector_load %get3A_419[%get3A_420] {strides = array<i32>} : memref<64xbf16, #tpu.memory_space<vmem>>, vector<32xbf16>,
        %get3A_422 = arith.constant 0 : i32
        %get3A_423 = tpu.memref_slice %arg10[%add3A_411, %get3A_422] : memref<128x64xbf16, #tpu.memory_space<vmem>> -> memref<1x64xbf16, #tpu.memory_space<vmem>>
        %get3A_424 = tpu.memref_squeeze %get3A_423 : memref<1x64xbf16, #tpu.memory_space<vmem>> -> memref<64xbf16, #tpu.memory_space<vmem>>
        %get3A_425 = arith.constant 0 : index
        %get3A_426 = tpu.vector_load %get3A_424[%get3A_425] {strides = array<i32>} : memref<64xbf16, #tpu.memory_space<vmem>>, vector<32xbf16>,
        %get3A_427 = arith.constant 0 : i32
        %get3A_428 = tpu.memref_slice %arg10[%add3A_411, %get3A_427] : memref<128x64xbf16, #tpu.memory_space<vmem>> -> memref<1x64xbf16, #tpu.memory_space<vmem>>
        %get3A_429 = tpu.memref_squeeze %get3A_428 : memref<1x64xbf16, #tpu.memory_space<vmem>> -> memref<64xbf16, #tpu.memory_space<vmem>>
        %get3A_430 = arith.constant 32 : index
        %get3A_431 = tpu.vector_load %get3A_429[%get3A_430] {strides = array<i32>} : memref<64xbf16, #tpu.memory_space<vmem>>, vector<32xbf16>,
        %add3A_432 = arith.constant 0 : i32
        %add3A_433 = arith.addi %mul3A_347, %add3A_432 : i32
        %add3A_434 = arith.constant 3 : i32
        %add3A_435 = arith.addi %add3A_433, %add3A_434 : i32
        %add3A_436 = arith.constant 0 : i32
        %add3A_437 = arith.addi %mul3A_347, %add3A_436 : i32
        %add3A_438 = arith.constant 3 : i32
        %add3A_439 = arith.addi %add3A_437, %add3A_438 : i32
        %get3A_440 = arith.constant 0 : i32
        %get3A_441 = tpu.memref_slice %arg9[%add3A_435, %get3A_440] : memref<128x64xbf16, #tpu.memory_space<vmem>> -> memref<1x64xbf16, #tpu.memory_space<vmem>>
        %get3A_442 = tpu.memref_squeeze %get3A_441 : memref<1x64xbf16, #tpu.memory_space<vmem>> -> memref<64xbf16, #tpu.memory_space<vmem>>
        %get3A_443 = arith.constant 0 : index
        %get3A_444 = tpu.vector_load %get3A_442[%get3A_443] {strides = array<i32>} : memref<64xbf16, #tpu.memory_space<vmem>>, vector<32xbf16>,
        %get3A_445 = arith.constant 0 : i32
        %get3A_446 = tpu.memref_slice %arg9[%add3A_435, %get3A_445] : memref<128x64xbf16, #tpu.memory_space<vmem>> -> memref<1x64xbf16, #tpu.memory_space<vmem>>
        %get3A_447 = tpu.memref_squeeze %get3A_446 : memref<1x64xbf16, #tpu.memory_space<vmem>> -> memref<64xbf16, #tpu.memory_space<vmem>>
        %get3A_448 = arith.constant 32 : index
        %get3A_449 = tpu.vector_load %get3A_447[%get3A_448] {strides = array<i32>} : memref<64xbf16, #tpu.memory_space<vmem>>, vector<32xbf16>,
        %get3A_450 = arith.constant 0 : i32
        %get3A_451 = tpu.memref_slice %arg10[%add3A_439, %get3A_450] : memref<128x64xbf16, #tpu.memory_space<vmem>> -> memref<1x64xbf16, #tpu.memory_space<vmem>>
        %get3A_452 = tpu.memref_squeeze %get3A_451 : memref<1x64xbf16, #tpu.memory_space<vmem>> -> memref<64xbf16, #tpu.memory_space<vmem>>
        %get3A_453 = arith.constant 0 : index
        %get3A_454 = tpu.vector_load %get3A_452[%get3A_453] {strides = array<i32>} : memref<64xbf16, #tpu.memory_space<vmem>>, vector<32xbf16>,
        %get3A_455 = arith.constant 0 : i32
        %get3A_456 = tpu.memref_slice %arg10[%add3A_439, %get3A_455] : memref<128x64xbf16, #tpu.memory_space<vmem>> -> memref<1x64xbf16, #tpu.memory_space<vmem>>
        %get3A_457 = tpu.memref_squeeze %get3A_456 : memref<1x64xbf16, #tpu.memory_space<vmem>> -> memref<64xbf16, #tpu.memory_space<vmem>>
        %get3A_458 = arith.constant 32 : index
        %get3A_459 = tpu.vector_load %get3A_457[%get3A_458] {strides = array<i32>} : memref<64xbf16, #tpu.memory_space<vmem>>, vector<32xbf16>,
        %add3A_460 = arith.constant 0 : i32
        %add3A_461 = arith.addi %mul3A_347, %add3A_460 : i32
        %add3A_462 = arith.constant 4 : i32
        %add3A_463 = arith.addi %add3A_461, %add3A_462 : i32
        %add3A_464 = arith.constant 0 : i32
        %add3A_465 = arith.addi %mul3A_347, %add3A_464 : i32
        %add3A_466 = arith.constant 4 : i32
        %add3A_467 = arith.addi %add3A_465, %add3A_466 : i32
        %get3A_468 = arith.constant 0 : i32
        %get3A_469 = tpu.memref_slice %arg9[%add3A_463, %get3A_468] : memref<128x64xbf16, #tpu.memory_space<vmem>> -> memref<1x64xbf16, #tpu.memory_space<vmem>>
        %get3A_470 = tpu.memref_squeeze %get3A_469 : memref<1x64xbf16, #tpu.memory_space<vmem>> -> memref<64xbf16, #tpu.memory_space<vmem>>
        %get3A_471 = arith.constant 0 : index
        %get3A_472 = tpu.vector_load %get3A_470[%get3A_471] {strides = array<i32>} : memref<64xbf16, #tpu.memory_space<vmem>>, vector<32xbf16>,
        %get3A_473 = arith.constant 0 : i32
        %get3A_474 = tpu.memref_slice %arg9[%add3A_463, %get3A_473] : memref<128x64xbf16, #tpu.memory_space<vmem>> -> memref<1x64xbf16, #tpu.memory_space<vmem>>
        %get3A_475 = tpu.memref_squeeze %get3A_474 : memref<1x64xbf16, #tpu.memory_space<vmem>> -> memref<64xbf16, #tpu.memory_space<vmem>>
        %get3A_476 = arith.constant 32 : index
        %get3A_477 = tpu.vector_load %get3A_475[%get3A_476] {strides = array<i32>} : memref<64xbf16, #tpu.memory_space<vmem>>, vector<32xbf16>,
        %get3A_478 = arith.constant 0 : i32
        %get3A_479 = tpu.memref_slice %arg10[%add3A_467, %get3A_478] : memref<128x64xbf16, #tpu.memory_space<vmem>> -> memref<1x64xbf16, #tpu.memory_space<vmem>>
        %get3A_480 = tpu.memref_squeeze %get3A_479 : memref<1x64xbf16, #tpu.memory_space<vmem>> -> memref<64xbf16, #tpu.memory_space<vmem>>
        %get3A_481 = arith.constant 0 : index
        %get3A_482 = tpu.vector_load %get3A_480[%get3A_481] {strides = array<i32>} : memref<64xbf16, #tpu.memory_space<vmem>>, vector<32xbf16>,
        %get3A_483 = arith.constant 0 : i32
        %get3A_484 = tpu.memref_slice %arg10[%add3A_467, %get3A_483] : memref<128x64xbf16, #tpu.memory_space<vmem>> -> memref<1x64xbf16, #tpu.memory_space<vmem>>
        %get3A_485 = tpu.memref_squeeze %get3A_484 : memref<1x64xbf16, #tpu.memory_space<vmem>> -> memref<64xbf16, #tpu.memory_space<vmem>>
        %get3A_486 = arith.constant 32 : index
        %get3A_487 = tpu.vector_load %get3A_485[%get3A_486] {strides = array<i32>} : memref<64xbf16, #tpu.memory_space<vmem>>, vector<32xbf16>,
        %add3A_488 = arith.constant 0 : i32
        %add3A_489 = arith.addi %mul3A_347, %add3A_488 : i32
        %add3A_490 = arith.constant 5 : i32
        %add3A_491 = arith.addi %add3A_489, %add3A_490 : i32
        %add3A_492 = arith.constant 0 : i32
        %add3A_493 = arith.addi %mul3A_347, %add3A_492 : i32
        %add3A_494 = arith.constant 5 : i32
        %add3A_495 = arith.addi %add3A_493, %add3A_494 : i32
        %get3A_496 = arith.constant 0 : i32
        %get3A_497 = tpu.memref_slice %arg9[%add3A_491, %get3A_496] : memref<128x64xbf16, #tpu.memory_space<vmem>> -> memref<1x64xbf16, #tpu.memory_space<vmem>>
        %get3A_498 = tpu.memref_squeeze %get3A_497 : memref<1x64xbf16, #tpu.memory_space<vmem>> -> memref<64xbf16, #tpu.memory_space<vmem>>
        %get3A_499 = arith.constant 0 : index
        %get3A_500 = tpu.vector_load %get3A_498[%get3A_499] {strides = array<i32>} : memref<64xbf16, #tpu.memory_space<vmem>>, vector<32xbf16>,
        %get3A_501 = arith.constant 0 : i32
        %get3A_502 = tpu.memref_slice %arg9[%add3A_491, %get3A_501] : memref<128x64xbf16, #tpu.memory_space<vmem>> -> memref<1x64xbf16, #tpu.memory_space<vmem>>
        %get3A_503 = tpu.memref_squeeze %get3A_502 : memref<1x64xbf16, #tpu.memory_space<vmem>> -> memref<64xbf16, #tpu.memory_space<vmem>>
        %get3A_504 = arith.constant 32 : index
        %get3A_505 = tpu.vector_load %get3A_503[%get3A_504] {strides = array<i32>} : memref<64xbf16, #tpu.memory_space<vmem>>, vector<32xbf16>,
        %get3A_506 = arith.constant 0 : i32
        %get3A_507 = tpu.memref_slice %arg10[%add3A_495, %get3A_506] : memref<128x64xbf16, #tpu.memory_space<vmem>> -> memref<1x64xbf16, #tpu.memory_space<vmem>>
        %get3A_508 = tpu.memref_squeeze %get3A_507 : memref<1x64xbf16, #tpu.memory_space<vmem>> -> memref<64xbf16, #tpu.memory_space<vmem>>
        %get3A_509 = arith.constant 0 : index
        %get3A_510 = tpu.vector_load %get3A_508[%get3A_509] {strides = array<i32>} : memref<64xbf16, #tpu.memory_space<vmem>>, vector<32xbf16>,
        %get3A_511 = arith.constant 0 : i32
        %get3A_512 = tpu.memref_slice %arg10[%add3A_495, %get3A_511] : memref<128x64xbf16, #tpu.memory_space<vmem>> -> memref<1x64xbf16, #tpu.memory_space<vmem>>
        %get3A_513 = tpu.memref_squeeze %get3A_512 : memref<1x64xbf16, #tpu.memory_space<vmem>> -> memref<64xbf16, #tpu.memory_space<vmem>>
        %get3A_514 = arith.constant 32 : index
        %get3A_515 = tpu.vector_load %get3A_513[%get3A_514] {strides = array<i32>} : memref<64xbf16, #tpu.memory_space<vmem>>, vector<32xbf16>,
        %add3A_516 = arith.constant 0 : i32
        %add3A_517 = arith.addi %mul3A_347, %add3A_516 : i32
        %add3A_518 = arith.constant 6 : i32
        %add3A_519 = arith.addi %add3A_517, %add3A_518 : i32
        %add3A_520 = arith.constant 0 : i32
        %add3A_521 = arith.addi %mul3A_347, %add3A_520 : i32
        %add3A_522 = arith.constant 6 : i32
        %add3A_523 = arith.addi %add3A_521, %add3A_522 : i32
        %get3A_524 = arith.constant 0 : i32
        %get3A_525 = tpu.memref_slice %arg9[%add3A_519, %get3A_524] : memref<128x64xbf16, #tpu.memory_space<vmem>> -> memref<1x64xbf16, #tpu.memory_space<vmem>>
        %get3A_526 = tpu.memref_squeeze %get3A_525 : memref<1x64xbf16, #tpu.memory_space<vmem>> -> memref<64xbf16, #tpu.memory_space<vmem>>
        %get3A_527 = arith.constant 0 : index
        %get3A_528 = tpu.vector_load %get3A_526[%get3A_527] {strides = array<i32>} : memref<64xbf16, #tpu.memory_space<vmem>>, vector<32xbf16>,
        %get3A_529 = arith.constant 0 : i32
        %get3A_530 = tpu.memref_slice %arg9[%add3A_519, %get3A_529] : memref<128x64xbf16, #tpu.memory_space<vmem>> -> memref<1x64xbf16, #tpu.memory_space<vmem>>
        %get3A_531 = tpu.memref_squeeze %get3A_530 : memref<1x64xbf16, #tpu.memory_space<vmem>> -> memref<64xbf16, #tpu.memory_space<vmem>>
        %get3A_532 = arith.constant 32 : index
        %get3A_533 = tpu.vector_load %get3A_531[%get3A_532] {strides = array<i32>} : memref<64xbf16, #tpu.memory_space<vmem>>, vector<32xbf16>,
        %get3A_534 = arith.constant 0 : i32
        %get3A_535 = tpu.memref_slice %arg10[%add3A_523, %get3A_534] : memref<128x64xbf16, #tpu.memory_space<vmem>> -> memref<1x64xbf16, #tpu.memory_space<vmem>>
        %get3A_536 = tpu.memref_squeeze %get3A_535 : memref<1x64xbf16, #tpu.memory_space<vmem>> -> memref<64xbf16, #tpu.memory_space<vmem>>
        %get3A_537 = arith.constant 0 : index
        %get3A_538 = tpu.vector_load %get3A_536[%get3A_537] {strides = array<i32>} : memref<64xbf16, #tpu.memory_space<vmem>>, vector<32xbf16>,
        %get3A_539 = arith.constant 0 : i32
        %get3A_540 = tpu.memref_slice %arg10[%add3A_523, %get3A_539] : memref<128x64xbf16, #tpu.memory_space<vmem>> -> memref<1x64xbf16, #tpu.memory_space<vmem>>
        %get3A_541 = tpu.memref_squeeze %get3A_540 : memref<1x64xbf16, #tpu.memory_space<vmem>> -> memref<64xbf16, #tpu.memory_space<vmem>>
        %get3A_542 = arith.constant 32 : index
        %get3A_543 = tpu.vector_load %get3A_541[%get3A_542] {strides = array<i32>} : memref<64xbf16, #tpu.memory_space<vmem>>, vector<32xbf16>,
        %add3A_544 = arith.constant 0 : i32
        %add3A_545 = arith.addi %mul3A_347, %add3A_544 : i32
        %add3A_546 = arith.constant 7 : i32
        %add3A_547 = arith.addi %add3A_545, %add3A_546 : i32
        %add3A_548 = arith.constant 0 : i32
        %add3A_549 = arith.addi %mul3A_347, %add3A_548 : i32
        %add3A_550 = arith.constant 7 : i32
        %add3A_551 = arith.addi %add3A_549, %add3A_550 : i32
        %get3A_552 = arith.constant 0 : i32
        %get3A_553 = tpu.memref_slice %arg9[%add3A_547, %get3A_552] : memref<128x64xbf16, #tpu.memory_space<vmem>> -> memref<1x64xbf16, #tpu.memory_space<vmem>>
        %get3A_554 = tpu.memref_squeeze %get3A_553 : memref<1x64xbf16, #tpu.memory_space<vmem>> -> memref<64xbf16, #tpu.memory_space<vmem>>
        %get3A_555 = arith.constant 0 : index
        %get3A_556 = tpu.vector_load %get3A_554[%get3A_555] {strides = array<i32>} : memref<64xbf16, #tpu.memory_space<vmem>>, vector<32xbf16>,
        %get3A_557 = arith.constant 0 : i32
        %get3A_558 = tpu.memref_slice %arg9[%add3A_547, %get3A_557] : memref<128x64xbf16, #tpu.memory_space<vmem>> -> memref<1x64xbf16, #tpu.memory_space<vmem>>
        %get3A_559 = tpu.memref_squeeze %get3A_558 : memref<1x64xbf16, #tpu.memory_space<vmem>> -> memref<64xbf16, #tpu.memory_space<vmem>>
        %get3A_560 = arith.constant 32 : index
        %get3A_561 = tpu.vector_load %get3A_559[%get3A_560] {strides = array<i32>} : memref<64xbf16, #tpu.memory_space<vmem>>, vector<32xbf16>,
        %get3A_562 = arith.constant 0 : i32
        %get3A_563 = tpu.memref_slice %arg10[%add3A_551, %get3A_562] : memref<128x64xbf16, #tpu.memory_space<vmem>> -> memref<1x64xbf16, #tpu.memory_space<vmem>>
        %get3A_564 = tpu.memref_squeeze %get3A_563 : memref<1x64xbf16, #tpu.memory_space<vmem>> -> memref<64xbf16, #tpu.memory_space<vmem>>
        %get3A_565 = arith.constant 0 : index
        %get3A_566 = tpu.vector_load %get3A_564[%get3A_565] {strides = array<i32>} : memref<64xbf16, #tpu.memory_space<vmem>>, vector<32xbf16>,
        %get3A_567 = arith.constant 0 : i32
        %get3A_568 = tpu.memref_slice %arg10[%add3A_551, %get3A_567] : memref<128x64xbf16, #tpu.memory_space<vmem>> -> memref<1x64xbf16, #tpu.memory_space<vmem>>
        %get3A_569 = tpu.memref_squeeze %get3A_568 : memref<1x64xbf16, #tpu.memory_space<vmem>> -> memref<64xbf16, #tpu.memory_space<vmem>>
        %get3A_570 = arith.constant 32 : index
        %get3A_571 = tpu.vector_load %get3A_569[%get3A_570] {strides = array<i32>} : memref<64xbf16, #tpu.memory_space<vmem>>, vector<32xbf16>,
        %mul3A_572 = arith.mulf %get3A_360, %get3A_370 : vector<32xbf16>
        %mul3A_573 = arith.mulf %get3A_365, %get3A_375 : vector<32xbf16>
        %add3A_574 = arith.addf %mul3A_572, %mul3A_573 : vector<32xbf16>
        %mul3A_575 = arith.mulf %get3A_388, %get3A_398 : vector<32xbf16>
        %mul3A_576 = arith.mulf %get3A_393, %get3A_403 : vector<32xbf16>
        %add3A_577 = arith.addf %mul3A_575, %mul3A_576 : vector<32xbf16>
        %mul3A_578 = arith.mulf %get3A_416, %get3A_426 : vector<32xbf16>
        %mul3A_579 = arith.mulf %get3A_421, %get3A_431 : vector<32xbf16>
        %add3A_580 = arith.addf %mul3A_578, %mul3A_579 : vector<32xbf16>
        %mul3A_581 = arith.mulf %get3A_444, %get3A_454 : vector<32xbf16>
        %mul3A_582 = arith.mulf %get3A_449, %get3A_459 : vector<32xbf16>
        %add3A_583 = arith.addf %mul3A_581, %mul3A_582 : vector<32xbf16>
        %mul3A_584 = arith.mulf %get3A_472, %get3A_482 : vector<32xbf16>
        %mul3A_585 = arith.mulf %get3A_477, %get3A_487 : vector<32xbf16>
        %add3A_586 = arith.addf %mul3A_584, %mul3A_585 : vector<32xbf16>
        %mul3A_587 = arith.mulf %get3A_500, %get3A_510 : vector<32xbf16>
        %mul3A_588 = arith.mulf %get3A_505, %get3A_515 : vector<32xbf16>
        %add3A_589 = arith.addf %mul3A_587, %mul3A_588 : vector<32xbf16>
        %mul3A_590 = arith.mulf %get3A_528, %get3A_538 : vector<32xbf16>
        %mul3A_591 = arith.mulf %get3A_533, %get3A_543 : vector<32xbf16>
        %add3A_592 = arith.addf %mul3A_590, %mul3A_591 : vector<32xbf16>
        %mul3A_593 = arith.mulf %get3A_556, %get3A_566 : vector<32xbf16>
        %mul3A_594 = arith.mulf %get3A_561, %get3A_571 : vector<32xbf16>
        %add3A_595 = arith.addf %mul3A_593, %mul3A_594 : vector<32xbf16>
        %unpack3A = tpu.unpack_subelements %add3A_574, 0 {pack_format = #tpu.pack_format<interleaved>} : vector<32xbf16> -> vector<16xf32>
        %unpack3A_596 = tpu.unpack_subelements %add3A_574, 1 {pack_format = #tpu.pack_format<interleaved>} : vector<32xbf16> -> vector<16xf32>
        %eq3A_597 = arith.constant 0 : i32
        %eq3A_598 = vector.broadcast %eq3A_597 : i32 to vector<16xi32>
        %eq3A_599 = arith.cmpi eq, %iota3A, %eq3A_598 : vector<16xi32>
        %add3A_600 = arith.addf %unpack3A, %unpack3A_596 : vector<16xf32>
        %reduce_sum3A = arith.constant true
        %reduce_sum3A_601 = vector.broadcast %reduce_sum3A : i1 to vector<16xi1>
        %reduce_sum3A_602 = tpu.scan <sum>, %add3A_600 masked %reduce_sum3A_601 : vector<16xf32>, vector<16xi1> -> vector<16xf32>
        %reduce_sum3A_603 = vector.extract %reduce_sum3A_602[15] : f32 from vector<16xf32>
        %broadcast_in_dim3A_604 = vector.broadcast %reduce_sum3A_603 : f32 to vector<16xf32>
        %select_n3A = arith.select %eq3A_599, %broadcast_in_dim3A_604, %broadcast_in_dim3A_348 : vector<16xi1>, vector<16xf32>
        %unpack3A_605 = tpu.unpack_subelements %add3A_577, 0 {pack_format = #tpu.pack_format<interleaved>} : vector<32xbf16> -> vector<16xf32>
        %unpack3A_606 = tpu.unpack_subelements %add3A_577, 1 {pack_format = #tpu.pack_format<interleaved>} : vector<32xbf16> -> vector<16xf32>
        %eq3A_607 = arith.constant 1 : i32
        %eq3A_608 = vector.broadcast %eq3A_607 : i32 to vector<16xi32>
        %eq3A_609 = arith.cmpi eq, %iota3A, %eq3A_608 : vector<16xi32>
        %add3A_610 = arith.addf %unpack3A_605, %unpack3A_606 : vector<16xf32>
        %reduce_sum3A_611 = arith.constant true
        %reduce_sum3A_612 = vector.broadcast %reduce_sum3A_611 : i1 to vector<16xi1>
        %reduce_sum3A_613 = tpu.scan <sum>, %add3A_610 masked %reduce_sum3A_612 : vector<16xf32>, vector<16xi1> -> vector<16xf32>
        %reduce_sum3A_614 = vector.extract %reduce_sum3A_613[15] : f32 from vector<16xf32>
        %broadcast_in_dim3A_615 = vector.broadcast %reduce_sum3A_614 : f32 to vector<16xf32>
        %select_n3A_616 = arith.select %eq3A_609, %broadcast_in_dim3A_615, %select_n3A : vector<16xi1>, vector<16xf32>
        %unpack3A_617 = tpu.unpack_subelements %add3A_580, 0 {pack_format = #tpu.pack_format<interleaved>} : vector<32xbf16> -> vector<16xf32>
        %unpack3A_618 = tpu.unpack_subelements %add3A_580, 1 {pack_format = #tpu.pack_format<interleaved>} : vector<32xbf16> -> vector<16xf32>
        %eq3A_619 = arith.constant 2 : i32
        %eq3A_620 = vector.broadcast %eq3A_619 : i32 to vector<16xi32>
        %eq3A_621 = arith.cmpi eq, %iota3A, %eq3A_620 : vector<16xi32>
        %add3A_622 = arith.addf %unpack3A_617, %unpack3A_618 : vector<16xf32>
        %reduce_sum3A_623 = arith.constant true
        %reduce_sum3A_624 = vector.broadcast %reduce_sum3A_623 : i1 to vector<16xi1>
        %reduce_sum3A_625 = tpu.scan <sum>, %add3A_622 masked %reduce_sum3A_624 : vector<16xf32>, vector<16xi1> -> vector<16xf32>
        %reduce_sum3A_626 = vector.extract %reduce_sum3A_625[15] : f32 from vector<16xf32>
        %broadcast_in_dim3A_627 = vector.broadcast %reduce_sum3A_626 : f32 to vector<16xf32>
        %select_n3A_628 = arith.select %eq3A_621, %broadcast_in_dim3A_627, %select_n3A_616 : vector<16xi1>, vector<16xf32>
        %unpack3A_629 = tpu.unpack_subelements %add3A_583, 0 {pack_format = #tpu.pack_format<interleaved>} : vector<32xbf16> -> vector<16xf32>
        %unpack3A_630 = tpu.unpack_subelements %add3A_583, 1 {pack_format = #tpu.pack_format<interleaved>} : vector<32xbf16> -> vector<16xf32>
        %eq3A_631 = arith.constant 3 : i32
        %eq3A_632 = vector.broadcast %eq3A_631 : i32 to vector<16xi32>
        %eq3A_633 = arith.cmpi eq, %iota3A, %eq3A_632 : vector<16xi32>
        %add3A_634 = arith.addf %unpack3A_629, %unpack3A_630 : vector<16xf32>
        %reduce_sum3A_635 = arith.constant true
        %reduce_sum3A_636 = vector.broadcast %reduce_sum3A_635 : i1 to vector<16xi1>
        %reduce_sum3A_637 = tpu.scan <sum>, %add3A_634 masked %reduce_sum3A_636 : vector<16xf32>, vector<16xi1> -> vector<16xf32>
        %reduce_sum3A_638 = vector.extract %reduce_sum3A_637[15] : f32 from vector<16xf32>
        %broadcast_in_dim3A_639 = vector.broadcast %reduce_sum3A_638 : f32 to vector<16xf32>
        %select_n3A_640 = arith.select %eq3A_633, %broadcast_in_dim3A_639, %select_n3A_628 : vector<16xi1>, vector<16xf32>
        %unpack3A_641 = tpu.unpack_subelements %add3A_586, 0 {pack_format = #tpu.pack_format<interleaved>} : vector<32xbf16> -> vector<16xf32>
        %unpack3A_642 = tpu.unpack_subelements %add3A_586, 1 {pack_format = #tpu.pack_format<interleaved>} : vector<32xbf16> -> vector<16xf32>
        %eq3A_643 = arith.constant 4 : i32
        %eq3A_644 = vector.broadcast %eq3A_643 : i32 to vector<16xi32>
        %eq3A_645 = arith.cmpi eq, %iota3A, %eq3A_644 : vector<16xi32>
        %add3A_646 = arith.addf %unpack3A_641, %unpack3A_642 : vector<16xf32>
        %reduce_sum3A_647 = arith.constant true
        %reduce_sum3A_648 = vector.broadcast %reduce_sum3A_647 : i1 to vector<16xi1>
        %reduce_sum3A_649 = tpu.scan <sum>, %add3A_646 masked %reduce_sum3A_648 : vector<16xf32>, vector<16xi1> -> vector<16xf32>
        %reduce_sum3A_650 = vector.extract %reduce_sum3A_649[15] : f32 from vector<16xf32>
        %broadcast_in_dim3A_651 = vector.broadcast %reduce_sum3A_650 : f32 to vector<16xf32>
        %select_n3A_652 = arith.select %eq3A_645, %broadcast_in_dim3A_651, %select_n3A_640 : vector<16xi1>, vector<16xf32>
        %unpack3A_653 = tpu.unpack_subelements %add3A_589, 0 {pack_format = #tpu.pack_format<interleaved>} : vector<32xbf16> -> vector<16xf32>
        %unpack3A_654 = tpu.unpack_subelements %add3A_589, 1 {pack_format = #tpu.pack_format<interleaved>} : vector<32xbf16> -> vector<16xf32>
        %eq3A_655 = arith.constant 5 : i32
        %eq3A_656 = vector.broadcast %eq3A_655 : i32 to vector<16xi32>
        %eq3A_657 = arith.cmpi eq, %iota3A, %eq3A_656 : vector<16xi32>
        %add3A_658 = arith.addf %unpack3A_653, %unpack3A_654 : vector<16xf32>
        %reduce_sum3A_659 = arith.constant true
        %reduce_sum3A_660 = vector.broadcast %reduce_sum3A_659 : i1 to vector<16xi1>
        %reduce_sum3A_661 = tpu.scan <sum>, %add3A_658 masked %reduce_sum3A_660 : vector<16xf32>, vector<16xi1> -> vector<16xf32>
        %reduce_sum3A_662 = vector.extract %reduce_sum3A_661[15] : f32 from vector<16xf32>
        %broadcast_in_dim3A_663 = vector.broadcast %reduce_sum3A_662 : f32 to vector<16xf32>
        %select_n3A_664 = arith.select %eq3A_657, %broadcast_in_dim3A_663, %select_n3A_652 : vector<16xi1>, vector<16xf32>
        %unpack3A_665 = tpu.unpack_subelements %add3A_592, 0 {pack_format = #tpu.pack_format<interleaved>} : vector<32xbf16> -> vector<16xf32>
        %unpack3A_666 = tpu.unpack_subelements %add3A_592, 1 {pack_format = #tpu.pack_format<interleaved>} : vector<32xbf16> -> vector<16xf32>
        %eq3A_667 = arith.constant 6 : i32
        %eq3A_668 = vector.broadcast %eq3A_667 : i32 to vector<16xi32>
        %eq3A_669 = arith.cmpi eq, %iota3A, %eq3A_668 : vector<16xi32>
        %add3A_670 = arith.addf %unpack3A_665, %unpack3A_666 : vector<16xf32>
        %reduce_sum3A_671 = arith.constant true
        %reduce_sum3A_672 = vector.broadcast %reduce_sum3A_671 : i1 to vector<16xi1>
        %reduce_sum3A_673 = tpu.scan <sum>, %add3A_670 masked %reduce_sum3A_672 : vector<16xf32>, vector<16xi1> -> vector<16xf32>
        %reduce_sum3A_674 = vector.extract %reduce_sum3A_673[15] : f32 from vector<16xf32>
        %broadcast_in_dim3A_675 = vector.broadcast %reduce_sum3A_674 : f32 to vector<16xf32>
        %select_n3A_676 = arith.select %eq3A_669, %broadcast_in_dim3A_675, %select_n3A_664 : vector<16xi1>, vector<16xf32>
        %unpack3A_677 = tpu.unpack_subelements %add3A_595, 0 {pack_format = #tpu.pack_format<interleaved>} : vector<32xbf16> -> vector<16xf32>
        %unpack3A_678 = tpu.unpack_subelements %add3A_595, 1 {pack_format = #tpu.pack_format<interleaved>} : vector<32xbf16> -> vector<16xf32>
        %eq3A_679 = arith.constant 7 : i32
        %eq3A_680 = vector.broadcast %eq3A_679 : i32 to vector<16xi32>
        %eq3A_681 = arith.cmpi eq, %iota3A, %eq3A_680 : vector<16xi32>
        %add3A_682 = arith.addf %unpack3A_677, %unpack3A_678 : vector<16xf32>
        %reduce_sum3A_683 = arith.constant true
        %reduce_sum3A_684 = vector.broadcast %reduce_sum3A_683 : i1 to vector<16xi1>
        %reduce_sum3A_685 = tpu.scan <sum>, %add3A_682 masked %reduce_sum3A_684 : vector<16xf32>, vector<16xi1> -> vector<16xf32>
        %reduce_sum3A_686 = vector.extract %reduce_sum3A_685[15] : f32 from vector<16xf32>
        %broadcast_in_dim3A_687 = vector.broadcast %reduce_sum3A_686 : f32 to vector<16xf32>
        %select_n3A_688 = arith.select %eq3A_681, %broadcast_in_dim3A_687, %select_n3A_676 : vector<16xi1>, vector<16xf32>
        %add3A_689 = arith.constant 8 : i32
        %add3A_690 = arith.addi %mul3A_347, %add3A_689 : i32
        %add3A_691 = arith.constant 0 : i32
        %add3A_692 = arith.addi %add3A_690, %add3A_691 : i32
        %add3A_693 = arith.constant 8 : i32
        %add3A_694 = arith.addi %mul3A_347, %add3A_693 : i32
        %add3A_695 = arith.constant 0 : i32
        %add3A_696 = arith.addi %add3A_694, %add3A_695 : i32
        %get3A_697 = arith.constant 0 : i32
        %get3A_698 = tpu.memref_slice %arg9[%add3A_692, %get3A_697] : memref<128x64xbf16, #tpu.memory_space<vmem>> -> memref<1x64xbf16, #tpu.memory_space<vmem>>
        %get3A_699 = tpu.memref_squeeze %get3A_698 : memref<1x64xbf16, #tpu.memory_space<vmem>> -> memref<64xbf16, #tpu.memory_space<vmem>>
        %get3A_700 = arith.constant 0 : index
        %get3A_701 = tpu.vector_load %get3A_699[%get3A_700] {strides = array<i32>} : memref<64xbf16, #tpu.memory_space<vmem>>, vector<32xbf16>,
        %get3A_702 = arith.constant 0 : i32
        %get3A_703 = tpu.memref_slice %arg9[%add3A_692, %get3A_702] : memref<128x64xbf16, #tpu.memory_space<vmem>> -> memref<1x64xbf16, #tpu.memory_space<vmem>>
        %get3A_704 = tpu.memref_squeeze %get3A_703 : memref<1x64xbf16, #tpu.memory_space<vmem>> -> memref<64xbf16, #tpu.memory_space<vmem>>
        %get3A_705 = arith.constant 32 : index
        %get3A_706 = tpu.vector_load %get3A_704[%get3A_705] {strides = array<i32>} : memref<64xbf16, #tpu.memory_space<vmem>>, vector<32xbf16>,
        %get3A_707 = arith.constant 0 : i32
        %get3A_708 = tpu.memref_slice %arg10[%add3A_696, %get3A_707] : memref<128x64xbf16, #tpu.memory_space<vmem>> -> memref<1x64xbf16, #tpu.memory_space<vmem>>
        %get3A_709 = tpu.memref_squeeze %get3A_708 : memref<1x64xbf16, #tpu.memory_space<vmem>> -> memref<64xbf16, #tpu.memory_space<vmem>>
        %get3A_710 = arith.constant 0 : index
        %get3A_711 = tpu.vector_load %get3A_709[%get3A_710] {strides = array<i32>} : memref<64xbf16, #tpu.memory_space<vmem>>, vector<32xbf16>,
        %get3A_712 = arith.constant 0 : i32
        %get3A_713 = tpu.memref_slice %arg10[%add3A_696, %get3A_712] : memref<128x64xbf16, #tpu.memory_space<vmem>> -> memref<1x64xbf16, #tpu.memory_space<vmem>>
        %get3A_714 = tpu.memref_squeeze %get3A_713 : memref<1x64xbf16, #tpu.memory_space<vmem>> -> memref<64xbf16, #tpu.memory_space<vmem>>
        %get3A_715 = arith.constant 32 : index
        %get3A_716 = tpu.vector_load %get3A_714[%get3A_715] {strides = array<i32>} : memref<64xbf16, #tpu.memory_space<vmem>>, vector<32xbf16>,
        %add3A_717 = arith.constant 8 : i32
        %add3A_718 = arith.addi %mul3A_347, %add3A_717 : i32
        %add3A_719 = arith.constant 1 : i32
        %add3A_720 = arith.addi %add3A_718, %add3A_719 : i32
        %add3A_721 = arith.constant 8 : i32
        %add3A_722 = arith.addi %mul3A_347, %add3A_721 : i32
        %add3A_723 = arith.constant 1 : i32
        %add3A_724 = arith.addi %add3A_722, %add3A_723 : i32
        %get3A_725 = arith.constant 0 : i32
        %get3A_726 = tpu.memref_slice %arg9[%add3A_720, %get3A_725] : memref<128x64xbf16, #tpu.memory_space<vmem>> -> memref<1x64xbf16, #tpu.memory_space<vmem>>
        %get3A_727 = tpu.memref_squeeze %get3A_726 : memref<1x64xbf16, #tpu.memory_space<vmem>> -> memref<64xbf16, #tpu.memory_space<vmem>>
        %get3A_728 = arith.constant 0 : index
        %get3A_729 = tpu.vector_load %get3A_727[%get3A_728] {strides = array<i32>} : memref<64xbf16, #tpu.memory_space<vmem>>, vector<32xbf16>,
        %get3A_730 = arith.constant 0 : i32
        %get3A_731 = tpu.memref_slice %arg9[%add3A_720, %get3A_730] : memref<128x64xbf16, #tpu.memory_space<vmem>> -> memref<1x64xbf16, #tpu.memory_space<vmem>>
        %get3A_732 = tpu.memref_squeeze %get3A_731 : memref<1x64xbf16, #tpu.memory_space<vmem>> -> memref<64xbf16, #tpu.memory_space<vmem>>
        %get3A_733 = arith.constant 32 : index
        %get3A_734 = tpu.vector_load %get3A_732[%get3A_733] {strides = array<i32>} : memref<64xbf16, #tpu.memory_space<vmem>>, vector<32xbf16>,
        %get3A_735 = arith.constant 0 : i32
        %get3A_736 = tpu.memref_slice %arg10[%add3A_724, %get3A_735] : memref<128x64xbf16, #tpu.memory_space<vmem>> -> memref<1x64xbf16, #tpu.memory_space<vmem>>
        %get3A_737 = tpu.memref_squeeze %get3A_736 : memref<1x64xbf16, #tpu.memory_space<vmem>> -> memref<64xbf16, #tpu.memory_space<vmem>>
        %get3A_738 = arith.constant 0 : index
        %get3A_739 = tpu.vector_load %get3A_737[%get3A_738] {strides = array<i32>} : memref<64xbf16, #tpu.memory_space<vmem>>, vector<32xbf16>,
        %get3A_740 = arith.constant 0 : i32
        %get3A_741 = tpu.memref_slice %arg10[%add3A_724, %get3A_740] : memref<128x64xbf16, #tpu.memory_space<vmem>> -> memref<1x64xbf16, #tpu.memory_space<vmem>>
        %get3A_742 = tpu.memref_squeeze %get3A_741 : memref<1x64xbf16, #tpu.memory_space<vmem>> -> memref<64xbf16, #tpu.memory_space<vmem>>
        %get3A_743 = arith.constant 32 : index
        %get3A_744 = tpu.vector_load %get3A_742[%get3A_743] {strides = array<i32>} : memref<64xbf16, #tpu.memory_space<vmem>>, vector<32xbf16>,
        %add3A_745 = arith.constant 8 : i32
        %add3A_746 = arith.addi %mul3A_347, %add3A_745 : i32
        %add3A_747 = arith.constant 2 : i32
        %add3A_748 = arith.addi %add3A_746, %add3A_747 : i32
        %add3A_749 = arith.constant 8 : i32
        %add3A_750 = arith.addi %mul3A_347, %add3A_749 : i32
        %add3A_751 = arith.constant 2 : i32
        %add3A_752 = arith.addi %add3A_750, %add3A_751 : i32
        %get3A_753 = arith.constant 0 : i32
        %get3A_754 = tpu.memref_slice %arg9[%add3A_748, %get3A_753] : memref<128x64xbf16, #tpu.memory_space<vmem>> -> memref<1x64xbf16, #tpu.memory_space<vmem>>
        %get3A_755 = tpu.memref_squeeze %get3A_754 : memref<1x64xbf16, #tpu.memory_space<vmem>> -> memref<64xbf16, #tpu.memory_space<vmem>>
        %get3A_756 = arith.constant 0 : index
        %get3A_757 = tpu.vector_load %get3A_755[%get3A_756] {strides = array<i32>} : memref<64xbf16, #tpu.memory_space<vmem>>, vector<32xbf16>,
        %get3A_758 = arith.constant 0 : i32
        %get3A_759 = tpu.memref_slice %arg9[%add3A_748, %get3A_758] : memref<128x64xbf16, #tpu.memory_space<vmem>> -> memref<1x64xbf16, #tpu.memory_space<vmem>>
        %get3A_760 = tpu.memref_squeeze %get3A_759 : memref<1x64xbf16, #tpu.memory_space<vmem>> -> memref<64xbf16, #tpu.memory_space<vmem>>
        %get3A_761 = arith.constant 32 : index
        %get3A_762 = tpu.vector_load %get3A_760[%get3A_761] {strides = array<i32>} : memref<64xbf16, #tpu.memory_space<vmem>>, vector<32xbf16>,
        %get3A_763 = arith.constant 0 : i32
        %get3A_764 = tpu.memref_slice %arg10[%add3A_752, %get3A_763] : memref<128x64xbf16, #tpu.memory_space<vmem>> -> memref<1x64xbf16, #tpu.memory_space<vmem>>
        %get3A_765 = tpu.memref_squeeze %get3A_764 : memref<1x64xbf16, #tpu.memory_space<vmem>> -> memref<64xbf16, #tpu.memory_space<vmem>>
        %get3A_766 = arith.constant 0 : index
        %get3A_767 = tpu.vector_load %get3A_765[%get3A_766] {strides = array<i32>} : memref<64xbf16, #tpu.memory_space<vmem>>, vector<32xbf16>,
        %get3A_768 = arith.constant 0 : i32
        %get3A_769 = tpu.memref_slice %arg10[%add3A_752, %get3A_768] : memref<128x64xbf16, #tpu.memory_space<vmem>> -> memref<1x64xbf16, #tpu.memory_space<vmem>>
        %get3A_770 = tpu.memref_squeeze %get3A_769 : memref<1x64xbf16, #tpu.memory_space<vmem>> -> memref<64xbf16, #tpu.memory_space<vmem>>
        %get3A_771 = arith.constant 32 : index
        %get3A_772 = tpu.vector_load %get3A_770[%get3A_771] {strides = array<i32>} : memref<64xbf16, #tpu.memory_space<vmem>>, vector<32xbf16>,
        %add3A_773 = arith.constant 8 : i32
        %add3A_774 = arith.addi %mul3A_347, %add3A_773 : i32
        %add3A_775 = arith.constant 3 : i32
        %add3A_776 = arith.addi %add3A_774, %add3A_775 : i32
        %add3A_777 = arith.constant 8 : i32
        %add3A_778 = arith.addi %mul3A_347, %add3A_777 : i32
        %add3A_779 = arith.constant 3 : i32
        %add3A_780 = arith.addi %add3A_778, %add3A_779 : i32
        %get3A_781 = arith.constant 0 : i32
        %get3A_782 = tpu.memref_slice %arg9[%add3A_776, %get3A_781] : memref<128x64xbf16, #tpu.memory_space<vmem>> -> memref<1x64xbf16, #tpu.memory_space<vmem>>
        %get3A_783 = tpu.memref_squeeze %get3A_782 : memref<1x64xbf16, #tpu.memory_space<vmem>> -> memref<64xbf16, #tpu.memory_space<vmem>>
        %get3A_784 = arith.constant 0 : index
        %get3A_785 = tpu.vector_load %get3A_783[%get3A_784] {strides = array<i32>} : memref<64xbf16, #tpu.memory_space<vmem>>, vector<32xbf16>,
        %get3A_786 = arith.constant 0 : i32
        %get3A_787 = tpu.memref_slice %arg9[%add3A_776, %get3A_786] : memref<128x64xbf16, #tpu.memory_space<vmem>> -> memref<1x64xbf16, #tpu.memory_space<vmem>>
        %get3A_788 = tpu.memref_squeeze %get3A_787 : memref<1x64xbf16, #tpu.memory_space<vmem>> -> memref<64xbf16, #tpu.memory_space<vmem>>
        %get3A_789 = arith.constant 32 : index
        %get3A_790 = tpu.vector_load %get3A_788[%get3A_789] {strides = array<i32>} : memref<64xbf16, #tpu.memory_space<vmem>>, vector<32xbf16>,
        %get3A_791 = arith.constant 0 : i32
        %get3A_792 = tpu.memref_slice %arg10[%add3A_780, %get3A_791] : memref<128x64xbf16, #tpu.memory_space<vmem>> -> memref<1x64xbf16, #tpu.memory_space<vmem>>
        %get3A_793 = tpu.memref_squeeze %get3A_792 : memref<1x64xbf16, #tpu.memory_space<vmem>> -> memref<64xbf16, #tpu.memory_space<vmem>>
        %get3A_794 = arith.constant 0 : index
        %get3A_795 = tpu.vector_load %get3A_793[%get3A_794] {strides = array<i32>} : memref<64xbf16, #tpu.memory_space<vmem>>, vector<32xbf16>,
        %get3A_796 = arith.constant 0 : i32
        %get3A_797 = tpu.memref_slice %arg10[%add3A_780, %get3A_796] : memref<128x64xbf16, #tpu.memory_space<vmem>> -> memref<1x64xbf16, #tpu.memory_space<vmem>>
        %get3A_798 = tpu.memref_squeeze %get3A_797 : memref<1x64xbf16, #tpu.memory_space<vmem>> -> memref<64xbf16, #tpu.memory_space<vmem>>
        %get3A_799 = arith.constant 32 : index
        %get3A_800 = tpu.vector_load %get3A_798[%get3A_799] {strides = array<i32>} : memref<64xbf16, #tpu.memory_space<vmem>>, vector<32xbf16>,
        %add3A_801 = arith.constant 8 : i32
        %add3A_802 = arith.addi %mul3A_347, %add3A_801 : i32
        %add3A_803 = arith.constant 4 : i32
        %add3A_804 = arith.addi %add3A_802, %add3A_803 : i32
        %add3A_805 = arith.constant 8 : i32
        %add3A_806 = arith.addi %mul3A_347, %add3A_805 : i32
        %add3A_807 = arith.constant 4 : i32
        %add3A_808 = arith.addi %add3A_806, %add3A_807 : i32
        %get3A_809 = arith.constant 0 : i32
        %get3A_810 = tpu.memref_slice %arg9[%add3A_804, %get3A_809] : memref<128x64xbf16, #tpu.memory_space<vmem>> -> memref<1x64xbf16, #tpu.memory_space<vmem>>
        %get3A_811 = tpu.memref_squeeze %get3A_810 : memref<1x64xbf16, #tpu.memory_space<vmem>> -> memref<64xbf16, #tpu.memory_space<vmem>>
        %get3A_812 = arith.constant 0 : index
        %get3A_813 = tpu.vector_load %get3A_811[%get3A_812] {strides = array<i32>} : memref<64xbf16, #tpu.memory_space<vmem>>, vector<32xbf16>,
        %get3A_814 = arith.constant 0 : i32
        %get3A_815 = tpu.memref_slice %arg9[%add3A_804, %get3A_814] : memref<128x64xbf16, #tpu.memory_space<vmem>> -> memref<1x64xbf16, #tpu.memory_space<vmem>>
        %get3A_816 = tpu.memref_squeeze %get3A_815 : memref<1x64xbf16, #tpu.memory_space<vmem>> -> memref<64xbf16, #tpu.memory_space<vmem>>
        %get3A_817 = arith.constant 32 : index
        %get3A_818 = tpu.vector_load %get3A_816[%get3A_817] {strides = array<i32>} : memref<64xbf16, #tpu.memory_space<vmem>>, vector<32xbf16>,
        %get3A_819 = arith.constant 0 : i32
        %get3A_820 = tpu.memref_slice %arg10[%add3A_808, %get3A_819] : memref<128x64xbf16, #tpu.memory_space<vmem>> -> memref<1x64xbf16, #tpu.memory_space<vmem>>
        %get3A_821 = tpu.memref_squeeze %get3A_820 : memref<1x64xbf16, #tpu.memory_space<vmem>> -> memref<64xbf16, #tpu.memory_space<vmem>>
        %get3A_822 = arith.constant 0 : index
        %get3A_823 = tpu.vector_load %get3A_821[%get3A_822] {strides = array<i32>} : memref<64xbf16, #tpu.memory_space<vmem>>, vector<32xbf16>,
        %get3A_824 = arith.constant 0 : i32
        %get3A_825 = tpu.memref_slice %arg10[%add3A_808, %get3A_824] : memref<128x64xbf16, #tpu.memory_space<vmem>> -> memref<1x64xbf16, #tpu.memory_space<vmem>>
        %get3A_826 = tpu.memref_squeeze %get3A_825 : memref<1x64xbf16, #tpu.memory_space<vmem>> -> memref<64xbf16, #tpu.memory_space<vmem>>
        %get3A_827 = arith.constant 32 : index
        %get3A_828 = tpu.vector_load %get3A_826[%get3A_827] {strides = array<i32>} : memref<64xbf16, #tpu.memory_space<vmem>>, vector<32xbf16>,
        %add3A_829 = arith.constant 8 : i32
        %add3A_830 = arith.addi %mul3A_347, %add3A_829 : i32
        %add3A_831 = arith.constant 5 : i32
        %add3A_832 = arith.addi %add3A_830, %add3A_831 : i32
        %add3A_833 = arith.constant 8 : i32
        %add3A_834 = arith.addi %mul3A_347, %add3A_833 : i32
        %add3A_835 = arith.constant 5 : i32
        %add3A_836 = arith.addi %add3A_834, %add3A_835 : i32
        %get3A_837 = arith.constant 0 : i32
        %get3A_838 = tpu.memref_slice %arg9[%add3A_832, %get3A_837] : memref<128x64xbf16, #tpu.memory_space<vmem>> -> memref<1x64xbf16, #tpu.memory_space<vmem>>
        %get3A_839 = tpu.memref_squeeze %get3A_838 : memref<1x64xbf16, #tpu.memory_space<vmem>> -> memref<64xbf16, #tpu.memory_space<vmem>>
        %get3A_840 = arith.constant 0 : index
        %get3A_841 = tpu.vector_load %get3A_839[%get3A_840] {strides = array<i32>} : memref<64xbf16, #tpu.memory_space<vmem>>, vector<32xbf16>,
        %get3A_842 = arith.constant 0 : i32
        %get3A_843 = tpu.memref_slice %arg9[%add3A_832, %get3A_842] : memref<128x64xbf16, #tpu.memory_space<vmem>> -> memref<1x64xbf16, #tpu.memory_space<vmem>>
        %get3A_844 = tpu.memref_squeeze %get3A_843 : memref<1x64xbf16, #tpu.memory_space<vmem>> -> memref<64xbf16, #tpu.memory_space<vmem>>
        %get3A_845 = arith.constant 32 : index
        %get3A_846 = tpu.vector_load %get3A_844[%get3A_845] {strides = array<i32>} : memref<64xbf16, #tpu.memory_space<vmem>>, vector<32xbf16>,
        %get3A_847 = arith.constant 0 : i32
        %get3A_848 = tpu.memref_slice %arg10[%add3A_836, %get3A_847] : memref<128x64xbf16, #tpu.memory_space<vmem>> -> memref<1x64xbf16, #tpu.memory_space<vmem>>
        %get3A_849 = tpu.memref_squeeze %get3A_848 : memref<1x64xbf16, #tpu.memory_space<vmem>> -> memref<64xbf16, #tpu.memory_space<vmem>>
        %get3A_850 = arith.constant 0 : index
        %get3A_851 = tpu.vector_load %get3A_849[%get3A_850] {strides = array<i32>} : memref<64xbf16, #tpu.memory_space<vmem>>, vector<32xbf16>,
        %get3A_852 = arith.constant 0 : i32
        %get3A_853 = tpu.memref_slice %arg10[%add3A_836, %get3A_852] : memref<128x64xbf16, #tpu.memory_space<vmem>> -> memref<1x64xbf16, #tpu.memory_space<vmem>>
        %get3A_854 = tpu.memref_squeeze %get3A_853 : memref<1x64xbf16, #tpu.memory_space<vmem>> -> memref<64xbf16, #tpu.memory_space<vmem>>
        %get3A_855 = arith.constant 32 : index
        %get3A_856 = tpu.vector_load %get3A_854[%get3A_855] {strides = array<i32>} : memref<64xbf16, #tpu.memory_space<vmem>>, vector<32xbf16>,
        %add3A_857 = arith.constant 8 : i32
        %add3A_858 = arith.addi %mul3A_347, %add3A_857 : i32
        %add3A_859 = arith.constant 6 : i32
        %add3A_860 = arith.addi %add3A_858, %add3A_859 : i32
        %add3A_861 = arith.constant 8 : i32
        %add3A_862 = arith.addi %mul3A_347, %add3A_861 : i32
        %add3A_863 = arith.constant 6 : i32
        %add3A_864 = arith.addi %add3A_862, %add3A_863 : i32
        %get3A_865 = arith.constant 0 : i32
        %get3A_866 = tpu.memref_slice %arg9[%add3A_860, %get3A_865] : memref<128x64xbf16, #tpu.memory_space<vmem>> -> memref<1x64xbf16, #tpu.memory_space<vmem>>
        %get3A_867 = tpu.memref_squeeze %get3A_866 : memref<1x64xbf16, #tpu.memory_space<vmem>> -> memref<64xbf16, #tpu.memory_space<vmem>>
        %get3A_868 = arith.constant 0 : index
        %get3A_869 = tpu.vector_load %get3A_867[%get3A_868] {strides = array<i32>} : memref<64xbf16, #tpu.memory_space<vmem>>, vector<32xbf16>,
        %get3A_870 = arith.constant 0 : i32
        %get3A_871 = tpu.memref_slice %arg9[%add3A_860, %get3A_870] : memref<128x64xbf16, #tpu.memory_space<vmem>> -> memref<1x64xbf16, #tpu.memory_space<vmem>>
        %get3A_872 = tpu.memref_squeeze %get3A_871 : memref<1x64xbf16, #tpu.memory_space<vmem>> -> memref<64xbf16, #tpu.memory_space<vmem>>
        %get3A_873 = arith.constant 32 : index
        %get3A_874 = tpu.vector_load %get3A_872[%get3A_873] {strides = array<i32>} : memref<64xbf16, #tpu.memory_space<vmem>>, vector<32xbf16>,
        %get3A_875 = arith.constant 0 : i32
        %get3A_876 = tpu.memref_slice %arg10[%add3A_864, %get3A_875] : memref<128x64xbf16, #tpu.memory_space<vmem>> -> memref<1x64xbf16, #tpu.memory_space<vmem>>
        %get3A_877 = tpu.memref_squeeze %get3A_876 : memref<1x64xbf16, #tpu.memory_space<vmem>> -> memref<64xbf16, #tpu.memory_space<vmem>>
        %get3A_878 = arith.constant 0 : index
        %get3A_879 = tpu.vector_load %get3A_877[%get3A_878] {strides = array<i32>} : memref<64xbf16, #tpu.memory_space<vmem>>, vector<32xbf16>,
        %get3A_880 = arith.constant 0 : i32
        %get3A_881 = tpu.memref_slice %arg10[%add3A_864, %get3A_880] : memref<128x64xbf16, #tpu.memory_space<vmem>> -> memref<1x64xbf16, #tpu.memory_space<vmem>>
        %get3A_882 = tpu.memref_squeeze %get3A_881 : memref<1x64xbf16, #tpu.memory_space<vmem>> -> memref<64xbf16, #tpu.memory_space<vmem>>
        %get3A_883 = arith.constant 32 : index
        %get3A_884 = tpu.vector_load %get3A_882[%get3A_883] {strides = array<i32>} : memref<64xbf16, #tpu.memory_space<vmem>>, vector<32xbf16>,
        %add3A_885 = arith.constant 8 : i32
        %add3A_886 = arith.addi %mul3A_347, %add3A_885 : i32
        %add3A_887 = arith.constant 7 : i32
        %add3A_888 = arith.addi %add3A_886, %add3A_887 : i32
        %add3A_889 = arith.constant 8 : i32
        %add3A_890 = arith.addi %mul3A_347, %add3A_889 : i32
        %add3A_891 = arith.constant 7 : i32
        %add3A_892 = arith.addi %add3A_890, %add3A_891 : i32
        %get3A_893 = arith.constant 0 : i32
        %get3A_894 = tpu.memref_slice %arg9[%add3A_888, %get3A_893] : memref<128x64xbf16, #tpu.memory_space<vmem>> -> memref<1x64xbf16, #tpu.memory_space<vmem>>
        %get3A_895 = tpu.memref_squeeze %get3A_894 : memref<1x64xbf16, #tpu.memory_space<vmem>> -> memref<64xbf16, #tpu.memory_space<vmem>>
        %get3A_896 = arith.constant 0 : index
        %get3A_897 = tpu.vector_load %get3A_895[%get3A_896] {strides = array<i32>} : memref<64xbf16, #tpu.memory_space<vmem>>, vector<32xbf16>,
        %get3A_898 = arith.constant 0 : i32
        %get3A_899 = tpu.memref_slice %arg9[%add3A_888, %get3A_898] : memref<128x64xbf16, #tpu.memory_space<vmem>> -> memref<1x64xbf16, #tpu.memory_space<vmem>>
        %get3A_900 = tpu.memref_squeeze %get3A_899 : memref<1x64xbf16, #tpu.memory_space<vmem>> -> memref<64xbf16, #tpu.memory_space<vmem>>
        %get3A_901 = arith.constant 32 : index
        %get3A_902 = tpu.vector_load %get3A_900[%get3A_901] {strides = array<i32>} : memref<64xbf16, #tpu.memory_space<vmem>>, vector<32xbf16>,
        %get3A_903 = arith.constant 0 : i32
        %get3A_904 = tpu.memref_slice %arg10[%add3A_892, %get3A_903] : memref<128x64xbf16, #tpu.memory_space<vmem>> -> memref<1x64xbf16, #tpu.memory_space<vmem>>
        %get3A_905 = tpu.memref_squeeze %get3A_904 : memref<1x64xbf16, #tpu.memory_space<vmem>> -> memref<64xbf16, #tpu.memory_space<vmem>>
        %get3A_906 = arith.constant 0 : index
        %get3A_907 = tpu.vector_load %get3A_905[%get3A_906] {strides = array<i32>} : memref<64xbf16, #tpu.memory_space<vmem>>, vector<32xbf16>,
        %get3A_908 = arith.constant 0 : i32
        %get3A_909 = tpu.memref_slice %arg10[%add3A_892, %get3A_908] : memref<128x64xbf16, #tpu.memory_space<vmem>> -> memref<1x64xbf16, #tpu.memory_space<vmem>>
        %get3A_910 = tpu.memref_squeeze %get3A_909 : memref<1x64xbf16, #tpu.memory_space<vmem>> -> memref<64xbf16, #tpu.memory_space<vmem>>
        %get3A_911 = arith.constant 32 : index
        %get3A_912 = tpu.vector_load %get3A_910[%get3A_911] {strides = array<i32>} : memref<64xbf16, #tpu.memory_space<vmem>>, vector<32xbf16>,
        %mul3A_913 = arith.mulf %get3A_701, %get3A_711 : vector<32xbf16>
        %mul3A_914 = arith.mulf %get3A_706, %get3A_716 : vector<32xbf16>
        %add3A_915 = arith.addf %mul3A_913, %mul3A_914 : vector<32xbf16>
        %mul3A_916 = arith.mulf %get3A_729, %get3A_739 : vector<32xbf16>
        %mul3A_917 = arith.mulf %get3A_734, %get3A_744 : vector<32xbf16>
        %add3A_918 = arith.addf %mul3A_916, %mul3A_917 : vector<32xbf16>
        %mul3A_919 = arith.mulf %get3A_757, %get3A_767 : vector<32xbf16>
        %mul3A_920 = arith.mulf %get3A_762, %get3A_772 : vector<32xbf16>
        %add3A_921 = arith.addf %mul3A_919, %mul3A_920 : vector<32xbf16>
        %mul3A_922 = arith.mulf %get3A_785, %get3A_795 : vector<32xbf16>
        %mul3A_923 = arith.mulf %get3A_790, %get3A_800 : vector<32xbf16>
        %add3A_924 = arith.addf %mul3A_922, %mul3A_923 : vector<32xbf16>
        %mul3A_925 = arith.mulf %get3A_813, %get3A_823 : vector<32xbf16>
        %mul3A_926 = arith.mulf %get3A_818, %get3A_828 : vector<32xbf16>
        %add3A_927 = arith.addf %mul3A_925, %mul3A_926 : vector<32xbf16>
        %mul3A_928 = arith.mulf %get3A_841, %get3A_851 : vector<32xbf16>
        %mul3A_929 = arith.mulf %get3A_846, %get3A_856 : vector<32xbf16>
        %add3A_930 = arith.addf %mul3A_928, %mul3A_929 : vector<32xbf16>
        %mul3A_931 = arith.mulf %get3A_869, %get3A_879 : vector<32xbf16>
        %mul3A_932 = arith.mulf %get3A_874, %get3A_884 : vector<32xbf16>
        %add3A_933 = arith.addf %mul3A_931, %mul3A_932 : vector<32xbf16>
        %mul3A_934 = arith.mulf %get3A_897, %get3A_907 : vector<32xbf16>
        %mul3A_935 = arith.mulf %get3A_902, %get3A_912 : vector<32xbf16>
        %add3A_936 = arith.addf %mul3A_934, %mul3A_935 : vector<32xbf16>
        %unpack3A_937 = tpu.unpack_subelements %add3A_915, 0 {pack_format = #tpu.pack_format<interleaved>} : vector<32xbf16> -> vector<16xf32>
        %unpack3A_938 = tpu.unpack_subelements %add3A_915, 1 {pack_format = #tpu.pack_format<interleaved>} : vector<32xbf16> -> vector<16xf32>
        %eq3A_939 = arith.constant 8 : i32
        %eq3A_940 = vector.broadcast %eq3A_939 : i32 to vector<16xi32>
        %eq3A_941 = arith.cmpi eq, %iota3A, %eq3A_940 : vector<16xi32>
        %add3A_942 = arith.addf %unpack3A_937, %unpack3A_938 : vector<16xf32>
        %reduce_sum3A_943 = arith.constant true
        %reduce_sum3A_944 = vector.broadcast %reduce_sum3A_943 : i1 to vector<16xi1>
        %reduce_sum3A_945 = tpu.scan <sum>, %add3A_942 masked %reduce_sum3A_944 : vector<16xf32>, vector<16xi1> -> vector<16xf32>
        %reduce_sum3A_946 = vector.extract %reduce_sum3A_945[15] : f32 from vector<16xf32>
        %broadcast_in_dim3A_947 = vector.broadcast %reduce_sum3A_946 : f32 to vector<16xf32>
        %select_n3A_948 = arith.select %eq3A_941, %broadcast_in_dim3A_947, %select_n3A_688 : vector<16xi1>, vector<16xf32>
        %unpack3A_949 = tpu.unpack_subelements %add3A_918, 0 {pack_format = #tpu.pack_format<interleaved>} : vector<32xbf16> -> vector<16xf32>
        %unpack3A_950 = tpu.unpack_subelements %add3A_918, 1 {pack_format = #tpu.pack_format<interleaved>} : vector<32xbf16> -> vector<16xf32>
        %eq3A_951 = arith.constant 9 : i32
        %eq3A_952 = vector.broadcast %eq3A_951 : i32 to vector<16xi32>
        %eq3A_953 = arith.cmpi eq, %iota3A, %eq3A_952 : vector<16xi32>
        %add3A_954 = arith.addf %unpack3A_949, %unpack3A_950 : vector<16xf32>
        %reduce_sum3A_955 = arith.constant true
        %reduce_sum3A_956 = vector.broadcast %reduce_sum3A_955 : i1 to vector<16xi1>
        %reduce_sum3A_957 = tpu.scan <sum>, %add3A_954 masked %reduce_sum3A_956 : vector<16xf32>, vector<16xi1> -> vector<16xf32>
        %reduce_sum3A_958 = vector.extract %reduce_sum3A_957[15] : f32 from vector<16xf32>
        %broadcast_in_dim3A_959 = vector.broadcast %reduce_sum3A_958 : f32 to vector<16xf32>
        %select_n3A_960 = arith.select %eq3A_953, %broadcast_in_dim3A_959, %select_n3A_948 : vector<16xi1>, vector<16xf32>
        %unpack3A_961 = tpu.unpack_subelements %add3A_921, 0 {pack_format = #tpu.pack_format<interleaved>} : vector<32xbf16> -> vector<16xf32>
        %unpack3A_962 = tpu.unpack_subelements %add3A_921, 1 {pack_format = #tpu.pack_format<interleaved>} : vector<32xbf16> -> vector<16xf32>
        %eq3A_963 = arith.constant 10 : i32
        %eq3A_964 = vector.broadcast %eq3A_963 : i32 to vector<16xi32>
        %eq3A_965 = arith.cmpi eq, %iota3A, %eq3A_964 : vector<16xi32>
        %add3A_966 = arith.addf %unpack3A_961, %unpack3A_962 : vector<16xf32>
        %reduce_sum3A_967 = arith.constant true
        %reduce_sum3A_968 = vector.broadcast %reduce_sum3A_967 : i1 to vector<16xi1>
        %reduce_sum3A_969 = tpu.scan <sum>, %add3A_966 masked %reduce_sum3A_968 : vector<16xf32>, vector<16xi1> -> vector<16xf32>
        %reduce_sum3A_970 = vector.extract %reduce_sum3A_969[15] : f32 from vector<16xf32>
        %broadcast_in_dim3A_971 = vector.broadcast %reduce_sum3A_970 : f32 to vector<16xf32>
        %select_n3A_972 = arith.select %eq3A_965, %broadcast_in_dim3A_971, %select_n3A_960 : vector<16xi1>, vector<16xf32>
        %unpack3A_973 = tpu.unpack_subelements %add3A_924, 0 {pack_format = #tpu.pack_format<interleaved>} : vector<32xbf16> -> vector<16xf32>
        %unpack3A_974 = tpu.unpack_subelements %add3A_924, 1 {pack_format = #tpu.pack_format<interleaved>} : vector<32xbf16> -> vector<16xf32>
        %eq3A_975 = arith.constant 11 : i32
        %eq3A_976 = vector.broadcast %eq3A_975 : i32 to vector<16xi32>
        %eq3A_977 = arith.cmpi eq, %iota3A, %eq3A_976 : vector<16xi32>
        %add3A_978 = arith.addf %unpack3A_973, %unpack3A_974 : vector<16xf32>
        %reduce_sum3A_979 = arith.constant true
        %reduce_sum3A_980 = vector.broadcast %reduce_sum3A_979 : i1 to vector<16xi1>
        %reduce_sum3A_981 = tpu.scan <sum>, %add3A_978 masked %reduce_sum3A_980 : vector<16xf32>, vector<16xi1> -> vector<16xf32>
        %reduce_sum3A_982 = vector.extract %reduce_sum3A_981[15] : f32 from vector<16xf32>
        %broadcast_in_dim3A_983 = vector.broadcast %reduce_sum3A_982 : f32 to vector<16xf32>
        %select_n3A_984 = arith.select %eq3A_977, %broadcast_in_dim3A_983, %select_n3A_972 : vector<16xi1>, vector<16xf32>
        %unpack3A_985 = tpu.unpack_subelements %add3A_927, 0 {pack_format = #tpu.pack_format<interleaved>} : vector<32xbf16> -> vector<16xf32>
        %unpack3A_986 = tpu.unpack_subelements %add3A_927, 1 {pack_format = #tpu.pack_format<interleaved>} : vector<32xbf16> -> vector<16xf32>
        %eq3A_987 = arith.constant 12 : i32
        %eq3A_988 = vector.broadcast %eq3A_987 : i32 to vector<16xi32>
        %eq3A_989 = arith.cmpi eq, %iota3A, %eq3A_988 : vector<16xi32>
        %add3A_990 = arith.addf %unpack3A_985, %unpack3A_986 : vector<16xf32>
        %reduce_sum3A_991 = arith.constant true
        %reduce_sum3A_992 = vector.broadcast %reduce_sum3A_991 : i1 to vector<16xi1>
        %reduce_sum3A_993 = tpu.scan <sum>, %add3A_990 masked %reduce_sum3A_992 : vector<16xf32>, vector<16xi1> -> vector<16xf32>
        %reduce_sum3A_994 = vector.extract %reduce_sum3A_993[15] : f32 from vector<16xf32>
        %broadcast_in_dim3A_995 = vector.broadcast %reduce_sum3A_994 : f32 to vector<16xf32>
        %select_n3A_996 = arith.select %eq3A_989, %broadcast_in_dim3A_995, %select_n3A_984 : vector<16xi1>, vector<16xf32>
        %unpack3A_997 = tpu.unpack_subelements %add3A_930, 0 {pack_format = #tpu.pack_format<interleaved>} : vector<32xbf16> -> vector<16xf32>
        %unpack3A_998 = tpu.unpack_subelements %add3A_930, 1 {pack_format = #tpu.pack_format<interleaved>} : vector<32xbf16> -> vector<16xf32>
        %eq3A_999 = arith.constant 13 : i32
        %eq3A_1000 = vector.broadcast %eq3A_999 : i32 to vector<16xi32>
        %eq3A_1001 = arith.cmpi eq, %iota3A, %eq3A_1000 : vector<16xi32>
        %add3A_1002 = arith.addf %unpack3A_997, %unpack3A_998 : vector<16xf32>
        %reduce_sum3A_1003 = arith.constant true
        %reduce_sum3A_1004 = vector.broadcast %reduce_sum3A_1003 : i1 to vector<16xi1>
        %reduce_sum3A_1005 = tpu.scan <sum>, %add3A_1002 masked %reduce_sum3A_1004 : vector<16xf32>, vector<16xi1> -> vector<16xf32>
        %reduce_sum3A_1006 = vector.extract %reduce_sum3A_1005[15] : f32 from vector<16xf32>
        %broadcast_in_dim3A_1007 = vector.broadcast %reduce_sum3A_1006 : f32 to vector<16xf32>
        %select_n3A_1008 = arith.select %eq3A_1001, %broadcast_in_dim3A_1007, %select_n3A_996 : vector<16xi1>, vector<16xf32>
        %unpack3A_1009 = tpu.unpack_subelements %add3A_933, 0 {pack_format = #tpu.pack_format<interleaved>} : vector<32xbf16> -> vector<16xf32>
        %unpack3A_1010 = tpu.unpack_subelements %add3A_933, 1 {pack_format = #tpu.pack_format<interleaved>} : vector<32xbf16> -> vector<16xf32>
        %eq3A_1011 = arith.constant 14 : i32
        %eq3A_1012 = vector.broadcast %eq3A_1011 : i32 to vector<16xi32>
        %eq3A_1013 = arith.cmpi eq, %iota3A, %eq3A_1012 : vector<16xi32>
        %add3A_1014 = arith.addf %unpack3A_1009, %unpack3A_1010 : vector<16xf32>
        %reduce_sum3A_1015 = arith.constant true
        %reduce_sum3A_1016 = vector.broadcast %reduce_sum3A_1015 : i1 to vector<16xi1>
        %reduce_sum3A_1017 = tpu.scan <sum>, %add3A_1014 masked %reduce_sum3A_1016 : vector<16xf32>, vector<16xi1> -> vector<16xf32>
        %reduce_sum3A_1018 = vector.extract %reduce_sum3A_1017[15] : f32 from vector<16xf32>
        %broadcast_in_dim3A_1019 = vector.broadcast %reduce_sum3A_1018 : f32 to vector<16xf32>
        %select_n3A_1020 = arith.select %eq3A_1013, %broadcast_in_dim3A_1019, %select_n3A_1008 : vector<16xi1>, vector<16xf32>
        %unpack3A_1021 = tpu.unpack_subelements %add3A_936, 0 {pack_format = #tpu.pack_format<interleaved>} : vector<32xbf16> -> vector<16xf32>
        %unpack3A_1022 = tpu.unpack_subelements %add3A_936, 1 {pack_format = #tpu.pack_format<interleaved>} : vector<32xbf16> -> vector<16xf32>
        %eq3A_1023 = arith.constant 15 : i32
        %eq3A_1024 = vector.broadcast %eq3A_1023 : i32 to vector<16xi32>
        %eq3A_1025 = arith.cmpi eq, %iota3A, %eq3A_1024 : vector<16xi32>
        %add3A_1026 = arith.addf %unpack3A_1021, %unpack3A_1022 : vector<16xf32>
        %reduce_sum3A_1027 = arith.constant true
        %reduce_sum3A_1028 = vector.broadcast %reduce_sum3A_1027 : i1 to vector<16xi1>
        %reduce_sum3A_1029 = tpu.scan <sum>, %add3A_1026 masked %reduce_sum3A_1028 : vector<16xf32>, vector<16xi1> -> vector<16xf32>
        %reduce_sum3A_1030 = vector.extract %reduce_sum3A_1029[15] : f32 from vector<16xf32>
        %broadcast_in_dim3A_1031 = vector.broadcast %reduce_sum3A_1030 : f32 to vector<16xf32>
        %select_n3A_1032 = arith.select %eq3A_1025, %broadcast_in_dim3A_1031, %select_n3A_1020 : vector<16xi1>, vector<16xf32>
        %swap3A = arith.index_cast %mul3A_347 : i32 to index
        %swap3A_1033 = tpu.vector_load %arg13[%swap3A] {strides = array<i32>} : memref<128xf32, #tpu.memory_space<vmem>>, vector<16xf32>,
        tpu.vector_store %arg13[%swap3A], %select_n3A_1032 {strides = array<i32>} : memref<128xf32, #tpu.memory_space<vmem>>, vector<16xf32>,
        %scan3A_1034 = arith.constant 0 : i32
        scf.yield %scan3A_1034 : i32
      }
      %scan3A_273 = arith.constant 8 : i32
      %mul3A_274 = arith.constant 196 : i32
      %mul3A_275 = arith.muli %add3A, %mul3A_274 : i32
      %add3A_276 = arith.addi %mul3A_275, %add3A_240 : i32
      %dma_start3A_277 = arith.constant 0 : i32
      %dma_start3A_278 = tpu.memref_slice %arg4[%add3A_276, %dma_start3A_277] : memref<6272x128xf32, #tpu.memory_space<hbm>> -> memref<1x128xf32, #tpu.memory_space<hbm>>
      %dma_start3A_279 = tpu.memref_squeeze %dma_start3A_278 : memref<1x128xf32, #tpu.memory_space<hbm>> -> memref<128xf32, #tpu.memory_space<hbm>>
      %dma_start3A_280 = arith.constant 0 : i32
      %dma_start3A_281 = tpu.memref_slice %arg4[%add3A_276, %dma_start3A_280] : memref<6272x128xf32, #tpu.memory_space<hbm>> -> memref<1x128xf32, #tpu.memory_space<hbm>>
      %dma_start3A_282 = tpu.memref_squeeze %dma_start3A_281 : memref<1x128xf32, #tpu.memory_space<hbm>> -> memref<128xf32, #tpu.memory_space<hbm>>
      tpu.enqueue_dma source(%arg13 : memref<128xf32, #tpu.memory_space<vmem>>) target(%dma_start3A_282 : memref<128xf32, #tpu.memory_space<hbm>>) target_semaphore(%arg24 : memref<!tpu.dma_semaphore, #tpu.memory_space<semaphore_mem>>)
      %add3A_283 = arith.constant 2 : i32
      %add3A_284 = arith.addi %add3A_240, %add3A_283 : i32
      %lt3A_285 = arith.constant 196 : i32
      %lt3A_286 = arith.cmpi slt, %add3A_284, %lt3A_285 : i32
      %convert_element_type3A_287 = arith.extui %lt3A_286 : i1 to i32
      %cond3A_288 = arith.constant 0 : i32
      %cond3A_289 = arith.cmpi ne, %convert_element_type3A_287, %cond3A_288 : i32
      scf.if %cond3A_289 {
        %add3A_344 = arith.constant 2 : i32
        %add3A_345 = arith.addi %add3A_240, %add3A_344 : i32
        %mul3A_346 = arith.constant 196 : i32
        %mul3A_347 = arith.muli %add3A, %mul3A_346 : i32
        %add3A_348 = arith.addi %mul3A_347, %add3A_345 : i32
        %dma_wait3A_349 = arith.constant 0 : i32
        %dma_wait3A_350 = arith.constant 0 : i32
        %dma_wait3A_351 = tpu.memref_slice %arg2[%add3A_348, %dma_wait3A_349, %dma_wait3A_350] : memref<6272x2x128xi32, #tpu.memory_space<hbm>> -> memref<1x2x128xi32, #tpu.memory_space<hbm>>
        %dma_wait3A_352 = tpu.memref_squeeze %dma_wait3A_351 : memref<1x2x128xi32, #tpu.memory_space<hbm>> -> memref<2x128xi32, #tpu.memory_space<hbm>>
        %dma_wait3A_353 = arith.constant 0 : i32
        %dma_wait3A_354 = arith.constant 0 : i32
        %dma_wait3A_355 = tpu.memref_slice %arg2[%add3A_348, %dma_wait3A_353, %dma_wait3A_354] : memref<6272x2x128xi32, #tpu.memory_space<hbm>> -> memref<1x2x128xi32, #tpu.memory_space<hbm>>
        %dma_wait3A_356 = tpu.memref_squeeze %dma_wait3A_355 : memref<1x2x128xi32, #tpu.memory_space<hbm>> -> memref<2x128xi32, #tpu.memory_space<hbm>>
        tpu.wait_dma2 semaphore(%arg16 : memref<!tpu.dma_semaphore, #tpu.memory_space<semaphore_mem>>) src(%dma_wait3A_356 : memref<2x128xi32, #tpu.memory_space<hbm>>) dst(%arg5 : memref<2x128xi32, #tpu.memory_space<vmem>>)
        %add3A_357 = arith.constant 2 : i32
        %add3A_358 = arith.addi %add3A_240, %add3A_357 : i32
        %dma_start3A_359 = arith.constant 0 : i32
        %dma_start3A_360 = arith.constant 0 : i32
        %dma_start3A_361 = tpu.memref_slice %arg5[%dma_start3A_359, %dma_start3A_360] : memref<2x128xi32, #tpu.memory_space<vmem>> -> memref<1x128xi32, #tpu.memory_space<vmem>>
        %dma_start3A_362 = tpu.memref_squeeze %dma_start3A_361 : memref<1x128xi32, #tpu.memory_space<vmem>> -> memref<128xi32, #tpu.memory_space<vmem>>
        %dma_start3A_363 = arith.constant 0 : i32
        %dma_start3A_364 = arith.constant 0 : i32
        %dma_start3A_365 = tpu.memref_slice %arg15[%dma_start3A_363, %dma_start3A_364] : memref<50000x64xbf16, #tpu.memory_space<vmem_shared>> -> memref<50000x64xbf16, #tpu.memory_space<vmem_shared>>
        tpu.enqueue_indirect_dma source(%dma_start3A_365 : memref<50000x64xbf16, #tpu.memory_space<vmem_shared>>) target(%arg9 : memref<128x64xbf16, #tpu.memory_space<vmem>>) offsets(%dma_start3A_362 : memref<128xi32, #tpu.memory_space<vmem>>) semaphore(%arg20 : memref<!tpu.dma_semaphore, #tpu.memory_space<semaphore_mem>>)
        %dma_start3A_366 = arith.constant 1 : i32
        %dma_start3A_367 = arith.constant 0 : i32
        %dma_start3A_368 = tpu.memref_slice %arg5[%dma_start3A_366, %dma_start3A_367] : memref<2x128xi32, #tpu.memory_space<vmem>> -> memref<1x128xi32, #tpu.memory_space<vmem>>
        %dma_start3A_369 = tpu.memref_squeeze %dma_start3A_368 : memref<1x128xi32, #tpu.memory_space<vmem>> -> memref<128xi32, #tpu.memory_space<vmem>>
        %dma_start3A_370 = arith.constant 0 : i32
        %dma_start3A_371 = arith.constant 0 : i32
        %dma_start3A_372 = tpu.memref_slice %arg15[%dma_start3A_370, %dma_start3A_371] : memref<50000x64xbf16, #tpu.memory_space<vmem_shared>> -> memref<50000x64xbf16, #tpu.memory_space<vmem_shared>>
        tpu.enqueue_indirect_dma source(%dma_start3A_372 : memref<50000x64xbf16, #tpu.memory_space<vmem_shared>>) target(%arg10 : memref<128x64xbf16, #tpu.memory_space<vmem>>) offsets(%dma_start3A_369 : memref<128xi32, #tpu.memory_space<vmem>>) semaphore(%arg21 : memref<!tpu.dma_semaphore, #tpu.memory_space<semaphore_mem>>)
      } else {
      }
      %mul3A_290 = arith.constant 4 : i32
      %mul3A_291 = arith.muli %scan3A_131, %mul3A_290 : i32
      %add3A_292 = arith.constant 3 : i32
      %add3A_293 = arith.addi %mul3A_291, %add3A_292 : i32
      %dma_wait3A_294 = arith.constant 0 : i32
      %dma_wait3A_295 = arith.constant 0 : i32
      %dma_wait3A_296 = tpu.memref_slice %arg8[%dma_wait3A_294, %dma_wait3A_295] : memref<2x128xi32, #tpu.memory_space<vmem>> -> memref<1x128xi32, #tpu.memory_space<vmem>>
      %dma_wait3A_297 = tpu.memref_squeeze %dma_wait3A_296 : memref<1x128xi32, #tpu.memory_space<vmem>> -> memref<128xi32, #tpu.memory_space<vmem>>
      %dma_wait3A_298 = arith.constant 0 : i32
      %dma_wait3A_299 = arith.constant 0 : i32
      %dma_wait3A_300 = tpu.memref_slice %arg15[%dma_wait3A_298, %dma_wait3A_299] : memref<50000x64xbf16, #tpu.memory_space<vmem_shared>> -> memref<50000x64xbf16, #tpu.memory_space<vmem_shared>>
      tpu.wait_indirect_dma semaphore(%arg22 : memref<!tpu.dma_semaphore, #tpu.memory_space<semaphore_mem>>) src(%dma_wait3A_300 : memref<50000x64xbf16, #tpu.memory_space<vmem_shared>>) dst(%arg11 : memref<128x64xbf16, #tpu.memory_space<vmem>>)
      %dma_wait3A_301 = arith.constant 1 : i32
      %dma_wait3A_302 = arith.constant 0 : i32
      %dma_wait3A_303 = tpu.memref_slice %arg8[%dma_wait3A_301, %dma_wait3A_302] : memref<2x128xi32, #tpu.memory_space<vmem>> -> memref<1x128xi32, #tpu.memory_space<vmem>>
      %dma_wait3A_304 = tpu.memref_squeeze %dma_wait3A_303 : memref<1x128xi32, #tpu.memory_space<vmem>> -> memref<128xi32, #tpu.memory_space<vmem>>
      %dma_wait3A_305 = arith.constant 0 : i32
      %dma_wait3A_306 = arith.constant 0 : i32
      %dma_wait3A_307 = tpu.memref_slice %arg15[%dma_wait3A_305, %dma_wait3A_306] : memref<50000x64xbf16, #tpu.memory_space<vmem_shared>> -> memref<50000x64xbf16, #tpu.memory_space<vmem_shared>>
      tpu.wait_indirect_dma semaphore(%arg23 : memref<!tpu.dma_semaphore, #tpu.memory_space<semaphore_mem>>) src(%dma_wait3A_307 : memref<50000x64xbf16, #tpu.memory_space<vmem_shared>>) dst(%arg12 : memref<128x64xbf16, #tpu.memory_space<vmem>>)
      %add3A_308 = arith.constant 4 : i32
      %add3A_309 = arith.addi %add3A_293, %add3A_308 : i32
      %lt3A_310 = arith.constant 196 : i32
      %lt3A_311 = arith.cmpi slt, %add3A_309, %lt3A_310 : i32
      %convert_element_type3A_312 = arith.extui %lt3A_311 : i1 to i32
      %cond3A_313 = arith.constant 0 : i32
      %cond3A_314 = arith.cmpi ne, %convert_element_type3A_312, %cond3A_313 : i32
      scf.if %cond3A_314 {
        %add3A_344 = arith.constant 4 : i32
        %add3A_345 = arith.addi %add3A_293, %add3A_344 : i32
        %mul3A_346 = arith.constant 196 : i32
        %mul3A_347 = arith.muli %add3A, %mul3A_346 : i32
        %add3A_348 = arith.addi %mul3A_347, %add3A_345 : i32
        %dma_start3A_349 = arith.constant 0 : i32
        %dma_start3A_350 = arith.constant 0 : i32
        %dma_start3A_351 = tpu.memref_slice %arg2[%add3A_348, %dma_start3A_349, %dma_start3A_350] : memref<6272x2x128xi32, #tpu.memory_space<hbm>> -> memref<1x2x128xi32, #tpu.memory_space<hbm>>
        %dma_start3A_352 = tpu.memref_squeeze %dma_start3A_351 : memref<1x2x128xi32, #tpu.memory_space<hbm>> -> memref<2x128xi32, #tpu.memory_space<hbm>>
        %dma_start3A_353 = arith.constant 0 : i32
        %dma_start3A_354 = arith.constant 0 : i32
        %dma_start3A_355 = tpu.memref_slice %arg2[%add3A_348, %dma_start3A_353, %dma_start3A_354] : memref<6272x2x128xi32, #tpu.memory_space<hbm>> -> memref<1x2x128xi32, #tpu.memory_space<hbm>>
        %dma_start3A_356 = tpu.memref_squeeze %dma_start3A_355 : memref<1x2x128xi32, #tpu.memory_space<hbm>> -> memref<2x128xi32, #tpu.memory_space<hbm>>
        tpu.enqueue_dma source(%dma_start3A_356 : memref<2x128xi32, #tpu.memory_space<hbm>>) target(%arg8 : memref<2x128xi32, #tpu.memory_space<vmem>>) target_semaphore(%arg19 : memref<!tpu.dma_semaphore, #tpu.memory_space<semaphore_mem>>)
      } else {
      }
      %ge3A_315 = arith.constant 2 : i32
      %ge3A_316 = arith.cmpi sge, %add3A_293, %ge3A_315 : i32
      %convert_element_type3A_317 = arith.extui %ge3A_316 : i1 to i32
      %cond3A_318 = arith.constant 0 : i32
      %cond3A_319 = arith.cmpi ne, %convert_element_type3A_317, %cond3A_318 : i32
      scf.if %cond3A_319 {
        %sub3A = arith.constant 2 : i32
        %sub3A_344 = arith.subi %add3A_293, %sub3A : i32
        %mul3A_345 = arith.constant 196 : i32
        %mul3A_346 = arith.muli %add3A, %mul3A_345 : i32
        %add3A_347 = arith.addi %mul3A_346, %sub3A_344 : i32
        %dma_wait3A_348 = arith.constant 0 : i32
        %dma_wait3A_349 = tpu.memref_slice %arg4[%add3A_347, %dma_wait3A_348] : memref<6272x128xf32, #tpu.memory_space<hbm>> -> memref<1x128xf32, #tpu.memory_space<hbm>>
        %dma_wait3A_350 = tpu.memref_squeeze %dma_wait3A_349 : memref<1x128xf32, #tpu.memory_space<hbm>> -> memref<128xf32, #tpu.memory_space<hbm>>
        %dma_wait3A_351 = arith.constant 0 : i32
        %dma_wait3A_352 = tpu.memref_slice %arg4[%add3A_347, %dma_wait3A_351] : memref<6272x128xf32, #tpu.memory_space<hbm>> -> memref<1x128xf32, #tpu.memory_space<hbm>>
        %dma_wait3A_353 = tpu.memref_squeeze %dma_wait3A_352 : memref<1x128xf32, #tpu.memory_space<hbm>> -> memref<128xf32, #tpu.memory_space<hbm>>
        tpu.wait_dma2 semaphore(%arg25 : memref<!tpu.dma_semaphore, #tpu.memory_space<semaphore_mem>>) src(%arg14 : memref<128xf32, #tpu.memory_space<vmem>>) dst(%dma_wait3A_353 : memref<128xf32, #tpu.memory_space<hbm>>)
      } else {
      }
      %scan3A_320 = arith.constant 0 : i32
      %scan3A_321 = arith.constant 0 : i32
      %scan3A_322 = arith.constant 8 : i32
      %scan3A_323 = arith.addi %scan3A_321, %scan3A_322 : i32
      %scan3A_324 = arith.constant 1 : i32
      %scan3A_325 = scf.for %scan3A_344 = %scan3A_321 to %scan3A_323 step %scan3A_324 iter_args(%scan3A_345 = %scan3A_320) -> (i32)  : i32 {
        %mul3A_346 = arith.constant 16 : i32
        %mul3A_347 = arith.muli %scan3A_344, %mul3A_346 : i32
        %broadcast_in_dim3A = arith.constant 0.000000e+00 : f32
        %broadcast_in_dim3A_348 = vector.broadcast %broadcast_in_dim3A : f32 to vector<16xf32>
        %add3A_349 = arith.constant 0 : i32
        %add3A_350 = arith.addi %mul3A_347, %add3A_349 : i32
        %add3A_351 = arith.constant 0 : i32
        %add3A_352 = arith.addi %add3A_350, %add3A_351 : i32
        %add3A_353 = arith.constant 0 : i32
        %add3A_354 = arith.addi %mul3A_347, %add3A_353 : i32
        %add3A_355 = arith.constant 0 : i32
        %add3A_356 = arith.addi %add3A_354, %add3A_355 : i32
        %get3A = arith.constant 0 : i32
        %get3A_357 = tpu.memref_slice %arg11[%add3A_352, %get3A] : memref<128x64xbf16, #tpu.memory_space<vmem>> -> memref<1x64xbf16, #tpu.memory_space<vmem>>
        %get3A_358 = tpu.memref_squeeze %get3A_357 : memref<1x64xbf16, #tpu.memory_space<vmem>> -> memref<64xbf16, #tpu.memory_space<vmem>>
        %get3A_359 = arith.constant 0 : index
        %get3A_360 = tpu.vector_load %get3A_358[%get3A_359] {strides = array<i32>} : memref<64xbf16, #tpu.memory_space<vmem>>, vector<32xbf16>,
        %get3A_361 = arith.constant 0 : i32
        %get3A_362 = tpu.memref_slice %arg11[%add3A_352, %get3A_361] : memref<128x64xbf16, #tpu.memory_space<vmem>> -> memref<1x64xbf16, #tpu.memory_space<vmem>>
        %get3A_363 = tpu.memref_squeeze %get3A_362 : memref<1x64xbf16, #tpu.memory_space<vmem>> -> memref<64xbf16, #tpu.memory_space<vmem>>
        %get3A_364 = arith.constant 32 : index
        %get3A_365 = tpu.vector_load %get3A_363[%get3A_364] {strides = array<i32>} : memref<64xbf16, #tpu.memory_space<vmem>>, vector<32xbf16>,
        %get3A_366 = arith.constant 0 : i32
        %get3A_367 = tpu.memref_slice %arg12[%add3A_356, %get3A_366] : memref<128x64xbf16, #tpu.memory_space<vmem>> -> memref<1x64xbf16, #tpu.memory_space<vmem>>
        %get3A_368 = tpu.memref_squeeze %get3A_367 : memref<1x64xbf16, #tpu.memory_space<vmem>> -> memref<64xbf16, #tpu.memory_space<vmem>>
        %get3A_369 = arith.constant 0 : index
        %get3A_370 = tpu.vector_load %get3A_368[%get3A_369] {strides = array<i32>} : memref<64xbf16, #tpu.memory_space<vmem>>, vector<32xbf16>,
        %get3A_371 = arith.constant 0 : i32
        %get3A_372 = tpu.memref_slice %arg12[%add3A_356, %get3A_371] : memref<128x64xbf16, #tpu.memory_space<vmem>> -> memref<1x64xbf16, #tpu.memory_space<vmem>>
        %get3A_373 = tpu.memref_squeeze %get3A_372 : memref<1x64xbf16, #tpu.memory_space<vmem>> -> memref<64xbf16, #tpu.memory_space<vmem>>
        %get3A_374 = arith.constant 32 : index
        %get3A_375 = tpu.vector_load %get3A_373[%get3A_374] {strides = array<i32>} : memref<64xbf16, #tpu.memory_space<vmem>>, vector<32xbf16>,
        %add3A_376 = arith.constant 0 : i32
        %add3A_377 = arith.addi %mul3A_347, %add3A_376 : i32
        %add3A_378 = arith.constant 1 : i32
        %add3A_379 = arith.addi %add3A_377, %add3A_378 : i32
        %add3A_380 = arith.constant 0 : i32
        %add3A_381 = arith.addi %mul3A_347, %add3A_380 : i32
        %add3A_382 = arith.constant 1 : i32
        %add3A_383 = arith.addi %add3A_381, %add3A_382 : i32
        %get3A_384 = arith.constant 0 : i32
        %get3A_385 = tpu.memref_slice %arg11[%add3A_379, %get3A_384] : memref<128x64xbf16, #tpu.memory_space<vmem>> -> memref<1x64xbf16, #tpu.memory_space<vmem>>
        %get3A_386 = tpu.memref_squeeze %get3A_385 : memref<1x64xbf16, #tpu.memory_space<vmem>> -> memref<64xbf16, #tpu.memory_space<vmem>>
        %get3A_387 = arith.constant 0 : index
        %get3A_388 = tpu.vector_load %get3A_386[%get3A_387] {strides = array<i32>} : memref<64xbf16, #tpu.memory_space<vmem>>, vector<32xbf16>,
        %get3A_389 = arith.constant 0 : i32
        %get3A_390 = tpu.memref_slice %arg11[%add3A_379, %get3A_389] : memref<128x64xbf16, #tpu.memory_space<vmem>> -> memref<1x64xbf16, #tpu.memory_space<vmem>>
        %get3A_391 = tpu.memref_squeeze %get3A_390 : memref<1x64xbf16, #tpu.memory_space<vmem>> -> memref<64xbf16, #tpu.memory_space<vmem>>
        %get3A_392 = arith.constant 32 : index
        %get3A_393 = tpu.vector_load %get3A_391[%get3A_392] {strides = array<i32>} : memref<64xbf16, #tpu.memory_space<vmem>>, vector<32xbf16>,
        %get3A_394 = arith.constant 0 : i32
        %get3A_395 = tpu.memref_slice %arg12[%add3A_383, %get3A_394] : memref<128x64xbf16, #tpu.memory_space<vmem>> -> memref<1x64xbf16, #tpu.memory_space<vmem>>
        %get3A_396 = tpu.memref_squeeze %get3A_395 : memref<1x64xbf16, #tpu.memory_space<vmem>> -> memref<64xbf16, #tpu.memory_space<vmem>>
        %get3A_397 = arith.constant 0 : index
        %get3A_398 = tpu.vector_load %get3A_396[%get3A_397] {strides = array<i32>} : memref<64xbf16, #tpu.memory_space<vmem>>, vector<32xbf16>,
        %get3A_399 = arith.constant 0 : i32
        %get3A_400 = tpu.memref_slice %arg12[%add3A_383, %get3A_399] : memref<128x64xbf16, #tpu.memory_space<vmem>> -> memref<1x64xbf16, #tpu.memory_space<vmem>>
        %get3A_401 = tpu.memref_squeeze %get3A_400 : memref<1x64xbf16, #tpu.memory_space<vmem>> -> memref<64xbf16, #tpu.memory_space<vmem>>
        %get3A_402 = arith.constant 32 : index
        %get3A_403 = tpu.vector_load %get3A_401[%get3A_402] {strides = array<i32>} : memref<64xbf16, #tpu.memory_space<vmem>>, vector<32xbf16>,
        %add3A_404 = arith.constant 0 : i32
        %add3A_405 = arith.addi %mul3A_347, %add3A_404 : i32
        %add3A_406 = arith.constant 2 : i32
        %add3A_407 = arith.addi %add3A_405, %add3A_406 : i32
        %add3A_408 = arith.constant 0 : i32
        %add3A_409 = arith.addi %mul3A_347, %add3A_408 : i32
        %add3A_410 = arith.constant 2 : i32
        %add3A_411 = arith.addi %add3A_409, %add3A_410 : i32
        %get3A_412 = arith.constant 0 : i32
        %get3A_413 = tpu.memref_slice %arg11[%add3A_407, %get3A_412] : memref<128x64xbf16, #tpu.memory_space<vmem>> -> memref<1x64xbf16, #tpu.memory_space<vmem>>
        %get3A_414 = tpu.memref_squeeze %get3A_413 : memref<1x64xbf16, #tpu.memory_space<vmem>> -> memref<64xbf16, #tpu.memory_space<vmem>>
        %get3A_415 = arith.constant 0 : index
        %get3A_416 = tpu.vector_load %get3A_414[%get3A_415] {strides = array<i32>} : memref<64xbf16, #tpu.memory_space<vmem>>, vector<32xbf16>,
        %get3A_417 = arith.constant 0 : i32
        %get3A_418 = tpu.memref_slice %arg11[%add3A_407, %get3A_417] : memref<128x64xbf16, #tpu.memory_space<vmem>> -> memref<1x64xbf16, #tpu.memory_space<vmem>>
        %get3A_419 = tpu.memref_squeeze %get3A_418 : memref<1x64xbf16, #tpu.memory_space<vmem>> -> memref<64xbf16, #tpu.memory_space<vmem>>
        %get3A_420 = arith.constant 32 : index
        %get3A_421 = tpu.vector_load %get3A_419[%get3A_420] {strides = array<i32>} : memref<64xbf16, #tpu.memory_space<vmem>>, vector<32xbf16>,
        %get3A_422 = arith.constant 0 : i32
        %get3A_423 = tpu.memref_slice %arg12[%add3A_411, %get3A_422] : memref<128x64xbf16, #tpu.memory_space<vmem>> -> memref<1x64xbf16, #tpu.memory_space<vmem>>
        %get3A_424 = tpu.memref_squeeze %get3A_423 : memref<1x64xbf16, #tpu.memory_space<vmem>> -> memref<64xbf16, #tpu.memory_space<vmem>>
        %get3A_425 = arith.constant 0 : index
        %get3A_426 = tpu.vector_load %get3A_424[%get3A_425] {strides = array<i32>} : memref<64xbf16, #tpu.memory_space<vmem>>, vector<32xbf16>,
        %get3A_427 = arith.constant 0 : i32
        %get3A_428 = tpu.memref_slice %arg12[%add3A_411, %get3A_427] : memref<128x64xbf16, #tpu.memory_space<vmem>> -> memref<1x64xbf16, #tpu.memory_space<vmem>>
        %get3A_429 = tpu.memref_squeeze %get3A_428 : memref<1x64xbf16, #tpu.memory_space<vmem>> -> memref<64xbf16, #tpu.memory_space<vmem>>
        %get3A_430 = arith.constant 32 : index
        %get3A_431 = tpu.vector_load %get3A_429[%get3A_430] {strides = array<i32>} : memref<64xbf16, #tpu.memory_space<vmem>>, vector<32xbf16>,
        %add3A_432 = arith.constant 0 : i32
        %add3A_433 = arith.addi %mul3A_347, %add3A_432 : i32
        %add3A_434 = arith.constant 3 : i32
        %add3A_435 = arith.addi %add3A_433, %add3A_434 : i32
        %add3A_436 = arith.constant 0 : i32
        %add3A_437 = arith.addi %mul3A_347, %add3A_436 : i32
        %add3A_438 = arith.constant 3 : i32
        %add3A_439 = arith.addi %add3A_437, %add3A_438 : i32
        %get3A_440 = arith.constant 0 : i32
        %get3A_441 = tpu.memref_slice %arg11[%add3A_435, %get3A_440] : memref<128x64xbf16, #tpu.memory_space<vmem>> -> memref<1x64xbf16, #tpu.memory_space<vmem>>
        %get3A_442 = tpu.memref_squeeze %get3A_441 : memref<1x64xbf16, #tpu.memory_space<vmem>> -> memref<64xbf16, #tpu.memory_space<vmem>>
        %get3A_443 = arith.constant 0 : index
        %get3A_444 = tpu.vector_load %get3A_442[%get3A_443] {strides = array<i32>} : memref<64xbf16, #tpu.memory_space<vmem>>, vector<32xbf16>,
        %get3A_445 = arith.constant 0 : i32
        %get3A_446 = tpu.memref_slice %arg11[%add3A_435, %get3A_445] : memref<128x64xbf16, #tpu.memory_space<vmem>> -> memref<1x64xbf16, #tpu.memory_space<vmem>>
        %get3A_447 = tpu.memref_squeeze %get3A_446 : memref<1x64xbf16, #tpu.memory_space<vmem>> -> memref<64xbf16, #tpu.memory_space<vmem>>
        %get3A_448 = arith.constant 32 : index
        %get3A_449 = tpu.vector_load %get3A_447[%get3A_448] {strides = array<i32>} : memref<64xbf16, #tpu.memory_space<vmem>>, vector<32xbf16>,
        %get3A_450 = arith.constant 0 : i32
        %get3A_451 = tpu.memref_slice %arg12[%add3A_439, %get3A_450] : memref<128x64xbf16, #tpu.memory_space<vmem>> -> memref<1x64xbf16, #tpu.memory_space<vmem>>
        %get3A_452 = tpu.memref_squeeze %get3A_451 : memref<1x64xbf16, #tpu.memory_space<vmem>> -> memref<64xbf16, #tpu.memory_space<vmem>>
        %get3A_453 = arith.constant 0 : index
        %get3A_454 = tpu.vector_load %get3A_452[%get3A_453] {strides = array<i32>} : memref<64xbf16, #tpu.memory_space<vmem>>, vector<32xbf16>,
        %get3A_455 = arith.constant 0 : i32
        %get3A_456 = tpu.memref_slice %arg12[%add3A_439, %get3A_455] : memref<128x64xbf16, #tpu.memory_space<vmem>> -> memref<1x64xbf16, #tpu.memory_space<vmem>>
        %get3A_457 = tpu.memref_squeeze %get3A_456 : memref<1x64xbf16, #tpu.memory_space<vmem>> -> memref<64xbf16, #tpu.memory_space<vmem>>
        %get3A_458 = arith.constant 32 : index
        %get3A_459 = tpu.vector_load %get3A_457[%get3A_458] {strides = array<i32>} : memref<64xbf16, #tpu.memory_space<vmem>>, vector<32xbf16>,
        %add3A_460 = arith.constant 0 : i32
        %add3A_461 = arith.addi %mul3A_347, %add3A_460 : i32
        %add3A_462 = arith.constant 4 : i32
        %add3A_463 = arith.addi %add3A_461, %add3A_462 : i32
        %add3A_464 = arith.constant 0 : i32
        %add3A_465 = arith.addi %mul3A_347, %add3A_464 : i32
        %add3A_466 = arith.constant 4 : i32
        %add3A_467 = arith.addi %add3A_465, %add3A_466 : i32
        %get3A_468 = arith.constant 0 : i32
        %get3A_469 = tpu.memref_slice %arg11[%add3A_463, %get3A_468] : memref<128x64xbf16, #tpu.memory_space<vmem>> -> memref<1x64xbf16, #tpu.memory_space<vmem>>
        %get3A_470 = tpu.memref_squeeze %get3A_469 : memref<1x64xbf16, #tpu.memory_space<vmem>> -> memref<64xbf16, #tpu.memory_space<vmem>>
        %get3A_471 = arith.constant 0 : index
        %get3A_472 = tpu.vector_load %get3A_470[%get3A_471] {strides = array<i32>} : memref<64xbf16, #tpu.memory_space<vmem>>, vector<32xbf16>,
        %get3A_473 = arith.constant 0 : i32
        %get3A_474 = tpu.memref_slice %arg11[%add3A_463, %get3A_473] : memref<128x64xbf16, #tpu.memory_space<vmem>> -> memref<1x64xbf16, #tpu.memory_space<vmem>>
        %get3A_475 = tpu.memref_squeeze %get3A_474 : memref<1x64xbf16, #tpu.memory_space<vmem>> -> memref<64xbf16, #tpu.memory_space<vmem>>
        %get3A_476 = arith.constant 32 : index
        %get3A_477 = tpu.vector_load %get3A_475[%get3A_476] {strides = array<i32>} : memref<64xbf16, #tpu.memory_space<vmem>>, vector<32xbf16>,
        %get3A_478 = arith.constant 0 : i32
        %get3A_479 = tpu.memref_slice %arg12[%add3A_467, %get3A_478] : memref<128x64xbf16, #tpu.memory_space<vmem>> -> memref<1x64xbf16, #tpu.memory_space<vmem>>
        %get3A_480 = tpu.memref_squeeze %get3A_479 : memref<1x64xbf16, #tpu.memory_space<vmem>> -> memref<64xbf16, #tpu.memory_space<vmem>>
        %get3A_481 = arith.constant 0 : index
        %get3A_482 = tpu.vector_load %get3A_480[%get3A_481] {strides = array<i32>} : memref<64xbf16, #tpu.memory_space<vmem>>, vector<32xbf16>,
        %get3A_483 = arith.constant 0 : i32
        %get3A_484 = tpu.memref_slice %arg12[%add3A_467, %get3A_483] : memref<128x64xbf16, #tpu.memory_space<vmem>> -> memref<1x64xbf16, #tpu.memory_space<vmem>>
        %get3A_485 = tpu.memref_squeeze %get3A_484 : memref<1x64xbf16, #tpu.memory_space<vmem>> -> memref<64xbf16, #tpu.memory_space<vmem>>
        %get3A_486 = arith.constant 32 : index
        %get3A_487 = tpu.vector_load %get3A_485[%get3A_486] {strides = array<i32>} : memref<64xbf16, #tpu.memory_space<vmem>>, vector<32xbf16>,
        %add3A_488 = arith.constant 0 : i32
        %add3A_489 = arith.addi %mul3A_347, %add3A_488 : i32
        %add3A_490 = arith.constant 5 : i32
        %add3A_491 = arith.addi %add3A_489, %add3A_490 : i32
        %add3A_492 = arith.constant 0 : i32
        %add3A_493 = arith.addi %mul3A_347, %add3A_492 : i32
        %add3A_494 = arith.constant 5 : i32
        %add3A_495 = arith.addi %add3A_493, %add3A_494 : i32
        %get3A_496 = arith.constant 0 : i32
        %get3A_497 = tpu.memref_slice %arg11[%add3A_491, %get3A_496] : memref<128x64xbf16, #tpu.memory_space<vmem>> -> memref<1x64xbf16, #tpu.memory_space<vmem>>
        %get3A_498 = tpu.memref_squeeze %get3A_497 : memref<1x64xbf16, #tpu.memory_space<vmem>> -> memref<64xbf16, #tpu.memory_space<vmem>>
        %get3A_499 = arith.constant 0 : index
        %get3A_500 = tpu.vector_load %get3A_498[%get3A_499] {strides = array<i32>} : memref<64xbf16, #tpu.memory_space<vmem>>, vector<32xbf16>,
        %get3A_501 = arith.constant 0 : i32
        %get3A_502 = tpu.memref_slice %arg11[%add3A_491, %get3A_501] : memref<128x64xbf16, #tpu.memory_space<vmem>> -> memref<1x64xbf16, #tpu.memory_space<vmem>>
        %get3A_503 = tpu.memref_squeeze %get3A_502 : memref<1x64xbf16, #tpu.memory_space<vmem>> -> memref<64xbf16, #tpu.memory_space<vmem>>
        %get3A_504 = arith.constant 32 : index
        %get3A_505 = tpu.vector_load %get3A_503[%get3A_504] {strides = array<i32>} : memref<64xbf16, #tpu.memory_space<vmem>>, vector<32xbf16>,
        %get3A_506 = arith.constant 0 : i32
        %get3A_507 = tpu.memref_slice %arg12[%add3A_495, %get3A_506] : memref<128x64xbf16, #tpu.memory_space<vmem>> -> memref<1x64xbf16, #tpu.memory_space<vmem>>
        %get3A_508 = tpu.memref_squeeze %get3A_507 : memref<1x64xbf16, #tpu.memory_space<vmem>> -> memref<64xbf16, #tpu.memory_space<vmem>>
        %get3A_509 = arith.constant 0 : index
        %get3A_510 = tpu.vector_load %get3A_508[%get3A_509] {strides = array<i32>} : memref<64xbf16, #tpu.memory_space<vmem>>, vector<32xbf16>,
        %get3A_511 = arith.constant 0 : i32
        %get3A_512 = tpu.memref_slice %arg12[%add3A_495, %get3A_511] : memref<128x64xbf16, #tpu.memory_space<vmem>> -> memref<1x64xbf16, #tpu.memory_space<vmem>>
        %get3A_513 = tpu.memref_squeeze %get3A_512 : memref<1x64xbf16, #tpu.memory_space<vmem>> -> memref<64xbf16, #tpu.memory_space<vmem>>
        %get3A_514 = arith.constant 32 : index
        %get3A_515 = tpu.vector_load %get3A_513[%get3A_514] {strides = array<i32>} : memref<64xbf16, #tpu.memory_space<vmem>>, vector<32xbf16>,
        %add3A_516 = arith.constant 0 : i32
        %add3A_517 = arith.addi %mul3A_347, %add3A_516 : i32
        %add3A_518 = arith.constant 6 : i32
        %add3A_519 = arith.addi %add3A_517, %add3A_518 : i32
        %add3A_520 = arith.constant 0 : i32
        %add3A_521 = arith.addi %mul3A_347, %add3A_520 : i32
        %add3A_522 = arith.constant 6 : i32
        %add3A_523 = arith.addi %add3A_521, %add3A_522 : i32
        %get3A_524 = arith.constant 0 : i32
        %get3A_525 = tpu.memref_slice %arg11[%add3A_519, %get3A_524] : memref<128x64xbf16, #tpu.memory_space<vmem>> -> memref<1x64xbf16, #tpu.memory_space<vmem>>
        %get3A_526 = tpu.memref_squeeze %get3A_525 : memref<1x64xbf16, #tpu.memory_space<vmem>> -> memref<64xbf16, #tpu.memory_space<vmem>>
        %get3A_527 = arith.constant 0 : index
        %get3A_528 = tpu.vector_load %get3A_526[%get3A_527] {strides = array<i32>} : memref<64xbf16, #tpu.memory_space<vmem>>, vector<32xbf16>,
        %get3A_529 = arith.constant 0 : i32
        %get3A_530 = tpu.memref_slice %arg11[%add3A_519, %get3A_529] : memref<128x64xbf16, #tpu.memory_space<vmem>> -> memref<1x64xbf16, #tpu.memory_space<vmem>>
        %get3A_531 = tpu.memref_squeeze %get3A_530 : memref<1x64xbf16, #tpu.memory_space<vmem>> -> memref<64xbf16, #tpu.memory_space<vmem>>
        %get3A_532 = arith.constant 32 : index
        %get3A_533 = tpu.vector_load %get3A_531[%get3A_532] {strides = array<i32>} : memref<64xbf16, #tpu.memory_space<vmem>>, vector<32xbf16>,
        %get3A_534 = arith.constant 0 : i32
        %get3A_535 = tpu.memref_slice %arg12[%add3A_523, %get3A_534] : memref<128x64xbf16, #tpu.memory_space<vmem>> -> memref<1x64xbf16, #tpu.memory_space<vmem>>
        %get3A_536 = tpu.memref_squeeze %get3A_535 : memref<1x64xbf16, #tpu.memory_space<vmem>> -> memref<64xbf16, #tpu.memory_space<vmem>>
        %get3A_537 = arith.constant 0 : index
        %get3A_538 = tpu.vector_load %get3A_536[%get3A_537] {strides = array<i32>} : memref<64xbf16, #tpu.memory_space<vmem>>, vector<32xbf16>,
        %get3A_539 = arith.constant 0 : i32
        %get3A_540 = tpu.memref_slice %arg12[%add3A_523, %get3A_539] : memref<128x64xbf16, #tpu.memory_space<vmem>> -> memref<1x64xbf16, #tpu.memory_space<vmem>>
        %get3A_541 = tpu.memref_squeeze %get3A_540 : memref<1x64xbf16, #tpu.memory_space<vmem>> -> memref<64xbf16, #tpu.memory_space<vmem>>
        %get3A_542 = arith.constant 32 : index
        %get3A_543 = tpu.vector_load %get3A_541[%get3A_542] {strides = array<i32>} : memref<64xbf16, #tpu.memory_space<vmem>>, vector<32xbf16>,
        %add3A_544 = arith.constant 0 : i32
        %add3A_545 = arith.addi %mul3A_347, %add3A_544 : i32
        %add3A_546 = arith.constant 7 : i32
        %add3A_547 = arith.addi %add3A_545, %add3A_546 : i32
        %add3A_548 = arith.constant 0 : i32
        %add3A_549 = arith.addi %mul3A_347, %add3A_548 : i32
        %add3A_550 = arith.constant 7 : i32
        %add3A_551 = arith.addi %add3A_549, %add3A_550 : i32
        %get3A_552 = arith.constant 0 : i32
        %get3A_553 = tpu.memref_slice %arg11[%add3A_547, %get3A_552] : memref<128x64xbf16, #tpu.memory_space<vmem>> -> memref<1x64xbf16, #tpu.memory_space<vmem>>
        %get3A_554 = tpu.memref_squeeze %get3A_553 : memref<1x64xbf16, #tpu.memory_space<vmem>> -> memref<64xbf16, #tpu.memory_space<vmem>>
        %get3A_555 = arith.constant 0 : index
        %get3A_556 = tpu.vector_load %get3A_554[%get3A_555] {strides = array<i32>} : memref<64xbf16, #tpu.memory_space<vmem>>, vector<32xbf16>,
        %get3A_557 = arith.constant 0 : i32
        %get3A_558 = tpu.memref_slice %arg11[%add3A_547, %get3A_557] : memref<128x64xbf16, #tpu.memory_space<vmem>> -> memref<1x64xbf16, #tpu.memory_space<vmem>>
        %get3A_559 = tpu.memref_squeeze %get3A_558 : memref<1x64xbf16, #tpu.memory_space<vmem>> -> memref<64xbf16, #tpu.memory_space<vmem>>
        %get3A_560 = arith.constant 32 : index
        %get3A_561 = tpu.vector_load %get3A_559[%get3A_560] {strides = array<i32>} : memref<64xbf16, #tpu.memory_space<vmem>>, vector<32xbf16>,
        %get3A_562 = arith.constant 0 : i32
        %get3A_563 = tpu.memref_slice %arg12[%add3A_551, %get3A_562] : memref<128x64xbf16, #tpu.memory_space<vmem>> -> memref<1x64xbf16, #tpu.memory_space<vmem>>
        %get3A_564 = tpu.memref_squeeze %get3A_563 : memref<1x64xbf16, #tpu.memory_space<vmem>> -> memref<64xbf16, #tpu.memory_space<vmem>>
        %get3A_565 = arith.constant 0 : index
        %get3A_566 = tpu.vector_load %get3A_564[%get3A_565] {strides = array<i32>} : memref<64xbf16, #tpu.memory_space<vmem>>, vector<32xbf16>,
        %get3A_567 = arith.constant 0 : i32
        %get3A_568 = tpu.memref_slice %arg12[%add3A_551, %get3A_567] : memref<128x64xbf16, #tpu.memory_space<vmem>> -> memref<1x64xbf16, #tpu.memory_space<vmem>>
        %get3A_569 = tpu.memref_squeeze %get3A_568 : memref<1x64xbf16, #tpu.memory_space<vmem>> -> memref<64xbf16, #tpu.memory_space<vmem>>
        %get3A_570 = arith.constant 32 : index
        %get3A_571 = tpu.vector_load %get3A_569[%get3A_570] {strides = array<i32>} : memref<64xbf16, #tpu.memory_space<vmem>>, vector<32xbf16>,
        %mul3A_572 = arith.mulf %get3A_360, %get3A_370 : vector<32xbf16>
        %mul3A_573 = arith.mulf %get3A_365, %get3A_375 : vector<32xbf16>
        %add3A_574 = arith.addf %mul3A_572, %mul3A_573 : vector<32xbf16>
        %mul3A_575 = arith.mulf %get3A_388, %get3A_398 : vector<32xbf16>
        %mul3A_576 = arith.mulf %get3A_393, %get3A_403 : vector<32xbf16>
        %add3A_577 = arith.addf %mul3A_575, %mul3A_576 : vector<32xbf16>
        %mul3A_578 = arith.mulf %get3A_416, %get3A_426 : vector<32xbf16>
        %mul3A_579 = arith.mulf %get3A_421, %get3A_431 : vector<32xbf16>
        %add3A_580 = arith.addf %mul3A_578, %mul3A_579 : vector<32xbf16>
        %mul3A_581 = arith.mulf %get3A_444, %get3A_454 : vector<32xbf16>
        %mul3A_582 = arith.mulf %get3A_449, %get3A_459 : vector<32xbf16>
        %add3A_583 = arith.addf %mul3A_581, %mul3A_582 : vector<32xbf16>
        %mul3A_584 = arith.mulf %get3A_472, %get3A_482 : vector<32xbf16>
        %mul3A_585 = arith.mulf %get3A_477, %get3A_487 : vector<32xbf16>
        %add3A_586 = arith.addf %mul3A_584, %mul3A_585 : vector<32xbf16>
        %mul3A_587 = arith.mulf %get3A_500, %get3A_510 : vector<32xbf16>
        %mul3A_588 = arith.mulf %get3A_505, %get3A_515 : vector<32xbf16>
        %add3A_589 = arith.addf %mul3A_587, %mul3A_588 : vector<32xbf16>
        %mul3A_590 = arith.mulf %get3A_528, %get3A_538 : vector<32xbf16>
        %mul3A_591 = arith.mulf %get3A_533, %get3A_543 : vector<32xbf16>
        %add3A_592 = arith.addf %mul3A_590, %mul3A_591 : vector<32xbf16>
        %mul3A_593 = arith.mulf %get3A_556, %get3A_566 : vector<32xbf16>
        %mul3A_594 = arith.mulf %get3A_561, %get3A_571 : vector<32xbf16>
        %add3A_595 = arith.addf %mul3A_593, %mul3A_594 : vector<32xbf16>
        %unpack3A = tpu.unpack_subelements %add3A_574, 0 {pack_format = #tpu.pack_format<interleaved>} : vector<32xbf16> -> vector<16xf32>
        %unpack3A_596 = tpu.unpack_subelements %add3A_574, 1 {pack_format = #tpu.pack_format<interleaved>} : vector<32xbf16> -> vector<16xf32>
        %eq3A_597 = arith.constant 0 : i32
        %eq3A_598 = vector.broadcast %eq3A_597 : i32 to vector<16xi32>
        %eq3A_599 = arith.cmpi eq, %iota3A, %eq3A_598 : vector<16xi32>
        %add3A_600 = arith.addf %unpack3A, %unpack3A_596 : vector<16xf32>
        %reduce_sum3A = arith.constant true
        %reduce_sum3A_601 = vector.broadcast %reduce_sum3A : i1 to vector<16xi1>
        %reduce_sum3A_602 = tpu.scan <sum>, %add3A_600 masked %reduce_sum3A_601 : vector<16xf32>, vector<16xi1> -> vector<16xf32>
        %reduce_sum3A_603 = vector.extract %reduce_sum3A_602[15] : f32 from vector<16xf32>
        %broadcast_in_dim3A_604 = vector.broadcast %reduce_sum3A_603 : f32 to vector<16xf32>
        %select_n3A = arith.select %eq3A_599, %broadcast_in_dim3A_604, %broadcast_in_dim3A_348 : vector<16xi1>, vector<16xf32>
        %unpack3A_605 = tpu.unpack_subelements %add3A_577, 0 {pack_format = #tpu.pack_format<interleaved>} : vector<32xbf16> -> vector<16xf32>
        %unpack3A_606 = tpu.unpack_subelements %add3A_577, 1 {pack_format = #tpu.pack_format<interleaved>} : vector<32xbf16> -> vector<16xf32>
        %eq3A_607 = arith.constant 1 : i32
        %eq3A_608 = vector.broadcast %eq3A_607 : i32 to vector<16xi32>
        %eq3A_609 = arith.cmpi eq, %iota3A, %eq3A_608 : vector<16xi32>
        %add3A_610 = arith.addf %unpack3A_605, %unpack3A_606 : vector<16xf32>
        %reduce_sum3A_611 = arith.constant true
        %reduce_sum3A_612 = vector.broadcast %reduce_sum3A_611 : i1 to vector<16xi1>
        %reduce_sum3A_613 = tpu.scan <sum>, %add3A_610 masked %reduce_sum3A_612 : vector<16xf32>, vector<16xi1> -> vector<16xf32>
        %reduce_sum3A_614 = vector.extract %reduce_sum3A_613[15] : f32 from vector<16xf32>
        %broadcast_in_dim3A_615 = vector.broadcast %reduce_sum3A_614 : f32 to vector<16xf32>
        %select_n3A_616 = arith.select %eq3A_609, %broadcast_in_dim3A_615, %select_n3A : vector<16xi1>, vector<16xf32>
        %unpack3A_617 = tpu.unpack_subelements %add3A_580, 0 {pack_format = #tpu.pack_format<interleaved>} : vector<32xbf16> -> vector<16xf32>
        %unpack3A_618 = tpu.unpack_subelements %add3A_580, 1 {pack_format = #tpu.pack_format<interleaved>} : vector<32xbf16> -> vector<16xf32>
        %eq3A_619 = arith.constant 2 : i32
        %eq3A_620 = vector.broadcast %eq3A_619 : i32 to vector<16xi32>
        %eq3A_621 = arith.cmpi eq, %iota3A, %eq3A_620 : vector<16xi32>
        %add3A_622 = arith.addf %unpack3A_617, %unpack3A_618 : vector<16xf32>
        %reduce_sum3A_623 = arith.constant true
        %reduce_sum3A_624 = vector.broadcast %reduce_sum3A_623 : i1 to vector<16xi1>
        %reduce_sum3A_625 = tpu.scan <sum>, %add3A_622 masked %reduce_sum3A_624 : vector<16xf32>, vector<16xi1> -> vector<16xf32>
        %reduce_sum3A_626 = vector.extract %reduce_sum3A_625[15] : f32 from vector<16xf32>
        %broadcast_in_dim3A_627 = vector.broadcast %reduce_sum3A_626 : f32 to vector<16xf32>
        %select_n3A_628 = arith.select %eq3A_621, %broadcast_in_dim3A_627, %select_n3A_616 : vector<16xi1>, vector<16xf32>
        %unpack3A_629 = tpu.unpack_subelements %add3A_583, 0 {pack_format = #tpu.pack_format<interleaved>} : vector<32xbf16> -> vector<16xf32>
        %unpack3A_630 = tpu.unpack_subelements %add3A_583, 1 {pack_format = #tpu.pack_format<interleaved>} : vector<32xbf16> -> vector<16xf32>
        %eq3A_631 = arith.constant 3 : i32
        %eq3A_632 = vector.broadcast %eq3A_631 : i32 to vector<16xi32>
        %eq3A_633 = arith.cmpi eq, %iota3A, %eq3A_632 : vector<16xi32>
        %add3A_634 = arith.addf %unpack3A_629, %unpack3A_630 : vector<16xf32>
        %reduce_sum3A_635 = arith.constant true
        %reduce_sum3A_636 = vector.broadcast %reduce_sum3A_635 : i1 to vector<16xi1>
        %reduce_sum3A_637 = tpu.scan <sum>, %add3A_634 masked %reduce_sum3A_636 : vector<16xf32>, vector<16xi1> -> vector<16xf32>
        %reduce_sum3A_638 = vector.extract %reduce_sum3A_637[15] : f32 from vector<16xf32>
        %broadcast_in_dim3A_639 = vector.broadcast %reduce_sum3A_638 : f32 to vector<16xf32>
        %select_n3A_640 = arith.select %eq3A_633, %broadcast_in_dim3A_639, %select_n3A_628 : vector<16xi1>, vector<16xf32>
        %unpack3A_641 = tpu.unpack_subelements %add3A_586, 0 {pack_format = #tpu.pack_format<interleaved>} : vector<32xbf16> -> vector<16xf32>
        %unpack3A_642 = tpu.unpack_subelements %add3A_586, 1 {pack_format = #tpu.pack_format<interleaved>} : vector<32xbf16> -> vector<16xf32>
        %eq3A_643 = arith.constant 4 : i32
        %eq3A_644 = vector.broadcast %eq3A_643 : i32 to vector<16xi32>
        %eq3A_645 = arith.cmpi eq, %iota3A, %eq3A_644 : vector<16xi32>
        %add3A_646 = arith.addf %unpack3A_641, %unpack3A_642 : vector<16xf32>
        %reduce_sum3A_647 = arith.constant true
        %reduce_sum3A_648 = vector.broadcast %reduce_sum3A_647 : i1 to vector<16xi1>
        %reduce_sum3A_649 = tpu.scan <sum>, %add3A_646 masked %reduce_sum3A_648 : vector<16xf32>, vector<16xi1> -> vector<16xf32>
        %reduce_sum3A_650 = vector.extract %reduce_sum3A_649[15] : f32 from vector<16xf32>
        %broadcast_in_dim3A_651 = vector.broadcast %reduce_sum3A_650 : f32 to vector<16xf32>
        %select_n3A_652 = arith.select %eq3A_645, %broadcast_in_dim3A_651, %select_n3A_640 : vector<16xi1>, vector<16xf32>
        %unpack3A_653 = tpu.unpack_subelements %add3A_589, 0 {pack_format = #tpu.pack_format<interleaved>} : vector<32xbf16> -> vector<16xf32>
        %unpack3A_654 = tpu.unpack_subelements %add3A_589, 1 {pack_format = #tpu.pack_format<interleaved>} : vector<32xbf16> -> vector<16xf32>
        %eq3A_655 = arith.constant 5 : i32
        %eq3A_656 = vector.broadcast %eq3A_655 : i32 to vector<16xi32>
        %eq3A_657 = arith.cmpi eq, %iota3A, %eq3A_656 : vector<16xi32>
        %add3A_658 = arith.addf %unpack3A_653, %unpack3A_654 : vector<16xf32>
        %reduce_sum3A_659 = arith.constant true
        %reduce_sum3A_660 = vector.broadcast %reduce_sum3A_659 : i1 to vector<16xi1>
        %reduce_sum3A_661 = tpu.scan <sum>, %add3A_658 masked %reduce_sum3A_660 : vector<16xf32>, vector<16xi1> -> vector<16xf32>
        %reduce_sum3A_662 = vector.extract %reduce_sum3A_661[15] : f32 from vector<16xf32>
        %broadcast_in_dim3A_663 = vector.broadcast %reduce_sum3A_662 : f32 to vector<16xf32>
        %select_n3A_664 = arith.select %eq3A_657, %broadcast_in_dim3A_663, %select_n3A_652 : vector<16xi1>, vector<16xf32>
        %unpack3A_665 = tpu.unpack_subelements %add3A_592, 0 {pack_format = #tpu.pack_format<interleaved>} : vector<32xbf16> -> vector<16xf32>
        %unpack3A_666 = tpu.unpack_subelements %add3A_592, 1 {pack_format = #tpu.pack_format<interleaved>} : vector<32xbf16> -> vector<16xf32>
        %eq3A_667 = arith.constant 6 : i32
        %eq3A_668 = vector.broadcast %eq3A_667 : i32 to vector<16xi32>
        %eq3A_669 = arith.cmpi eq, %iota3A, %eq3A_668 : vector<16xi32>
        %add3A_670 = arith.addf %unpack3A_665, %unpack3A_666 : vector<16xf32>
        %reduce_sum3A_671 = arith.constant true
        %reduce_sum3A_672 = vector.broadcast %reduce_sum3A_671 : i1 to vector<16xi1>
        %reduce_sum3A_673 = tpu.scan <sum>, %add3A_670 masked %reduce_sum3A_672 : vector<16xf32>, vector<16xi1> -> vector<16xf32>
        %reduce_sum3A_674 = vector.extract %reduce_sum3A_673[15] : f32 from vector<16xf32>
        %broadcast_in_dim3A_675 = vector.broadcast %reduce_sum3A_674 : f32 to vector<16xf32>
        %select_n3A_676 = arith.select %eq3A_669, %broadcast_in_dim3A_675, %select_n3A_664 : vector<16xi1>, vector<16xf32>
        %unpack3A_677 = tpu.unpack_subelements %add3A_595, 0 {pack_format = #tpu.pack_format<interleaved>} : vector<32xbf16> -> vector<16xf32>
        %unpack3A_678 = tpu.unpack_subelements %add3A_595, 1 {pack_format = #tpu.pack_format<interleaved>} : vector<32xbf16> -> vector<16xf32>
        %eq3A_679 = arith.constant 7 : i32
        %eq3A_680 = vector.broadcast %eq3A_679 : i32 to vector<16xi32>
        %eq3A_681 = arith.cmpi eq, %iota3A, %eq3A_680 : vector<16xi32>
        %add3A_682 = arith.addf %unpack3A_677, %unpack3A_678 : vector<16xf32>
        %reduce_sum3A_683 = arith.constant true
        %reduce_sum3A_684 = vector.broadcast %reduce_sum3A_683 : i1 to vector<16xi1>
        %reduce_sum3A_685 = tpu.scan <sum>, %add3A_682 masked %reduce_sum3A_684 : vector<16xf32>, vector<16xi1> -> vector<16xf32>
        %reduce_sum3A_686 = vector.extract %reduce_sum3A_685[15] : f32 from vector<16xf32>
        %broadcast_in_dim3A_687 = vector.broadcast %reduce_sum3A_686 : f32 to vector<16xf32>
        %select_n3A_688 = arith.select %eq3A_681, %broadcast_in_dim3A_687, %select_n3A_676 : vector<16xi1>, vector<16xf32>
        %add3A_689 = arith.constant 8 : i32
        %add3A_690 = arith.addi %mul3A_347, %add3A_689 : i32
        %add3A_691 = arith.constant 0 : i32
        %add3A_692 = arith.addi %add3A_690, %add3A_691 : i32
        %add3A_693 = arith.constant 8 : i32
        %add3A_694 = arith.addi %mul3A_347, %add3A_693 : i32
        %add3A_695 = arith.constant 0 : i32
        %add3A_696 = arith.addi %add3A_694, %add3A_695 : i32
        %get3A_697 = arith.constant 0 : i32
        %get3A_698 = tpu.memref_slice %arg11[%add3A_692, %get3A_697] : memref<128x64xbf16, #tpu.memory_space<vmem>> -> memref<1x64xbf16, #tpu.memory_space<vmem>>
        %get3A_699 = tpu.memref_squeeze %get3A_698 : memref<1x64xbf16, #tpu.memory_space<vmem>> -> memref<64xbf16, #tpu.memory_space<vmem>>
        %get3A_700 = arith.constant 0 : index
        %get3A_701 = tpu.vector_load %get3A_699[%get3A_700] {strides = array<i32>} : memref<64xbf16, #tpu.memory_space<vmem>>, vector<32xbf16>,
        %get3A_702 = arith.constant 0 : i32
        %get3A_703 = tpu.memref_slice %arg11[%add3A_692, %get3A_702] : memref<128x64xbf16, #tpu.memory_space<vmem>> -> memref<1x64xbf16, #tpu.memory_space<vmem>>
        %get3A_704 = tpu.memref_squeeze %get3A_703 : memref<1x64xbf16, #tpu.memory_space<vmem>> -> memref<64xbf16, #tpu.memory_space<vmem>>
        %get3A_705 = arith.constant 32 : index
        %get3A_706 = tpu.vector_load %get3A_704[%get3A_705] {strides = array<i32>} : memref<64xbf16, #tpu.memory_space<vmem>>, vector<32xbf16>,
        %get3A_707 = arith.constant 0 : i32
        %get3A_708 = tpu.memref_slice %arg12[%add3A_696, %get3A_707] : memref<128x64xbf16, #tpu.memory_space<vmem>> -> memref<1x64xbf16, #tpu.memory_space<vmem>>
        %get3A_709 = tpu.memref_squeeze %get3A_708 : memref<1x64xbf16, #tpu.memory_space<vmem>> -> memref<64xbf16, #tpu.memory_space<vmem>>
        %get3A_710 = arith.constant 0 : index
        %get3A_711 = tpu.vector_load %get3A_709[%get3A_710] {strides = array<i32>} : memref<64xbf16, #tpu.memory_space<vmem>>, vector<32xbf16>,
        %get3A_712 = arith.constant 0 : i32
        %get3A_713 = tpu.memref_slice %arg12[%add3A_696, %get3A_712] : memref<128x64xbf16, #tpu.memory_space<vmem>> -> memref<1x64xbf16, #tpu.memory_space<vmem>>
        %get3A_714 = tpu.memref_squeeze %get3A_713 : memref<1x64xbf16, #tpu.memory_space<vmem>> -> memref<64xbf16, #tpu.memory_space<vmem>>
        %get3A_715 = arith.constant 32 : index
        %get3A_716 = tpu.vector_load %get3A_714[%get3A_715] {strides = array<i32>} : memref<64xbf16, #tpu.memory_space<vmem>>, vector<32xbf16>,
        %add3A_717 = arith.constant 8 : i32
        %add3A_718 = arith.addi %mul3A_347, %add3A_717 : i32
        %add3A_719 = arith.constant 1 : i32
        %add3A_720 = arith.addi %add3A_718, %add3A_719 : i32
        %add3A_721 = arith.constant 8 : i32
        %add3A_722 = arith.addi %mul3A_347, %add3A_721 : i32
        %add3A_723 = arith.constant 1 : i32
        %add3A_724 = arith.addi %add3A_722, %add3A_723 : i32
        %get3A_725 = arith.constant 0 : i32
        %get3A_726 = tpu.memref_slice %arg11[%add3A_720, %get3A_725] : memref<128x64xbf16, #tpu.memory_space<vmem>> -> memref<1x64xbf16, #tpu.memory_space<vmem>>
        %get3A_727 = tpu.memref_squeeze %get3A_726 : memref<1x64xbf16, #tpu.memory_space<vmem>> -> memref<64xbf16, #tpu.memory_space<vmem>>
        %get3A_728 = arith.constant 0 : index
        %get3A_729 = tpu.vector_load %get3A_727[%get3A_728] {strides = array<i32>} : memref<64xbf16, #tpu.memory_space<vmem>>, vector<32xbf16>,
        %get3A_730 = arith.constant 0 : i32
        %get3A_731 = tpu.memref_slice %arg11[%add3A_720, %get3A_730] : memref<128x64xbf16, #tpu.memory_space<vmem>> -> memref<1x64xbf16, #tpu.memory_space<vmem>>
        %get3A_732 = tpu.memref_squeeze %get3A_731 : memref<1x64xbf16, #tpu.memory_space<vmem>> -> memref<64xbf16, #tpu.memory_space<vmem>>
        %get3A_733 = arith.constant 32 : index
        %get3A_734 = tpu.vector_load %get3A_732[%get3A_733] {strides = array<i32>} : memref<64xbf16, #tpu.memory_space<vmem>>, vector<32xbf16>,
        %get3A_735 = arith.constant 0 : i32
        %get3A_736 = tpu.memref_slice %arg12[%add3A_724, %get3A_735] : memref<128x64xbf16, #tpu.memory_space<vmem>> -> memref<1x64xbf16, #tpu.memory_space<vmem>>
        %get3A_737 = tpu.memref_squeeze %get3A_736 : memref<1x64xbf16, #tpu.memory_space<vmem>> -> memref<64xbf16, #tpu.memory_space<vmem>>
        %get3A_738 = arith.constant 0 : index
        %get3A_739 = tpu.vector_load %get3A_737[%get3A_738] {strides = array<i32>} : memref<64xbf16, #tpu.memory_space<vmem>>, vector<32xbf16>,
        %get3A_740 = arith.constant 0 : i32
        %get3A_741 = tpu.memref_slice %arg12[%add3A_724, %get3A_740] : memref<128x64xbf16, #tpu.memory_space<vmem>> -> memref<1x64xbf16, #tpu.memory_space<vmem>>
        %get3A_742 = tpu.memref_squeeze %get3A_741 : memref<1x64xbf16, #tpu.memory_space<vmem>> -> memref<64xbf16, #tpu.memory_space<vmem>>
        %get3A_743 = arith.constant 32 : index
        %get3A_744 = tpu.vector_load %get3A_742[%get3A_743] {strides = array<i32>} : memref<64xbf16, #tpu.memory_space<vmem>>, vector<32xbf16>,
        %add3A_745 = arith.constant 8 : i32
        %add3A_746 = arith.addi %mul3A_347, %add3A_745 : i32
        %add3A_747 = arith.constant 2 : i32
        %add3A_748 = arith.addi %add3A_746, %add3A_747 : i32
        %add3A_749 = arith.constant 8 : i32
        %add3A_750 = arith.addi %mul3A_347, %add3A_749 : i32
        %add3A_751 = arith.constant 2 : i32
        %add3A_752 = arith.addi %add3A_750, %add3A_751 : i32
        %get3A_753 = arith.constant 0 : i32
        %get3A_754 = tpu.memref_slice %arg11[%add3A_748, %get3A_753] : memref<128x64xbf16, #tpu.memory_space<vmem>> -> memref<1x64xbf16, #tpu.memory_space<vmem>>
        %get3A_755 = tpu.memref_squeeze %get3A_754 : memref<1x64xbf16, #tpu.memory_space<vmem>> -> memref<64xbf16, #tpu.memory_space<vmem>>
        %get3A_756 = arith.constant 0 : index
        %get3A_757 = tpu.vector_load %get3A_755[%get3A_756] {strides = array<i32>} : memref<64xbf16, #tpu.memory_space<vmem>>, vector<32xbf16>,
        %get3A_758 = arith.constant 0 : i32
        %get3A_759 = tpu.memref_slice %arg11[%add3A_748, %get3A_758] : memref<128x64xbf16, #tpu.memory_space<vmem>> -> memref<1x64xbf16, #tpu.memory_space<vmem>>
        %get3A_760 = tpu.memref_squeeze %get3A_759 : memref<1x64xbf16, #tpu.memory_space<vmem>> -> memref<64xbf16, #tpu.memory_space<vmem>>
        %get3A_761 = arith.constant 32 : index
        %get3A_762 = tpu.vector_load %get3A_760[%get3A_761] {strides = array<i32>} : memref<64xbf16, #tpu.memory_space<vmem>>, vector<32xbf16>,
        %get3A_763 = arith.constant 0 : i32
        %get3A_764 = tpu.memref_slice %arg12[%add3A_752, %get3A_763] : memref<128x64xbf16, #tpu.memory_space<vmem>> -> memref<1x64xbf16, #tpu.memory_space<vmem>>
        %get3A_765 = tpu.memref_squeeze %get3A_764 : memref<1x64xbf16, #tpu.memory_space<vmem>> -> memref<64xbf16, #tpu.memory_space<vmem>>
        %get3A_766 = arith.constant 0 : index
        %get3A_767 = tpu.vector_load %get3A_765[%get3A_766] {strides = array<i32>} : memref<64xbf16, #tpu.memory_space<vmem>>, vector<32xbf16>,
        %get3A_768 = arith.constant 0 : i32
        %get3A_769 = tpu.memref_slice %arg12[%add3A_752, %get3A_768] : memref<128x64xbf16, #tpu.memory_space<vmem>> -> memref<1x64xbf16, #tpu.memory_space<vmem>>
        %get3A_770 = tpu.memref_squeeze %get3A_769 : memref<1x64xbf16, #tpu.memory_space<vmem>> -> memref<64xbf16, #tpu.memory_space<vmem>>
        %get3A_771 = arith.constant 32 : index
        %get3A_772 = tpu.vector_load %get3A_770[%get3A_771] {strides = array<i32>} : memref<64xbf16, #tpu.memory_space<vmem>>, vector<32xbf16>,
        %add3A_773 = arith.constant 8 : i32
        %add3A_774 = arith.addi %mul3A_347, %add3A_773 : i32
        %add3A_775 = arith.constant 3 : i32
        %add3A_776 = arith.addi %add3A_774, %add3A_775 : i32
        %add3A_777 = arith.constant 8 : i32
        %add3A_778 = arith.addi %mul3A_347, %add3A_777 : i32
        %add3A_779 = arith.constant 3 : i32
        %add3A_780 = arith.addi %add3A_778, %add3A_779 : i32
        %get3A_781 = arith.constant 0 : i32
        %get3A_782 = tpu.memref_slice %arg11[%add3A_776, %get3A_781] : memref<128x64xbf16, #tpu.memory_space<vmem>> -> memref<1x64xbf16, #tpu.memory_space<vmem>>
        %get3A_783 = tpu.memref_squeeze %get3A_782 : memref<1x64xbf16, #tpu.memory_space<vmem>> -> memref<64xbf16, #tpu.memory_space<vmem>>
        %get3A_784 = arith.constant 0 : index
        %get3A_785 = tpu.vector_load %get3A_783[%get3A_784] {strides = array<i32>} : memref<64xbf16, #tpu.memory_space<vmem>>, vector<32xbf16>,
        %get3A_786 = arith.constant 0 : i32
        %get3A_787 = tpu.memref_slice %arg11[%add3A_776, %get3A_786] : memref<128x64xbf16, #tpu.memory_space<vmem>> -> memref<1x64xbf16, #tpu.memory_space<vmem>>
        %get3A_788 = tpu.memref_squeeze %get3A_787 : memref<1x64xbf16, #tpu.memory_space<vmem>> -> memref<64xbf16, #tpu.memory_space<vmem>>
        %get3A_789 = arith.constant 32 : index
        %get3A_790 = tpu.vector_load %get3A_788[%get3A_789] {strides = array<i32>} : memref<64xbf16, #tpu.memory_space<vmem>>, vector<32xbf16>,
        %get3A_791 = arith.constant 0 : i32
        %get3A_792 = tpu.memref_slice %arg12[%add3A_780, %get3A_791] : memref<128x64xbf16, #tpu.memory_space<vmem>> -> memref<1x64xbf16, #tpu.memory_space<vmem>>
        %get3A_793 = tpu.memref_squeeze %get3A_792 : memref<1x64xbf16, #tpu.memory_space<vmem>> -> memref<64xbf16, #tpu.memory_space<vmem>>
        %get3A_794 = arith.constant 0 : index
        %get3A_795 = tpu.vector_load %get3A_793[%get3A_794] {strides = array<i32>} : memref<64xbf16, #tpu.memory_space<vmem>>, vector<32xbf16>,
        %get3A_796 = arith.constant 0 : i32
        %get3A_797 = tpu.memref_slice %arg12[%add3A_780, %get3A_796] : memref<128x64xbf16, #tpu.memory_space<vmem>> -> memref<1x64xbf16, #tpu.memory_space<vmem>>
        %get3A_798 = tpu.memref_squeeze %get3A_797 : memref<1x64xbf16, #tpu.memory_space<vmem>> -> memref<64xbf16, #tpu.memory_space<vmem>>
        %get3A_799 = arith.constant 32 : index
        %get3A_800 = tpu.vector_load %get3A_798[%get3A_799] {strides = array<i32>} : memref<64xbf16, #tpu.memory_space<vmem>>, vector<32xbf16>,
        %add3A_801 = arith.constant 8 : i32
        %add3A_802 = arith.addi %mul3A_347, %add3A_801 : i32
        %add3A_803 = arith.constant 4 : i32
        %add3A_804 = arith.addi %add3A_802, %add3A_803 : i32
        %add3A_805 = arith.constant 8 : i32
        %add3A_806 = arith.addi %mul3A_347, %add3A_805 : i32
        %add3A_807 = arith.constant 4 : i32
        %add3A_808 = arith.addi %add3A_806, %add3A_807 : i32
        %get3A_809 = arith.constant 0 : i32
        %get3A_810 = tpu.memref_slice %arg11[%add3A_804, %get3A_809] : memref<128x64xbf16, #tpu.memory_space<vmem>> -> memref<1x64xbf16, #tpu.memory_space<vmem>>
        %get3A_811 = tpu.memref_squeeze %get3A_810 : memref<1x64xbf16, #tpu.memory_space<vmem>> -> memref<64xbf16, #tpu.memory_space<vmem>>
        %get3A_812 = arith.constant 0 : index
        %get3A_813 = tpu.vector_load %get3A_811[%get3A_812] {strides = array<i32>} : memref<64xbf16, #tpu.memory_space<vmem>>, vector<32xbf16>,
        %get3A_814 = arith.constant 0 : i32
        %get3A_815 = tpu.memref_slice %arg11[%add3A_804, %get3A_814] : memref<128x64xbf16, #tpu.memory_space<vmem>> -> memref<1x64xbf16, #tpu.memory_space<vmem>>
        %get3A_816 = tpu.memref_squeeze %get3A_815 : memref<1x64xbf16, #tpu.memory_space<vmem>> -> memref<64xbf16, #tpu.memory_space<vmem>>
        %get3A_817 = arith.constant 32 : index
        %get3A_818 = tpu.vector_load %get3A_816[%get3A_817] {strides = array<i32>} : memref<64xbf16, #tpu.memory_space<vmem>>, vector<32xbf16>,
        %get3A_819 = arith.constant 0 : i32
        %get3A_820 = tpu.memref_slice %arg12[%add3A_808, %get3A_819] : memref<128x64xbf16, #tpu.memory_space<vmem>> -> memref<1x64xbf16, #tpu.memory_space<vmem>>
        %get3A_821 = tpu.memref_squeeze %get3A_820 : memref<1x64xbf16, #tpu.memory_space<vmem>> -> memref<64xbf16, #tpu.memory_space<vmem>>
        %get3A_822 = arith.constant 0 : index
        %get3A_823 = tpu.vector_load %get3A_821[%get3A_822] {strides = array<i32>} : memref<64xbf16, #tpu.memory_space<vmem>>, vector<32xbf16>,
        %get3A_824 = arith.constant 0 : i32
        %get3A_825 = tpu.memref_slice %arg12[%add3A_808, %get3A_824] : memref<128x64xbf16, #tpu.memory_space<vmem>> -> memref<1x64xbf16, #tpu.memory_space<vmem>>
        %get3A_826 = tpu.memref_squeeze %get3A_825 : memref<1x64xbf16, #tpu.memory_space<vmem>> -> memref<64xbf16, #tpu.memory_space<vmem>>
        %get3A_827 = arith.constant 32 : index
        %get3A_828 = tpu.vector_load %get3A_826[%get3A_827] {strides = array<i32>} : memref<64xbf16, #tpu.memory_space<vmem>>, vector<32xbf16>,
        %add3A_829 = arith.constant 8 : i32
        %add3A_830 = arith.addi %mul3A_347, %add3A_829 : i32
        %add3A_831 = arith.constant 5 : i32
        %add3A_832 = arith.addi %add3A_830, %add3A_831 : i32
        %add3A_833 = arith.constant 8 : i32
        %add3A_834 = arith.addi %mul3A_347, %add3A_833 : i32
        %add3A_835 = arith.constant 5 : i32
        %add3A_836 = arith.addi %add3A_834, %add3A_835 : i32
        %get3A_837 = arith.constant 0 : i32
        %get3A_838 = tpu.memref_slice %arg11[%add3A_832, %get3A_837] : memref<128x64xbf16, #tpu.memory_space<vmem>> -> memref<1x64xbf16, #tpu.memory_space<vmem>>
        %get3A_839 = tpu.memref_squeeze %get3A_838 : memref<1x64xbf16, #tpu.memory_space<vmem>> -> memref<64xbf16, #tpu.memory_space<vmem>>
        %get3A_840 = arith.constant 0 : index
        %get3A_841 = tpu.vector_load %get3A_839[%get3A_840] {strides = array<i32>} : memref<64xbf16, #tpu.memory_space<vmem>>, vector<32xbf16>,
        %get3A_842 = arith.constant 0 : i32
        %get3A_843 = tpu.memref_slice %arg11[%add3A_832, %get3A_842] : memref<128x64xbf16, #tpu.memory_space<vmem>> -> memref<1x64xbf16, #tpu.memory_space<vmem>>
        %get3A_844 = tpu.memref_squeeze %get3A_843 : memref<1x64xbf16, #tpu.memory_space<vmem>> -> memref<64xbf16, #tpu.memory_space<vmem>>
        %get3A_845 = arith.constant 32 : index
        %get3A_846 = tpu.vector_load %get3A_844[%get3A_845] {strides = array<i32>} : memref<64xbf16, #tpu.memory_space<vmem>>, vector<32xbf16>,
        %get3A_847 = arith.constant 0 : i32
        %get3A_848 = tpu.memref_slice %arg12[%add3A_836, %get3A_847] : memref<128x64xbf16, #tpu.memory_space<vmem>> -> memref<1x64xbf16, #tpu.memory_space<vmem>>
        %get3A_849 = tpu.memref_squeeze %get3A_848 : memref<1x64xbf16, #tpu.memory_space<vmem>> -> memref<64xbf16, #tpu.memory_space<vmem>>
        %get3A_850 = arith.constant 0 : index
        %get3A_851 = tpu.vector_load %get3A_849[%get3A_850] {strides = array<i32>} : memref<64xbf16, #tpu.memory_space<vmem>>, vector<32xbf16>,
        %get3A_852 = arith.constant 0 : i32
        %get3A_853 = tpu.memref_slice %arg12[%add3A_836, %get3A_852] : memref<128x64xbf16, #tpu.memory_space<vmem>> -> memref<1x64xbf16, #tpu.memory_space<vmem>>
        %get3A_854 = tpu.memref_squeeze %get3A_853 : memref<1x64xbf16, #tpu.memory_space<vmem>> -> memref<64xbf16, #tpu.memory_space<vmem>>
        %get3A_855 = arith.constant 32 : index
        %get3A_856 = tpu.vector_load %get3A_854[%get3A_855] {strides = array<i32>} : memref<64xbf16, #tpu.memory_space<vmem>>, vector<32xbf16>,
        %add3A_857 = arith.constant 8 : i32
        %add3A_858 = arith.addi %mul3A_347, %add3A_857 : i32
        %add3A_859 = arith.constant 6 : i32
        %add3A_860 = arith.addi %add3A_858, %add3A_859 : i32
        %add3A_861 = arith.constant 8 : i32
        %add3A_862 = arith.addi %mul3A_347, %add3A_861 : i32
        %add3A_863 = arith.constant 6 : i32
        %add3A_864 = arith.addi %add3A_862, %add3A_863 : i32
        %get3A_865 = arith.constant 0 : i32
        %get3A_866 = tpu.memref_slice %arg11[%add3A_860, %get3A_865] : memref<128x64xbf16, #tpu.memory_space<vmem>> -> memref<1x64xbf16, #tpu.memory_space<vmem>>
        %get3A_867 = tpu.memref_squeeze %get3A_866 : memref<1x64xbf16, #tpu.memory_space<vmem>> -> memref<64xbf16, #tpu.memory_space<vmem>>
        %get3A_868 = arith.constant 0 : index
        %get3A_869 = tpu.vector_load %get3A_867[%get3A_868] {strides = array<i32>} : memref<64xbf16, #tpu.memory_space<vmem>>, vector<32xbf16>,
        %get3A_870 = arith.constant 0 : i32
        %get3A_871 = tpu.memref_slice %arg11[%add3A_860, %get3A_870] : memref<128x64xbf16, #tpu.memory_space<vmem>> -> memref<1x64xbf16, #tpu.memory_space<vmem>>
        %get3A_872 = tpu.memref_squeeze %get3A_871 : memref<1x64xbf16, #tpu.memory_space<vmem>> -> memref<64xbf16, #tpu.memory_space<vmem>>
        %get3A_873 = arith.constant 32 : index
        %get3A_874 = tpu.vector_load %get3A_872[%get3A_873] {strides = array<i32>} : memref<64xbf16, #tpu.memory_space<vmem>>, vector<32xbf16>,
        %get3A_875 = arith.constant 0 : i32
        %get3A_876 = tpu.memref_slice %arg12[%add3A_864, %get3A_875] : memref<128x64xbf16, #tpu.memory_space<vmem>> -> memref<1x64xbf16, #tpu.memory_space<vmem>>
        %get3A_877 = tpu.memref_squeeze %get3A_876 : memref<1x64xbf16, #tpu.memory_space<vmem>> -> memref<64xbf16, #tpu.memory_space<vmem>>
        %get3A_878 = arith.constant 0 : index
        %get3A_879 = tpu.vector_load %get3A_877[%get3A_878] {strides = array<i32>} : memref<64xbf16, #tpu.memory_space<vmem>>, vector<32xbf16>,
        %get3A_880 = arith.constant 0 : i32
        %get3A_881 = tpu.memref_slice %arg12[%add3A_864, %get3A_880] : memref<128x64xbf16, #tpu.memory_space<vmem>> -> memref<1x64xbf16, #tpu.memory_space<vmem>>
        %get3A_882 = tpu.memref_squeeze %get3A_881 : memref<1x64xbf16, #tpu.memory_space<vmem>> -> memref<64xbf16, #tpu.memory_space<vmem>>
        %get3A_883 = arith.constant 32 : index
        %get3A_884 = tpu.vector_load %get3A_882[%get3A_883] {strides = array<i32>} : memref<64xbf16, #tpu.memory_space<vmem>>, vector<32xbf16>,
        %add3A_885 = arith.constant 8 : i32
        %add3A_886 = arith.addi %mul3A_347, %add3A_885 : i32
        %add3A_887 = arith.constant 7 : i32
        %add3A_888 = arith.addi %add3A_886, %add3A_887 : i32
        %add3A_889 = arith.constant 8 : i32
        %add3A_890 = arith.addi %mul3A_347, %add3A_889 : i32
        %add3A_891 = arith.constant 7 : i32
        %add3A_892 = arith.addi %add3A_890, %add3A_891 : i32
        %get3A_893 = arith.constant 0 : i32
        %get3A_894 = tpu.memref_slice %arg11[%add3A_888, %get3A_893] : memref<128x64xbf16, #tpu.memory_space<vmem>> -> memref<1x64xbf16, #tpu.memory_space<vmem>>
        %get3A_895 = tpu.memref_squeeze %get3A_894 : memref<1x64xbf16, #tpu.memory_space<vmem>> -> memref<64xbf16, #tpu.memory_space<vmem>>
        %get3A_896 = arith.constant 0 : index
        %get3A_897 = tpu.vector_load %get3A_895[%get3A_896] {strides = array<i32>} : memref<64xbf16, #tpu.memory_space<vmem>>, vector<32xbf16>,
        %get3A_898 = arith.constant 0 : i32
        %get3A_899 = tpu.memref_slice %arg11[%add3A_888, %get3A_898] : memref<128x64xbf16, #tpu.memory_space<vmem>> -> memref<1x64xbf16, #tpu.memory_space<vmem>>
        %get3A_900 = tpu.memref_squeeze %get3A_899 : memref<1x64xbf16, #tpu.memory_space<vmem>> -> memref<64xbf16, #tpu.memory_space<vmem>>
        %get3A_901 = arith.constant 32 : index
        %get3A_902 = tpu.vector_load %get3A_900[%get3A_901] {strides = array<i32>} : memref<64xbf16, #tpu.memory_space<vmem>>, vector<32xbf16>,
        %get3A_903 = arith.constant 0 : i32
        %get3A_904 = tpu.memref_slice %arg12[%add3A_892, %get3A_903] : memref<128x64xbf16, #tpu.memory_space<vmem>> -> memref<1x64xbf16, #tpu.memory_space<vmem>>
        %get3A_905 = tpu.memref_squeeze %get3A_904 : memref<1x64xbf16, #tpu.memory_space<vmem>> -> memref<64xbf16, #tpu.memory_space<vmem>>
        %get3A_906 = arith.constant 0 : index
        %get3A_907 = tpu.vector_load %get3A_905[%get3A_906] {strides = array<i32>} : memref<64xbf16, #tpu.memory_space<vmem>>, vector<32xbf16>,
        %get3A_908 = arith.constant 0 : i32
        %get3A_909 = tpu.memref_slice %arg12[%add3A_892, %get3A_908] : memref<128x64xbf16, #tpu.memory_space<vmem>> -> memref<1x64xbf16, #tpu.memory_space<vmem>>
        %get3A_910 = tpu.memref_squeeze %get3A_909 : memref<1x64xbf16, #tpu.memory_space<vmem>> -> memref<64xbf16, #tpu.memory_space<vmem>>
        %get3A_911 = arith.constant 32 : index
        %get3A_912 = tpu.vector_load %get3A_910[%get3A_911] {strides = array<i32>} : memref<64xbf16, #tpu.memory_space<vmem>>, vector<32xbf16>,
        %mul3A_913 = arith.mulf %get3A_701, %get3A_711 : vector<32xbf16>
        %mul3A_914 = arith.mulf %get3A_706, %get3A_716 : vector<32xbf16>
        %add3A_915 = arith.addf %mul3A_913, %mul3A_914 : vector<32xbf16>
        %mul3A_916 = arith.mulf %get3A_729, %get3A_739 : vector<32xbf16>
        %mul3A_917 = arith.mulf %get3A_734, %get3A_744 : vector<32xbf16>
        %add3A_918 = arith.addf %mul3A_916, %mul3A_917 : vector<32xbf16>
        %mul3A_919 = arith.mulf %get3A_757, %get3A_767 : vector<32xbf16>
        %mul3A_920 = arith.mulf %get3A_762, %get3A_772 : vector<32xbf16>
        %add3A_921 = arith.addf %mul3A_919, %mul3A_920 : vector<32xbf16>
        %mul3A_922 = arith.mulf %get3A_785, %get3A_795 : vector<32xbf16>
        %mul3A_923 = arith.mulf %get3A_790, %get3A_800 : vector<32xbf16>
        %add3A_924 = arith.addf %mul3A_922, %mul3A_923 : vector<32xbf16>
        %mul3A_925 = arith.mulf %get3A_813, %get3A_823 : vector<32xbf16>
        %mul3A_926 = arith.mulf %get3A_818, %get3A_828 : vector<32xbf16>
        %add3A_927 = arith.addf %mul3A_925, %mul3A_926 : vector<32xbf16>
        %mul3A_928 = arith.mulf %get3A_841, %get3A_851 : vector<32xbf16>
        %mul3A_929 = arith.mulf %get3A_846, %get3A_856 : vector<32xbf16>
        %add3A_930 = arith.addf %mul3A_928, %mul3A_929 : vector<32xbf16>
        %mul3A_931 = arith.mulf %get3A_869, %get3A_879 : vector<32xbf16>
        %mul3A_932 = arith.mulf %get3A_874, %get3A_884 : vector<32xbf16>
        %add3A_933 = arith.addf %mul3A_931, %mul3A_932 : vector<32xbf16>
        %mul3A_934 = arith.mulf %get3A_897, %get3A_907 : vector<32xbf16>
        %mul3A_935 = arith.mulf %get3A_902, %get3A_912 : vector<32xbf16>
        %add3A_936 = arith.addf %mul3A_934, %mul3A_935 : vector<32xbf16>
        %unpack3A_937 = tpu.unpack_subelements %add3A_915, 0 {pack_format = #tpu.pack_format<interleaved>} : vector<32xbf16> -> vector<16xf32>
        %unpack3A_938 = tpu.unpack_subelements %add3A_915, 1 {pack_format = #tpu.pack_format<interleaved>} : vector<32xbf16> -> vector<16xf32>
        %eq3A_939 = arith.constant 8 : i32
        %eq3A_940 = vector.broadcast %eq3A_939 : i32 to vector<16xi32>
        %eq3A_941 = arith.cmpi eq, %iota3A, %eq3A_940 : vector<16xi32>
        %add3A_942 = arith.addf %unpack3A_937, %unpack3A_938 : vector<16xf32>
        %reduce_sum3A_943 = arith.constant true
        %reduce_sum3A_944 = vector.broadcast %reduce_sum3A_943 : i1 to vector<16xi1>
        %reduce_sum3A_945 = tpu.scan <sum>, %add3A_942 masked %reduce_sum3A_944 : vector<16xf32>, vector<16xi1> -> vector<16xf32>
        %reduce_sum3A_946 = vector.extract %reduce_sum3A_945[15] : f32 from vector<16xf32>
        %broadcast_in_dim3A_947 = vector.broadcast %reduce_sum3A_946 : f32 to vector<16xf32>
        %select_n3A_948 = arith.select %eq3A_941, %broadcast_in_dim3A_947, %select_n3A_688 : vector<16xi1>, vector<16xf32>
        %unpack3A_949 = tpu.unpack_subelements %add3A_918, 0 {pack_format = #tpu.pack_format<interleaved>} : vector<32xbf16> -> vector<16xf32>
        %unpack3A_950 = tpu.unpack_subelements %add3A_918, 1 {pack_format = #tpu.pack_format<interleaved>} : vector<32xbf16> -> vector<16xf32>
        %eq3A_951 = arith.constant 9 : i32
        %eq3A_952 = vector.broadcast %eq3A_951 : i32 to vector<16xi32>
        %eq3A_953 = arith.cmpi eq, %iota3A, %eq3A_952 : vector<16xi32>
        %add3A_954 = arith.addf %unpack3A_949, %unpack3A_950 : vector<16xf32>
        %reduce_sum3A_955 = arith.constant true
        %reduce_sum3A_956 = vector.broadcast %reduce_sum3A_955 : i1 to vector<16xi1>
        %reduce_sum3A_957 = tpu.scan <sum>, %add3A_954 masked %reduce_sum3A_956 : vector<16xf32>, vector<16xi1> -> vector<16xf32>
        %reduce_sum3A_958 = vector.extract %reduce_sum3A_957[15] : f32 from vector<16xf32>
        %broadcast_in_dim3A_959 = vector.broadcast %reduce_sum3A_958 : f32 to vector<16xf32>
        %select_n3A_960 = arith.select %eq3A_953, %broadcast_in_dim3A_959, %select_n3A_948 : vector<16xi1>, vector<16xf32>
        %unpack3A_961 = tpu.unpack_subelements %add3A_921, 0 {pack_format = #tpu.pack_format<interleaved>} : vector<32xbf16> -> vector<16xf32>
        %unpack3A_962 = tpu.unpack_subelements %add3A_921, 1 {pack_format = #tpu.pack_format<interleaved>} : vector<32xbf16> -> vector<16xf32>
        %eq3A_963 = arith.constant 10 : i32
        %eq3A_964 = vector.broadcast %eq3A_963 : i32 to vector<16xi32>
        %eq3A_965 = arith.cmpi eq, %iota3A, %eq3A_964 : vector<16xi32>
        %add3A_966 = arith.addf %unpack3A_961, %unpack3A_962 : vector<16xf32>
        %reduce_sum3A_967 = arith.constant true
        %reduce_sum3A_968 = vector.broadcast %reduce_sum3A_967 : i1 to vector<16xi1>
        %reduce_sum3A_969 = tpu.scan <sum>, %add3A_966 masked %reduce_sum3A_968 : vector<16xf32>, vector<16xi1> -> vector<16xf32>
        %reduce_sum3A_970 = vector.extract %reduce_sum3A_969[15] : f32 from vector<16xf32>
        %broadcast_in_dim3A_971 = vector.broadcast %reduce_sum3A_970 : f32 to vector<16xf32>
        %select_n3A_972 = arith.select %eq3A_965, %broadcast_in_dim3A_971, %select_n3A_960 : vector<16xi1>, vector<16xf32>
        %unpack3A_973 = tpu.unpack_subelements %add3A_924, 0 {pack_format = #tpu.pack_format<interleaved>} : vector<32xbf16> -> vector<16xf32>
        %unpack3A_974 = tpu.unpack_subelements %add3A_924, 1 {pack_format = #tpu.pack_format<interleaved>} : vector<32xbf16> -> vector<16xf32>
        %eq3A_975 = arith.constant 11 : i32
        %eq3A_976 = vector.broadcast %eq3A_975 : i32 to vector<16xi32>
        %eq3A_977 = arith.cmpi eq, %iota3A, %eq3A_976 : vector<16xi32>
        %add3A_978 = arith.addf %unpack3A_973, %unpack3A_974 : vector<16xf32>
        %reduce_sum3A_979 = arith.constant true
        %reduce_sum3A_980 = vector.broadcast %reduce_sum3A_979 : i1 to vector<16xi1>
        %reduce_sum3A_981 = tpu.scan <sum>, %add3A_978 masked %reduce_sum3A_980 : vector<16xf32>, vector<16xi1> -> vector<16xf32>
        %reduce_sum3A_982 = vector.extract %reduce_sum3A_981[15] : f32 from vector<16xf32>
        %broadcast_in_dim3A_983 = vector.broadcast %reduce_sum3A_982 : f32 to vector<16xf32>
        %select_n3A_984 = arith.select %eq3A_977, %broadcast_in_dim3A_983, %select_n3A_972 : vector<16xi1>, vector<16xf32>
        %unpack3A_985 = tpu.unpack_subelements %add3A_927, 0 {pack_format = #tpu.pack_format<interleaved>} : vector<32xbf16> -> vector<16xf32>
        %unpack3A_986 = tpu.unpack_subelements %add3A_927, 1 {pack_format = #tpu.pack_format<interleaved>} : vector<32xbf16> -> vector<16xf32>
        %eq3A_987 = arith.constant 12 : i32
        %eq3A_988 = vector.broadcast %eq3A_987 : i32 to vector<16xi32>
        %eq3A_989 = arith.cmpi eq, %iota3A, %eq3A_988 : vector<16xi32>
        %add3A_990 = arith.addf %unpack3A_985, %unpack3A_986 : vector<16xf32>
        %reduce_sum3A_991 = arith.constant true
        %reduce_sum3A_992 = vector.broadcast %reduce_sum3A_991 : i1 to vector<16xi1>
        %reduce_sum3A_993 = tpu.scan <sum>, %add3A_990 masked %reduce_sum3A_992 : vector<16xf32>, vector<16xi1> -> vector<16xf32>
        %reduce_sum3A_994 = vector.extract %reduce_sum3A_993[15] : f32 from vector<16xf32>
        %broadcast_in_dim3A_995 = vector.broadcast %reduce_sum3A_994 : f32 to vector<16xf32>
        %select_n3A_996 = arith.select %eq3A_989, %broadcast_in_dim3A_995, %select_n3A_984 : vector<16xi1>, vector<16xf32>
        %unpack3A_997 = tpu.unpack_subelements %add3A_930, 0 {pack_format = #tpu.pack_format<interleaved>} : vector<32xbf16> -> vector<16xf32>
        %unpack3A_998 = tpu.unpack_subelements %add3A_930, 1 {pack_format = #tpu.pack_format<interleaved>} : vector<32xbf16> -> vector<16xf32>
        %eq3A_999 = arith.constant 13 : i32
        %eq3A_1000 = vector.broadcast %eq3A_999 : i32 to vector<16xi32>
        %eq3A_1001 = arith.cmpi eq, %iota3A, %eq3A_1000 : vector<16xi32>
        %add3A_1002 = arith.addf %unpack3A_997, %unpack3A_998 : vector<16xf32>
        %reduce_sum3A_1003 = arith.constant true
        %reduce_sum3A_1004 = vector.broadcast %reduce_sum3A_1003 : i1 to vector<16xi1>
        %reduce_sum3A_1005 = tpu.scan <sum>, %add3A_1002 masked %reduce_sum3A_1004 : vector<16xf32>, vector<16xi1> -> vector<16xf32>
        %reduce_sum3A_1006 = vector.extract %reduce_sum3A_1005[15] : f32 from vector<16xf32>
        %broadcast_in_dim3A_1007 = vector.broadcast %reduce_sum3A_1006 : f32 to vector<16xf32>
        %select_n3A_1008 = arith.select %eq3A_1001, %broadcast_in_dim3A_1007, %select_n3A_996 : vector<16xi1>, vector<16xf32>
        %unpack3A_1009 = tpu.unpack_subelements %add3A_933, 0 {pack_format = #tpu.pack_format<interleaved>} : vector<32xbf16> -> vector<16xf32>
        %unpack3A_1010 = tpu.unpack_subelements %add3A_933, 1 {pack_format = #tpu.pack_format<interleaved>} : vector<32xbf16> -> vector<16xf32>
        %eq3A_1011 = arith.constant 14 : i32
        %eq3A_1012 = vector.broadcast %eq3A_1011 : i32 to vector<16xi32>
        %eq3A_1013 = arith.cmpi eq, %iota3A, %eq3A_1012 : vector<16xi32>
        %add3A_1014 = arith.addf %unpack3A_1009, %unpack3A_1010 : vector<16xf32>
        %reduce_sum3A_1015 = arith.constant true
        %reduce_sum3A_1016 = vector.broadcast %reduce_sum3A_1015 : i1 to vector<16xi1>
        %reduce_sum3A_1017 = tpu.scan <sum>, %add3A_1014 masked %reduce_sum3A_1016 : vector<16xf32>, vector<16xi1> -> vector<16xf32>
        %reduce_sum3A_1018 = vector.extract %reduce_sum3A_1017[15] : f32 from vector<16xf32>
        %broadcast_in_dim3A_1019 = vector.broadcast %reduce_sum3A_1018 : f32 to vector<16xf32>
        %select_n3A_1020 = arith.select %eq3A_1013, %broadcast_in_dim3A_1019, %select_n3A_1008 : vector<16xi1>, vector<16xf32>
        %unpack3A_1021 = tpu.unpack_subelements %add3A_936, 0 {pack_format = #tpu.pack_format<interleaved>} : vector<32xbf16> -> vector<16xf32>
        %unpack3A_1022 = tpu.unpack_subelements %add3A_936, 1 {pack_format = #tpu.pack_format<interleaved>} : vector<32xbf16> -> vector<16xf32>
        %eq3A_1023 = arith.constant 15 : i32
        %eq3A_1024 = vector.broadcast %eq3A_1023 : i32 to vector<16xi32>
        %eq3A_1025 = arith.cmpi eq, %iota3A, %eq3A_1024 : vector<16xi32>
        %add3A_1026 = arith.addf %unpack3A_1021, %unpack3A_1022 : vector<16xf32>
        %reduce_sum3A_1027 = arith.constant true
        %reduce_sum3A_1028 = vector.broadcast %reduce_sum3A_1027 : i1 to vector<16xi1>
        %reduce_sum3A_1029 = tpu.scan <sum>, %add3A_1026 masked %reduce_sum3A_1028 : vector<16xf32>, vector<16xi1> -> vector<16xf32>
        %reduce_sum3A_1030 = vector.extract %reduce_sum3A_1029[15] : f32 from vector<16xf32>
        %broadcast_in_dim3A_1031 = vector.broadcast %reduce_sum3A_1030 : f32 to vector<16xf32>
        %select_n3A_1032 = arith.select %eq3A_1025, %broadcast_in_dim3A_1031, %select_n3A_1020 : vector<16xi1>, vector<16xf32>
        %swap3A = arith.index_cast %mul3A_347 : i32 to index
        %swap3A_1033 = tpu.vector_load %arg14[%swap3A] {strides = array<i32>} : memref<128xf32, #tpu.memory_space<vmem>>, vector<16xf32>,
        tpu.vector_store %arg14[%swap3A], %select_n3A_1032 {strides = array<i32>} : memref<128xf32, #tpu.memory_space<vmem>>, vector<16xf32>,
        %scan3A_1034 = arith.constant 0 : i32
        scf.yield %scan3A_1034 : i32
      }
      %scan3A_326 = arith.constant 8 : i32
      %mul3A_327 = arith.constant 196 : i32
      %mul3A_328 = arith.muli %add3A, %mul3A_327 : i32
      %add3A_329 = arith.addi %mul3A_328, %add3A_293 : i32
      %dma_start3A_330 = arith.constant 0 : i32
      %dma_start3A_331 = tpu.memref_slice %arg4[%add3A_329, %dma_start3A_330] : memref<6272x128xf32, #tpu.memory_space<hbm>> -> memref<1x128xf32, #tpu.memory_space<hbm>>
      %dma_start3A_332 = tpu.memref_squeeze %dma_start3A_331 : memref<1x128xf32, #tpu.memory_space<hbm>> -> memref<128xf32, #tpu.memory_space<hbm>>
      %dma_start3A_333 = arith.constant 0 : i32
      %dma_start3A_334 = tpu.memref_slice %arg4[%add3A_329, %dma_start3A_333] : memref<6272x128xf32, #tpu.memory_space<hbm>> -> memref<1x128xf32, #tpu.memory_space<hbm>>
      %dma_start3A_335 = tpu.memref_squeeze %dma_start3A_334 : memref<1x128xf32, #tpu.memory_space<hbm>> -> memref<128xf32, #tpu.memory_space<hbm>>
      tpu.enqueue_dma source(%arg14 : memref<128xf32, #tpu.memory_space<vmem>>) target(%dma_start3A_335 : memref<128xf32, #tpu.memory_space<hbm>>) target_semaphore(%arg25 : memref<!tpu.dma_semaphore, #tpu.memory_space<semaphore_mem>>)
      %add3A_336 = arith.constant 2 : i32
      %add3A_337 = arith.addi %add3A_293, %add3A_336 : i32
      %lt3A_338 = arith.constant 196 : i32
      %lt3A_339 = arith.cmpi slt, %add3A_337, %lt3A_338 : i32
      %convert_element_type3A_340 = arith.extui %lt3A_339 : i1 to i32
      %cond3A_341 = arith.constant 0 : i32
      %cond3A_342 = arith.cmpi ne, %convert_element_type3A_340, %cond3A_341 : i32
      scf.if %cond3A_342 {
        %add3A_344 = arith.constant 2 : i32
        %add3A_345 = arith.addi %add3A_293, %add3A_344 : i32
        %mul3A_346 = arith.constant 196 : i32
        %mul3A_347 = arith.muli %add3A, %mul3A_346 : i32
        %add3A_348 = arith.addi %mul3A_347, %add3A_345 : i32
        %dma_wait3A_349 = arith.constant 0 : i32
        %dma_wait3A_350 = arith.constant 0 : i32
        %dma_wait3A_351 = tpu.memref_slice %arg2[%add3A_348, %dma_wait3A_349, %dma_wait3A_350] : memref<6272x2x128xi32, #tpu.memory_space<hbm>> -> memref<1x2x128xi32, #tpu.memory_space<hbm>>
        %dma_wait3A_352 = tpu.memref_squeeze %dma_wait3A_351 : memref<1x2x128xi32, #tpu.memory_space<hbm>> -> memref<2x128xi32, #tpu.memory_space<hbm>>
        %dma_wait3A_353 = arith.constant 0 : i32
        %dma_wait3A_354 = arith.constant 0 : i32
        %dma_wait3A_355 = tpu.memref_slice %arg2[%add3A_348, %dma_wait3A_353, %dma_wait3A_354] : memref<6272x2x128xi32, #tpu.memory_space<hbm>> -> memref<1x2x128xi32, #tpu.memory_space<hbm>>
        %dma_wait3A_356 = tpu.memref_squeeze %dma_wait3A_355 : memref<1x2x128xi32, #tpu.memory_space<hbm>> -> memref<2x128xi32, #tpu.memory_space<hbm>>
        tpu.wait_dma2 semaphore(%arg17 : memref<!tpu.dma_semaphore, #tpu.memory_space<semaphore_mem>>) src(%dma_wait3A_356 : memref<2x128xi32, #tpu.memory_space<hbm>>) dst(%arg6 : memref<2x128xi32, #tpu.memory_space<vmem>>)
        %add3A_357 = arith.constant 2 : i32
        %add3A_358 = arith.addi %add3A_293, %add3A_357 : i32
        %dma_start3A_359 = arith.constant 0 : i32
        %dma_start3A_360 = arith.constant 0 : i32
        %dma_start3A_361 = tpu.memref_slice %arg6[%dma_start3A_359, %dma_start3A_360] : memref<2x128xi32, #tpu.memory_space<vmem>> -> memref<1x128xi32, #tpu.memory_space<vmem>>
        %dma_start3A_362 = tpu.memref_squeeze %dma_start3A_361 : memref<1x128xi32, #tpu.memory_space<vmem>> -> memref<128xi32, #tpu.memory_space<vmem>>
        %dma_start3A_363 = arith.constant 0 : i32
        %dma_start3A_364 = arith.constant 0 : i32
        %dma_start3A_365 = tpu.memref_slice %arg15[%dma_start3A_363, %dma_start3A_364] : memref<50000x64xbf16, #tpu.memory_space<vmem_shared>> -> memref<50000x64xbf16, #tpu.memory_space<vmem_shared>>
        tpu.enqueue_indirect_dma source(%dma_start3A_365 : memref<50000x64xbf16, #tpu.memory_space<vmem_shared>>) target(%arg11 : memref<128x64xbf16, #tpu.memory_space<vmem>>) offsets(%dma_start3A_362 : memref<128xi32, #tpu.memory_space<vmem>>) semaphore(%arg22 : memref<!tpu.dma_semaphore, #tpu.memory_space<semaphore_mem>>)
        %dma_start3A_366 = arith.constant 1 : i32
        %dma_start3A_367 = arith.constant 0 : i32
        %dma_start3A_368 = tpu.memref_slice %arg6[%dma_start3A_366, %dma_start3A_367] : memref<2x128xi32, #tpu.memory_space<vmem>> -> memref<1x128xi32, #tpu.memory_space<vmem>>
        %dma_start3A_369 = tpu.memref_squeeze %dma_start3A_368 : memref<1x128xi32, #tpu.memory_space<vmem>> -> memref<128xi32, #tpu.memory_space<vmem>>
        %dma_start3A_370 = arith.constant 0 : i32
        %dma_start3A_371 = arith.constant 0 : i32
        %dma_start3A_372 = tpu.memref_slice %arg15[%dma_start3A_370, %dma_start3A_371] : memref<50000x64xbf16, #tpu.memory_space<vmem_shared>> -> memref<50000x64xbf16, #tpu.memory_space<vmem_shared>>
        tpu.enqueue_indirect_dma source(%dma_start3A_372 : memref<50000x64xbf16, #tpu.memory_space<vmem_shared>>) target(%arg12 : memref<128x64xbf16, #tpu.memory_space<vmem>>) offsets(%dma_start3A_369 : memref<128xi32, #tpu.memory_space<vmem>>) semaphore(%arg23 : memref<!tpu.dma_semaphore, #tpu.memory_space<semaphore_mem>>)
      } else {
      }
      %scan3A_343 = arith.constant 0 : i32
      scf.yield %scan3A_343 : i32
    }
    %scan3A_110 = arith.constant 49 : i32
    %mul3A_111 = arith.constant 196 : i32
    %mul3A_112 = arith.muli %add3A, %mul3A_111 : i32
    %add3A_113 = arith.constant 194 : i32
    %add3A_114 = arith.addi %mul3A_112, %add3A_113 : i32
    %dma_wait3A_115 = arith.constant 0 : i32
    %dma_wait3A_116 = tpu.memref_slice %arg4[%add3A_114, %dma_wait3A_115] : memref<6272x128xf32, #tpu.memory_space<hbm>> -> memref<1x128xf32, #tpu.memory_space<hbm>>
    %dma_wait3A_117 = tpu.memref_squeeze %dma_wait3A_116 : memref<1x128xf32, #tpu.memory_space<hbm>> -> memref<128xf32, #tpu.memory_space<hbm>>
    %dma_wait3A_118 = arith.constant 0 : i32
    %dma_wait3A_119 = tpu.memref_slice %arg4[%add3A_114, %dma_wait3A_118] : memref<6272x128xf32, #tpu.memory_space<hbm>> -> memref<1x128xf32, #tpu.memory_space<hbm>>
    %dma_wait3A_120 = tpu.memref_squeeze %dma_wait3A_119 : memref<1x128xf32, #tpu.memory_space<hbm>> -> memref<128xf32, #tpu.memory_space<hbm>>
    tpu.wait_dma2 semaphore(%arg24 : memref<!tpu.dma_semaphore, #tpu.memory_space<semaphore_mem>>) src(%arg13 : memref<128xf32, #tpu.memory_space<vmem>>) dst(%dma_wait3A_120 : memref<128xf32, #tpu.memory_space<hbm>>)
    %mul3A_121 = arith.constant 196 : i32
    %mul3A_122 = arith.muli %add3A, %mul3A_121 : i32
    %add3A_123 = arith.constant 195 : i32
    %add3A_124 = arith.addi %mul3A_122, %add3A_123 : i32
    %dma_wait3A_125 = arith.constant 0 : i32
    %dma_wait3A_126 = tpu.memref_slice %arg4[%add3A_124, %dma_wait3A_125] : memref<6272x128xf32, #tpu.memory_space<hbm>> -> memref<1x128xf32, #tpu.memory_space<hbm>>
    %dma_wait3A_127 = tpu.memref_squeeze %dma_wait3A_126 : memref<1x128xf32, #tpu.memory_space<hbm>> -> memref<128xf32, #tpu.memory_space<hbm>>
    %dma_wait3A_128 = arith.constant 0 : i32
    %dma_wait3A_129 = tpu.memref_slice %arg4[%add3A_124, %dma_wait3A_128] : memref<6272x128xf32, #tpu.memory_space<hbm>> -> memref<1x128xf32, #tpu.memory_space<hbm>>
    %dma_wait3A_130 = tpu.memref_squeeze %dma_wait3A_129 : memref<1x128xf32, #tpu.memory_space<hbm>> -> memref<128xf32, #tpu.memory_space<hbm>>
    tpu.wait_dma2 semaphore(%arg25 : memref<!tpu.dma_semaphore, #tpu.memory_space<semaphore_mem>>) src(%arg14 : memref<128xf32, #tpu.memory_space<vmem>>) dst(%dma_wait3A_130 : memref<128xf32, #tpu.memory_space<hbm>>)
    return
  }
}

</mosaic_0001>

<sc_bundles>
// kernel: kernel.3.cloned.1.call-start
scs
__scs_entry_jumppad:
0x0: {  	(pc) =	sbr.rel $0x88, $3  }
0x1: {  	(tag) =	ssettag $0x0;
	lr =	simm.s32 $0x1  }
0x2: {  	[smem:$0x3F9F] =	sst lr;
	_ =	strace $0xD0000000  }
0x3: {  	_ = 	snop  }
0x4: {  	_ = 	snop  }
0x5: {  	_ = 	snop  }
0x6: {  	_ = 	snop  }
0x7: {  	_ = 	snop  }
__scs_overlays_trampoline_lowered:
0x8: {  	[smem:$0x3FAE] =	sst s0  }
0x9: {  	[smem:$0x3FAF] =	sst s1  }
0xa: {  	[smem:$0x3FB0] =	sst s2  }
0xb: {  	[smem:$0x3FB1] =	sst s3  }
0xc: {  	[smem:$0x3FB2] =	sst s4  }
0xd: {  	[smem:$0x3FB3] =	sst s5  }
0xe: {  	[smem:$0x3FB4] =	sst s6  }
0xf: {  	[smem:$0x3FB5] =	sst s7  }
0x10: {  	[smem:$0x3FB6] =	sst s8  }
0x11: {  	[smem:$0x3FB7] =	sst s9;
	s0 =	simm.s32 @!p0 $0x0  }
0x12: {  	s1 =	sld [smem:$0x3F9D];
	s0 =	simm.s32 @p0 $0x1  }
0x13: {  	[smem:$0x3FB8] =	sst s0;
	s0 =	simm.s32 @!p1 $0x0  }
0x14: {  	s2 =	sld [smem:$0x3F9C];
	s0 =	simm.s32 @p1 $0x1  }
0x15: {  	[smem:$0x3FB9] =	sst s0;
	s0 =	simm.s32 @!p2 $0x0  }
0x16: {  	s3 =	sld [smem:$0x3FDB];
	s0 =	simm.s32 @p2 $0x1  }
0x17: {  	s4 =	simm.s32 $0x1BF5;
	[smem:$0x3FBB] =	sst s0  }
0x18: {  	s0 =	sld [smem:$0x3F9E];
	_ =	swait.ge [sflag:s4], $0x0  }
0x19: {  	s7 =	sld [smem:$0x3F9F]  }
0x1a: {  	s8 =	sadd.s32 $0xFFFFE003, lr  }
0x1b: {  	s9 =	sadd.s32 $0xFFFFFEF7, lr;
	s5 =	simm.s32 $0xFFFFFFFF;
	p2 =	slt.u32 s8, $0xFFFFF086  }
0x1c: {  	p1 =	slt.u32 s9, $0xF7A;
	s5 =	simm.s32 @!p2 $0x0  }
0x1d: {  	s5 =	simm.s32 @p1 $0x1;
	p0 =	seq.s32 s7, s2  }
0x1e: {  	s7 =	smul.u32 @!p0 $0xF7A, s2;
	p2 =	seq.s32 @!p0 s5, $0x0  }
0x1f: {  	s9 =	smul.u32 $0xF7A, s1;
	s8 =	simm.s32 @!p0 $0x1BF5;
	p2 =	por !p2, p0  }
0x20: {  	[sflag:s8] =	ssyncset.s32 @!p0 $0xFFFFF086;
	s6 =	sadd.s32 @!p0 s3, s7;
	s7 =	simm.s32 @!p0 $0x108  }
0x21: {  	s3 =	sadd.s32 s3, s9;
	s6 =	sadd.s32 @!p0 $0x88, s6;
	s7 =	simm.s32 @p2 $0x1082  }
0x22: {  	[simem:s7], [sflag:s8] =	dma.local @!p0 [hbm:s6], $0xF7A  }
0x23: {  	s9 =	sor.u32 $0xD0000000, s2;
	s6 =	simm.s32 $0x108;
	_ =	swait.ge @!p0 [sflag:s8], $0x0  }
0x24: {  	s3 =	sadd.s32 $0x88, s3;
	s6 =	simm.s32 @!p1 $0x1082;
	[sflag:s4] =	ssyncset.s32 $0xFFFFF086  }
0x25: {  	[simem:s6], [sflag:s4] =	dma.local [hbm:s3], $0xF7A  }
0x26: {  	[smem:$0x3F9F] =	sst s1;
	(tag) =	ssettag s2;
	_ =	strace s9  }
0x27: {  	s1 =	sld [smem:$0x3FAF]  }
0x28: {  	s2 =	sld [smem:$0x3FB0]  }
0x29: {  	s4 =	sld [smem:$0x3FB2]  }
0x2a: {  	p0 =	seq.s32 s5, $0x0;
	s5 =	sld [smem:$0x3FB3]  }
0x2b: {  	s6 =	sld [smem:$0x3FB4]  }
0x2c: {  	s7 =	sld [smem:$0x3FB5]  }
0x2d: {  	s3 =	simm.s32 $0x108;
	s8 =	sld [smem:$0x3FB6]  }
0x2e: {  	s3 =	simm.s32 @!p0 $0x1082;
	s9 =	sld [smem:$0x3FB7]  }
0x2f: {  	lr =	sadd.s32 s0, s3;
	s0 =	sld [smem:$0x3FAE]  }
0x30: {  	s3 =	sld [smem:$0x3FB1]  }
0x31: {  	[smem:$0x3FBA] =	sst s10  }
0x32: {  	s10 =	sld [smem:$0x3FB8];
	_ =	sdelay $0x3  }
0x33: {  	p0 =	seq.s32 s10, $0x1;
	s10 =	sld [smem:$0x3FBA];
	_ =	sdelay $0x3  }
0x34: {  	[smem:$0x3FBA] =	sst s10  }
0x35: {  	s10 =	sld [smem:$0x3FB9];
	_ =	sdelay $0x3  }
0x36: {  	p1 =	seq.s32 s10, $0x1;
	s10 =	sld [smem:$0x3FBA];
	_ =	sdelay $0x3  }
0x37: {  	[smem:$0x3FBA] =	sst s10  }
0x38: {  	s10 =	sld [smem:$0x3FBB]  }
0x39: {  	_ = 	snop;
	(pc) =	sbr.ind lr, $3  }
0x3a: {  	_ = 	snop  }
0x3b: {  	_ = 	snop  }
0x3c: {  	p2 =	seq.s32 s10, $0x1;
	s10 =	sld [smem:$0x3FBA]  }
0x3d: {  	_ =	shalt  }
0x3e: {  	_ =	shalt  }
0x3f: {  	_ =	shalt  }
0x40: {  	_ =	shalt  }
0x41: {  	_ =	shalt  }
0x42: {  	_ =	shalt  }
0x43: {  	_ =	shalt  }
0x44: {  	_ =	shalt  }
0x45: {  	_ =	shalt  }
0x46: {  	_ =	shalt  }
0x47: {  	_ =	shalt  }
0x48: {  	_ =	shalt  }
0x49: {  	_ =	shalt  }
0x4a: {  	_ =	shalt  }
0x4b: {  	_ =	shalt  }
0x4c: {  	_ =	shalt  }
0x4d: {  	_ =	shalt  }
0x4e: {  	_ =	shalt  }
0x4f: {  	_ =	shalt  }
0x50: {  	_ =	shalt  }
0x51: {  	_ =	shalt  }
0x52: {  	_ =	shalt  }
0x53: {  	_ =	shalt  }
0x54: {  	_ =	shalt  }
0x55: {  	_ =	shalt  }
0x56: {  	_ =	shalt  }
0x57: {  	_ =	shalt  }
0x58: {  	_ =	shalt  }
0x59: {  	_ =	shalt  }
0x5a: {  	_ =	shalt  }
0x5b: {  	_ =	shalt  }
0x5c: {  	_ =	shalt  }
0x5d: {  	_ =	shalt  }
0x5e: {  	_ =	shalt  }
0x5f: {  	_ =	shalt  }
0x60: {  	_ =	shalt  }
0x61: {  	_ =	shalt  }
0x62: {  	_ =	shalt  }
0x63: {  	_ =	shalt  }
0x64: {  	_ =	shalt  }
0x65: {  	_ =	shalt  }
0x66: {  	_ =	shalt  }
0x67: {  	_ =	shalt  }
0x68: {  	_ =	shalt  }
0x69: {  	_ =	shalt  }
0x6a: {  	_ =	shalt  }
0x6b: {  	_ =	shalt  }
0x6c: {  	_ =	shalt  }
0x6d: {  	_ =	shalt  }
0x6e: {  	_ =	shalt  }
0x6f: {  	_ =	shalt  }
0x70: {  	_ =	shalt  }
0x71: {  	_ =	shalt  }
0x72: {  	_ =	shalt  }
0x73: {  	_ =	shalt  }
0x74: {  	_ =	shalt  }
0x75: {  	_ =	shalt  }
0x76: {  	_ =	shalt  }
0x77: {  	_ =	shalt  }
0x78: {  	_ =	shalt  }
0x79: {  	_ =	shalt  }
0x7a: {  	_ =	shalt  }
0x7b: {  	_ =	shalt  }
0x7c: {  	_ =	shalt  }
0x7d: {  	_ =	shalt  }
0x7e: {  	_ =	shalt  }
0x7f: {  	_ =	shalt  }
0x80: {  	_ =	shalt  }
0x81: {  	_ =	shalt  }
0x82: {  	_ =	shalt  }
0x83: {  	_ =	shalt  }
0x84: {  	_ =	shalt  }
0x85: {  	_ =	shalt  }
0x86: {  	_ =	shalt  }
0x87: {  	_ =	shalt  }
.Lfunc_end0:
.L_simem_size_0:
called_computation_lowered:
.L_overlay_start_0:
0x88: {  	s2 =	sld [smem:$0x3FD9]  }
0x89: {  	s3 =	sld [smem:$0x3FFE];
	_ =	sdelay $0x1  }
0x8a: {  	s1 =	srdreg.scid  }
0x8b: {  	s0 =	sand.u32 $0x1, s1  }
0x8c: {  	s16 =	sshll.u32 s0, $0xA;
	s2 =	sadd.s32 s3, s2  }
0x8d: {  	s2 =	sadd.s32 s2, s16  }
0x8e: {  	[smem:$0x3FC6] =	sst s2  }
0x8f: {  	_ = 	snop  }
0x90: {  	(tm) =	ssettm $0x1  }
0x91: {  	s17 =	sld [smem:$0x3FFB];
	_ =	sdelay $0x3  }
0x92: {  	_ =	strace s17  }
0x93: {  	s2 =	sld [smem:$0x3FFC];
	_ =	sdelay $0x3  }
0x94: {  	_ =	strace s2  }
0x95: {  	s2 =	sld [smem:$0x3FFD];
	_ =	sdelay $0x3  }
0x96: {  	_ =	strace s2  }
0x97: {  	_ =	strace $0x8FFFFFFF  }
0x98: {  	s18 =	sld [smem:$0x3FDB];
	_ =	sdelay $0x1  }
0x99: {  	s19 =	simm.s32 $_scs_section_size  }
0x9a: {  	s4 =	simm.s32 $_size__tile_overlayer_lowered;
	s5 =	simm.s32 $_tile_overlayer_lowered  }
0x9b: {  	s22 =	simm.s32 $0x1BFF;
	s21 =	sshll.u32 s5, $0x1;
	s2 =	sadd.s32 s19, s18  }
0x9c: {  	s6 =	simm.s32 $0x0;
	s20 =	sshll.u32 s4, $0x1;
	s4 =	sadd.s32 s21, s2  }
0x9d: {  	[timem:s6], [sflag:s22] =	dma.local [hbm:s4], s20  }
0x9e: {  	_ =	swait.ge [sflag:s22], s20  }
0x9f: {  	s3 =	ssub.s32 $0x0, s20;
	[sflag:s22] =	ssyncset.done $0x0  }
0xa0: {  	[sflag:s22] =	ssyncadd.s32 s3;
	_ =	sdelay $0x1  }
0xa1: {  	s23 =	simm.s32 $0x1B8B  }
0xa2: {  	_ =	swait.ge [sflag:s23], $0x1  }
0xa3: {  	[sflag:s23] =	ssyncset.done $0x0  }
0xa4: {  	s25 =	simm.s32 $0x1B8E;
	s24 =	sld [smem:$0x3FFE];
	[sflag:s23] =	ssyncadd.s32 $0xFFFFFFFF  }
0xa5: {  	s26 =	simm.s32 $execute0_lowered;
	[smem:$0x3FD2] =	sst s25  }
0xa6: {  	s4 =	sshll.u32 s26, $0x1;
	_ =	strace $0x80000046;
	[dreg:$0x1] =	wrdreg $0xFFFFFFFF  }
0xa7: {  	s28 =	simm.s32 $_size_execute0_lowered;
	s2 =	sadd.s32 s2, s4;
	[dreg:$0x0] =	wrdreg $0x0  }
0xa8: {  	s4 =	sshll.u32 s28, $0x1;
	[dreg:$0x2] =	wrdreg s2  }
0xa9: {  	[dreg:$0x3] =	wrdreg s4  }
0xaa: {  	[dreg:$0x4] =	wrdreg $0xC0  }
0xab: {  	_ =	task [dreg:s6], $0x5FFFF  }
0xac: {  	[dreg:$0x1] =	wrdreg $0xFFFFFFFF  }
0xad: {  	[dreg:$0x0] =	wrdreg $0x60  }
0xae: {  	[dreg:$0x2] =	wrdreg s24  }
0xaf: {  	[dreg:$0x3] =	wrdreg $0x45000  }
0xb0: {  	[dreg:$0x4] =	wrdreg $0x9  }
0xb1: {  	_ =	task.clear_ibuf [dreg:s6], $0x5FFFF;
	_ =	strace $0x90000046  }
0xb2: {  	s29 =	simm.s32 $0x9;
	_ =	strace $0x80000048  }
0xb3: {  	_ =	swait.ge [sflag:s29], $0x1  }
0xb4: {  	[sflag:s29] =	ssyncadd.s32 $0xFFFFFFFF  }
0xb5: {  	_ =	strace $0x90000048  }
0xb6: {  	_ =	sfence  }
0xb7: {  	s30 =	sld [smem:$0x0];
	_ =	sdelay $0x2  }
0xb8: {  	s31 =	sshll.u32 s1, $0xD;
	s1 =	sshrl.u32 s1, $0x2  }
0xb9: {  	s3 =	sand.u32 $0x4000, s31;
	s1 =	sadd.s32 s1, s30  }
0xba: {  	s0 =	sor.u32 s3, s0;
	s1 =	sshll.u32 s1, $0x11  }
0xbb: {  	s0 =	sor.u32 s1, s0  }
0xbc: {  	s0 =	sadd.s32 $0x8F2B, s0  }
0xbd: {  	[sflag:s0] =	ssyncadd.remote.s32 $0x1  }
0xbe: {  	_ =	sfence.sel $0xFFFF  }
0xbf: {  	[dreg:$0x0] =	wrdreg $0xFFFFFFFF;
	(pc) =	sbr.abs _section_cstart, $3  }
0xc0: {  	[dreg:$0x1] =	wrdreg $0xFFFFFFFF  }
0xc1: {  	_ =	task.clear_ibuf [dreg:s6], $0x2FFFF;
	_ =	strace $0x9FFFFFFF  }
0xc2: {  	(tm) =	ssettm $0x7FFFFFFF  }
0xc3: {  	_ =	shalt  }
tec
execute0_lowered:
.L_overlay_start_1:
0x0: {  	(tag) =	ssettag $0x1  }
0x1: {  	s0 =	rddreg [dreg:$0x0]  }
0x2: {  	s2 =	rddreg [dreg:$0x1];
	s3 =	simm.s32 $0x0  }
0x3: {  	s1 =	srdreg.scid;
	s8 =	stileid.u32;
	s30 =	simm.s32 $0x2  }
0x4: {  	s31 =	simm.s32 $0x2400;
	s10 =	simm.s32 $0x5;
	s11 =	simm.s32 $0x6  }
0x5: {  	s12 =	simm.s32 $0x4400;
	s20 =	simm.s32 $0x3;
	[smem:$0x7FF] =	sst s3  }
0x6: {  	s1 =	sand.u32 $0x1, s1;
	s4 =	sshll.u32 s8, $0x1;
	s9 =	sadd.s32 $0x400, s0  }
0x7: {  	s6 =	sadd.s32 $0x62200, s0;
	s23 =	smul.u32 $0x30D40, s8;
	_ =	strace $0x80000047  }
0x8: {  	s5 =	sor.u32 s1, s4;
	s4 =	sadd.s32 $0x31200, s0;
	s1 =	ssub.s32 $0x2, s1  }
0x9: {  	[dreg:$0x3] =	wrdreg s9;
	s7 =	smul.u32 $0x1880, s5;
	s22 =	sshrl.u32 s1, $0x1  }
0xa: {  	s8 =	smul.u32 $0xC4, s5;
	s28 =	sshrl.u32 s23, $0x1;
	s0 =	ssub.s32 s1, s22  }
0xb: {  	s1 =	sshrl.u32 s23, $0x4;
	s5 =	sadd.s32 s28, s2;
	s22 =	simm.s32 $0x0  }
0xc: {  	s7 =	sadd.s32 s4, s7;
	s1 =	sadd.s32 s9, s1;
	s13 =	sadd.s32 $0x4, s8  }
0xd: {  	s14 =	sadd.s32 $0x5, s8;
	s15 =	sor.u32 $0x1, s8;
	s16 =	sadd.s32 $0x6, s8  }
0xe: {  	s17 =	sor.u32 $0x2, s8;
	s18 =	sadd.s32 $0x7, s8;
	[dreg:$0x4] =	wrdreg s7  }
0xf: {  	s19 =	sor.u32 $0x3, s8;
	s0 =	smax.u32 s0, $0x1;
	[dreg:$0x8] =	wrdreg s1  }
0x10: {  	s29 =	sshrl.u32 s5, $0x3;
	s9 =	simm.s32 $0x4480;
	[dreg:$0x9] =	wrdreg s0  }
.Ltmp0:
0x11: {  	vm0 =	vmmov $0x1;
	vm1 =	vmmov $0x3;
	vm2 =	vmmov $0x7;
	s24 =	sadd.s32 $0x20, s7;
	[dreg:$0xa] =	wrdreg s29;
	(pc) =	sbr.rel .LBB2_1-.Ltmp0, $4  }
0x12: {  	vm3 =	vmmov $0xf;
	vm4 =	vmmov $0x1f;
	vm5 =	vmmov $0x3f;
	s5 =	simm.s32 $0x4;
	s25 =	sadd.s32 $0x40, s7;
	[dreg:$0x5] =	wrdreg s24  }
0x13: {  	vm6 =	vmmov $0x7f;
	vm7 =	vmmov $0xff;
	vm8 =	vmmov $0x1ff;
	s26 =	sadd.s32 $0x60, s7;
	s1 =	simm.s32 $0x3400;
	[dreg:$0x6] =	wrdreg s25  }
0x14: {  	vm9 =	vmmov $0x3ff;
	vm10 =	vmmov $0x7ff;
	vm11 =	vmmov $0xfff;
	s7 =	simm.s32 $0x7;
	s0 =	simm.s32 $0xA;
	[dreg:$0x7] =	wrdreg s26  }
0x15: {  	vm12 =	vmmov $0x1fff;
	vm13 =	vmmov $0x3fff;
	vm14 =	vmmov $0x7fff;
	s26 =	simm.s32 $0x80;
	s24 =	simm.s32 $0x8;
	s25 =	simm.s32 $0x9  }
.LBB2_15:
0x16: {  	_ =	swait.ge [sflag:s25], $0x80  }
0x17: {  	[sflag:s25] =	ssyncset.done $0x0  }
0x18: {  	[sflag:s25] =	ssyncadd.s32 $0xFFFFFF80  }
0x19: {  	_ =	swait.ge [sflag:s0], $0x80  }
0x1a: {  	s22 =	rddreg [dreg:$0xb]  }
0x1b: {  	s21 =	rddreg [dreg:$0x9];
	s22 =	sadd.s32 $0x1, s22  }
0x1c: {  	p0 =	sne.s32 s22, s21  }
.Ltmp1:
0x1d: {  	_ = 	snop;
	(pc) =	sbr.rel @!p0 .LBB2_16-.Ltmp1, $3  }
0x1e: {  	_ =	sdelay $0x1  }
0x1f: {  	[sflag:s0] =	ssyncset.done $0x0  }
0x20: {  	[sflag:s0] =	ssyncadd.s32 $0xFFFFFF80  }
.LBB2_1:
0x21: {  	[dreg:$0xb] =	wrdreg s22  }
0x22: {  	s21 =	rddreg [dreg:$0x4]  }
0x23: {  	[tilespmem:s3], [sflag:$0x1] =	stream.linear.gather [hbm4b:s21+s3], $0x100, $0x38;
	[tilespmem:$0x1CBA0] =	vst v63  }
0x24: {  	s28 =	rddreg [dreg:$0x5];
	s22 =	simm.s32 $0x100  }
0x25: {  	[tilespmem:s22], [sflag:$0x2] =	stream.linear.gather [hbm4b:s28+s3], $0x100, $0x38;
	[tilespmem:$0x1CBA0] =	vst v63  }
0x26: {  	s29 =	rddreg [dreg:$0x6];
	s23 =	simm.s32 $0x200  }
0x27: {  	[tilespmem:s23], [sflag:$0x3] =	stream.linear.gather [hbm4b:s29+s3], $0x100, $0x38;
	[tilespmem:$0x1CBA0] =	vst v63  }
0x28: {  	s28 =	rddreg [dreg:$0x7];
	s29 =	simm.s32 $0x300  }
0x29: {  	[tilespmem:s29], [sflag:$0x4] =	stream.linear.gather [hbm4b:s28+s3], $0x100, $0x38;
	[tilespmem:$0x1CBA0] =	vst v63  }
0x2a: {  	s28 =	simm.s32 $0x1  }
0x2b: {  	_ =	swait.ge [sflag:s28], $0x100  }
0x2c: {  	[sflag:s28] =	ssyncset.done $0x0  }
0x2d: {  	s29 =	simm.s32 $0x400;
	s21 =	rddreg [dreg:$0x3];
	[sflag:s28] =	ssyncadd.s32 $0xFFFFFF00  }
0x2e: {  	[tilespmem:s29], [sflag:$0x5] =	stream.indirect.gather [hbm4b:s21+s26], $0x20, s3, s26, $0xb8;
	[tilespmem:$0x1CBA0] =	vst v63  }
0x2f: {  	s28 =	simm.s32 $0x1400  }
0x30: {  	[tilespmem:s28], [sflag:$0x6] =	stream.indirect.gather [hbm4b:s21+s26], $0x20, s26, s26, $0xb8;
	[tilespmem:$0x1CBA0] =	vst v63  }
0x31: {  	_ =	swait.ge [sflag:s30], $0x100  }
0x32: {  	[sflag:s30] =	ssyncset.done $0x0  }
0x33: {  	[sflag:s30] =	ssyncadd.s32 $0xFFFFFF00  }
0x34: {  	[tilespmem:s31], [sflag:$0x7] =	stream.indirect.gather [hbm4b:s21+s26], $0x20, s22, s26, $0xb8;
	[tilespmem:$0x1CBA0] =	vst v63  }
0x35: {  	s29 =	simm.s32 $0x180;
	s22 =	stileid.u32  }
0x36: {  	[tilespmem:s1], [sflag:$0x8] =	stream.indirect.gather [hbm4b:s21+s26], $0x20, s29, s26, $0xb8;
	[tilespmem:$0x1CBA0] =	vst v63  }
0x37: {  	s23 =	rddreg [dreg:$0x8];
	s21 =	sshll.u32 s22, $0x6  }
0x38: {  	s28 =	rddreg [dreg:$0xa];
	s29 =	simm.s32 $0xB;
	s21 =	sor.u32 $0x1C0B, s21  }
0x39: {  	[spmem:s28], [sflag:s21] =	dma.local [hbm:s23], $0x30D4  }
0x3a: {  	_ =	swait.ge [sflag:s29], $0x30D4  }
0x3b: {  	[sflag:s29] =	ssyncset.done $0x0  }
0x3c: {  	[sflag:s29] =	ssyncadd.s32 $0xFFFFCF2C  }
0x3d: {  	s21 =	simm.s32 $0x0;
	[bflag:$0x0] =	sbarrier.arrive $0xFFFF  }
.LBB2_2:
0x3e: {  	p0 =	seq.s32 s21, $0x30  }
0x3f: {  	_ =	swait.ge [sflag:s10], $0x1000;
	p1 =	seq.s32 @!p0 s21, $0x0  }
0x40: {  	s22 =	sshll.u32 s21, $0x2;
	[sflag:s10] =	ssyncset.done $0x0;
	p1 =	por p0, !p1  }
.Ltmp2:
0x41: {  	s23 =	sadd.s32 @!p0 s22, s13;
	[sflag:s10] =	ssyncadd.s32 $0xFFFFF000;
	(pc) =	sbr.rel @!p1 .LBB2_3-.Ltmp2, $4  }
0x42: {  	s23 =	sshll.u32 @!p0 s23, $0x5;
	_ =	swait.ge [sflag:s11], $0x1000  }
0x43: {  	s23 =	sand.u32 @!p0 $0x1FFFFF80, s23;
	[sflag:s11] =	ssyncset.done $0x0  }
0x44: {  	s28 =	simm.s32 @!p0 $0x0;
	s23 =	sadd.s32 @!p0 s4, s23;
	[sflag:s11] =	ssyncadd.s32 $0xFFFFF000  }
0x45: {  	[tilespmem:s28], [sflag:$0x1] =	stream.linear.gather @!p0 [hbm4b:s23+s28], $0x100, $0x38;
	[tilespmem:$0x1CBA0] =	vst v63  }
.Ltmp3:
0x46: {  	(pc) =	sbr.rel .LBB2_5-.Ltmp3, $4  }
0x47: {  	_ = 	snop  }
0x48: {  	_ =	swait.ge [sflag:s25], $0x80  }
0x49: {  	[sflag:s25] =	ssyncset.done $0x0  }
0x4a: {  	p1 =	por $0x0, $0x0;
	[sflag:s25] =	ssyncadd.s32 $0xFFFFFF80  }
.LBB2_3:
0x4b: {  	p1 =	por @!p0 $0x1, $0x1  }
.LBB2_5:
0x4c: {  	s23 =	simm.s32 $0x0  }
0x4d: {  	v3 =	vld [tilespmem:s23+$0x15D0]  }
0x4e: {  	v4 =	vld [tilespmem:s23+$0x5D0]  }
0x4f: {  	v5 =	vld [tilespmem:s23+$0x15C0]  }
0x50: {  	v6 =	vld [tilespmem:s23+$0x5C0]  }
0x51: {  	v7 =	vld [tilespmem:s23+$0x1590]  }
0x52: {  	v8 =	vld [tilespmem:s23+$0x590]  }
0x53: {  	v9 =	vld [tilespmem:s23+$0x1580]  }
0x54: {  	v10 =	vld [tilespmem:s23+$0x580]  }
0x55: {  	v11 =	vld [tilespmem:s23+$0x1570]  }
0x56: {  	v12 =	vld [tilespmem:s23+$0x570]  }
0x57: {  	v13 =	vld [tilespmem:s23+$0x1560]  }
0x58: {  	v14 =	vld [tilespmem:s23+$0x560]  }
0x59: {  	v2 =	vld [tilespmem:s23+$0x1550]  }
0x5a: {  	v15 =	vld [tilespmem:s23+$0x1530]  }
0x5b: {  	v16 =	vld [tilespmem:s23+$0x530]  }
0x5c: {  	v17 =	vld [tilespmem:s23+$0x1520]  }
0x5d: {  	v18 =	vld [tilespmem:s23+$0x520]  }
0x5e: {  	v19 =	vld [tilespmem:s23+$0x1510]  }
0x5f: {  	v20 =	vld [tilespmem:s23+$0x510]  }
0x60: {  	v21 =	vld [tilespmem:s23+$0x1500]  }
0x61: {  	v22 =	vld [tilespmem:s23+$0x500]  }
0x62: {  	v23 =	vld [tilespmem:s23+$0x14F0]  }
0x63: {  	v24 =	vld [tilespmem:s23+$0x14D0]  }
0x64: {  	v25 =	vld [tilespmem:s23+$0x4D0]  }
0x65: {  	v26 =	vld [tilespmem:s23+$0x14C0]  }
0x66: {  	v27 =	vld [tilespmem:s23+$0x4C0]  }
0x67: {  	v28 =	vld [tilespmem:s23+$0x14B0]  }
0x68: {  	v29 =	vld [tilespmem:s23+$0x4B0]  }
0x69: {  	v30 =	vld [tilespmem:s23+$0x14A0]  }
0x6a: {  	v31 =	vld [tilespmem:s23+$0x4A0]  }
0x6b: {  	v32 =	vld [tilespmem:s23+$0x1490]  }
0x6c: {  	v33 =	vld [tilespmem:s23+$0x1470]  }
0x6d: {  	v48 =	vld [tilespmem:s23+$0x410];
	v5 =	vmul.bf16 v5, v6  }
0x6e: {  	v50 =	vld [tilespmem:s23+$0x1430];
	v3 =	vmul.bf16 v3, v4;
	v6 =	vmul.bf16 v9, v10  }
0x6f: {  	v52 =	vld [tilespmem:s23+$0x1420];
	v7 =	vmul.bf16 v7, v8;
	v10 =	vmul.bf16 v17, v18  }
0x70: {  	v8 =	vld [tilespmem:s23+$0x1460];
	v17 =	vmul.bf16 v26, v27;
	v49 =	vmul.bf16 v28, v29;
	v3 =	vadd.bf16 v3, v5  }
0x71: {  	v9 =	vld [tilespmem:s23+$0x460];
	v5 =	vmul.bf16 v13, v14;
	v6 =	vadd.bf16 v7, v6;
	v7 =	vmul.bf16 v11, v12  }
0x72: {  	v4 =	vld [tilespmem:s23+$0x470];
	v13 =	vmul.bf16 v15, v16;
	v16 =	vmul.bf16 v19, v20  }
0x73: {  	v18 =	vld [tilespmem:s23+$0x1410];
	v20 =	vmul.bf16 v24, v25;
	v12 =	vunpack.i.u.bf16.f32 v3;
	v3 =	vunpack.i.l.bf16.f32 v3  }
0x74: {  	v11 =	vld [tilespmem:s23+$0x1450];
	v5 =	vadd.bf16 v7, v5;
	v10 =	vadd.bf16 v13, v10;
	v13 =	vmul.bf16 v21, v22  }
0x75: {  	v14 =	vld [tilespmem:s23+$0x450];
	v17 =	vadd.bf16 v20, v17;
	v20 =	vmul.bf16 v30, v31;
	v3 =	vadd.f32 v3, v12  }
0x76: {  	v15 =	vld [tilespmem:s23+$0x440];
	v12 =	vunpack.i.u.bf16.f32 v6;
	v6 =	vunpack.i.l.bf16.f32 v6;
	v8 =	vmul.bf16 v8, v9  }
0x77: {  	v7 =	vld [tilespmem:s23+$0x1440];
	v4 =	vmul.bf16 v33, v4;
	v19 =	vunpack.i.u.bf16.f32 v5;
	v5 =	vunpack.i.l.bf16.f32 v5  }
0x78: {  	v6 =	vadd.f32 v6, v12;
	v12 =	vld [tilespmem:s23+$0x1400];
	v13 =	vadd.bf16 v16, v13;
	v16 =	vunpack.i.u.bf16.f32 v10  }
0x79: {  	v10 =	vunpack.i.l.bf16.f32 v10;
	v20 =	vadd.bf16 v49, v20;
	v5 =	vadd.f32 v5, v19;
	v19 =	vld [tilespmem:s23+$0x400]  }
0x7a: {  	v9 =	vld [tilespmem:s23+$0x420];
	v10 =	vadd.f32 v10, v16;
	v16 =	vunpack.i.u.bf16.f32 v13;
	v13 =	vunpack.i.l.bf16.f32 v13  }
0x7b: {  	v51 =	vld [tilespmem:s23+$0x430];
	(xrf2) =	vadd.scan.msk.f32 $0xffff, v3;
	v3 =	vadd.bf16 v4, v8;
	v13 =	vadd.f32 v13, v16;
	v16 =	vunpack.i.u.bf16.f32 v17  }
0x7c: {  	v8 =	vld [tilespmem:s23+$0x1480];
	(xrf2) =	vadd.scan.msk.f32 $0xffff, v6;
	v17 =	vunpack.i.l.bf16.f32 v17;
	v4 =	vmul.bf16 v7, v15;
	v7 =	vmul.bf16 v11, v14  }
0x7d: {  	v14 =	vld [tilespmem:s23+$0x480];
	(xrf2) =	vadd.scan.msk.f32 $0xffff, v5;
	v5 =	vunpack.i.u.bf16.f32 v3;
	v3 =	vunpack.i.l.bf16.f32 v3;
	v16 =	vadd.f32 v17, v16  }
0x7e: {  	v53 =	vld [tilespmem:s23+$0x490];
	v17 =	vunpack.i.u.bf16.f32 v20;
	v11 =	vmul.bf16 v12, v19;
	v12 =	vmul.bf16 v18, v48  }
0x7f: {  	v20 =	vunpack.i.l.bf16.f32 v20;
	(xrf2) =	vadd.scan.msk.f32 $0xffff, v10;
	v9 =	vmul.bf16 v52, v9;
	v4 =	vadd.bf16 v7, v4;
	v7 =	vld [tilespmem:s23+$0x4F0]  }
0x80: {  	v3 =	vadd.f32 v3, v5;
	(xrf2) =	vadd.scan.msk.f32 $0xffff, v13;
	v13 =	vld [tilespmem:s23+$0x4E0];
	v10 =	vadd.bf16 v12, v11;
	v12 =	vmul.bf16 v50, v51  }
0x81: {  	v6 =	vadd.f32 v20, v17;
	v5 =	vunpack.i.u.bf16.f32 v4;
	v4 =	vunpack.i.l.bf16.f32 v4;
	v11 =	vld [tilespmem:s23+$0x14E0]  }
0x82: {  	(xrf2) =	vadd.scan.msk.f32 $0xffff, v16;
	v4 =	vadd.f32 v4, v5;
	v8 =	vmul.bf16 v8, v14;
	v14 =	vld [tilespmem:s23+$0x1540];
	v9 =	vadd.bf16 v12, v9  }
0x83: {  	(xrf2) =	vadd.scan.msk.f32 $0xffff, v6;
	v5 =	vunpack.i.u.bf16.f32 v10;
	v12 =	vld [tilespmem:s23+$0x550];
	v6 =	vunpack.i.l.bf16.f32 v10;
	v10 =	vmul.bf16 v32, v53  }
0x84: {  	(xrf2) =	vadd.scan.msk.f32 $0xffff, v3;
	v3 =	vadd.f32 v6, v5;
	v5 =	vunpack.i.u.bf16.f32 v9;
	v6 =	vunpack.i.l.bf16.f32 v9;
	v9 =	vld [tilespmem:s23+$0x540]  }
0x85: {  	v1 =	vld [tilespmem:s23+$0x15B0];
	(xrf2) =	vadd.scan.msk.f32 $0xffff, v4;
	v4 =	vadd.bf16 v10, v8;
	v5 =	vadd.f32 v6, v5  }
0x86: {  	v7 =	vmul.bf16 v23, v7;
	v8 =	vld [tilespmem:s23+$0x15A0];
	(xrf2) =	vadd.scan.msk.f32 $0xffff, v3;
	v3 =	vmul.bf16 v11, v13  }
0x87: {  	v13 =	vld [tilespmem:s23+$0x5A0];
	v11 =	vunpack.i.u.bf16.f32 v4;
	v4 =	vunpack.i.l.bf16.f32 v4  }
0x88: {  	v6 =	vld [tilespmem:s23+$0x5B0];
	v10, _, _ =	vpop (xrf2);
	(xrf2) =	vadd.scan.msk.f32 $0xffff, v5;
	v3 =	vadd.bf16 v7, v3;
	v4 =	vadd.f32 v4, v11  }
0x89: {  	v0 =	vld [tilespmem:s23+$0x15F0];
	v2 =	vmul.bf16 v2, v12;
	v5, _, _ =	vpop (xrf2);
	v9 =	vmul.bf16 v14, v9  }
0x8a: {  	v15 =	vld [tilespmem:s23+$0x15E0];
	v14 =	vunpack.i.u.bf16.f32 v3;
	v3 =	vunpack.i.l.bf16.f32 v3;
	v11, _, _ =	vpop (xrf2)  }
0x8b: {  	v7 =	vld [tilespmem:s23+$0x5F0];
	(xrf2) =	vadd.scan.msk.f32 $0xffff, v4;
	v3 =	vadd.f32 v3, v14;
	v12, _, _ =	vpop (xrf2);
	v2 =	vadd.bf16 v2, v9  }
0x8c: {  	v16 =	vld [tilespmem:s23+$0x5E0];
	v8 =	vmul.bf16 v8, v13;
	v4, _, _ =	vpop (xrf2)  }
0x8d: {  	v1 =	vmul.bf16 v1, v6;
	v9, _, _ =	vpop (xrf2);
	v13 =	vunpack.i.u.bf16.f32 v2;
	v2 =	vunpack.i.l.bf16.f32 v2  }
0x8e: {  	v6, _, _ =	vpop (xrf2);
	v2 =	vadd.f32 v2, v13  }
0x8f: {  	(xrf2) =	vadd.scan.msk.f32 $0xffff, v3;
	v1 =	vadd.bf16 v1, v8;
	v3, _, _ =	vpop (xrf2)  }
0x90: {  	v0 =	vmul.bf16 v0, v7;
	v8, _, _ =	vpop (xrf2)  }
0x91: {  	v13 =	vmul.bf16 v15, v16;
	v14 =	vunpack.i.u.bf16.f32 v1;
	v1 =	vunpack.i.l.bf16.f32 v1;
	v7, _, _ =	vpop (xrf2)  }
0x92: {  	v1 =	vadd.f32 v1, v14;
	(xrf2) =	vadd.scan.msk.f32 $0xffff, v2;
	v2, _, _ =	vpop (xrf2)  }
0x93: {  	v0 =	vadd.bf16 v0, v13;
	v7 =	vbroadcast v7, $0xF;
	v2 =	vbroadcast v2, $0xF  }
0x94: {  	v8 =	vbroadcast v8, $0xF  }
0x95: {  	v13 =	vunpack.i.u.bf16.f32 v0;
	(xrf2) =	vadd.scan.msk.f32 $0xffff, v1;
	v1 =	vsel vm0, v7, v2;
	v2 =	vbroadcast v3, $0xF;
	v3, _, _ =	vpop (xrf2)  }
0x96: {  	v0 =	vunpack.i.l.bf16.f32 v0;
	v1 =	vsel vm1, v1, v8;
	v3 =	vbroadcast v3, $0xF  }
0x97: {  	v0 =	vadd.f32 v0, v13;
	v1 =	vsel vm2, v1, v2  }
0x98: {  	v2 =	vbroadcast v6, $0xF;
	v1 =	vsel vm3, v1, v3;
	v3 =	vbroadcast v9, $0xF  }
0x99: {  	v6, _, _ =	vpop (xrf2)  }
0x9a: {  	(xrf2) =	vadd.scan.msk.f32 $0xffff, v0;
	v0 =	vsel vm4, v1, v2;
	v1 =	vbroadcast v6, $0xF  }
0x9b: {  	v2 =	vbroadcast v4, $0xF;
	v0 =	vsel vm5, v0, v3  }
0x9c: {  	v0 =	vsel vm6, v0, v1;
	v1 =	vbroadcast v12, $0xF;
	v3, _, _ =	vpop (xrf2)  }
0x9d: {  	v0 =	vsel vm7, v0, v2;
	v2 =	vbroadcast v3, $0xF  }
0x9e: {  	v0 =	vsel vm8, v0, v1;
	v1 =	vbroadcast v11, $0xF  }
0x9f: {  	v3, _, _ =	vpop (xrf2);
	v0 =	vsel vm9, v0, v2  }
0xa0: {  	v2 =	vbroadcast v5, $0xF;
	v0 =	vsel vm10, v0, v1;
	v1 =	vbroadcast v3, $0xF;
	_ =	sdelay $0x1  }
0xa1: {  	v0 =	vsel vm11, v0, v2;
	v2 =	vbroadcast v10, $0xF  }
0xa2: {  	v0 =	vsel vm12, v0, v1  }
0xa3: {  	v0 =	vsel vm13, v0, v2;
	v1, _, _ =	vpop (xrf2)  }
0xa4: {  	s23 =	simm.s32 $0x4400;
	v0 =	vsel vm14, v0, v1  }
0xa5: {  	s28 =	simm.s32 $0x200;
	[tilespmem:s23+$0x0] =	vst v0  }
0xa6: {  	v0 =	vld [tilespmem:s28+$0x15F0]  }
0xa7: {  	v3 =	vld [tilespmem:s28+$0x15D0]  }
0xa8: {  	v4 =	vld [tilespmem:s28+$0x5D0]  }
0xa9: {  	v6 =	vld [tilespmem:s28+$0x15C0]  }
0xaa: {  	v7 =	vld [tilespmem:s28+$0x5C0]  }
0xab: {  	v1 =	vld [tilespmem:s28+$0x15B0]  }
0xac: {  	v8 =	vld [tilespmem:s28+$0x1590]  }
0xad: {  	v9 =	vld [tilespmem:s28+$0x590]  }
0xae: {  	v10 =	vld [tilespmem:s28+$0x1580]  }
0xaf: {  	v11 =	vld [tilespmem:s28+$0x580]  }
0xb0: {  	v12 =	vld [tilespmem:s28+$0x1570]  }
0xb1: {  	v13 =	vld [tilespmem:s28+$0x570]  }
0xb2: {  	v14 =	vld [tilespmem:s28+$0x1560]  }
0xb3: {  	v15 =	vld [tilespmem:s28+$0x560]  }
0xb4: {  	v2 =	vld [tilespmem:s28+$0x1550]  }
0xb5: {  	v16 =	vld [tilespmem:s28+$0x1530]  }
0xb6: {  	v17 =	vld [tilespmem:s28+$0x530]  }
0xb7: {  	v18 =	vld [tilespmem:s28+$0x1520]  }
0xb8: {  	v19 =	vld [tilespmem:s28+$0x520]  }
0xb9: {  	v20 =	vld [tilespmem:s28+$0x1510]  }
0xba: {  	v54 =	vld [tilespmem:s28+$0x510]  }
0xbb: {  	v55 =	vld [tilespmem:s28+$0x1500]  }
0xbc: {  	v56 =	vld [tilespmem:s28+$0x500]  }
0xbd: {  	v5 =	vld [tilespmem:s28+$0x14F0]  }
0xbe: {  	v57 =	vld [tilespmem:s28+$0x14D0]  }
0xbf: {  	v58 =	vld [tilespmem:s28+$0x4D0];
	v6 =	vmul.bf16 v6, v7;
	v3 =	vmul.bf16 v3, v4  }
0xc0: {  	v59 =	vld [tilespmem:s28+$0x14C0];
	v7 =	vmul.bf16 v10, v11;
	v8 =	vmul.bf16 v8, v9  }
0xc1: {  	v60 =	vld [tilespmem:s28+$0x4C0];
	v10 =	vmul.bf16 v12, v13;
	v3 =	vadd.bf16 v3, v6;
	v6 =	vmul.bf16 v14, v15  }
0xc2: {  	v61 =	vld [tilespmem:s28+$0x440];
	v8 =	vadd.bf16 v8, v7  }
0xc3: {  	v4 =	vld [tilespmem:s28+$0x14B0];
	v13 =	vunpack.i.u.bf16.f32 v3;
	v3 =	vunpack.i.l.bf16.f32 v3;
	v6 =	vadd.bf16 v10, v6  }
0xc4: {  	v9 =	vld [tilespmem:s28+$0x4B0];
	v10 =	vunpack.i.u.bf16.f32 v8;
	v8 =	vunpack.i.l.bf16.f32 v8;
	v3 =	vadd.f32 v3, v13  }
0xc5: {  	v11 =	vld [tilespmem:s28+$0x14A0];
	v8 =	vadd.f32 v8, v10;
	v10 =	vunpack.i.u.bf16.f32 v6;
	v6 =	vunpack.i.l.bf16.f32 v6  }
0xc6: {  	v12 =	vld [tilespmem:s28+$0x4A0];
	v13 =	vmul.bf16 v16, v17;
	(xrf2) =	vadd.scan.msk.f32 $0xffff, v3;
	v3 =	vadd.f32 v6, v10;
	v10 =	vmul.bf16 v18, v19  }
0xc7: {  	v7 =	vld [tilespmem:s28+$0x1490];
	(xrf2) =	vadd.scan.msk.f32 $0xffff, v8  }
0xc8: {  	v14 =	vld [tilespmem:s28+$0x1470];
	(xrf2) =	vadd.scan.msk.f32 $0xffff, v3;
	v3 =	vadd.bf16 v13, v10  }
0xc9: {  	v15 =	vld [tilespmem:s28+$0x470];
	v17 =	vmul.bf16 v20, v54;
	v8 =	vmul.bf16 v55, v56  }
0xca: {  	v16 =	vld [tilespmem:s28+$0x460];
	v20 =	vunpack.i.u.bf16.f32 v3;
	v3 =	vunpack.i.l.bf16.f32 v3  }
0xcb: {  	v4 =	vmul.bf16 v4, v9;
	v9 =	vld [tilespmem:s28+$0x410];
	v10 =	vadd.bf16 v17, v8;
	v3 =	vadd.f32 v3, v20  }
0xcc: {  	v6 =	vld [tilespmem:s28+$0x1460];
	v13 =	vmul.bf16 v57, v58;
	v8 =	vmul.bf16 v59, v60  }
0xcd: {  	v12 =	vmul.bf16 v11, v12;
	v11 =	vld [tilespmem:s28+$0x1400];
	v20 =	vunpack.i.u.bf16.f32 v10;
	v10 =	vunpack.i.l.bf16.f32 v10;
	(xrf2) =	vadd.scan.msk.f32 $0xffff, v3  }
0xce: {  	v18 =	vld [tilespmem:s28+$0x1450];
	v13 =	vadd.bf16 v13, v8;
	v20 =	vadd.f32 v10, v20  }
0xcf: {  	v19 =	vld [tilespmem:s28+$0x450]  }
0xd0: {  	v12 =	vadd.bf16 v4, v12;
	v17 =	vld [tilespmem:s28+$0x1440];
	v10 =	vunpack.i.u.bf16.f32 v13;
	v62 =	vunpack.i.l.bf16.f32 v13;
	v3, _, _ =	vpop (xrf2);
	(xrf2) =	vadd.scan.msk.f32 $0xffff, v20  }
0xd1: {  	v14 =	vmul.bf16 v14, v15;
	v8 =	vld [tilespmem:s28+$0x1410];
	v6 =	vmul.bf16 v6, v16;
	v15 =	vadd.f32 v62, v10  }
0xd2: {  	v13 =	vld [tilespmem:s28+$0x400]  }
0xd3: {  	v63 =	vunpack.i.l.bf16.f32 v12;
	v16 =	vadd.bf16 v14, v6;
	v14 =	vld [tilespmem:s28+$0x1420];
	v20 =	vunpack.i.u.bf16.f32 v12;
	v4, _, _ =	vpop (xrf2);
	(xrf2) =	vadd.scan.msk.f32 $0xffff, v15  }
0xd4: {  	v10 =	vld [tilespmem:s28+$0x1430];
	v15 =	vadd.f32 v63, v20  }
0xd5: {  	s29 =	simm.s32 $0x1000;
	v18 =	vmul.bf16 v18, v19;
	v17 =	vmul.bf16 v17, v61;
	v12 =	vld [tilespmem:s28+$0x430];
	v6, _, _ =	vpop (xrf2)  }
.LBB2_6:
0xd6: {  	p2 =	sne.s32 s29, $0x3800;
	v19 =	vld [tilespmem:s28+$0x420];
	v20 =	vunpack.i.u.bf16.f32 v16;
	v16 =	vunpack.i.l.bf16.f32 v16;
	(xrf2) =	vadd.scan.msk.f32 $0xffff, v15  }
0xd7: {  	v15 =	vld [tilespmem:s28+$0x490];
	v17 =	vadd.bf16 v18, v17;
	v16 =	vadd.f32 v16, v20;
	v18, _, _ =	vpop (xrf2)  }
0xd8: {  	v8 =	vmul.bf16 v8, v9;
	v11 =	vmul.bf16 v11, v13;
	v20 =	vld [tilespmem:s28+$0x1480]  }
0xd9: {  	v9 =	vld [tilespmem:s28+$0x480];
	v21 =	vunpack.i.u.bf16.f32 v17;
	v17 =	vunpack.i.l.bf16.f32 v17;
	(xrf2) =	vadd.scan.msk.f32 $0xffff, v16  }
0xda: {  	v8 =	vadd.bf16 v8, v11;
	v16 =	vld [tilespmem:s28+$0x4F0];
	v11 =	vadd.f32 v17, v21;
	v13, _, _ =	vpop (xrf2)  }
0xdb: {  	v10 =	vmul.bf16 v10, v12;
	v17 =	vld [tilespmem:s28+$0x14E0];
	v21 =	vmul.bf16 v14, v19  }
0xdc: {  	v19 =	vunpack.i.u.bf16.f32 v8;
	v8 =	vunpack.i.l.bf16.f32 v8;
	v12 =	vld [tilespmem:s28+$0x4E0];
	(xrf2) =	vadd.scan.msk.f32 $0xffff, v11  }
0xdd: {  	v8 =	vadd.f32 v8, v19;
	v22 =	vadd.bf16 v10, v21;
	v11 =	vld [tilespmem:s28+$0x550];
	v14, _, _ =	vpop (xrf2)  }
0xde: {  	v7 =	vmul.bf16 v7, v15;
	v9 =	vmul.bf16 v20, v9;
	v15 =	vld [tilespmem:s28+$0x1540]  }
0xdf: {  	v19 =	vunpack.i.u.bf16.f32 v22;
	v21 =	vunpack.i.l.bf16.f32 v22;
	v20 =	vld [tilespmem:s28+$0x540];
	(xrf2) =	vadd.scan.msk.f32 $0xffff, v8  }
0xe0: {  	v7 =	vadd.bf16 v7, v9;
	v8 =	vadd.f32 v21, v19;
	v9 =	vld [tilespmem:s28+$0x5B0];
	v10, _, _ =	vpop (xrf2)  }
0xe1: {  	v5 =	vmul.bf16 v5, v16;
	v21 =	vmul.bf16 v17, v12;
	v16 =	vld [tilespmem:s28+$0x15A0]  }
0xe2: {  	v17 =	vunpack.i.u.bf16.f32 v7;
	v7 =	vunpack.i.l.bf16.f32 v7;
	v19 =	vld [tilespmem:s28+$0x5A0];
	(xrf2) =	vadd.scan.msk.f32 $0xffff, v8  }
0xe3: {  	v5 =	vadd.bf16 v5, v21;
	v21 =	vadd.f32 v7, v17;
	v8 =	vld [tilespmem:s28+$0x5F0];
	v12, _, _ =	vpop (xrf2)  }
0xe4: {  	v2 =	vmul.bf16 v2, v11;
	v17 =	vld [tilespmem:s28+$0x15E0];
	v15 =	vmul.bf16 v15, v20  }
0xe5: {  	v11 =	vunpack.i.u.bf16.f32 v5;
	v5 =	vunpack.i.l.bf16.f32 v5;
	v20 =	vld [tilespmem:s28+$0x5E0];
	(xrf2) =	vadd.scan.msk.f32 $0xffff, v21  }
0xe6: {  	v21 =	vadd.f32 v5, v11;
	v2 =	vadd.bf16 v2, v15;
	v7, _, _ =	vpop (xrf2)  }
0xe7: {  	v1 =	vmul.bf16 v1, v9;
	v11 =	vmul.bf16 v16, v19  }
0xe8: {  	v9 =	vunpack.i.u.bf16.f32 v2;
	v2 =	vunpack.i.l.bf16.f32 v2;
	(xrf2) =	vadd.scan.msk.f32 $0xffff, v21  }
0xe9: {  	v1 =	vadd.bf16 v1, v11;
	v11 =	vadd.f32 v2, v9;
	v5, _, _ =	vpop (xrf2)  }
0xea: {  	v0 =	vmul.bf16 v0, v8;
	v9 =	vmul.bf16 v17, v20  }
0xeb: {  	v8 =	vunpack.i.u.bf16.f32 v1;
	v1 =	vunpack.i.l.bf16.f32 v1;
	(xrf2) =	vadd.scan.msk.f32 $0xffff, v11  }
0xec: {  	v0 =	vadd.bf16 v0, v9;
	v1 =	vadd.f32 v1, v8;
	v2, _, _ =	vpop (xrf2)  }
0xed: {  	v9 =	vbroadcast v5, $0xF;
	v2 =	vbroadcast v2, $0xF  }
0xee: {  	v7 =	vbroadcast v7, $0xF;
	v8 =	vunpack.i.u.bf16.f32 v0;
	(xrf2) =	vadd.scan.msk.f32 $0xffff, v1  }
0xef: {  	v0 =	vunpack.i.l.bf16.f32 v0;
	v1 =	vsel vm0, v9, v2;
	v2 =	vbroadcast v12, $0xF;
	v5, _, _ =	vpop (xrf2)  }
0xf0: {  	v0 =	vadd.f32 v0, v8;
	v1 =	vsel vm1, v1, v7;
	v5 =	vbroadcast v5, $0xF  }
0xf1: {  	v1 =	vsel vm2, v1, v2;
	v2 =	vbroadcast v10, $0xF  }
0xf2: {  	v8 =	vbroadcast v14, $0xF;
	v1 =	vsel vm3, v1, v5;
	v7, _, _ =	vpop (xrf2);
	(xrf2) =	vadd.scan.msk.f32 $0xffff, v0  }
0xf3: {  	v0 =	vsel vm4, v1, v2;
	v1 =	vbroadcast v7, $0xF  }
0xf4: {  	v2 =	vbroadcast v13, $0xF;
	v0 =	vsel vm5, v0, v8  }
0xf5: {  	v0 =	vsel vm6, v0, v1;
	v1 =	vbroadcast v18, $0xF;
	v5, _, _ =	vpop (xrf2)  }
0xf6: {  	v0 =	vsel vm7, v0, v2;
	v2 =	vbroadcast v5, $0xF  }
0xf7: {  	v0 =	vsel vm8, v0, v1;
	v1 =	vbroadcast v6, $0xF  }
0xf8: {  	v0 =	vsel vm9, v0, v2;
	v2 =	vbroadcast v4, $0xF;
	v4, _, _ =	vpop (xrf2)  }
0xf9: {  	v0 =	vsel vm10, v0, v1;
	v4 =	vbroadcast v4, $0xF  }
0xfa: {  	v0 =	vsel vm11, v0, v2;
	v2 =	vbroadcast v3, $0xF  }
0xfb: {  	v0 =	vsel vm12, v0, v4  }
0xfc: {  	v0 =	vsel vm13, v0, v2;
	v1, _, _ =	vpop (xrf2)  }
0xfd: {  	s23 =	sadd.s32 $0x10, s23;
	v0 =	vsel vm14, v0, v1  }
0xfe: {  	s28 =	sshra.s32 s29, $0x2;
	[tilespmem:s23+$0x0] =	vst v0  }
0xff: {  	v0 =	vld [tilespmem:s28+$0x15F0]  }
0x100: {  	v3 =	vld [tilespmem:s28+$0x15D0]  }
0x101: {  	v4 =	vld [tilespmem:s28+$0x5D0]  }
0x102: {  	v6 =	vld [tilespmem:s28+$0x15C0]  }
0x103: {  	v7 =	vld [tilespmem:s28+$0x5C0]  }
0x104: {  	v1 =	vld [tilespmem:s28+$0x15B0]  }
0x105: {  	v8 =	vld [tilespmem:s28+$0x1590]  }
0x106: {  	v9 =	vld [tilespmem:s28+$0x590]  }
0x107: {  	v10 =	vld [tilespmem:s28+$0x1580]  }
0x108: {  	v11 =	vld [tilespmem:s28+$0x580]  }
0x109: {  	v12 =	vld [tilespmem:s28+$0x1570]  }
0x10a: {  	v13 =	vld [tilespmem:s28+$0x570]  }
0x10b: {  	v14 =	vld [tilespmem:s28+$0x1560]  }
0x10c: {  	v15 =	vld [tilespmem:s28+$0x560]  }
0x10d: {  	v2 =	vld [tilespmem:s28+$0x1550]  }
0x10e: {  	v16 =	vld [tilespmem:s28+$0x1530]  }
0x10f: {  	v17 =	vld [tilespmem:s28+$0x530]  }
0x110: {  	v18 =	vld [tilespmem:s28+$0x1520]  }
0x111: {  	v19 =	vld [tilespmem:s28+$0x520]  }
0x112: {  	v20 =	vld [tilespmem:s28+$0x1510]  }
0x113: {  	v21 =	vld [tilespmem:s28+$0x510]  }
0x114: {  	v22 =	vld [tilespmem:s28+$0x1500]  }
0x115: {  	v23 =	vld [tilespmem:s28+$0x500]  }
0x116: {  	v3 =	vmul.bf16 v3, v4;
	v6 =	vmul.bf16 v6, v7;
	v5 =	vld [tilespmem:s28+$0x14F0]  }
0x117: {  	v4 =	vld [tilespmem:s28+$0x14D0]  }
0x118: {  	v3 =	vadd.bf16 v3, v6;
	v24 =	vld [tilespmem:s28+$0x4D0]  }
0x119: {  	v8 =	vmul.bf16 v8, v9;
	v7 =	vmul.bf16 v10, v11;
	v6 =	vld [tilespmem:s28+$0x14C0]  }
0x11a: {  	v10 =	vunpack.i.u.bf16.f32 v3;
	v3 =	vunpack.i.l.bf16.f32 v3;
	v9 =	vld [tilespmem:s28+$0x4C0]  }
0x11b: {  	v3 =	vadd.f32 v3, v10;
	v7 =	vadd.bf16 v8, v7;
	v11 =	vld [tilespmem:s28+$0x14B0]  }
0x11c: {  	v12 =	vmul.bf16 v12, v13;
	v8 =	vmul.bf16 v14, v15;
	v10 =	vld [tilespmem:s28+$0x4B0]  }
0x11d: {  	v14 =	vunpack.i.u.bf16.f32 v7;
	v7 =	vunpack.i.l.bf16.f32 v7;
	v13 =	vld [tilespmem:s28+$0x14A0];
	(xrf2) =	vadd.scan.msk.f32 $0xffff, v3  }
0x11e: {  	v3 =	vadd.bf16 v12, v8;
	v8 =	vadd.f32 v7, v14;
	v15 =	vld [tilespmem:s28+$0x4A0]  }
0x11f: {  	v12 =	vmul.bf16 v18, v19;
	v14 =	vmul.bf16 v16, v17;
	v7 =	vld [tilespmem:s28+$0x1490]  }
0x120: {  	v17 =	vunpack.i.u.bf16.f32 v3;
	v3 =	vunpack.i.l.bf16.f32 v3;
	v16 =	vld [tilespmem:s28+$0x1470];
	(xrf2) =	vadd.scan.msk.f32 $0xffff, v8  }
0x121: {  	v8 =	vadd.bf16 v14, v12;
	v3 =	vadd.f32 v3, v17;
	v18 =	vld [tilespmem:s28+$0x470]  }
0x122: {  	v14 =	vmul.bf16 v22, v23;
	v17 =	vmul.bf16 v20, v21;
	v12 =	vld [tilespmem:s28+$0x1460]  }
0x123: {  	v20 =	vunpack.i.u.bf16.f32 v8;
	v8 =	vunpack.i.l.bf16.f32 v8;
	v19 =	vld [tilespmem:s28+$0x460];
	(xrf2) =	vadd.scan.msk.f32 $0xffff, v3  }
0x124: {  	v23 =	vadd.bf16 v17, v14;
	v8 =	vadd.f32 v8, v20;
	v21 =	vld [tilespmem:s28+$0x1450]  }
0x125: {  	v4 =	vmul.bf16 v4, v24;
	v6 =	vmul.bf16 v6, v9;
	v20 =	vld [tilespmem:s28+$0x450]  }
0x126: {  	v9 =	vunpack.i.u.bf16.f32 v23;
	v14 =	vunpack.i.l.bf16.f32 v23;
	v17 =	vld [tilespmem:s28+$0x1440];
	(xrf2) =	vadd.scan.msk.f32 $0xffff, v8  }
0x127: {  	v23 =	vadd.bf16 v4, v6;
	v6 =	vadd.f32 v14, v9;
	v22 =	vld [tilespmem:s28+$0x440];
	v3, _, _ =	vpop (xrf2)  }
0x128: {  	v10 =	vmul.bf16 v11, v10;
	v13 =	vmul.bf16 v13, v15;
	v8 =	vld [tilespmem:s28+$0x1410]  }
0x129: {  	v14 =	vunpack.i.u.bf16.f32 v23;
	v15 =	vunpack.i.l.bf16.f32 v23;
	v9 =	vld [tilespmem:s28+$0x410];
	(xrf2) =	vadd.scan.msk.f32 $0xffff, v6  }
.Ltmp4:
0x12a: {  	v23 =	vadd.bf16 v10, v13;
	v14 =	vadd.f32 v15, v14;
	v11 =	vld [tilespmem:s28+$0x1400];
	v4, _, _ =	vpop (xrf2);
	(pc) =	sbr.rel @p2 .LBB2_6-.Ltmp4, $4  }
0x12b: {  	v16 =	vmul.bf16 v16, v18;
	v15 =	vmul.bf16 v12, v19;
	v13 =	vld [tilespmem:s28+$0x400]  }
0x12c: {  	v18 =	vunpack.i.u.bf16.f32 v23;
	v19 =	vunpack.i.l.bf16.f32 v23;
	v10 =	vld [tilespmem:s28+$0x1430];
	(xrf2) =	vadd.scan.msk.f32 $0xffff, v14  }
0x12d: {  	v16 =	vadd.bf16 v16, v15;
	v15 =	vadd.f32 v19, v18;
	v12 =	vld [tilespmem:s28+$0x430];
	v6, _, _ =	vpop (xrf2)  }
0x12e: {  	s29 =	sadd.s32 $0x800, s29;
	v18 =	vmul.bf16 v21, v20;
	v17 =	vmul.bf16 v17, v22;
	v14 =	vld [tilespmem:s28+$0x1420]  }
0x12f: {  	v19 =	vld [tilespmem:s28+$0x420]  }
0x130: {  	v21 =	vld [tilespmem:s28+$0x1480]  }
0x131: {  	v8 =	vmul.bf16 v8, v9;
	v9 =	vld [tilespmem:s28+$0x480];
	v11 =	vmul.bf16 v11, v13  }
0x132: {  	v20 =	vld [tilespmem:s28+$0x490];
	v13 =	vunpack.i.u.bf16.f32 v16;
	v17 =	vadd.bf16 v18, v17  }
0x133: {  	v16 =	vunpack.i.l.bf16.f32 v16;
	v18 =	vld [tilespmem:s28+$0x4F0];
	v8 =	vadd.bf16 v8, v11;
	v10 =	vmul.bf16 v10, v12  }
0x134: {  	v11 =	vld [tilespmem:s28+$0x14E0];
	v12 =	vadd.f32 v16, v13;
	v13 =	vunpack.i.u.bf16.f32 v17;
	v16 =	vunpack.i.l.bf16.f32 v17  }
0x135: {  	v17 =	vld [tilespmem:s28+$0x4E0];
	v13 =	vadd.f32 v16, v13;
	v14 =	vmul.bf16 v14, v19  }
0x136: {  	(xrf2) =	vadd.scan.msk.f32 $0xffff, v15;
	v15 =	vld [tilespmem:s28+$0x1540];
	v16 =	vunpack.i.u.bf16.f32 v8;
	v8 =	vunpack.i.l.bf16.f32 v8;
	v9 =	vmul.bf16 v21, v9  }
0x137: {  	v7 =	vmul.bf16 v7, v20;
	v8 =	vadd.f32 v8, v16;
	v16 =	vld [tilespmem:s28+$0x540];
	v10 =	vadd.bf16 v10, v14  }
0x138: {  	(xrf2) =	vadd.scan.msk.f32 $0xffff, v12;
	v14 =	vld [tilespmem:s28+$0x550]  }
0x139: {  	(xrf2) =	vadd.scan.msk.f32 $0xffff, v13;
	v7 =	vadd.bf16 v7, v9;
	v12 =	vunpack.i.u.bf16.f32 v10;
	v10 =	vunpack.i.l.bf16.f32 v10  }
0x13a: {  	v5 =	vmul.bf16 v5, v18;
	v13 =	vld [tilespmem:s28+$0x5A0];
	(xrf2) =	vadd.scan.msk.f32 $0xffff, v8;
	v8 =	vmul.bf16 v11, v17;
	v9 =	vadd.f32 v10, v12  }
0x13b: {  	v11 =	vld [tilespmem:s28+$0x15A0];
	v12 =	vunpack.i.u.bf16.f32 v7;
	v7 =	vunpack.i.l.bf16.f32 v7  }
0x13c: {  	v10 =	vld [tilespmem:s28+$0x5B0];
	v5 =	vadd.bf16 v5, v8;
	v7 =	vadd.f32 v7, v12;
	(xrf2) =	vadd.scan.msk.f32 $0xffff, v9  }
0x13d: {  	v8 =	vld [tilespmem:s28+$0x5F0];
	v12 =	vmul.bf16 v15, v16;
	v2 =	vmul.bf16 v2, v14  }
0x13e: {  	v16 =	vld [tilespmem:s28+$0x5E0];
	v15 =	vunpack.i.u.bf16.f32 v5;
	v5 =	vunpack.i.l.bf16.f32 v5  }
0x13f: {  	v9 =	vld [tilespmem:s28+$0x15E0];
	v14, _, _ =	vpop (xrf2);
	(xrf2) =	vadd.scan.msk.f32 $0xffff, v7;
	v5 =	vadd.f32 v5, v15;
	v2 =	vadd.bf16 v2, v12  }
0x140: {  	v11 =	vmul.bf16 v11, v13;
	v7, _, _ =	vpop (xrf2)  }
0x141: {  	v12, _, _ =	vpop (xrf2);
	v13 =	vunpack.i.u.bf16.f32 v2;
	v2 =	vunpack.i.l.bf16.f32 v2  }
0x142: {  	v1 =	vmul.bf16 v1, v10;
	v10, _, _ =	vpop (xrf2);
	v2 =	vadd.f32 v2, v13  }
0x143: {  	(xrf2) =	vadd.scan.msk.f32 $0xffff, v5;
	v5, _, _ =	vpop (xrf2)  }
0x144: {  	v0 =	vmul.bf16 v0, v8;
	v1 =	vadd.bf16 v1, v11;
	v9 =	vmul.bf16 v9, v16;
	v11, _, _ =	vpop (xrf2)  }
0x145: {  	v8, _, _ =	vpop (xrf2)  }
0x146: {  	v13 =	vunpack.i.u.bf16.f32 v1;
	v1 =	vunpack.i.l.bf16.f32 v1;
	(xrf2) =	vadd.scan.msk.f32 $0xffff, v2;
	v0 =	vadd.bf16 v0, v9;
	v2, _, _ =	vpop (xrf2)  }
0x147: {  	v1 =	vadd.f32 v1, v13;
	v8 =	vbroadcast v8, $0xF;
	v2 =	vbroadcast v2, $0xF  }
0x148: {  	v9 =	vbroadcast v11, $0xF  }
0x149: {  	v11 =	vunpack.i.u.bf16.f32 v0;
	(xrf2) =	vadd.scan.msk.f32 $0xffff, v1;
	v1 =	vsel vm0, v8, v2;
	v2 =	vbroadcast v5, $0xF;
	v5, _, _ =	vpop (xrf2)  }
0x14a: {  	v0 =	vunpack.i.l.bf16.f32 v0;
	v1 =	vsel vm1, v1, v9;
	v5 =	vbroadcast v5, $0xF  }
0x14b: {  	v0 =	vadd.f32 v0, v11;
	v1 =	vsel vm2, v1, v2  }
0x14c: {  	v2 =	vbroadcast v10, $0xF;
	v1 =	vsel vm3, v1, v5;
	v5 =	vbroadcast v12, $0xF  }
0x14d: {  	v8, _, _ =	vpop (xrf2)  }
0x14e: {  	(xrf2) =	vadd.scan.msk.f32 $0xffff, v0;
	v0 =	vsel vm4, v1, v2;
	v1 =	vbroadcast v8, $0xF  }
0x14f: {  	v2 =	vbroadcast v7, $0xF;
	v0 =	vsel vm5, v0, v5  }
0x150: {  	v0 =	vsel vm6, v0, v1;
	v1 =	vbroadcast v14, $0xF;
	v5, _, _ =	vpop (xrf2)  }
0x151: {  	v0 =	vsel vm7, v0, v2;
	v2 =	vbroadcast v5, $0xF  }
0x152: {  	v0 =	vsel vm8, v0, v1;
	v1 =	vbroadcast v6, $0xF  }
0x153: {  	v0 =	vsel vm9, v0, v2;
	v2 =	vbroadcast v4, $0xF;
	v4, _, _ =	vpop (xrf2)  }
0x154: {  	v0 =	vsel vm10, v0, v1;
	v1 =	vbroadcast v4, $0xF;
	_ =	sdelay $0x1  }
0x155: {  	v0 =	vsel vm11, v0, v2;
	v2 =	vbroadcast v3, $0xF  }
0x156: {  	v0 =	vsel vm12, v0, v1  }
0x157: {  	s28 =	sadd.s32 s8, s22;
	v0 =	vsel vm13, v0, v2;
	v1, _, _ =	vpop (xrf2)  }
0x158: {  	s23 =	sadd.s32 $0x10, s23;
	s28 =	sshll.u32 s28, $0x4;
	v0 =	vsel vm14, v0, v1  }
0x159: {  	[tilespmem:s23+$0x0] =	vst v0;
	s23 =	sadd.s32 s6, s28  }
0x15a: {  	[hbm4b:s23+s3] =	stream.linear.scatter [tilespmem:s12], [sflag:$0x9], $0x80, $0x38;
	[tilespmem:$0x1CBA0] =	vst v63  }
0x15b: {  	_ =	swait.ge [sflag:s20], $0x100  }
0x15c: {  	[sflag:s20] =	ssyncset.done $0x0  }
0x15d: {  	s28 =	simm.s32 $0x400;
	s23 =	simm.s32 $0x200;
	[sflag:s20] =	ssyncadd.s32 $0xFFFFFF00  }
0x15e: {  	[tilespmem:s28], [sflag:$0x5] =	stream.indirect.gather [spmem:s2], $0x20, s23, s26, $0xb8;
	[tilespmem:$0x1CBA0] =	vst v63  }
0x15f: {  	s23 =	simm.s32 $0x1400;
	s28 =	simm.s32 $0x280  }
0x160: {  	[tilespmem:s23], [sflag:$0x6] =	stream.indirect.gather [spmem:s2], $0x20, s28, s26, $0xb8;
	[tilespmem:$0x1CBA0] =	vst v63  }
0x161: {  	_ =	swait.ge [sflag:s7], $0x1000  }
0x162: {  	[sflag:s7] =	ssyncset.done $0x0  }
0x163: {  	s23 =	sadd.s32 @!p0 s22, s14;
	[sflag:s7] =	ssyncadd.s32 $0xFFFFF000  }
0x164: {  	s23 =	sshll.u32 @!p0 s23, $0x5;
	_ =	swait.ge [sflag:s24], $0x1000  }
0x165: {  	s29 =	simm.s32 @!p0 $0x100;
	s23 =	sand.u32 @!p0 $0x1FFFFFA0, s23;
	[sflag:s24] =	ssyncset.done $0x0  }
0x166: {  	s28 =	simm.s32 @!p0 $0x0;
	s23 =	sadd.s32 @!p0 s4, s23;
	[sflag:s24] =	ssyncadd.s32 $0xFFFFF000  }
0x167: {  	[tilespmem:s29], [sflag:$0x2] =	stream.linear.gather @!p0 [hbm4b:s23+s28], $0x100, $0x38;
	[tilespmem:$0x1CBA0] =	vst v63  }
0x168: {  	s23 =	simm.s32 @!p1 $0xA  }
0x169: {  	_ =	swait.ge @!p1 [sflag:s23], $0x80  }
0x16a: {  	[sflag:s23] =	ssyncset.done @!p1 $0x0  }
0x16b: {  	[sflag:s23] =	ssyncadd.s32 @!p1 $0xFFFFFF80;
	s23 =	simm.s32 $0x0  }
0x16c: {  	v3 =	vld [tilespmem:s23+$0x35D0]  }
0x16d: {  	v4 =	vld [tilespmem:s23+$0x25D0]  }
0x16e: {  	v5 =	vld [tilespmem:s23+$0x35C0]  }
0x16f: {  	v6 =	vld [tilespmem:s23+$0x25C0]  }
0x170: {  	v7 =	vld [tilespmem:s23+$0x3590]  }
0x171: {  	v8 =	vld [tilespmem:s23+$0x2590]  }
0x172: {  	v9 =	vld [tilespmem:s23+$0x3580]  }
0x173: {  	v10 =	vld [tilespmem:s23+$0x2580]  }
0x174: {  	v11 =	vld [tilespmem:s23+$0x3570]  }
0x175: {  	v12 =	vld [tilespmem:s23+$0x2570]  }
0x176: {  	v13 =	vld [tilespmem:s23+$0x3560]  }
0x177: {  	v14 =	vld [tilespmem:s23+$0x2560]  }
0x178: {  	v2 =	vld [tilespmem:s23+$0x3550]  }
0x179: {  	v15 =	vld [tilespmem:s23+$0x3530]  }
0x17a: {  	v16 =	vld [tilespmem:s23+$0x2530]  }
0x17b: {  	v17 =	vld [tilespmem:s23+$0x3520]  }
0x17c: {  	v18 =	vld [tilespmem:s23+$0x2520]  }
0x17d: {  	v19 =	vld [tilespmem:s23+$0x3510]  }
0x17e: {  	v20 =	vld [tilespmem:s23+$0x2510]  }
0x17f: {  	v47 =	vld [tilespmem:s23+$0x3500]  }
0x180: {  	v22 =	vld [tilespmem:s23+$0x2500]  }
0x181: {  	v23 =	vld [tilespmem:s23+$0x34F0]  }
0x182: {  	v24 =	vld [tilespmem:s23+$0x34D0]  }
0x183: {  	v25 =	vld [tilespmem:s23+$0x24D0]  }
0x184: {  	v26 =	vld [tilespmem:s23+$0x34C0]  }
0x185: {  	v27 =	vld [tilespmem:s23+$0x24C0]  }
0x186: {  	v28 =	vld [tilespmem:s23+$0x34B0]  }
0x187: {  	v29 =	vld [tilespmem:s23+$0x24B0]  }
0x188: {  	v30 =	vld [tilespmem:s23+$0x34A0]  }
0x189: {  	v31 =	vld [tilespmem:s23+$0x24A0]  }
0x18a: {  	v32 =	vld [tilespmem:s23+$0x3490]  }
0x18b: {  	v33 =	vld [tilespmem:s23+$0x3470]  }
0x18c: {  	v48 =	vld [tilespmem:s23+$0x2410];
	v5 =	vmul.bf16 v5, v6  }
0x18d: {  	v50 =	vld [tilespmem:s23+$0x3430];
	v3 =	vmul.bf16 v3, v4;
	v6 =	vmul.bf16 v9, v10  }
0x18e: {  	v52 =	vld [tilespmem:s23+$0x3420];
	v7 =	vmul.bf16 v7, v8;
	v10 =	vmul.bf16 v17, v18  }
0x18f: {  	v8 =	vld [tilespmem:s23+$0x3460];
	v17 =	vmul.bf16 v26, v27;
	v49 =	vmul.bf16 v28, v29;
	v3 =	vadd.bf16 v3, v5  }
0x190: {  	v9 =	vld [tilespmem:s23+$0x2460];
	v5 =	vmul.bf16 v13, v14;
	v6 =	vadd.bf16 v7, v6;
	v7 =	vmul.bf16 v11, v12  }
0x191: {  	v4 =	vld [tilespmem:s23+$0x2470];
	v13 =	vmul.bf16 v15, v16;
	v16 =	vmul.bf16 v19, v20  }
0x192: {  	v18 =	vld [tilespmem:s23+$0x3410];
	v20 =	vmul.bf16 v24, v25;
	v12 =	vunpack.i.u.bf16.f32 v3;
	v3 =	vunpack.i.l.bf16.f32 v3  }
0x193: {  	v11 =	vld [tilespmem:s23+$0x3450];
	v5 =	vadd.bf16 v7, v5;
	v10 =	vadd.bf16 v13, v10;
	v13 =	vmul.bf16 v47, v22  }
0x194: {  	v14 =	vld [tilespmem:s23+$0x2450];
	v17 =	vadd.bf16 v20, v17;
	v20 =	vmul.bf16 v30, v31;
	v3 =	vadd.f32 v3, v12  }
0x195: {  	v15 =	vld [tilespmem:s23+$0x2440];
	v12 =	vunpack.i.u.bf16.f32 v6;
	v6 =	vunpack.i.l.bf16.f32 v6;
	v8 =	vmul.bf16 v8, v9  }
0x196: {  	v7 =	vld [tilespmem:s23+$0x3440];
	v4 =	vmul.bf16 v33, v4;
	v19 =	vunpack.i.u.bf16.f32 v5;
	v5 =	vunpack.i.l.bf16.f32 v5  }
0x197: {  	v6 =	vadd.f32 v6, v12;
	v12 =	vld [tilespmem:s23+$0x3400];
	v13 =	vadd.bf16 v16, v13;
	v16 =	vunpack.i.u.bf16.f32 v10  }
0x198: {  	v10 =	vunpack.i.l.bf16.f32 v10;
	v20 =	vadd.bf16 v49, v20;
	v5 =	vadd.f32 v5, v19;
	v19 =	vld [tilespmem:s23+$0x2400]  }
0x199: {  	v9 =	vld [tilespmem:s23+$0x2420];
	v10 =	vadd.f32 v10, v16;
	v16 =	vunpack.i.u.bf16.f32 v13;
	v13 =	vunpack.i.l.bf16.f32 v13  }
0x19a: {  	v51 =	vld [tilespmem:s23+$0x2430];
	(xrf2) =	vadd.scan.msk.f32 $0xffff, v3;
	v3 =	vadd.bf16 v4, v8;
	v13 =	vadd.f32 v13, v16;
	v16 =	vunpack.i.u.bf16.f32 v17  }
0x19b: {  	v8 =	vld [tilespmem:s23+$0x3480];
	(xrf2) =	vadd.scan.msk.f32 $0xffff, v6;
	v17 =	vunpack.i.l.bf16.f32 v17;
	v4 =	vmul.bf16 v7, v15;
	v7 =	vmul.bf16 v11, v14  }
0x19c: {  	v14 =	vld [tilespmem:s23+$0x2480];
	(xrf2) =	vadd.scan.msk.f32 $0xffff, v5;
	v5 =	vunpack.i.u.bf16.f32 v3;
	v3 =	vunpack.i.l.bf16.f32 v3;
	v16 =	vadd.f32 v17, v16  }
0x19d: {  	v53 =	vld [tilespmem:s23+$0x2490];
	v17 =	vunpack.i.u.bf16.f32 v20;
	v11 =	vmul.bf16 v12, v19;
	v12 =	vmul.bf16 v18, v48  }
0x19e: {  	v20 =	vunpack.i.l.bf16.f32 v20;
	(xrf2) =	vadd.scan.msk.f32 $0xffff, v10;
	v9 =	vmul.bf16 v52, v9;
	v4 =	vadd.bf16 v7, v4;
	v7 =	vld [tilespmem:s23+$0x24F0]  }
0x19f: {  	v3 =	vadd.f32 v3, v5;
	(xrf2) =	vadd.scan.msk.f32 $0xffff, v13;
	v13 =	vld [tilespmem:s23+$0x24E0];
	v10 =	vadd.bf16 v12, v11;
	v12 =	vmul.bf16 v50, v51  }
0x1a0: {  	v6 =	vadd.f32 v20, v17;
	v5 =	vunpack.i.u.bf16.f32 v4;
	v4 =	vunpack.i.l.bf16.f32 v4;
	v11 =	vld [tilespmem:s23+$0x34E0]  }
0x1a1: {  	(xrf2) =	vadd.scan.msk.f32 $0xffff, v16;
	v4 =	vadd.f32 v4, v5;
	v8 =	vmul.bf16 v8, v14;
	v14 =	vld [tilespmem:s23+$0x3540];
	v9 =	vadd.bf16 v12, v9  }
0x1a2: {  	(xrf2) =	vadd.scan.msk.f32 $0xffff, v6;
	v5 =	vunpack.i.u.bf16.f32 v10;
	v12 =	vld [tilespmem:s23+$0x2550];
	v6 =	vunpack.i.l.bf16.f32 v10;
	v10 =	vmul.bf16 v32, v53  }
0x1a3: {  	(xrf2) =	vadd.scan.msk.f32 $0xffff, v3;
	v3 =	vadd.f32 v6, v5;
	v5 =	vunpack.i.u.bf16.f32 v9;
	v6 =	vunpack.i.l.bf16.f32 v9;
	v9 =	vld [tilespmem:s23+$0x2540]  }
0x1a4: {  	v1 =	vld [tilespmem:s23+$0x35B0];
	(xrf2) =	vadd.scan.msk.f32 $0xffff, v4;
	v4 =	vadd.bf16 v10, v8;
	v5 =	vadd.f32 v6, v5  }
0x1a5: {  	v7 =	vmul.bf16 v23, v7;
	v8 =	vld [tilespmem:s23+$0x35A0];
	(xrf2) =	vadd.scan.msk.f32 $0xffff, v3;
	v3 =	vmul.bf16 v11, v13  }
0x1a6: {  	v13 =	vld [tilespmem:s23+$0x25A0];
	v11 =	vunpack.i.u.bf16.f32 v4;
	v4 =	vunpack.i.l.bf16.f32 v4  }
0x1a7: {  	v6 =	vld [tilespmem:s23+$0x25B0];
	v10, _, _ =	vpop (xrf2);
	(xrf2) =	vadd.scan.msk.f32 $0xffff, v5;
	v3 =	vadd.bf16 v7, v3;
	v4 =	vadd.f32 v4, v11  }
0x1a8: {  	v0 =	vld [tilespmem:s23+$0x35F0];
	v2 =	vmul.bf16 v2, v12;
	v5, _, _ =	vpop (xrf2);
	v9 =	vmul.bf16 v14, v9  }
0x1a9: {  	v15 =	vld [tilespmem:s23+$0x35E0];
	v14 =	vunpack.i.u.bf16.f32 v3;
	v3 =	vunpack.i.l.bf16.f32 v3;
	v11, _, _ =	vpop (xrf2)  }
0x1aa: {  	v7 =	vld [tilespmem:s23+$0x25F0];
	(xrf2) =	vadd.scan.msk.f32 $0xffff, v4;
	v3 =	vadd.f32 v3, v14;
	v12, _, _ =	vpop (xrf2);
	v2 =	vadd.bf16 v2, v9  }
0x1ab: {  	v16 =	vld [tilespmem:s23+$0x25E0];
	v8 =	vmul.bf16 v8, v13;
	v4, _, _ =	vpop (xrf2)  }
0x1ac: {  	v1 =	vmul.bf16 v1, v6;
	v9, _, _ =	vpop (xrf2);
	v13 =	vunpack.i.u.bf16.f32 v2;
	v2 =	vunpack.i.l.bf16.f32 v2  }
0x1ad: {  	v6, _, _ =	vpop (xrf2);
	v2 =	vadd.f32 v2, v13  }
0x1ae: {  	(xrf2) =	vadd.scan.msk.f32 $0xffff, v3;
	v1 =	vadd.bf16 v1, v8;
	v3, _, _ =	vpop (xrf2)  }
0x1af: {  	v0 =	vmul.bf16 v0, v7;
	v8, _, _ =	vpop (xrf2)  }
0x1b0: {  	v13 =	vmul.bf16 v15, v16;
	v14 =	vunpack.i.u.bf16.f32 v1;
	v1 =	vunpack.i.l.bf16.f32 v1;
	v7, _, _ =	vpop (xrf2)  }
0x1b1: {  	v1 =	vadd.f32 v1, v14;
	(xrf2) =	vadd.scan.msk.f32 $0xffff, v2;
	v2, _, _ =	vpop (xrf2)  }
0x1b2: {  	v0 =	vadd.bf16 v0, v13;
	v7 =	vbroadcast v7, $0xF;
	v2 =	vbroadcast v2, $0xF  }
0x1b3: {  	v8 =	vbroadcast v8, $0xF  }
0x1b4: {  	v13 =	vunpack.i.u.bf16.f32 v0;
	(xrf2) =	vadd.scan.msk.f32 $0xffff, v1;
	v1 =	vsel vm0, v7, v2;
	v2 =	vbroadcast v3, $0xF;
	v3, _, _ =	vpop (xrf2)  }
0x1b5: {  	v0 =	vunpack.i.l.bf16.f32 v0;
	v1 =	vsel vm1, v1, v8;
	v3 =	vbroadcast v3, $0xF  }
0x1b6: {  	v0 =	vadd.f32 v0, v13;
	v1 =	vsel vm2, v1, v2  }
0x1b7: {  	v2 =	vbroadcast v6, $0xF;
	v1 =	vsel vm3, v1, v3;
	v3 =	vbroadcast v9, $0xF  }
0x1b8: {  	v6, _, _ =	vpop (xrf2)  }
0x1b9: {  	(xrf2) =	vadd.scan.msk.f32 $0xffff, v0;
	v0 =	vsel vm4, v1, v2;
	v1 =	vbroadcast v6, $0xF  }
0x1ba: {  	v2 =	vbroadcast v4, $0xF;
	v0 =	vsel vm5, v0, v3  }
0x1bb: {  	v0 =	vsel vm6, v0, v1;
	v1 =	vbroadcast v12, $0xF;
	v3, _, _ =	vpop (xrf2)  }
0x1bc: {  	v0 =	vsel vm7, v0, v2;
	v2 =	vbroadcast v3, $0xF  }
0x1bd: {  	v0 =	vsel vm8, v0, v1;
	v1 =	vbroadcast v11, $0xF  }
0x1be: {  	v3, _, _ =	vpop (xrf2);
	v0 =	vsel vm9, v0, v2  }
0x1bf: {  	v2 =	vbroadcast v5, $0xF;
	v0 =	vsel vm10, v0, v1;
	v1 =	vbroadcast v3, $0xF;
	_ =	sdelay $0x1  }
0x1c0: {  	v0 =	vsel vm11, v0, v2;
	v2 =	vbroadcast v10, $0xF  }
0x1c1: {  	v0 =	vsel vm12, v0, v1  }
0x1c2: {  	v0 =	vsel vm13, v0, v2;
	v1, _, _ =	vpop (xrf2)  }
0x1c3: {  	s23 =	simm.s32 $0x4480;
	v0 =	vsel vm14, v0, v1  }
0x1c4: {  	s28 =	simm.s32 $0x200;
	[tilespmem:s23+$0x0] =	vst v0  }
0x1c5: {  	v0 =	vld [tilespmem:s28+$0x35F0]  }
0x1c6: {  	v3 =	vld [tilespmem:s28+$0x35D0]  }
0x1c7: {  	v4 =	vld [tilespmem:s28+$0x25D0]  }
0x1c8: {  	v6 =	vld [tilespmem:s28+$0x35C0]  }
0x1c9: {  	v7 =	vld [tilespmem:s28+$0x25C0]  }
0x1ca: {  	v1 =	vld [tilespmem:s28+$0x35B0]  }
0x1cb: {  	v8 =	vld [tilespmem:s28+$0x3590]  }
0x1cc: {  	v9 =	vld [tilespmem:s28+$0x2590]  }
0x1cd: {  	v10 =	vld [tilespmem:s28+$0x3580]  }
0x1ce: {  	v11 =	vld [tilespmem:s28+$0x2580]  }
0x1cf: {  	v12 =	vld [tilespmem:s28+$0x3570]  }
0x1d0: {  	v13 =	vld [tilespmem:s28+$0x2570]  }
0x1d1: {  	v14 =	vld [tilespmem:s28+$0x3560]  }
0x1d2: {  	v15 =	vld [tilespmem:s28+$0x2560]  }
0x1d3: {  	v2 =	vld [tilespmem:s28+$0x3550]  }
0x1d4: {  	v16 =	vld [tilespmem:s28+$0x3530]  }
0x1d5: {  	v17 =	vld [tilespmem:s28+$0x2530]  }
0x1d6: {  	v18 =	vld [tilespmem:s28+$0x3520]  }
0x1d7: {  	v19 =	vld [tilespmem:s28+$0x2520]  }
0x1d8: {  	v20 =	vld [tilespmem:s28+$0x3510]  }
0x1d9: {  	v54 =	vld [tilespmem:s28+$0x2510]  }
0x1da: {  	v55 =	vld [tilespmem:s28+$0x3500]  }
0x1db: {  	v56 =	vld [tilespmem:s28+$0x2500]  }
0x1dc: {  	v5 =	vld [tilespmem:s28+$0x34F0]  }
0x1dd: {  	v57 =	vld [tilespmem:s28+$0x34D0]  }
0x1de: {  	v58 =	vld [tilespmem:s28+$0x24D0];
	v6 =	vmul.bf16 v6, v7;
	v3 =	vmul.bf16 v3, v4  }
0x1df: {  	v59 =	vld [tilespmem:s28+$0x34C0];
	v7 =	vmul.bf16 v10, v11;
	v8 =	vmul.bf16 v8, v9  }
0x1e0: {  	v60 =	vld [tilespmem:s28+$0x24C0];
	v10 =	vmul.bf16 v12, v13;
	v3 =	vadd.bf16 v3, v6;
	v6 =	vmul.bf16 v14, v15  }
0x1e1: {  	v61 =	vld [tilespmem:s28+$0x2440];
	v8 =	vadd.bf16 v8, v7  }
0x1e2: {  	v4 =	vld [tilespmem:s28+$0x34B0];
	v13 =	vunpack.i.u.bf16.f32 v3;
	v3 =	vunpack.i.l.bf16.f32 v3;
	v6 =	vadd.bf16 v10, v6  }
0x1e3: {  	v9 =	vld [tilespmem:s28+$0x24B0];
	v10 =	vunpack.i.u.bf16.f32 v8;
	v8 =	vunpack.i.l.bf16.f32 v8;
	v3 =	vadd.f32 v3, v13  }
0x1e4: {  	v11 =	vld [tilespmem:s28+$0x34A0];
	v8 =	vadd.f32 v8, v10;
	v10 =	vunpack.i.u.bf16.f32 v6;
	v6 =	vunpack.i.l.bf16.f32 v6  }
0x1e5: {  	v12 =	vld [tilespmem:s28+$0x24A0];
	v13 =	vmul.bf16 v16, v17;
	(xrf2) =	vadd.scan.msk.f32 $0xffff, v3;
	v3 =	vadd.f32 v6, v10;
	v10 =	vmul.bf16 v18, v19  }
0x1e6: {  	v7 =	vld [tilespmem:s28+$0x3490];
	(xrf2) =	vadd.scan.msk.f32 $0xffff, v8  }
0x1e7: {  	v14 =	vld [tilespmem:s28+$0x3470];
	(xrf2) =	vadd.scan.msk.f32 $0xffff, v3;
	v3 =	vadd.bf16 v13, v10  }
0x1e8: {  	v15 =	vld [tilespmem:s28+$0x2470];
	v17 =	vmul.bf16 v20, v54;
	v8 =	vmul.bf16 v55, v56  }
0x1e9: {  	v16 =	vld [tilespmem:s28+$0x2460];
	v20 =	vunpack.i.u.bf16.f32 v3;
	v3 =	vunpack.i.l.bf16.f32 v3  }
0x1ea: {  	v4 =	vmul.bf16 v4, v9;
	v9 =	vld [tilespmem:s28+$0x2410];
	v10 =	vadd.bf16 v17, v8;
	v3 =	vadd.f32 v3, v20  }
0x1eb: {  	v6 =	vld [tilespmem:s28+$0x3460];
	v13 =	vmul.bf16 v57, v58;
	v8 =	vmul.bf16 v59, v60  }
0x1ec: {  	v12 =	vmul.bf16 v11, v12;
	v11 =	vld [tilespmem:s28+$0x3400];
	v20 =	vunpack.i.u.bf16.f32 v10;
	v10 =	vunpack.i.l.bf16.f32 v10;
	(xrf2) =	vadd.scan.msk.f32 $0xffff, v3  }
0x1ed: {  	v18 =	vld [tilespmem:s28+$0x3450];
	v13 =	vadd.bf16 v13, v8;
	v20 =	vadd.f32 v10, v20  }
0x1ee: {  	v19 =	vld [tilespmem:s28+$0x2450]  }
0x1ef: {  	v12 =	vadd.bf16 v4, v12;
	v17 =	vld [tilespmem:s28+$0x3440];
	v10 =	vunpack.i.u.bf16.f32 v13;
	v62 =	vunpack.i.l.bf16.f32 v13;
	v3, _, _ =	vpop (xrf2);
	(xrf2) =	vadd.scan.msk.f32 $0xffff, v20  }
0x1f0: {  	v14 =	vmul.bf16 v14, v15;
	v8 =	vld [tilespmem:s28+$0x3410];
	v6 =	vmul.bf16 v6, v16;
	v15 =	vadd.f32 v62, v10  }
0x1f1: {  	v13 =	vld [tilespmem:s28+$0x2400]  }
0x1f2: {  	v63 =	vunpack.i.l.bf16.f32 v12;
	v16 =	vadd.bf16 v14, v6;
	v14 =	vld [tilespmem:s28+$0x3420];
	v20 =	vunpack.i.u.bf16.f32 v12;
	v4, _, _ =	vpop (xrf2);
	(xrf2) =	vadd.scan.msk.f32 $0xffff, v15  }
0x1f3: {  	v10 =	vld [tilespmem:s28+$0x3430];
	v15 =	vadd.f32 v63, v20  }
0x1f4: {  	s29 =	simm.s32 $0x1000;
	v18 =	vmul.bf16 v18, v19;
	v17 =	vmul.bf16 v17, v61;
	v12 =	vld [tilespmem:s28+$0x2430];
	v6, _, _ =	vpop (xrf2)  }
.LBB2_8:
0x1f5: {  	p1 =	sne.s32 s29, $0x3800;
	v19 =	vld [tilespmem:s28+$0x2420];
	v20 =	vunpack.i.u.bf16.f32 v16;
	v16 =	vunpack.i.l.bf16.f32 v16;
	(xrf2) =	vadd.scan.msk.f32 $0xffff, v15  }
0x1f6: {  	v15 =	vld [tilespmem:s28+$0x2490];
	v17 =	vadd.bf16 v18, v17;
	v16 =	vadd.f32 v16, v20;
	v18, _, _ =	vpop (xrf2)  }
0x1f7: {  	v8 =	vmul.bf16 v8, v9;
	v11 =	vmul.bf16 v11, v13;
	v20 =	vld [tilespmem:s28+$0x3480]  }
0x1f8: {  	v9 =	vld [tilespmem:s28+$0x2480];
	v21 =	vunpack.i.u.bf16.f32 v17;
	v17 =	vunpack.i.l.bf16.f32 v17;
	(xrf2) =	vadd.scan.msk.f32 $0xffff, v16  }
0x1f9: {  	v8 =	vadd.bf16 v8, v11;
	v16 =	vld [tilespmem:s28+$0x24F0];
	v11 =	vadd.f32 v17, v21;
	v13, _, _ =	vpop (xrf2)  }
0x1fa: {  	v10 =	vmul.bf16 v10, v12;
	v17 =	vld [tilespmem:s28+$0x34E0];
	v21 =	vmul.bf16 v14, v19  }
0x1fb: {  	v19 =	vunpack.i.u.bf16.f32 v8;
	v8 =	vunpack.i.l.bf16.f32 v8;
	v12 =	vld [tilespmem:s28+$0x24E0];
	(xrf2) =	vadd.scan.msk.f32 $0xffff, v11  }
0x1fc: {  	v8 =	vadd.f32 v8, v19;
	v22 =	vadd.bf16 v10, v21;
	v11 =	vld [tilespmem:s28+$0x2550];
	v14, _, _ =	vpop (xrf2)  }
0x1fd: {  	v7 =	vmul.bf16 v7, v15;
	v9 =	vmul.bf16 v20, v9;
	v15 =	vld [tilespmem:s28+$0x3540]  }
0x1fe: {  	v19 =	vunpack.i.u.bf16.f32 v22;
	v21 =	vunpack.i.l.bf16.f32 v22;
	v20 =	vld [tilespmem:s28+$0x2540];
	(xrf2) =	vadd.scan.msk.f32 $0xffff, v8  }
0x1ff: {  	v7 =	vadd.bf16 v7, v9;
	v8 =	vadd.f32 v21, v19;
	v9 =	vld [tilespmem:s28+$0x25B0];
	v10, _, _ =	vpop (xrf2)  }
0x200: {  	v5 =	vmul.bf16 v5, v16;
	v21 =	vmul.bf16 v17, v12;
	v16 =	vld [tilespmem:s28+$0x35A0]  }
0x201: {  	v17 =	vunpack.i.u.bf16.f32 v7;
	v7 =	vunpack.i.l.bf16.f32 v7;
	v19 =	vld [tilespmem:s28+$0x25A0];
	(xrf2) =	vadd.scan.msk.f32 $0xffff, v8  }
0x202: {  	v5 =	vadd.bf16 v5, v21;
	v21 =	vadd.f32 v7, v17;
	v8 =	vld [tilespmem:s28+$0x25F0];
	v12, _, _ =	vpop (xrf2)  }
0x203: {  	v2 =	vmul.bf16 v2, v11;
	v17 =	vld [tilespmem:s28+$0x35E0];
	v15 =	vmul.bf16 v15, v20  }
0x204: {  	v11 =	vunpack.i.u.bf16.f32 v5;
	v5 =	vunpack.i.l.bf16.f32 v5;
	v20 =	vld [tilespmem:s28+$0x25E0];
	(xrf2) =	vadd.scan.msk.f32 $0xffff, v21  }
0x205: {  	v21 =	vadd.f32 v5, v11;
	v2 =	vadd.bf16 v2, v15;
	v7, _, _ =	vpop (xrf2)  }
0x206: {  	v1 =	vmul.bf16 v1, v9;
	v11 =	vmul.bf16 v16, v19  }
0x207: {  	v9 =	vunpack.i.u.bf16.f32 v2;
	v2 =	vunpack.i.l.bf16.f32 v2;
	(xrf2) =	vadd.scan.msk.f32 $0xffff, v21  }
0x208: {  	v1 =	vadd.bf16 v1, v11;
	v11 =	vadd.f32 v2, v9;
	v5, _, _ =	vpop (xrf2)  }
0x209: {  	v0 =	vmul.bf16 v0, v8;
	v9 =	vmul.bf16 v17, v20  }
0x20a: {  	v8 =	vunpack.i.u.bf16.f32 v1;
	v1 =	vunpack.i.l.bf16.f32 v1;
	(xrf2) =	vadd.scan.msk.f32 $0xffff, v11  }
0x20b: {  	v0 =	vadd.bf16 v0, v9;
	v1 =	vadd.f32 v1, v8;
	v2, _, _ =	vpop (xrf2)  }
0x20c: {  	v9 =	vbroadcast v5, $0xF;
	v2 =	vbroadcast v2, $0xF  }
0x20d: {  	v7 =	vbroadcast v7, $0xF;
	v8 =	vunpack.i.u.bf16.f32 v0;
	(xrf2) =	vadd.scan.msk.f32 $0xffff, v1  }
0x20e: {  	v0 =	vunpack.i.l.bf16.f32 v0;
	v1 =	vsel vm0, v9, v2;
	v2 =	vbroadcast v12, $0xF;
	v5, _, _ =	vpop (xrf2)  }
0x20f: {  	v0 =	vadd.f32 v0, v8;
	v1 =	vsel vm1, v1, v7;
	v5 =	vbroadcast v5, $0xF  }
0x210: {  	v1 =	vsel vm2, v1, v2;
	v2 =	vbroadcast v10, $0xF  }
0x211: {  	v8 =	vbroadcast v14, $0xF;
	v1 =	vsel vm3, v1, v5;
	v7, _, _ =	vpop (xrf2);
	(xrf2) =	vadd.scan.msk.f32 $0xffff, v0  }
0x212: {  	v0 =	vsel vm4, v1, v2;
	v1 =	vbroadcast v7, $0xF  }
0x213: {  	v2 =	vbroadcast v13, $0xF;
	v0 =	vsel vm5, v0, v8  }
0x214: {  	v0 =	vsel vm6, v0, v1;
	v1 =	vbroadcast v18, $0xF;
	v5, _, _ =	vpop (xrf2)  }
0x215: {  	v0 =	vsel vm7, v0, v2;
	v2 =	vbroadcast v5, $0xF  }
0x216: {  	v0 =	vsel vm8, v0, v1;
	v1 =	vbroadcast v6, $0xF  }
0x217: {  	v0 =	vsel vm9, v0, v2;
	v2 =	vbroadcast v4, $0xF;
	v4, _, _ =	vpop (xrf2)  }
0x218: {  	v0 =	vsel vm10, v0, v1;
	v4 =	vbroadcast v4, $0xF  }
0x219: {  	v0 =	vsel vm11, v0, v2;
	v2 =	vbroadcast v3, $0xF  }
0x21a: {  	v0 =	vsel vm12, v0, v4  }
0x21b: {  	v0 =	vsel vm13, v0, v2;
	v1, _, _ =	vpop (xrf2)  }
0x21c: {  	s23 =	sadd.s32 $0x10, s23;
	v0 =	vsel vm14, v0, v1  }
0x21d: {  	s28 =	sshra.s32 s29, $0x2;
	[tilespmem:s23+$0x0] =	vst v0  }
0x21e: {  	v0 =	vld [tilespmem:s28+$0x35F0]  }
0x21f: {  	v3 =	vld [tilespmem:s28+$0x35D0]  }
0x220: {  	v4 =	vld [tilespmem:s28+$0x25D0]  }
0x221: {  	v6 =	vld [tilespmem:s28+$0x35C0]  }
0x222: {  	v7 =	vld [tilespmem:s28+$0x25C0]  }
0x223: {  	v1 =	vld [tilespmem:s28+$0x35B0]  }
0x224: {  	v8 =	vld [tilespmem:s28+$0x3590]  }
0x225: {  	v9 =	vld [tilespmem:s28+$0x2590]  }
0x226: {  	v10 =	vld [tilespmem:s28+$0x3580]  }
0x227: {  	v11 =	vld [tilespmem:s28+$0x2580]  }
0x228: {  	v12 =	vld [tilespmem:s28+$0x3570]  }
0x229: {  	v13 =	vld [tilespmem:s28+$0x2570]  }
0x22a: {  	v14 =	vld [tilespmem:s28+$0x3560]  }
0x22b: {  	v15 =	vld [tilespmem:s28+$0x2560]  }
0x22c: {  	v2 =	vld [tilespmem:s28+$0x3550]  }
0x22d: {  	v16 =	vld [tilespmem:s28+$0x3530]  }
0x22e: {  	v17 =	vld [tilespmem:s28+$0x2530]  }
0x22f: {  	v18 =	vld [tilespmem:s28+$0x3520]  }
0x230: {  	v19 =	vld [tilespmem:s28+$0x2520]  }
0x231: {  	v20 =	vld [tilespmem:s28+$0x3510]  }
0x232: {  	v21 =	vld [tilespmem:s28+$0x2510]  }
0x233: {  	v22 =	vld [tilespmem:s28+$0x3500]  }
0x234: {  	v23 =	vld [tilespmem:s28+$0x2500]  }
0x235: {  	v3 =	vmul.bf16 v3, v4;
	v6 =	vmul.bf16 v6, v7;
	v5 =	vld [tilespmem:s28+$0x34F0]  }
0x236: {  	v4 =	vld [tilespmem:s28+$0x34D0]  }
0x237: {  	v3 =	vadd.bf16 v3, v6;
	v24 =	vld [tilespmem:s28+$0x24D0]  }
0x238: {  	v8 =	vmul.bf16 v8, v9;
	v7 =	vmul.bf16 v10, v11;
	v6 =	vld [tilespmem:s28+$0x34C0]  }
0x239: {  	v10 =	vunpack.i.u.bf16.f32 v3;
	v3 =	vunpack.i.l.bf16.f32 v3;
	v9 =	vld [tilespmem:s28+$0x24C0]  }
0x23a: {  	v3 =	vadd.f32 v3, v10;
	v7 =	vadd.bf16 v8, v7;
	v11 =	vld [tilespmem:s28+$0x34B0]  }
0x23b: {  	v12 =	vmul.bf16 v12, v13;
	v8 =	vmul.bf16 v14, v15;
	v10 =	vld [tilespmem:s28+$0x24B0]  }
0x23c: {  	v14 =	vunpack.i.u.bf16.f32 v7;
	v7 =	vunpack.i.l.bf16.f32 v7;
	v13 =	vld [tilespmem:s28+$0x34A0];
	(xrf2) =	vadd.scan.msk.f32 $0xffff, v3  }
0x23d: {  	v3 =	vadd.bf16 v12, v8;
	v8 =	vadd.f32 v7, v14;
	v15 =	vld [tilespmem:s28+$0x24A0]  }
0x23e: {  	v12 =	vmul.bf16 v18, v19;
	v14 =	vmul.bf16 v16, v17;
	v7 =	vld [tilespmem:s28+$0x3490]  }
0x23f: {  	v17 =	vunpack.i.u.bf16.f32 v3;
	v3 =	vunpack.i.l.bf16.f32 v3;
	v16 =	vld [tilespmem:s28+$0x3470];
	(xrf2) =	vadd.scan.msk.f32 $0xffff, v8  }
0x240: {  	v8 =	vadd.bf16 v14, v12;
	v3 =	vadd.f32 v3, v17;
	v18 =	vld [tilespmem:s28+$0x2470]  }
0x241: {  	v14 =	vmul.bf16 v22, v23;
	v17 =	vmul.bf16 v20, v21;
	v12 =	vld [tilespmem:s28+$0x3460]  }
0x242: {  	v20 =	vunpack.i.u.bf16.f32 v8;
	v8 =	vunpack.i.l.bf16.f32 v8;
	v19 =	vld [tilespmem:s28+$0x2460];
	(xrf2) =	vadd.scan.msk.f32 $0xffff, v3  }
0x243: {  	v23 =	vadd.bf16 v17, v14;
	v8 =	vadd.f32 v8, v20;
	v21 =	vld [tilespmem:s28+$0x3450]  }
0x244: {  	v4 =	vmul.bf16 v4, v24;
	v6 =	vmul.bf16 v6, v9;
	v20 =	vld [tilespmem:s28+$0x2450]  }
0x245: {  	v9 =	vunpack.i.u.bf16.f32 v23;
	v14 =	vunpack.i.l.bf16.f32 v23;
	v17 =	vld [tilespmem:s28+$0x3440];
	(xrf2) =	vadd.scan.msk.f32 $0xffff, v8  }
0x246: {  	v23 =	vadd.bf16 v4, v6;
	v6 =	vadd.f32 v14, v9;
	v22 =	vld [tilespmem:s28+$0x2440];
	v3, _, _ =	vpop (xrf2)  }
0x247: {  	v10 =	vmul.bf16 v11, v10;
	v13 =	vmul.bf16 v13, v15;
	v8 =	vld [tilespmem:s28+$0x3410]  }
0x248: {  	v14 =	vunpack.i.u.bf16.f32 v23;
	v15 =	vunpack.i.l.bf16.f32 v23;
	v9 =	vld [tilespmem:s28+$0x2410];
	(xrf2) =	vadd.scan.msk.f32 $0xffff, v6  }
.Ltmp5:
0x249: {  	v23 =	vadd.bf16 v10, v13;
	v14 =	vadd.f32 v15, v14;
	v11 =	vld [tilespmem:s28+$0x3400];
	v4, _, _ =	vpop (xrf2);
	(pc) =	sbr.rel @p1 .LBB2_8-.Ltmp5, $4  }
0x24a: {  	v16 =	vmul.bf16 v16, v18;
	v15 =	vmul.bf16 v12, v19;
	v13 =	vld [tilespmem:s28+$0x2400]  }
0x24b: {  	v18 =	vunpack.i.u.bf16.f32 v23;
	v19 =	vunpack.i.l.bf16.f32 v23;
	v10 =	vld [tilespmem:s28+$0x3430];
	(xrf2) =	vadd.scan.msk.f32 $0xffff, v14  }
0x24c: {  	v16 =	vadd.bf16 v16, v15;
	v15 =	vadd.f32 v19, v18;
	v12 =	vld [tilespmem:s28+$0x2430];
	v6, _, _ =	vpop (xrf2)  }
0x24d: {  	s29 =	sadd.s32 $0x800, s29;
	v18 =	vmul.bf16 v21, v20;
	v17 =	vmul.bf16 v17, v22;
	v14 =	vld [tilespmem:s28+$0x3420]  }
0x24e: {  	v19 =	vld [tilespmem:s28+$0x2420]  }
0x24f: {  	v21 =	vld [tilespmem:s28+$0x3480]  }
0x250: {  	v8 =	vmul.bf16 v8, v9;
	v9 =	vld [tilespmem:s28+$0x2480];
	v11 =	vmul.bf16 v11, v13  }
0x251: {  	v20 =	vld [tilespmem:s28+$0x2490];
	v13 =	vunpack.i.u.bf16.f32 v16;
	v17 =	vadd.bf16 v18, v17  }
0x252: {  	v16 =	vunpack.i.l.bf16.f32 v16;
	v18 =	vld [tilespmem:s28+$0x24F0];
	v8 =	vadd.bf16 v8, v11;
	v10 =	vmul.bf16 v10, v12  }
0x253: {  	v11 =	vld [tilespmem:s28+$0x34E0];
	v12 =	vadd.f32 v16, v13;
	v13 =	vunpack.i.u.bf16.f32 v17;
	v16 =	vunpack.i.l.bf16.f32 v17  }
0x254: {  	v17 =	vld [tilespmem:s28+$0x24E0];
	v13 =	vadd.f32 v16, v13;
	v14 =	vmul.bf16 v14, v19  }
0x255: {  	(xrf2) =	vadd.scan.msk.f32 $0xffff, v15;
	v15 =	vld [tilespmem:s28+$0x3540];
	v16 =	vunpack.i.u.bf16.f32 v8;
	v8 =	vunpack.i.l.bf16.f32 v8;
	v9 =	vmul.bf16 v21, v9  }
0x256: {  	v7 =	vmul.bf16 v7, v20;
	v8 =	vadd.f32 v8, v16;
	v16 =	vld [tilespmem:s28+$0x2540];
	v10 =	vadd.bf16 v10, v14  }
0x257: {  	(xrf2) =	vadd.scan.msk.f32 $0xffff, v12;
	v14 =	vld [tilespmem:s28+$0x2550]  }
0x258: {  	(xrf2) =	vadd.scan.msk.f32 $0xffff, v13;
	v7 =	vadd.bf16 v7, v9;
	v12 =	vunpack.i.u.bf16.f32 v10;
	v10 =	vunpack.i.l.bf16.f32 v10  }
0x259: {  	v5 =	vmul.bf16 v5, v18;
	v13 =	vld [tilespmem:s28+$0x25A0];
	(xrf2) =	vadd.scan.msk.f32 $0xffff, v8;
	v8 =	vmul.bf16 v11, v17;
	v9 =	vadd.f32 v10, v12  }
0x25a: {  	v11 =	vld [tilespmem:s28+$0x35A0];
	v12 =	vunpack.i.u.bf16.f32 v7;
	v7 =	vunpack.i.l.bf16.f32 v7  }
0x25b: {  	v10 =	vld [tilespmem:s28+$0x25B0];
	v5 =	vadd.bf16 v5, v8;
	v7 =	vadd.f32 v7, v12;
	(xrf2) =	vadd.scan.msk.f32 $0xffff, v9  }
0x25c: {  	v8 =	vld [tilespmem:s28+$0x25F0];
	v12 =	vmul.bf16 v15, v16;
	v2 =	vmul.bf16 v2, v14  }
0x25d: {  	v16 =	vld [tilespmem:s28+$0x25E0];
	v15 =	vunpack.i.u.bf16.f32 v5;
	v5 =	vunpack.i.l.bf16.f32 v5  }
0x25e: {  	v9 =	vld [tilespmem:s28+$0x35E0];
	v14, _, _ =	vpop (xrf2);
	(xrf2) =	vadd.scan.msk.f32 $0xffff, v7;
	v5 =	vadd.f32 v5, v15;
	v2 =	vadd.bf16 v2, v12  }
0x25f: {  	v11 =	vmul.bf16 v11, v13;
	v7, _, _ =	vpop (xrf2)  }
0x260: {  	v12, _, _ =	vpop (xrf2);
	v13 =	vunpack.i.u.bf16.f32 v2;
	v2 =	vunpack.i.l.bf16.f32 v2  }
0x261: {  	v1 =	vmul.bf16 v1, v10;
	v10, _, _ =	vpop (xrf2);
	v2 =	vadd.f32 v2, v13  }
0x262: {  	(xrf2) =	vadd.scan.msk.f32 $0xffff, v5;
	v5, _, _ =	vpop (xrf2)  }
0x263: {  	v0 =	vmul.bf16 v0, v8;
	v1 =	vadd.bf16 v1, v11;
	v9 =	vmul.bf16 v9, v16;
	v11, _, _ =	vpop (xrf2)  }
0x264: {  	v8, _, _ =	vpop (xrf2)  }
0x265: {  	v13 =	vunpack.i.u.bf16.f32 v1;
	v1 =	vunpack.i.l.bf16.f32 v1;
	(xrf2) =	vadd.scan.msk.f32 $0xffff, v2;
	v0 =	vadd.bf16 v0, v9;
	v2, _, _ =	vpop (xrf2)  }
0x266: {  	v1 =	vadd.f32 v1, v13;
	v8 =	vbroadcast v8, $0xF;
	v2 =	vbroadcast v2, $0xF  }
0x267: {  	v9 =	vbroadcast v11, $0xF  }
0x268: {  	v11 =	vunpack.i.u.bf16.f32 v0;
	(xrf2) =	vadd.scan.msk.f32 $0xffff, v1;
	v1 =	vsel vm0, v8, v2;
	v2 =	vbroadcast v5, $0xF;
	v5, _, _ =	vpop (xrf2)  }
0x269: {  	v0 =	vunpack.i.l.bf16.f32 v0;
	v1 =	vsel vm1, v1, v9;
	v5 =	vbroadcast v5, $0xF  }
0x26a: {  	v0 =	vadd.f32 v0, v11;
	v1 =	vsel vm2, v1, v2  }
0x26b: {  	v2 =	vbroadcast v10, $0xF;
	v1 =	vsel vm3, v1, v5;
	v5 =	vbroadcast v12, $0xF  }
0x26c: {  	v8, _, _ =	vpop (xrf2)  }
0x26d: {  	(xrf2) =	vadd.scan.msk.f32 $0xffff, v0;
	v0 =	vsel vm4, v1, v2;
	v1 =	vbroadcast v8, $0xF  }
0x26e: {  	v2 =	vbroadcast v7, $0xF;
	v0 =	vsel vm5, v0, v5  }
0x26f: {  	v0 =	vsel vm6, v0, v1;
	v1 =	vbroadcast v14, $0xF;
	v5, _, _ =	vpop (xrf2)  }
0x270: {  	v0 =	vsel vm7, v0, v2;
	v2 =	vbroadcast v5, $0xF  }
0x271: {  	v0 =	vsel vm8, v0, v1;
	v1 =	vbroadcast v6, $0xF  }
0x272: {  	v0 =	vsel vm9, v0, v2;
	v2 =	vbroadcast v4, $0xF;
	v4, _, _ =	vpop (xrf2)  }
0x273: {  	v0 =	vsel vm10, v0, v1;
	v1 =	vbroadcast v4, $0xF;
	_ =	sdelay $0x1  }
0x274: {  	v0 =	vsel vm11, v0, v2;
	v2 =	vbroadcast v3, $0xF  }
0x275: {  	s28 =	sadd.s32 s22, s15;
	v0 =	vsel vm12, v0, v1  }
0x276: {  	s28 =	sshll.u32 s28, $0x4;
	v0 =	vsel vm13, v0, v2;
	v1, _, _ =	vpop (xrf2)  }
0x277: {  	s23 =	sadd.s32 $0x10, s23;
	s28 =	sand.u32 $0x1FFFFFD0, s28;
	v0 =	vsel vm14, v0, v1  }
0x278: {  	[tilespmem:s23+$0x0] =	vst v0;
	s23 =	sadd.s32 s6, s28  }
0x279: {  	[hbm4b:s23+s3] =	stream.linear.scatter [tilespmem:s9], [sflag:$0xA], $0x80, $0x38;
	[tilespmem:$0x1CBA0] =	vst v63  }
0x27a: {  	_ =	swait.ge [sflag:s5], $0x100  }
0x27b: {  	[sflag:s5] =	ssyncset.done $0x0  }
0x27c: {  	s23 =	simm.s32 $0x300;
	[sflag:s5] =	ssyncadd.s32 $0xFFFFFF00  }
0x27d: {  	[tilespmem:s31], [sflag:$0x7] =	stream.indirect.gather [spmem:s2], $0x20, s23, s26, $0xb8;
	[tilespmem:$0x1CBA0] =	vst v63  }
0x27e: {  	s23 =	simm.s32 $0x380  }
0x27f: {  	[tilespmem:s1], [sflag:$0x8] =	stream.indirect.gather [spmem:s2], $0x20, s23, s26, $0xb8;
	[tilespmem:$0x1CBA0] =	vst v63  }
0x280: {  	_ =	swait.ge [sflag:s10], $0x1000  }
0x281: {  	[sflag:s10] =	ssyncset.done $0x0  }
0x282: {  	s23 =	sadd.s32 @!p0 s22, s16;
	[sflag:s10] =	ssyncadd.s32 $0xFFFFF000  }
0x283: {  	s23 =	sshll.u32 @!p0 s23, $0x5;
	_ =	swait.ge [sflag:s11], $0x1000  }
0x284: {  	s29 =	simm.s32 @!p0 $0x200;
	s23 =	sand.u32 @!p0 $0x1FFFFFC0, s23;
	[sflag:s11] =	ssyncset.done $0x0  }
0x285: {  	s28 =	simm.s32 @!p0 $0x0;
	s23 =	sadd.s32 @!p0 s4, s23;
	[sflag:s11] =	ssyncadd.s32 $0xFFFFF000  }
0x286: {  	[tilespmem:s29], [sflag:$0x3] =	stream.linear.gather @!p0 [hbm4b:s23+s28], $0x100, $0x38;
	[tilespmem:$0x1CBA0] =	vst v63  }
0x287: {  	_ =	swait.ge [sflag:s25], $0x80  }
0x288: {  	[sflag:s25] =	ssyncset.done $0x0  }
0x289: {  	s23 =	simm.s32 $0x0;
	[sflag:s25] =	ssyncadd.s32 $0xFFFFFF80  }
0x28a: {  	v3 =	vld [tilespmem:s23+$0x15D0]  }
0x28b: {  	v4 =	vld [tilespmem:s23+$0x5D0]  }
0x28c: {  	v5 =	vld [tilespmem:s23+$0x15C0]  }
0x28d: {  	v6 =	vld [tilespmem:s23+$0x5C0]  }
0x28e: {  	v7 =	vld [tilespmem:s23+$0x1590]  }
0x28f: {  	v8 =	vld [tilespmem:s23+$0x590]  }
0x290: {  	v9 =	vld [tilespmem:s23+$0x1580]  }
0x291: {  	v10 =	vld [tilespmem:s23+$0x580]  }
0x292: {  	v11 =	vld [tilespmem:s23+$0x1570]  }
0x293: {  	v12 =	vld [tilespmem:s23+$0x570]  }
0x294: {  	v13 =	vld [tilespmem:s23+$0x1560]  }
0x295: {  	v14 =	vld [tilespmem:s23+$0x560]  }
0x296: {  	v2 =	vld [tilespmem:s23+$0x1550]  }
0x297: {  	v15 =	vld [tilespmem:s23+$0x1530]  }
0x298: {  	v16 =	vld [tilespmem:s23+$0x530]  }
0x299: {  	v17 =	vld [tilespmem:s23+$0x1520]  }
0x29a: {  	v18 =	vld [tilespmem:s23+$0x520]  }
0x29b: {  	v19 =	vld [tilespmem:s23+$0x1510]  }
0x29c: {  	v20 =	vld [tilespmem:s23+$0x510]  }
0x29d: {  	v47 =	vld [tilespmem:s23+$0x1500]  }
0x29e: {  	v22 =	vld [tilespmem:s23+$0x500]  }
0x29f: {  	v23 =	vld [tilespmem:s23+$0x14F0]  }
0x2a0: {  	v24 =	vld [tilespmem:s23+$0x14D0]  }
0x2a1: {  	v25 =	vld [tilespmem:s23+$0x4D0]  }
0x2a2: {  	v26 =	vld [tilespmem:s23+$0x14C0]  }
0x2a3: {  	v27 =	vld [tilespmem:s23+$0x4C0]  }
0x2a4: {  	v28 =	vld [tilespmem:s23+$0x14B0]  }
0x2a5: {  	v29 =	vld [tilespmem:s23+$0x4B0]  }
0x2a6: {  	v30 =	vld [tilespmem:s23+$0x14A0]  }
0x2a7: {  	v31 =	vld [tilespmem:s23+$0x4A0]  }
0x2a8: {  	v32 =	vld [tilespmem:s23+$0x1490]  }
0x2a9: {  	v33 =	vld [tilespmem:s23+$0x1470]  }
0x2aa: {  	v48 =	vld [tilespmem:s23+$0x410];
	v5 =	vmul.bf16 v5, v6  }
0x2ab: {  	v50 =	vld [tilespmem:s23+$0x1430];
	v3 =	vmul.bf16 v3, v4;
	v6 =	vmul.bf16 v9, v10  }
0x2ac: {  	v52 =	vld [tilespmem:s23+$0x1420];
	v7 =	vmul.bf16 v7, v8;
	v10 =	vmul.bf16 v17, v18  }
0x2ad: {  	v8 =	vld [tilespmem:s23+$0x1460];
	v17 =	vmul.bf16 v26, v27;
	v49 =	vmul.bf16 v28, v29;
	v3 =	vadd.bf16 v3, v5  }
0x2ae: {  	v9 =	vld [tilespmem:s23+$0x460];
	v5 =	vmul.bf16 v13, v14;
	v6 =	vadd.bf16 v7, v6;
	v7 =	vmul.bf16 v11, v12  }
0x2af: {  	v4 =	vld [tilespmem:s23+$0x470];
	v13 =	vmul.bf16 v15, v16;
	v16 =	vmul.bf16 v19, v20  }
0x2b0: {  	v18 =	vld [tilespmem:s23+$0x1410];
	v20 =	vmul.bf16 v24, v25;
	v12 =	vunpack.i.u.bf16.f32 v3;
	v3 =	vunpack.i.l.bf16.f32 v3  }
0x2b1: {  	v11 =	vld [tilespmem:s23+$0x1450];
	v5 =	vadd.bf16 v7, v5;
	v10 =	vadd.bf16 v13, v10;
	v13 =	vmul.bf16 v47, v22  }
0x2b2: {  	v14 =	vld [tilespmem:s23+$0x450];
	v17 =	vadd.bf16 v20, v17;
	v20 =	vmul.bf16 v30, v31;
	v3 =	vadd.f32 v3, v12  }
0x2b3: {  	v15 =	vld [tilespmem:s23+$0x440];
	v12 =	vunpack.i.u.bf16.f32 v6;
	v6 =	vunpack.i.l.bf16.f32 v6;
	v8 =	vmul.bf16 v8, v9  }
0x2b4: {  	v7 =	vld [tilespmem:s23+$0x1440];
	v4 =	vmul.bf16 v33, v4;
	v19 =	vunpack.i.u.bf16.f32 v5;
	v5 =	vunpack.i.l.bf16.f32 v5  }
0x2b5: {  	v6 =	vadd.f32 v6, v12;
	v12 =	vld [tilespmem:s23+$0x1400];
	v13 =	vadd.bf16 v16, v13;
	v16 =	vunpack.i.u.bf16.f32 v10  }
0x2b6: {  	v10 =	vunpack.i.l.bf16.f32 v10;
	v20 =	vadd.bf16 v49, v20;
	v5 =	vadd.f32 v5, v19;
	v19 =	vld [tilespmem:s23+$0x400]  }
0x2b7: {  	v9 =	vld [tilespmem:s23+$0x420];
	v10 =	vadd.f32 v10, v16;
	v16 =	vunpack.i.u.bf16.f32 v13;
	v13 =	vunpack.i.l.bf16.f32 v13  }
0x2b8: {  	v51 =	vld [tilespmem:s23+$0x430];
	(xrf2) =	vadd.scan.msk.f32 $0xffff, v3;
	v3 =	vadd.bf16 v4, v8;
	v13 =	vadd.f32 v13, v16;
	v16 =	vunpack.i.u.bf16.f32 v17  }
0x2b9: {  	v8 =	vld [tilespmem:s23+$0x1480];
	(xrf2) =	vadd.scan.msk.f32 $0xffff, v6;
	v17 =	vunpack.i.l.bf16.f32 v17;
	v4 =	vmul.bf16 v7, v15;
	v7 =	vmul.bf16 v11, v14  }
0x2ba: {  	v14 =	vld [tilespmem:s23+$0x480];
	(xrf2) =	vadd.scan.msk.f32 $0xffff, v5;
	v5 =	vunpack.i.u.bf16.f32 v3;
	v3 =	vunpack.i.l.bf16.f32 v3;
	v16 =	vadd.f32 v17, v16  }
0x2bb: {  	v53 =	vld [tilespmem:s23+$0x490];
	v17 =	vunpack.i.u.bf16.f32 v20;
	v11 =	vmul.bf16 v12, v19;
	v12 =	vmul.bf16 v18, v48  }
0x2bc: {  	v20 =	vunpack.i.l.bf16.f32 v20;
	(xrf2) =	vadd.scan.msk.f32 $0xffff, v10;
	v9 =	vmul.bf16 v52, v9;
	v4 =	vadd.bf16 v7, v4;
	v7 =	vld [tilespmem:s23+$0x4F0]  }
0x2bd: {  	v3 =	vadd.f32 v3, v5;
	(xrf2) =	vadd.scan.msk.f32 $0xffff, v13;
	v13 =	vld [tilespmem:s23+$0x4E0];
	v10 =	vadd.bf16 v12, v11;
	v12 =	vmul.bf16 v50, v51  }
0x2be: {  	v6 =	vadd.f32 v20, v17;
	v5 =	vunpack.i.u.bf16.f32 v4;
	v4 =	vunpack.i.l.bf16.f32 v4;
	v11 =	vld [tilespmem:s23+$0x14E0]  }
0x2bf: {  	(xrf2) =	vadd.scan.msk.f32 $0xffff, v16;
	v4 =	vadd.f32 v4, v5;
	v8 =	vmul.bf16 v8, v14;
	v14 =	vld [tilespmem:s23+$0x1540];
	v9 =	vadd.bf16 v12, v9  }
0x2c0: {  	(xrf2) =	vadd.scan.msk.f32 $0xffff, v6;
	v5 =	vunpack.i.u.bf16.f32 v10;
	v12 =	vld [tilespmem:s23+$0x550];
	v6 =	vunpack.i.l.bf16.f32 v10;
	v10 =	vmul.bf16 v32, v53  }
0x2c1: {  	(xrf2) =	vadd.scan.msk.f32 $0xffff, v3;
	v3 =	vadd.f32 v6, v5;
	v5 =	vunpack.i.u.bf16.f32 v9;
	v6 =	vunpack.i.l.bf16.f32 v9;
	v9 =	vld [tilespmem:s23+$0x540]  }
0x2c2: {  	v1 =	vld [tilespmem:s23+$0x15B0];
	(xrf2) =	vadd.scan.msk.f32 $0xffff, v4;
	v4 =	vadd.bf16 v10, v8;
	v5 =	vadd.f32 v6, v5  }
0x2c3: {  	v7 =	vmul.bf16 v23, v7;
	v8 =	vld [tilespmem:s23+$0x15A0];
	(xrf2) =	vadd.scan.msk.f32 $0xffff, v3;
	v3 =	vmul.bf16 v11, v13  }
0x2c4: {  	v13 =	vld [tilespmem:s23+$0x5A0];
	v11 =	vunpack.i.u.bf16.f32 v4;
	v4 =	vunpack.i.l.bf16.f32 v4  }
0x2c5: {  	v6 =	vld [tilespmem:s23+$0x5B0];
	v10, _, _ =	vpop (xrf2);
	(xrf2) =	vadd.scan.msk.f32 $0xffff, v5;
	v3 =	vadd.bf16 v7, v3;
	v4 =	vadd.f32 v4, v11  }
0x2c6: {  	v0 =	vld [tilespmem:s23+$0x15F0];
	v2 =	vmul.bf16 v2, v12;
	v5, _, _ =	vpop (xrf2);
	v9 =	vmul.bf16 v14, v9  }
0x2c7: {  	v15 =	vld [tilespmem:s23+$0x15E0];
	v14 =	vunpack.i.u.bf16.f32 v3;
	v3 =	vunpack.i.l.bf16.f32 v3;
	v11, _, _ =	vpop (xrf2)  }
0x2c8: {  	v7 =	vld [tilespmem:s23+$0x5F0];
	(xrf2) =	vadd.scan.msk.f32 $0xffff, v4;
	v3 =	vadd.f32 v3, v14;
	v12, _, _ =	vpop (xrf2);
	v2 =	vadd.bf16 v2, v9  }
0x2c9: {  	v16 =	vld [tilespmem:s23+$0x5E0];
	v8 =	vmul.bf16 v8, v13;
	v4, _, _ =	vpop (xrf2)  }
0x2ca: {  	v1 =	vmul.bf16 v1, v6;
	v9, _, _ =	vpop (xrf2);
	v13 =	vunpack.i.u.bf16.f32 v2;
	v2 =	vunpack.i.l.bf16.f32 v2  }
0x2cb: {  	v6, _, _ =	vpop (xrf2);
	v2 =	vadd.f32 v2, v13  }
0x2cc: {  	(xrf2) =	vadd.scan.msk.f32 $0xffff, v3;
	v1 =	vadd.bf16 v1, v8;
	v3, _, _ =	vpop (xrf2)  }
0x2cd: {  	v0 =	vmul.bf16 v0, v7;
	v8, _, _ =	vpop (xrf2)  }
0x2ce: {  	v13 =	vmul.bf16 v15, v16;
	v14 =	vunpack.i.u.bf16.f32 v1;
	v1 =	vunpack.i.l.bf16.f32 v1;
	v7, _, _ =	vpop (xrf2)  }
0x2cf: {  	v1 =	vadd.f32 v1, v14;
	(xrf2) =	vadd.scan.msk.f32 $0xffff, v2;
	v2, _, _ =	vpop (xrf2)  }
0x2d0: {  	v0 =	vadd.bf16 v0, v13;
	v7 =	vbroadcast v7, $0xF;
	v2 =	vbroadcast v2, $0xF  }
0x2d1: {  	v8 =	vbroadcast v8, $0xF  }
0x2d2: {  	v13 =	vunpack.i.u.bf16.f32 v0;
	(xrf2) =	vadd.scan.msk.f32 $0xffff, v1;
	v1 =	vsel vm0, v7, v2;
	v2 =	vbroadcast v3, $0xF;
	v3, _, _ =	vpop (xrf2)  }
0x2d3: {  	v0 =	vunpack.i.l.bf16.f32 v0;
	v1 =	vsel vm1, v1, v8;
	v3 =	vbroadcast v3, $0xF  }
0x2d4: {  	v0 =	vadd.f32 v0, v13;
	v1 =	vsel vm2, v1, v2  }
0x2d5: {  	v2 =	vbroadcast v6, $0xF;
	v1 =	vsel vm3, v1, v3;
	v3 =	vbroadcast v9, $0xF  }
0x2d6: {  	v6, _, _ =	vpop (xrf2)  }
0x2d7: {  	(xrf2) =	vadd.scan.msk.f32 $0xffff, v0;
	v0 =	vsel vm4, v1, v2;
	v1 =	vbroadcast v6, $0xF  }
0x2d8: {  	v2 =	vbroadcast v4, $0xF;
	v0 =	vsel vm5, v0, v3  }
0x2d9: {  	v0 =	vsel vm6, v0, v1;
	v1 =	vbroadcast v12, $0xF;
	v3, _, _ =	vpop (xrf2)  }
0x2da: {  	v0 =	vsel vm7, v0, v2;
	v2 =	vbroadcast v3, $0xF  }
0x2db: {  	v0 =	vsel vm8, v0, v1;
	v1 =	vbroadcast v11, $0xF  }
0x2dc: {  	v3, _, _ =	vpop (xrf2);
	v0 =	vsel vm9, v0, v2  }
0x2dd: {  	v2 =	vbroadcast v5, $0xF;
	v0 =	vsel vm10, v0, v1;
	v1 =	vbroadcast v3, $0xF;
	_ =	sdelay $0x1  }
0x2de: {  	v0 =	vsel vm11, v0, v2;
	v2 =	vbroadcast v10, $0xF  }
0x2df: {  	v0 =	vsel vm12, v0, v1  }
0x2e0: {  	v0 =	vsel vm13, v0, v2;
	v1, _, _ =	vpop (xrf2)  }
0x2e1: {  	s23 =	simm.s32 $0x4400;
	v0 =	vsel vm14, v0, v1  }
0x2e2: {  	s28 =	simm.s32 $0x200;
	[tilespmem:s23+$0x0] =	vst v0  }
0x2e3: {  	v0 =	vld [tilespmem:s28+$0x15F0]  }
0x2e4: {  	v3 =	vld [tilespmem:s28+$0x15D0]  }
0x2e5: {  	v4 =	vld [tilespmem:s28+$0x5D0]  }
0x2e6: {  	v6 =	vld [tilespmem:s28+$0x15C0]  }
0x2e7: {  	v7 =	vld [tilespmem:s28+$0x5C0]  }
0x2e8: {  	v1 =	vld [tilespmem:s28+$0x15B0]  }
0x2e9: {  	v8 =	vld [tilespmem:s28+$0x1590]  }
0x2ea: {  	v9 =	vld [tilespmem:s28+$0x590]  }
0x2eb: {  	v10 =	vld [tilespmem:s28+$0x1580]  }
0x2ec: {  	v11 =	vld [tilespmem:s28+$0x580]  }
0x2ed: {  	v12 =	vld [tilespmem:s28+$0x1570]  }
0x2ee: {  	v13 =	vld [tilespmem:s28+$0x570]  }
0x2ef: {  	v14 =	vld [tilespmem:s28+$0x1560]  }
0x2f0: {  	v15 =	vld [tilespmem:s28+$0x560]  }
0x2f1: {  	v2 =	vld [tilespmem:s28+$0x1550]  }
0x2f2: {  	v16 =	vld [tilespmem:s28+$0x1530]  }
0x2f3: {  	v17 =	vld [tilespmem:s28+$0x530]  }
0x2f4: {  	v18 =	vld [tilespmem:s28+$0x1520]  }
0x2f5: {  	v19 =	vld [tilespmem:s28+$0x520]  }
0x2f6: {  	v20 =	vld [tilespmem:s28+$0x1510]  }
0x2f7: {  	v54 =	vld [tilespmem:s28+$0x510]  }
0x2f8: {  	v55 =	vld [tilespmem:s28+$0x1500]  }
0x2f9: {  	v56 =	vld [tilespmem:s28+$0x500]  }
0x2fa: {  	v5 =	vld [tilespmem:s28+$0x14F0]  }
0x2fb: {  	v57 =	vld [tilespmem:s28+$0x14D0]  }
0x2fc: {  	v58 =	vld [tilespmem:s28+$0x4D0];
	v6 =	vmul.bf16 v6, v7;
	v3 =	vmul.bf16 v3, v4  }
0x2fd: {  	v59 =	vld [tilespmem:s28+$0x14C0];
	v7 =	vmul.bf16 v10, v11;
	v8 =	vmul.bf16 v8, v9  }
0x2fe: {  	v60 =	vld [tilespmem:s28+$0x4C0];
	v10 =	vmul.bf16 v12, v13;
	v3 =	vadd.bf16 v3, v6;
	v6 =	vmul.bf16 v14, v15  }
0x2ff: {  	v61 =	vld [tilespmem:s28+$0x440];
	v8 =	vadd.bf16 v8, v7  }
0x300: {  	v4 =	vld [tilespmem:s28+$0x14B0];
	v13 =	vunpack.i.u.bf16.f32 v3;
	v3 =	vunpack.i.l.bf16.f32 v3;
	v6 =	vadd.bf16 v10, v6  }
0x301: {  	v9 =	vld [tilespmem:s28+$0x4B0];
	v10 =	vunpack.i.u.bf16.f32 v8;
	v8 =	vunpack.i.l.bf16.f32 v8;
	v3 =	vadd.f32 v3, v13  }
0x302: {  	v11 =	vld [tilespmem:s28+$0x14A0];
	v8 =	vadd.f32 v8, v10;
	v10 =	vunpack.i.u.bf16.f32 v6;
	v6 =	vunpack.i.l.bf16.f32 v6  }
0x303: {  	v12 =	vld [tilespmem:s28+$0x4A0];
	v13 =	vmul.bf16 v16, v17;
	(xrf2) =	vadd.scan.msk.f32 $0xffff, v3;
	v3 =	vadd.f32 v6, v10;
	v10 =	vmul.bf16 v18, v19  }
0x304: {  	v7 =	vld [tilespmem:s28+$0x1490];
	(xrf2) =	vadd.scan.msk.f32 $0xffff, v8  }
0x305: {  	v14 =	vld [tilespmem:s28+$0x1470];
	(xrf2) =	vadd.scan.msk.f32 $0xffff, v3;
	v3 =	vadd.bf16 v13, v10  }
0x306: {  	v15 =	vld [tilespmem:s28+$0x470];
	v17 =	vmul.bf16 v20, v54;
	v8 =	vmul.bf16 v55, v56  }
0x307: {  	v16 =	vld [tilespmem:s28+$0x460];
	v20 =	vunpack.i.u.bf16.f32 v3;
	v3 =	vunpack.i.l.bf16.f32 v3  }
0x308: {  	v4 =	vmul.bf16 v4, v9;
	v9 =	vld [tilespmem:s28+$0x410];
	v10 =	vadd.bf16 v17, v8;
	v3 =	vadd.f32 v3, v20  }
0x309: {  	v6 =	vld [tilespmem:s28+$0x1460];
	v13 =	vmul.bf16 v57, v58;
	v8 =	vmul.bf16 v59, v60  }
0x30a: {  	v12 =	vmul.bf16 v11, v12;
	v11 =	vld [tilespmem:s28+$0x1400];
	v20 =	vunpack.i.u.bf16.f32 v10;
	v10 =	vunpack.i.l.bf16.f32 v10;
	(xrf2) =	vadd.scan.msk.f32 $0xffff, v3  }
0x30b: {  	v18 =	vld [tilespmem:s28+$0x1450];
	v13 =	vadd.bf16 v13, v8;
	v20 =	vadd.f32 v10, v20  }
0x30c: {  	v19 =	vld [tilespmem:s28+$0x450]  }
0x30d: {  	v12 =	vadd.bf16 v4, v12;
	v17 =	vld [tilespmem:s28+$0x1440];
	v10 =	vunpack.i.u.bf16.f32 v13;
	v62 =	vunpack.i.l.bf16.f32 v13;
	v3, _, _ =	vpop (xrf2);
	(xrf2) =	vadd.scan.msk.f32 $0xffff, v20  }
0x30e: {  	v14 =	vmul.bf16 v14, v15;
	v8 =	vld [tilespmem:s28+$0x1410];
	v6 =	vmul.bf16 v6, v16;
	v15 =	vadd.f32 v62, v10  }
0x30f: {  	v13 =	vld [tilespmem:s28+$0x400]  }
0x310: {  	v63 =	vunpack.i.l.bf16.f32 v12;
	v16 =	vadd.bf16 v14, v6;
	v14 =	vld [tilespmem:s28+$0x1420];
	v20 =	vunpack.i.u.bf16.f32 v12;
	v4, _, _ =	vpop (xrf2);
	(xrf2) =	vadd.scan.msk.f32 $0xffff, v15  }
0x311: {  	v10 =	vld [tilespmem:s28+$0x1430];
	v15 =	vadd.f32 v63, v20  }
0x312: {  	s29 =	simm.s32 $0x1000;
	v18 =	vmul.bf16 v18, v19;
	v17 =	vmul.bf16 v17, v61;
	v12 =	vld [tilespmem:s28+$0x430];
	v6, _, _ =	vpop (xrf2)  }
.LBB2_10:
0x313: {  	p1 =	sne.s32 s29, $0x3800;
	v19 =	vld [tilespmem:s28+$0x420];
	v20 =	vunpack.i.u.bf16.f32 v16;
	v16 =	vunpack.i.l.bf16.f32 v16;
	(xrf2) =	vadd.scan.msk.f32 $0xffff, v15  }
0x314: {  	v15 =	vld [tilespmem:s28+$0x490];
	v17 =	vadd.bf16 v18, v17;
	v16 =	vadd.f32 v16, v20;
	v18, _, _ =	vpop (xrf2)  }
0x315: {  	v8 =	vmul.bf16 v8, v9;
	v11 =	vmul.bf16 v11, v13;
	v20 =	vld [tilespmem:s28+$0x1480]  }
0x316: {  	v9 =	vld [tilespmem:s28+$0x480];
	v21 =	vunpack.i.u.bf16.f32 v17;
	v17 =	vunpack.i.l.bf16.f32 v17;
	(xrf2) =	vadd.scan.msk.f32 $0xffff, v16  }
0x317: {  	v8 =	vadd.bf16 v8, v11;
	v16 =	vld [tilespmem:s28+$0x4F0];
	v11 =	vadd.f32 v17, v21;
	v13, _, _ =	vpop (xrf2)  }
0x318: {  	v10 =	vmul.bf16 v10, v12;
	v17 =	vld [tilespmem:s28+$0x14E0];
	v21 =	vmul.bf16 v14, v19  }
0x319: {  	v19 =	vunpack.i.u.bf16.f32 v8;
	v8 =	vunpack.i.l.bf16.f32 v8;
	v12 =	vld [tilespmem:s28+$0x4E0];
	(xrf2) =	vadd.scan.msk.f32 $0xffff, v11  }
0x31a: {  	v8 =	vadd.f32 v8, v19;
	v22 =	vadd.bf16 v10, v21;
	v11 =	vld [tilespmem:s28+$0x550];
	v14, _, _ =	vpop (xrf2)  }
0x31b: {  	v7 =	vmul.bf16 v7, v15;
	v9 =	vmul.bf16 v20, v9;
	v15 =	vld [tilespmem:s28+$0x1540]  }
0x31c: {  	v19 =	vunpack.i.u.bf16.f32 v22;
	v21 =	vunpack.i.l.bf16.f32 v22;
	v20 =	vld [tilespmem:s28+$0x540];
	(xrf2) =	vadd.scan.msk.f32 $0xffff, v8  }
0x31d: {  	v7 =	vadd.bf16 v7, v9;
	v8 =	vadd.f32 v21, v19;
	v9 =	vld [tilespmem:s28+$0x5B0];
	v10, _, _ =	vpop (xrf2)  }
0x31e: {  	v5 =	vmul.bf16 v5, v16;
	v21 =	vmul.bf16 v17, v12;
	v16 =	vld [tilespmem:s28+$0x15A0]  }
0x31f: {  	v17 =	vunpack.i.u.bf16.f32 v7;
	v7 =	vunpack.i.l.bf16.f32 v7;
	v19 =	vld [tilespmem:s28+$0x5A0];
	(xrf2) =	vadd.scan.msk.f32 $0xffff, v8  }
0x320: {  	v5 =	vadd.bf16 v5, v21;
	v21 =	vadd.f32 v7, v17;
	v8 =	vld [tilespmem:s28+$0x5F0];
	v12, _, _ =	vpop (xrf2)  }
0x321: {  	v2 =	vmul.bf16 v2, v11;
	v17 =	vld [tilespmem:s28+$0x15E0];
	v15 =	vmul.bf16 v15, v20  }
0x322: {  	v11 =	vunpack.i.u.bf16.f32 v5;
	v5 =	vunpack.i.l.bf16.f32 v5;
	v20 =	vld [tilespmem:s28+$0x5E0];
	(xrf2) =	vadd.scan.msk.f32 $0xffff, v21  }
0x323: {  	v21 =	vadd.f32 v5, v11;
	v2 =	vadd.bf16 v2, v15;
	v7, _, _ =	vpop (xrf2)  }
0x324: {  	v1 =	vmul.bf16 v1, v9;
	v11 =	vmul.bf16 v16, v19  }
0x325: {  	v9 =	vunpack.i.u.bf16.f32 v2;
	v2 =	vunpack.i.l.bf16.f32 v2;
	(xrf2) =	vadd.scan.msk.f32 $0xffff, v21  }
0x326: {  	v1 =	vadd.bf16 v1, v11;
	v11 =	vadd.f32 v2, v9;
	v5, _, _ =	vpop (xrf2)  }
0x327: {  	v0 =	vmul.bf16 v0, v8;
	v9 =	vmul.bf16 v17, v20  }
0x328: {  	v8 =	vunpack.i.u.bf16.f32 v1;
	v1 =	vunpack.i.l.bf16.f32 v1;
	(xrf2) =	vadd.scan.msk.f32 $0xffff, v11  }
0x329: {  	v0 =	vadd.bf16 v0, v9;
	v1 =	vadd.f32 v1, v8;
	v2, _, _ =	vpop (xrf2)  }
0x32a: {  	v9 =	vbroadcast v5, $0xF;
	v2 =	vbroadcast v2, $0xF  }
0x32b: {  	v7 =	vbroadcast v7, $0xF;
	v8 =	vunpack.i.u.bf16.f32 v0;
	(xrf2) =	vadd.scan.msk.f32 $0xffff, v1  }
0x32c: {  	v0 =	vunpack.i.l.bf16.f32 v0;
	v1 =	vsel vm0, v9, v2;
	v2 =	vbroadcast v12, $0xF;
	v5, _, _ =	vpop (xrf2)  }
0x32d: {  	v0 =	vadd.f32 v0, v8;
	v1 =	vsel vm1, v1, v7;
	v5 =	vbroadcast v5, $0xF  }
0x32e: {  	v1 =	vsel vm2, v1, v2;
	v2 =	vbroadcast v10, $0xF  }
0x32f: {  	v8 =	vbroadcast v14, $0xF;
	v1 =	vsel vm3, v1, v5;
	v7, _, _ =	vpop (xrf2);
	(xrf2) =	vadd.scan.msk.f32 $0xffff, v0  }
0x330: {  	v0 =	vsel vm4, v1, v2;
	v1 =	vbroadcast v7, $0xF  }
0x331: {  	v2 =	vbroadcast v13, $0xF;
	v0 =	vsel vm5, v0, v8  }
0x332: {  	v0 =	vsel vm6, v0, v1;
	v1 =	vbroadcast v18, $0xF;
	v5, _, _ =	vpop (xrf2)  }
0x333: {  	v0 =	vsel vm7, v0, v2;
	v2 =	vbroadcast v5, $0xF  }
0x334: {  	v0 =	vsel vm8, v0, v1;
	v1 =	vbroadcast v6, $0xF  }
0x335: {  	v0 =	vsel vm9, v0, v2;
	v2 =	vbroadcast v4, $0xF;
	v4, _, _ =	vpop (xrf2)  }
0x336: {  	v0 =	vsel vm10, v0, v1;
	v4 =	vbroadcast v4, $0xF  }
0x337: {  	v0 =	vsel vm11, v0, v2;
	v2 =	vbroadcast v3, $0xF  }
0x338: {  	v0 =	vsel vm12, v0, v4  }
0x339: {  	v0 =	vsel vm13, v0, v2;
	v1, _, _ =	vpop (xrf2)  }
0x33a: {  	s23 =	sadd.s32 $0x10, s23;
	v0 =	vsel vm14, v0, v1  }
0x33b: {  	s28 =	sshra.s32 s29, $0x2;
	[tilespmem:s23+$0x0] =	vst v0  }
0x33c: {  	v0 =	vld [tilespmem:s28+$0x15F0]  }
0x33d: {  	v3 =	vld [tilespmem:s28+$0x15D0]  }
0x33e: {  	v4 =	vld [tilespmem:s28+$0x5D0]  }
0x33f: {  	v6 =	vld [tilespmem:s28+$0x15C0]  }
0x340: {  	v7 =	vld [tilespmem:s28+$0x5C0]  }
0x341: {  	v1 =	vld [tilespmem:s28+$0x15B0]  }
0x342: {  	v8 =	vld [tilespmem:s28+$0x1590]  }
0x343: {  	v9 =	vld [tilespmem:s28+$0x590]  }
0x344: {  	v10 =	vld [tilespmem:s28+$0x1580]  }
0x345: {  	v11 =	vld [tilespmem:s28+$0x580]  }
0x346: {  	v12 =	vld [tilespmem:s28+$0x1570]  }
0x347: {  	v13 =	vld [tilespmem:s28+$0x570]  }
0x348: {  	v14 =	vld [tilespmem:s28+$0x1560]  }
0x349: {  	v15 =	vld [tilespmem:s28+$0x560]  }
0x34a: {  	v2 =	vld [tilespmem:s28+$0x1550]  }
0x34b: {  	v16 =	vld [tilespmem:s28+$0x1530]  }
0x34c: {  	v17 =	vld [tilespmem:s28+$0x530]  }
0x34d: {  	v18 =	vld [tilespmem:s28+$0x1520]  }
0x34e: {  	v19 =	vld [tilespmem:s28+$0x520]  }
0x34f: {  	v20 =	vld [tilespmem:s28+$0x1510]  }
0x350: {  	v21 =	vld [tilespmem:s28+$0x510]  }
0x351: {  	v22 =	vld [tilespmem:s28+$0x1500]  }
0x352: {  	v23 =	vld [tilespmem:s28+$0x500]  }
0x353: {  	v3 =	vmul.bf16 v3, v4;
	v6 =	vmul.bf16 v6, v7;
	v5 =	vld [tilespmem:s28+$0x14F0]  }
0x354: {  	v4 =	vld [tilespmem:s28+$0x14D0]  }
0x355: {  	v3 =	vadd.bf16 v3, v6;
	v24 =	vld [tilespmem:s28+$0x4D0]  }
0x356: {  	v8 =	vmul.bf16 v8, v9;
	v7 =	vmul.bf16 v10, v11;
	v6 =	vld [tilespmem:s28+$0x14C0]  }
0x357: {  	v10 =	vunpack.i.u.bf16.f32 v3;
	v3 =	vunpack.i.l.bf16.f32 v3;
	v9 =	vld [tilespmem:s28+$0x4C0]  }
0x358: {  	v3 =	vadd.f32 v3, v10;
	v7 =	vadd.bf16 v8, v7;
	v11 =	vld [tilespmem:s28+$0x14B0]  }
0x359: {  	v12 =	vmul.bf16 v12, v13;
	v8 =	vmul.bf16 v14, v15;
	v10 =	vld [tilespmem:s28+$0x4B0]  }
0x35a: {  	v14 =	vunpack.i.u.bf16.f32 v7;
	v7 =	vunpack.i.l.bf16.f32 v7;
	v13 =	vld [tilespmem:s28+$0x14A0];
	(xrf2) =	vadd.scan.msk.f32 $0xffff, v3  }
0x35b: {  	v3 =	vadd.bf16 v12, v8;
	v8 =	vadd.f32 v7, v14;
	v15 =	vld [tilespmem:s28+$0x4A0]  }
0x35c: {  	v12 =	vmul.bf16 v18, v19;
	v14 =	vmul.bf16 v16, v17;
	v7 =	vld [tilespmem:s28+$0x1490]  }
0x35d: {  	v17 =	vunpack.i.u.bf16.f32 v3;
	v3 =	vunpack.i.l.bf16.f32 v3;
	v16 =	vld [tilespmem:s28+$0x1470];
	(xrf2) =	vadd.scan.msk.f32 $0xffff, v8  }
0x35e: {  	v8 =	vadd.bf16 v14, v12;
	v3 =	vadd.f32 v3, v17;
	v18 =	vld [tilespmem:s28+$0x470]  }
0x35f: {  	v14 =	vmul.bf16 v22, v23;
	v17 =	vmul.bf16 v20, v21;
	v12 =	vld [tilespmem:s28+$0x1460]  }
0x360: {  	v20 =	vunpack.i.u.bf16.f32 v8;
	v8 =	vunpack.i.l.bf16.f32 v8;
	v19 =	vld [tilespmem:s28+$0x460];
	(xrf2) =	vadd.scan.msk.f32 $0xffff, v3  }
0x361: {  	v23 =	vadd.bf16 v17, v14;
	v8 =	vadd.f32 v8, v20;
	v21 =	vld [tilespmem:s28+$0x1450]  }
0x362: {  	v4 =	vmul.bf16 v4, v24;
	v6 =	vmul.bf16 v6, v9;
	v20 =	vld [tilespmem:s28+$0x450]  }
0x363: {  	v9 =	vunpack.i.u.bf16.f32 v23;
	v14 =	vunpack.i.l.bf16.f32 v23;
	v17 =	vld [tilespmem:s28+$0x1440];
	(xrf2) =	vadd.scan.msk.f32 $0xffff, v8  }
0x364: {  	v23 =	vadd.bf16 v4, v6;
	v6 =	vadd.f32 v14, v9;
	v22 =	vld [tilespmem:s28+$0x440];
	v3, _, _ =	vpop (xrf2)  }
0x365: {  	v10 =	vmul.bf16 v11, v10;
	v13 =	vmul.bf16 v13, v15;
	v8 =	vld [tilespmem:s28+$0x1410]  }
0x366: {  	v14 =	vunpack.i.u.bf16.f32 v23;
	v15 =	vunpack.i.l.bf16.f32 v23;
	v9 =	vld [tilespmem:s28+$0x410];
	(xrf2) =	vadd.scan.msk.f32 $0xffff, v6  }
.Ltmp6:
0x367: {  	v23 =	vadd.bf16 v10, v13;
	v14 =	vadd.f32 v15, v14;
	v11 =	vld [tilespmem:s28+$0x1400];
	v4, _, _ =	vpop (xrf2);
	(pc) =	sbr.rel @p1 .LBB2_10-.Ltmp6, $4  }
0x368: {  	v16 =	vmul.bf16 v16, v18;
	v15 =	vmul.bf16 v12, v19;
	v13 =	vld [tilespmem:s28+$0x400]  }
0x369: {  	v18 =	vunpack.i.u.bf16.f32 v23;
	v19 =	vunpack.i.l.bf16.f32 v23;
	v10 =	vld [tilespmem:s28+$0x1430];
	(xrf2) =	vadd.scan.msk.f32 $0xffff, v14  }
0x36a: {  	v16 =	vadd.bf16 v16, v15;
	v15 =	vadd.f32 v19, v18;
	v12 =	vld [tilespmem:s28+$0x430];
	v6, _, _ =	vpop (xrf2)  }
0x36b: {  	s29 =	sadd.s32 $0x800, s29;
	v18 =	vmul.bf16 v21, v20;
	v17 =	vmul.bf16 v17, v22;
	v14 =	vld [tilespmem:s28+$0x1420]  }
0x36c: {  	v19 =	vld [tilespmem:s28+$0x420]  }
0x36d: {  	v21 =	vld [tilespmem:s28+$0x1480]  }
0x36e: {  	v8 =	vmul.bf16 v8, v9;
	v9 =	vld [tilespmem:s28+$0x480];
	v11 =	vmul.bf16 v11, v13  }
0x36f: {  	v20 =	vld [tilespmem:s28+$0x490];
	v13 =	vunpack.i.u.bf16.f32 v16;
	v17 =	vadd.bf16 v18, v17  }
0x370: {  	v16 =	vunpack.i.l.bf16.f32 v16;
	v18 =	vld [tilespmem:s28+$0x4F0];
	v8 =	vadd.bf16 v8, v11;
	v10 =	vmul.bf16 v10, v12  }
0x371: {  	v11 =	vld [tilespmem:s28+$0x14E0];
	v12 =	vadd.f32 v16, v13;
	v13 =	vunpack.i.u.bf16.f32 v17;
	v16 =	vunpack.i.l.bf16.f32 v17  }
0x372: {  	v17 =	vld [tilespmem:s28+$0x4E0];
	v13 =	vadd.f32 v16, v13;
	v14 =	vmul.bf16 v14, v19  }
0x373: {  	(xrf2) =	vadd.scan.msk.f32 $0xffff, v15;
	v15 =	vld [tilespmem:s28+$0x1540];
	v16 =	vunpack.i.u.bf16.f32 v8;
	v8 =	vunpack.i.l.bf16.f32 v8;
	v9 =	vmul.bf16 v21, v9  }
0x374: {  	v7 =	vmul.bf16 v7, v20;
	v8 =	vadd.f32 v8, v16;
	v16 =	vld [tilespmem:s28+$0x540];
	v10 =	vadd.bf16 v10, v14  }
0x375: {  	(xrf2) =	vadd.scan.msk.f32 $0xffff, v12;
	v14 =	vld [tilespmem:s28+$0x550]  }
0x376: {  	(xrf2) =	vadd.scan.msk.f32 $0xffff, v13;
	v7 =	vadd.bf16 v7, v9;
	v12 =	vunpack.i.u.bf16.f32 v10;
	v10 =	vunpack.i.l.bf16.f32 v10  }
0x377: {  	v5 =	vmul.bf16 v5, v18;
	v13 =	vld [tilespmem:s28+$0x5A0];
	(xrf2) =	vadd.scan.msk.f32 $0xffff, v8;
	v8 =	vmul.bf16 v11, v17;
	v9 =	vadd.f32 v10, v12  }
0x378: {  	v11 =	vld [tilespmem:s28+$0x15A0];
	v12 =	vunpack.i.u.bf16.f32 v7;
	v7 =	vunpack.i.l.bf16.f32 v7  }
0x379: {  	v10 =	vld [tilespmem:s28+$0x5B0];
	v5 =	vadd.bf16 v5, v8;
	v7 =	vadd.f32 v7, v12;
	(xrf2) =	vadd.scan.msk.f32 $0xffff, v9  }
0x37a: {  	v8 =	vld [tilespmem:s28+$0x5F0];
	v12 =	vmul.bf16 v15, v16;
	v2 =	vmul.bf16 v2, v14  }
0x37b: {  	v16 =	vld [tilespmem:s28+$0x5E0];
	v15 =	vunpack.i.u.bf16.f32 v5;
	v5 =	vunpack.i.l.bf16.f32 v5  }
0x37c: {  	v9 =	vld [tilespmem:s28+$0x15E0];
	v14, _, _ =	vpop (xrf2);
	(xrf2) =	vadd.scan.msk.f32 $0xffff, v7;
	v5 =	vadd.f32 v5, v15;
	v2 =	vadd.bf16 v2, v12  }
0x37d: {  	v11 =	vmul.bf16 v11, v13;
	v7, _, _ =	vpop (xrf2)  }
0x37e: {  	v12, _, _ =	vpop (xrf2);
	v13 =	vunpack.i.u.bf16.f32 v2;
	v2 =	vunpack.i.l.bf16.f32 v2  }
0x37f: {  	v1 =	vmul.bf16 v1, v10;
	v10, _, _ =	vpop (xrf2);
	v2 =	vadd.f32 v2, v13  }
0x380: {  	(xrf2) =	vadd.scan.msk.f32 $0xffff, v5;
	v5, _, _ =	vpop (xrf2)  }
0x381: {  	v0 =	vmul.bf16 v0, v8;
	v1 =	vadd.bf16 v1, v11;
	v9 =	vmul.bf16 v9, v16;
	v11, _, _ =	vpop (xrf2)  }
0x382: {  	v8, _, _ =	vpop (xrf2)  }
0x383: {  	v13 =	vunpack.i.u.bf16.f32 v1;
	v1 =	vunpack.i.l.bf16.f32 v1;
	(xrf2) =	vadd.scan.msk.f32 $0xffff, v2;
	v0 =	vadd.bf16 v0, v9;
	v2, _, _ =	vpop (xrf2)  }
0x384: {  	v1 =	vadd.f32 v1, v13;
	v8 =	vbroadcast v8, $0xF;
	v2 =	vbroadcast v2, $0xF  }
0x385: {  	v9 =	vbroadcast v11, $0xF  }
0x386: {  	v11 =	vunpack.i.u.bf16.f32 v0;
	(xrf2) =	vadd.scan.msk.f32 $0xffff, v1;
	v1 =	vsel vm0, v8, v2;
	v2 =	vbroadcast v5, $0xF;
	v5, _, _ =	vpop (xrf2)  }
0x387: {  	v0 =	vunpack.i.l.bf16.f32 v0;
	v1 =	vsel vm1, v1, v9;
	v5 =	vbroadcast v5, $0xF  }
0x388: {  	v0 =	vadd.f32 v0, v11;
	v1 =	vsel vm2, v1, v2  }
0x389: {  	v2 =	vbroadcast v10, $0xF;
	v1 =	vsel vm3, v1, v5;
	v5 =	vbroadcast v12, $0xF  }
0x38a: {  	v8, _, _ =	vpop (xrf2)  }
0x38b: {  	(xrf2) =	vadd.scan.msk.f32 $0xffff, v0;
	v0 =	vsel vm4, v1, v2;
	v1 =	vbroadcast v8, $0xF  }
0x38c: {  	v2 =	vbroadcast v7, $0xF;
	v0 =	vsel vm5, v0, v5  }
0x38d: {  	v0 =	vsel vm6, v0, v1;
	v1 =	vbroadcast v14, $0xF;
	v5, _, _ =	vpop (xrf2)  }
0x38e: {  	v0 =	vsel vm7, v0, v2;
	v2 =	vbroadcast v5, $0xF  }
0x38f: {  	v0 =	vsel vm8, v0, v1;
	v1 =	vbroadcast v6, $0xF  }
0x390: {  	v0 =	vsel vm9, v0, v2;
	v2 =	vbroadcast v4, $0xF;
	v4, _, _ =	vpop (xrf2)  }
0x391: {  	v0 =	vsel vm10, v0, v1;
	v1 =	vbroadcast v4, $0xF;
	_ =	sdelay $0x1  }
0x392: {  	v0 =	vsel vm11, v0, v2;
	v2 =	vbroadcast v3, $0xF  }
0x393: {  	s28 =	sadd.s32 s22, s17;
	v0 =	vsel vm12, v0, v1  }
0x394: {  	s28 =	sshll.u32 s28, $0x4;
	v0 =	vsel vm13, v0, v2;
	v1, _, _ =	vpop (xrf2)  }
0x395: {  	s23 =	sadd.s32 $0x10, s23;
	s28 =	sand.u32 $0x1FFFFFE0, s28;
	v0 =	vsel vm14, v0, v1  }
0x396: {  	[tilespmem:s23+$0x0] =	vst v0;
	s23 =	sadd.s32 s6, s28  }
0x397: {  	[hbm4b:s23+s3] =	stream.linear.scatter [tilespmem:s12], [sflag:$0x9], $0x80, $0x38;
	[tilespmem:$0x1CBA0] =	vst v63  }
0x398: {  	s23 =	simm.s32 @p0 $0x7  }
0x399: {  	_ =	swait.ge @p0 [sflag:s23], $0x1000  }
0x39a: {  	[sflag:s23] =	ssyncset.done @p0 $0x0  }
0x39b: {  	[sflag:s23] =	ssyncadd.s32 @p0 $0xFFFFF000;
	s23 =	simm.s32 @p0 $0x8  }
0x39c: {  	_ =	swait.ge @p0 [sflag:s23], $0x1000  }
0x39d: {  	[sflag:s23] =	ssyncset.done @p0 $0x0  }
0x39e: {  	[sflag:s23] =	ssyncadd.s32 @p0 $0xFFFFF000;
	s23 =	simm.s32 @!p0 $0x1  }
0x39f: {  	_ =	swait.ge @!p0 [sflag:s23], $0x100  }
0x3a0: {  	s29 =	simm.s32 @!p0 $0x400;
	[sflag:s23] =	ssyncset.done @!p0 $0x0  }
0x3a1: {  	s28 =	simm.s32 @!p0 $0x0;
	[sflag:s23] =	ssyncadd.s32 @!p0 $0xFFFFFF00;
	s23 =	simm.s32 @!p0 $0x80  }
0x3a2: {  	[tilespmem:s29], [sflag:$0x5] =	stream.indirect.gather @!p0 [spmem:s2], $0x20, s28, s23, $0xb8;
	[tilespmem:$0x1CBA0] =	vst v63  }
0x3a3: {  	s29 =	simm.s32 @!p0 $0x1400  }
0x3a4: {  	[tilespmem:s29], [sflag:$0x6] =	stream.indirect.gather @!p0 [spmem:s2], $0x20, s23, s23, $0xb8;
	[tilespmem:$0x1CBA0] =	vst v63  }
0x3a5: {  	s23 =	simm.s32 @!p0 $0x7  }
0x3a6: {  	_ =	swait.ge @!p0 [sflag:s23], $0x1000  }
0x3a7: {  	[sflag:s23] =	ssyncset.done @!p0 $0x0  }
0x3a8: {  	s29 =	sadd.s32 @!p0 s22, s18;
	[sflag:s23] =	ssyncadd.s32 @!p0 $0xFFFFF000;
	s23 =	simm.s32 @!p0 $0x8  }
0x3a9: {  	s29 =	sshll.u32 @!p0 s29, $0x5;
	_ =	swait.ge @!p0 [sflag:s23], $0x1000  }
0x3aa: {  	s29 =	sand.u32 @!p0 $0x1FFFFFE0, s29;
	[sflag:s23] =	ssyncset.done @!p0 $0x0  }
0x3ab: {  	[sflag:s23] =	ssyncadd.s32 @!p0 $0xFFFFF000;
	s23 =	sadd.s32 @!p0 s4, s29;
	s29 =	simm.s32 @!p0 $0x300  }
0x3ac: {  	[tilespmem:s29], [sflag:$0x4] =	stream.linear.gather @!p0 [hbm4b:s23+s28], $0x100, $0x38;
	[tilespmem:$0x1CBA0] =	vst v63  }
0x3ad: {  	_ =	swait.ge [sflag:s0], $0x80  }
0x3ae: {  	[sflag:s0] =	ssyncset.done $0x0  }
0x3af: {  	s23 =	simm.s32 $0x0;
	[sflag:s0] =	ssyncadd.s32 $0xFFFFFF80  }
0x3b0: {  	v3 =	vld [tilespmem:s23+$0x35D0]  }
0x3b1: {  	v4 =	vld [tilespmem:s23+$0x25D0]  }
0x3b2: {  	v5 =	vld [tilespmem:s23+$0x35C0]  }
0x3b3: {  	v6 =	vld [tilespmem:s23+$0x25C0]  }
0x3b4: {  	v7 =	vld [tilespmem:s23+$0x3590]  }
0x3b5: {  	v8 =	vld [tilespmem:s23+$0x2590]  }
0x3b6: {  	v9 =	vld [tilespmem:s23+$0x3580]  }
0x3b7: {  	v10 =	vld [tilespmem:s23+$0x2580]  }
0x3b8: {  	v11 =	vld [tilespmem:s23+$0x3570]  }
0x3b9: {  	v12 =	vld [tilespmem:s23+$0x2570]  }
0x3ba: {  	v13 =	vld [tilespmem:s23+$0x3560]  }
0x3bb: {  	v14 =	vld [tilespmem:s23+$0x2560]  }
0x3bc: {  	v2 =	vld [tilespmem:s23+$0x3550]  }
0x3bd: {  	v15 =	vld [tilespmem:s23+$0x3530]  }
0x3be: {  	v16 =	vld [tilespmem:s23+$0x2530]  }
0x3bf: {  	v17 =	vld [tilespmem:s23+$0x3520]  }
0x3c0: {  	v18 =	vld [tilespmem:s23+$0x2520]  }
0x3c1: {  	v19 =	vld [tilespmem:s23+$0x3510]  }
0x3c2: {  	v20 =	vld [tilespmem:s23+$0x2510]  }
0x3c3: {  	v47 =	vld [tilespmem:s23+$0x3500]  }
0x3c4: {  	v22 =	vld [tilespmem:s23+$0x2500]  }
0x3c5: {  	v23 =	vld [tilespmem:s23+$0x34F0]  }
0x3c6: {  	v24 =	vld [tilespmem:s23+$0x34D0]  }
0x3c7: {  	v25 =	vld [tilespmem:s23+$0x24D0]  }
0x3c8: {  	v26 =	vld [tilespmem:s23+$0x34C0]  }
0x3c9: {  	v27 =	vld [tilespmem:s23+$0x24C0]  }
0x3ca: {  	v28 =	vld [tilespmem:s23+$0x34B0]  }
0x3cb: {  	v29 =	vld [tilespmem:s23+$0x24B0]  }
0x3cc: {  	v30 =	vld [tilespmem:s23+$0x34A0]  }
0x3cd: {  	v31 =	vld [tilespmem:s23+$0x24A0]  }
0x3ce: {  	v32 =	vld [tilespmem:s23+$0x3490]  }
0x3cf: {  	v33 =	vld [tilespmem:s23+$0x3470]  }
0x3d0: {  	v48 =	vld [tilespmem:s23+$0x2410];
	v5 =	vmul.bf16 v5, v6  }
0x3d1: {  	v50 =	vld [tilespmem:s23+$0x3430];
	v3 =	vmul.bf16 v3, v4;
	v6 =	vmul.bf16 v9, v10  }
0x3d2: {  	v52 =	vld [tilespmem:s23+$0x3420];
	v7 =	vmul.bf16 v7, v8;
	v10 =	vmul.bf16 v17, v18  }
0x3d3: {  	v8 =	vld [tilespmem:s23+$0x3460];
	v17 =	vmul.bf16 v26, v27;
	v49 =	vmul.bf16 v28, v29;
	v3 =	vadd.bf16 v3, v5  }
0x3d4: {  	v9 =	vld [tilespmem:s23+$0x2460];
	v5 =	vmul.bf16 v13, v14;
	v6 =	vadd.bf16 v7, v6;
	v7 =	vmul.bf16 v11, v12  }
0x3d5: {  	v4 =	vld [tilespmem:s23+$0x2470];
	v13 =	vmul.bf16 v15, v16;
	v16 =	vmul.bf16 v19, v20  }
0x3d6: {  	v18 =	vld [tilespmem:s23+$0x3410];
	v20 =	vmul.bf16 v24, v25;
	v12 =	vunpack.i.u.bf16.f32 v3;
	v3 =	vunpack.i.l.bf16.f32 v3  }
0x3d7: {  	v11 =	vld [tilespmem:s23+$0x3450];
	v5 =	vadd.bf16 v7, v5;
	v10 =	vadd.bf16 v13, v10;
	v13 =	vmul.bf16 v47, v22  }
0x3d8: {  	v14 =	vld [tilespmem:s23+$0x2450];
	v17 =	vadd.bf16 v20, v17;
	v20 =	vmul.bf16 v30, v31;
	v3 =	vadd.f32 v3, v12  }
0x3d9: {  	v15 =	vld [tilespmem:s23+$0x2440];
	v12 =	vunpack.i.u.bf16.f32 v6;
	v6 =	vunpack.i.l.bf16.f32 v6;
	v8 =	vmul.bf16 v8, v9  }
0x3da: {  	v7 =	vld [tilespmem:s23+$0x3440];
	v4 =	vmul.bf16 v33, v4;
	v19 =	vunpack.i.u.bf16.f32 v5;
	v5 =	vunpack.i.l.bf16.f32 v5  }
0x3db: {  	v6 =	vadd.f32 v6, v12;
	v12 =	vld [tilespmem:s23+$0x3400];
	v13 =	vadd.bf16 v16, v13;
	v16 =	vunpack.i.u.bf16.f32 v10  }
0x3dc: {  	v10 =	vunpack.i.l.bf16.f32 v10;
	v20 =	vadd.bf16 v49, v20;
	v5 =	vadd.f32 v5, v19;
	v19 =	vld [tilespmem:s23+$0x2400]  }
0x3dd: {  	v9 =	vld [tilespmem:s23+$0x2420];
	v10 =	vadd.f32 v10, v16;
	v16 =	vunpack.i.u.bf16.f32 v13;
	v13 =	vunpack.i.l.bf16.f32 v13  }
0x3de: {  	v51 =	vld [tilespmem:s23+$0x2430];
	(xrf2) =	vadd.scan.msk.f32 $0xffff, v3;
	v3 =	vadd.bf16 v4, v8;
	v13 =	vadd.f32 v13, v16;
	v16 =	vunpack.i.u.bf16.f32 v17  }
0x3df: {  	v8 =	vld [tilespmem:s23+$0x3480];
	(xrf2) =	vadd.scan.msk.f32 $0xffff, v6;
	v17 =	vunpack.i.l.bf16.f32 v17;
	v4 =	vmul.bf16 v7, v15;
	v7 =	vmul.bf16 v11, v14  }
0x3e0: {  	v14 =	vld [tilespmem:s23+$0x2480];
	(xrf2) =	vadd.scan.msk.f32 $0xffff, v5;
	v5 =	vunpack.i.u.bf16.f32 v3;
	v3 =	vunpack.i.l.bf16.f32 v3;
	v16 =	vadd.f32 v17, v16  }
0x3e1: {  	v53 =	vld [tilespmem:s23+$0x2490];
	v17 =	vunpack.i.u.bf16.f32 v20;
	v11 =	vmul.bf16 v12, v19;
	v12 =	vmul.bf16 v18, v48  }
0x3e2: {  	v20 =	vunpack.i.l.bf16.f32 v20;
	(xrf2) =	vadd.scan.msk.f32 $0xffff, v10;
	v9 =	vmul.bf16 v52, v9;
	v4 =	vadd.bf16 v7, v4;
	v7 =	vld [tilespmem:s23+$0x24F0]  }
0x3e3: {  	v3 =	vadd.f32 v3, v5;
	(xrf2) =	vadd.scan.msk.f32 $0xffff, v13;
	v13 =	vld [tilespmem:s23+$0x24E0];
	v10 =	vadd.bf16 v12, v11;
	v12 =	vmul.bf16 v50, v51  }
0x3e4: {  	v6 =	vadd.f32 v20, v17;
	v5 =	vunpack.i.u.bf16.f32 v4;
	v4 =	vunpack.i.l.bf16.f32 v4;
	v11 =	vld [tilespmem:s23+$0x34E0]  }
0x3e5: {  	(xrf2) =	vadd.scan.msk.f32 $0xffff, v16;
	v4 =	vadd.f32 v4, v5;
	v8 =	vmul.bf16 v8, v14;
	v14 =	vld [tilespmem:s23+$0x3540];
	v9 =	vadd.bf16 v12, v9  }
0x3e6: {  	(xrf2) =	vadd.scan.msk.f32 $0xffff, v6;
	v5 =	vunpack.i.u.bf16.f32 v10;
	v12 =	vld [tilespmem:s23+$0x2550];
	v6 =	vunpack.i.l.bf16.f32 v10;
	v10 =	vmul.bf16 v32, v53  }
0x3e7: {  	(xrf2) =	vadd.scan.msk.f32 $0xffff, v3;
	v3 =	vadd.f32 v6, v5;
	v5 =	vunpack.i.u.bf16.f32 v9;
	v6 =	vunpack.i.l.bf16.f32 v9;
	v9 =	vld [tilespmem:s23+$0x2540]  }
0x3e8: {  	v1 =	vld [tilespmem:s23+$0x35B0];
	(xrf2) =	vadd.scan.msk.f32 $0xffff, v4;
	v4 =	vadd.bf16 v10, v8;
	v5 =	vadd.f32 v6, v5  }
0x3e9: {  	v7 =	vmul.bf16 v23, v7;
	v8 =	vld [tilespmem:s23+$0x35A0];
	(xrf2) =	vadd.scan.msk.f32 $0xffff, v3;
	v3 =	vmul.bf16 v11, v13  }
0x3ea: {  	v13 =	vld [tilespmem:s23+$0x25A0];
	v11 =	vunpack.i.u.bf16.f32 v4;
	v4 =	vunpack.i.l.bf16.f32 v4  }
0x3eb: {  	v6 =	vld [tilespmem:s23+$0x25B0];
	v10, _, _ =	vpop (xrf2);
	(xrf2) =	vadd.scan.msk.f32 $0xffff, v5;
	v3 =	vadd.bf16 v7, v3;
	v4 =	vadd.f32 v4, v11  }
0x3ec: {  	v0 =	vld [tilespmem:s23+$0x35F0];
	v2 =	vmul.bf16 v2, v12;
	v5, _, _ =	vpop (xrf2);
	v9 =	vmul.bf16 v14, v9  }
0x3ed: {  	v15 =	vld [tilespmem:s23+$0x35E0];
	v14 =	vunpack.i.u.bf16.f32 v3;
	v3 =	vunpack.i.l.bf16.f32 v3;
	v11, _, _ =	vpop (xrf2)  }
0x3ee: {  	v7 =	vld [tilespmem:s23+$0x25F0];
	(xrf2) =	vadd.scan.msk.f32 $0xffff, v4;
	v3 =	vadd.f32 v3, v14;
	v12, _, _ =	vpop (xrf2);
	v2 =	vadd.bf16 v2, v9  }
0x3ef: {  	v16 =	vld [tilespmem:s23+$0x25E0];
	v8 =	vmul.bf16 v8, v13;
	v4, _, _ =	vpop (xrf2)  }
0x3f0: {  	v1 =	vmul.bf16 v1, v6;
	v9, _, _ =	vpop (xrf2);
	v13 =	vunpack.i.u.bf16.f32 v2;
	v2 =	vunpack.i.l.bf16.f32 v2  }
0x3f1: {  	v6, _, _ =	vpop (xrf2);
	v2 =	vadd.f32 v2, v13  }
0x3f2: {  	(xrf2) =	vadd.scan.msk.f32 $0xffff, v3;
	v1 =	vadd.bf16 v1, v8;
	v3, _, _ =	vpop (xrf2)  }
0x3f3: {  	v0 =	vmul.bf16 v0, v7;
	v8, _, _ =	vpop (xrf2)  }
0x3f4: {  	v13 =	vmul.bf16 v15, v16;
	v14 =	vunpack.i.u.bf16.f32 v1;
	v1 =	vunpack.i.l.bf16.f32 v1;
	v7, _, _ =	vpop (xrf2)  }
0x3f5: {  	v1 =	vadd.f32 v1, v14;
	(xrf2) =	vadd.scan.msk.f32 $0xffff, v2;
	v2, _, _ =	vpop (xrf2)  }
0x3f6: {  	v0 =	vadd.bf16 v0, v13;
	v7 =	vbroadcast v7, $0xF;
	v2 =	vbroadcast v2, $0xF  }
0x3f7: {  	v8 =	vbroadcast v8, $0xF  }
0x3f8: {  	v13 =	vunpack.i.u.bf16.f32 v0;
	(xrf2) =	vadd.scan.msk.f32 $0xffff, v1;
	v1 =	vsel vm0, v7, v2;
	v2 =	vbroadcast v3, $0xF;
	v3, _, _ =	vpop (xrf2)  }
0x3f9: {  	v0 =	vunpack.i.l.bf16.f32 v0;
	v1 =	vsel vm1, v1, v8;
	v3 =	vbroadcast v3, $0xF  }
0x3fa: {  	v0 =	vadd.f32 v0, v13;
	v1 =	vsel vm2, v1, v2  }
0x3fb: {  	v2 =	vbroadcast v6, $0xF;
	v1 =	vsel vm3, v1, v3;
	v3 =	vbroadcast v9, $0xF  }
0x3fc: {  	v6, _, _ =	vpop (xrf2)  }
0x3fd: {  	(xrf2) =	vadd.scan.msk.f32 $0xffff, v0;
	v0 =	vsel vm4, v1, v2;
	v1 =	vbroadcast v6, $0xF  }
0x3fe: {  	v2 =	vbroadcast v4, $0xF;
	v0 =	vsel vm5, v0, v3  }
0x3ff: {  	v0 =	vsel vm6, v0, v1;
	v1 =	vbroadcast v12, $0xF;
	v3, _, _ =	vpop (xrf2)  }
0x400: {  	v0 =	vsel vm7, v0, v2;
	v2 =	vbroadcast v3, $0xF  }
0x401: {  	v0 =	vsel vm8, v0, v1;
	v1 =	vbroadcast v11, $0xF  }
0x402: {  	v3, _, _ =	vpop (xrf2);
	v0 =	vsel vm9, v0, v2  }
0x403: {  	v2 =	vbroadcast v5, $0xF;
	v0 =	vsel vm10, v0, v1;
	v1 =	vbroadcast v3, $0xF;
	_ =	sdelay $0x1  }
0x404: {  	v0 =	vsel vm11, v0, v2;
	v2 =	vbroadcast v10, $0xF  }
0x405: {  	v0 =	vsel vm12, v0, v1  }
0x406: {  	v0 =	vsel vm13, v0, v2;
	v1, _, _ =	vpop (xrf2)  }
0x407: {  	s23 =	simm.s32 $0x4480;
	v0 =	vsel vm14, v0, v1  }
0x408: {  	s28 =	simm.s32 $0x200;
	[tilespmem:s23+$0x0] =	vst v0  }
0x409: {  	v0 =	vld [tilespmem:s28+$0x35F0]  }
0x40a: {  	v3 =	vld [tilespmem:s28+$0x35D0]  }
0x40b: {  	v4 =	vld [tilespmem:s28+$0x25D0]  }
0x40c: {  	v6 =	vld [tilespmem:s28+$0x35C0]  }
0x40d: {  	v7 =	vld [tilespmem:s28+$0x25C0]  }
0x40e: {  	v1 =	vld [tilespmem:s28+$0x35B0]  }
0x40f: {  	v8 =	vld [tilespmem:s28+$0x3590]  }
0x410: {  	v9 =	vld [tilespmem:s28+$0x2590]  }
0x411: {  	v10 =	vld [tilespmem:s28+$0x3580]  }
0x412: {  	v11 =	vld [tilespmem:s28+$0x2580]  }
0x413: {  	v12 =	vld [tilespmem:s28+$0x3570]  }
0x414: {  	v13 =	vld [tilespmem:s28+$0x2570]  }
0x415: {  	v14 =	vld [tilespmem:s28+$0x3560]  }
0x416: {  	v15 =	vld [tilespmem:s28+$0x2560]  }
0x417: {  	v2 =	vld [tilespmem:s28+$0x3550]  }
0x418: {  	v16 =	vld [tilespmem:s28+$0x3530]  }
0x419: {  	v17 =	vld [tilespmem:s28+$0x2530]  }
0x41a: {  	v18 =	vld [tilespmem:s28+$0x3520]  }
0x41b: {  	v19 =	vld [tilespmem:s28+$0x2520]  }
0x41c: {  	v20 =	vld [tilespmem:s28+$0x3510]  }
0x41d: {  	v54 =	vld [tilespmem:s28+$0x2510]  }
0x41e: {  	v55 =	vld [tilespmem:s28+$0x3500]  }
0x41f: {  	v56 =	vld [tilespmem:s28+$0x2500]  }
0x420: {  	v5 =	vld [tilespmem:s28+$0x34F0]  }
0x421: {  	v57 =	vld [tilespmem:s28+$0x34D0]  }
0x422: {  	v58 =	vld [tilespmem:s28+$0x24D0];
	v6 =	vmul.bf16 v6, v7;
	v3 =	vmul.bf16 v3, v4  }
0x423: {  	v59 =	vld [tilespmem:s28+$0x34C0];
	v7 =	vmul.bf16 v10, v11;
	v8 =	vmul.bf16 v8, v9  }
0x424: {  	v60 =	vld [tilespmem:s28+$0x24C0];
	v10 =	vmul.bf16 v12, v13;
	v3 =	vadd.bf16 v3, v6;
	v6 =	vmul.bf16 v14, v15  }
0x425: {  	v61 =	vld [tilespmem:s28+$0x2440];
	v8 =	vadd.bf16 v8, v7  }
0x426: {  	v4 =	vld [tilespmem:s28+$0x34B0];
	v13 =	vunpack.i.u.bf16.f32 v3;
	v3 =	vunpack.i.l.bf16.f32 v3;
	v6 =	vadd.bf16 v10, v6  }
0x427: {  	v9 =	vld [tilespmem:s28+$0x24B0];
	v10 =	vunpack.i.u.bf16.f32 v8;
	v8 =	vunpack.i.l.bf16.f32 v8;
	v3 =	vadd.f32 v3, v13  }
0x428: {  	v11 =	vld [tilespmem:s28+$0x34A0];
	v8 =	vadd.f32 v8, v10;
	v10 =	vunpack.i.u.bf16.f32 v6;
	v6 =	vunpack.i.l.bf16.f32 v6  }
0x429: {  	v12 =	vld [tilespmem:s28+$0x24A0];
	v13 =	vmul.bf16 v16, v17;
	(xrf2) =	vadd.scan.msk.f32 $0xffff, v3;
	v3 =	vadd.f32 v6, v10;
	v10 =	vmul.bf16 v18, v19  }
0x42a: {  	v7 =	vld [tilespmem:s28+$0x3490];
	(xrf2) =	vadd.scan.msk.f32 $0xffff, v8  }
0x42b: {  	v14 =	vld [tilespmem:s28+$0x3470];
	(xrf2) =	vadd.scan.msk.f32 $0xffff, v3;
	v3 =	vadd.bf16 v13, v10  }
0x42c: {  	v15 =	vld [tilespmem:s28+$0x2470];
	v17 =	vmul.bf16 v20, v54;
	v8 =	vmul.bf16 v55, v56  }
0x42d: {  	v16 =	vld [tilespmem:s28+$0x2460];
	v20 =	vunpack.i.u.bf16.f32 v3;
	v3 =	vunpack.i.l.bf16.f32 v3  }
0x42e: {  	v4 =	vmul.bf16 v4, v9;
	v9 =	vld [tilespmem:s28+$0x2410];
	v10 =	vadd.bf16 v17, v8;
	v3 =	vadd.f32 v3, v20  }
0x42f: {  	v6 =	vld [tilespmem:s28+$0x3460];
	v13 =	vmul.bf16 v57, v58;
	v8 =	vmul.bf16 v59, v60  }
0x430: {  	v12 =	vmul.bf16 v11, v12;
	v11 =	vld [tilespmem:s28+$0x3400];
	v20 =	vunpack.i.u.bf16.f32 v10;
	v10 =	vunpack.i.l.bf16.f32 v10;
	(xrf2) =	vadd.scan.msk.f32 $0xffff, v3  }
0x431: {  	v18 =	vld [tilespmem:s28+$0x3450];
	v13 =	vadd.bf16 v13, v8;
	v20 =	vadd.f32 v10, v20  }
0x432: {  	v19 =	vld [tilespmem:s28+$0x2450]  }
0x433: {  	v12 =	vadd.bf16 v4, v12;
	v17 =	vld [tilespmem:s28+$0x3440];
	v10 =	vunpack.i.u.bf16.f32 v13;
	v62 =	vunpack.i.l.bf16.f32 v13;
	v3, _, _ =	vpop (xrf2);
	(xrf2) =	vadd.scan.msk.f32 $0xffff, v20  }
0x434: {  	v14 =	vmul.bf16 v14, v15;
	v8 =	vld [tilespmem:s28+$0x3410];
	v6 =	vmul.bf16 v6, v16;
	v15 =	vadd.f32 v62, v10  }
0x435: {  	v13 =	vld [tilespmem:s28+$0x2400]  }
0x436: {  	v63 =	vunpack.i.l.bf16.f32 v12;
	v16 =	vadd.bf16 v14, v6;
	v14 =	vld [tilespmem:s28+$0x3420];
	v20 =	vunpack.i.u.bf16.f32 v12;
	v4, _, _ =	vpop (xrf2);
	(xrf2) =	vadd.scan.msk.f32 $0xffff, v15  }
0x437: {  	v10 =	vld [tilespmem:s28+$0x3430];
	v15 =	vadd.f32 v63, v20  }
0x438: {  	s29 =	simm.s32 $0x1000;
	v18 =	vmul.bf16 v18, v19;
	v17 =	vmul.bf16 v17, v61;
	v12 =	vld [tilespmem:s28+$0x2430];
	v6, _, _ =	vpop (xrf2)  }
.LBB2_12:
0x439: {  	p1 =	sne.s32 s29, $0x3800;
	v19 =	vld [tilespmem:s28+$0x2420];
	v20 =	vunpack.i.u.bf16.f32 v16;
	v16 =	vunpack.i.l.bf16.f32 v16;
	(xrf2) =	vadd.scan.msk.f32 $0xffff, v15  }
0x43a: {  	v15 =	vld [tilespmem:s28+$0x2490];
	v17 =	vadd.bf16 v18, v17;
	v16 =	vadd.f32 v16, v20;
	v18, _, _ =	vpop (xrf2)  }
0x43b: {  	v8 =	vmul.bf16 v8, v9;
	v11 =	vmul.bf16 v11, v13;
	v20 =	vld [tilespmem:s28+$0x3480]  }
0x43c: {  	v9 =	vld [tilespmem:s28+$0x2480];
	v21 =	vunpack.i.u.bf16.f32 v17;
	v17 =	vunpack.i.l.bf16.f32 v17;
	(xrf2) =	vadd.scan.msk.f32 $0xffff, v16  }
0x43d: {  	v8 =	vadd.bf16 v8, v11;
	v16 =	vld [tilespmem:s28+$0x24F0];
	v11 =	vadd.f32 v17, v21;
	v13, _, _ =	vpop (xrf2)  }
0x43e: {  	v10 =	vmul.bf16 v10, v12;
	v17 =	vld [tilespmem:s28+$0x34E0];
	v21 =	vmul.bf16 v14, v19  }
0x43f: {  	v19 =	vunpack.i.u.bf16.f32 v8;
	v8 =	vunpack.i.l.bf16.f32 v8;
	v12 =	vld [tilespmem:s28+$0x24E0];
	(xrf2) =	vadd.scan.msk.f32 $0xffff, v11  }
0x440: {  	v8 =	vadd.f32 v8, v19;
	v22 =	vadd.bf16 v10, v21;
	v11 =	vld [tilespmem:s28+$0x2550];
	v14, _, _ =	vpop (xrf2)  }
0x441: {  	v7 =	vmul.bf16 v7, v15;
	v9 =	vmul.bf16 v20, v9;
	v15 =	vld [tilespmem:s28+$0x3540]  }
0x442: {  	v19 =	vunpack.i.u.bf16.f32 v22;
	v21 =	vunpack.i.l.bf16.f32 v22;
	v20 =	vld [tilespmem:s28+$0x2540];
	(xrf2) =	vadd.scan.msk.f32 $0xffff, v8  }
0x443: {  	v7 =	vadd.bf16 v7, v9;
	v8 =	vadd.f32 v21, v19;
	v9 =	vld [tilespmem:s28+$0x25B0];
	v10, _, _ =	vpop (xrf2)  }
0x444: {  	v5 =	vmul.bf16 v5, v16;
	v21 =	vmul.bf16 v17, v12;
	v16 =	vld [tilespmem:s28+$0x35A0]  }
0x445: {  	v17 =	vunpack.i.u.bf16.f32 v7;
	v7 =	vunpack.i.l.bf16.f32 v7;
	v19 =	vld [tilespmem:s28+$0x25A0];
	(xrf2) =	vadd.scan.msk.f32 $0xffff, v8  }
0x446: {  	v5 =	vadd.bf16 v5, v21;
	v21 =	vadd.f32 v7, v17;
	v8 =	vld [tilespmem:s28+$0x25F0];
	v12, _, _ =	vpop (xrf2)  }
0x447: {  	v2 =	vmul.bf16 v2, v11;
	v17 =	vld [tilespmem:s28+$0x35E0];
	v15 =	vmul.bf16 v15, v20  }
0x448: {  	v11 =	vunpack.i.u.bf16.f32 v5;
	v5 =	vunpack.i.l.bf16.f32 v5;
	v20 =	vld [tilespmem:s28+$0x25E0];
	(xrf2) =	vadd.scan.msk.f32 $0xffff, v21  }
0x449: {  	v21 =	vadd.f32 v5, v11;
	v2 =	vadd.bf16 v2, v15;
	v7, _, _ =	vpop (xrf2)  }
0x44a: {  	v1 =	vmul.bf16 v1, v9;
	v11 =	vmul.bf16 v16, v19  }
0x44b: {  	v9 =	vunpack.i.u.bf16.f32 v2;
	v2 =	vunpack.i.l.bf16.f32 v2;
	(xrf2) =	vadd.scan.msk.f32 $0xffff, v21  }
0x44c: {  	v1 =	vadd.bf16 v1, v11;
	v11 =	vadd.f32 v2, v9;
	v5, _, _ =	vpop (xrf2)  }
0x44d: {  	v0 =	vmul.bf16 v0, v8;
	v9 =	vmul.bf16 v17, v20  }
0x44e: {  	v8 =	vunpack.i.u.bf16.f32 v1;
	v1 =	vunpack.i.l.bf16.f32 v1;
	(xrf2) =	vadd.scan.msk.f32 $0xffff, v11  }
0x44f: {  	v0 =	vadd.bf16 v0, v9;
	v1 =	vadd.f32 v1, v8;
	v2, _, _ =	vpop (xrf2)  }
0x450: {  	v9 =	vbroadcast v5, $0xF;
	v2 =	vbroadcast v2, $0xF  }
0x451: {  	v7 =	vbroadcast v7, $0xF;
	v8 =	vunpack.i.u.bf16.f32 v0;
	(xrf2) =	vadd.scan.msk.f32 $0xffff, v1  }
0x452: {  	v0 =	vunpack.i.l.bf16.f32 v0;
	v1 =	vsel vm0, v9, v2;
	v2 =	vbroadcast v12, $0xF;
	v5, _, _ =	vpop (xrf2)  }
0x453: {  	v0 =	vadd.f32 v0, v8;
	v1 =	vsel vm1, v1, v7;
	v5 =	vbroadcast v5, $0xF  }
0x454: {  	v1 =	vsel vm2, v1, v2;
	v2 =	vbroadcast v10, $0xF  }
0x455: {  	v8 =	vbroadcast v14, $0xF;
	v1 =	vsel vm3, v1, v5;
	v7, _, _ =	vpop (xrf2);
	(xrf2) =	vadd.scan.msk.f32 $0xffff, v0  }
0x456: {  	v0 =	vsel vm4, v1, v2;
	v1 =	vbroadcast v7, $0xF  }
0x457: {  	v2 =	vbroadcast v13, $0xF;
	v0 =	vsel vm5, v0, v8  }
0x458: {  	v0 =	vsel vm6, v0, v1;
	v1 =	vbroadcast v18, $0xF;
	v5, _, _ =	vpop (xrf2)  }
0x459: {  	v0 =	vsel vm7, v0, v2;
	v2 =	vbroadcast v5, $0xF  }
0x45a: {  	v0 =	vsel vm8, v0, v1;
	v1 =	vbroadcast v6, $0xF  }
0x45b: {  	v0 =	vsel vm9, v0, v2;
	v2 =	vbroadcast v4, $0xF;
	v4, _, _ =	vpop (xrf2)  }
0x45c: {  	v0 =	vsel vm10, v0, v1;
	v4 =	vbroadcast v4, $0xF  }
0x45d: {  	v0 =	vsel vm11, v0, v2;
	v2 =	vbroadcast v3, $0xF  }
0x45e: {  	v0 =	vsel vm12, v0, v4  }
0x45f: {  	v0 =	vsel vm13, v0, v2;
	v1, _, _ =	vpop (xrf2)  }
0x460: {  	s23 =	sadd.s32 $0x10, s23;
	v0 =	vsel vm14, v0, v1  }
0x461: {  	s28 =	sshra.s32 s29, $0x2;
	[tilespmem:s23+$0x0] =	vst v0  }
0x462: {  	v0 =	vld [tilespmem:s28+$0x35F0]  }
0x463: {  	v3 =	vld [tilespmem:s28+$0x35D0]  }
0x464: {  	v4 =	vld [tilespmem:s28+$0x25D0]  }
0x465: {  	v6 =	vld [tilespmem:s28+$0x35C0]  }
0x466: {  	v7 =	vld [tilespmem:s28+$0x25C0]  }
0x467: {  	v1 =	vld [tilespmem:s28+$0x35B0]  }
0x468: {  	v8 =	vld [tilespmem:s28+$0x3590]  }
0x469: {  	v9 =	vld [tilespmem:s28+$0x2590]  }
0x46a: {  	v10 =	vld [tilespmem:s28+$0x3580]  }
0x46b: {  	v11 =	vld [tilespmem:s28+$0x2580]  }
0x46c: {  	v12 =	vld [tilespmem:s28+$0x3570]  }
0x46d: {  	v13 =	vld [tilespmem:s28+$0x2570]  }
0x46e: {  	v14 =	vld [tilespmem:s28+$0x3560]  }
0x46f: {  	v15 =	vld [tilespmem:s28+$0x2560]  }
0x470: {  	v2 =	vld [tilespmem:s28+$0x3550]  }
0x471: {  	v16 =	vld [tilespmem:s28+$0x3530]  }
0x472: {  	v17 =	vld [tilespmem:s28+$0x2530]  }
0x473: {  	v18 =	vld [tilespmem:s28+$0x3520]  }
0x474: {  	v19 =	vld [tilespmem:s28+$0x2520]  }
0x475: {  	v20 =	vld [tilespmem:s28+$0x3510]  }
0x476: {  	v21 =	vld [tilespmem:s28+$0x2510]  }
0x477: {  	v22 =	vld [tilespmem:s28+$0x3500]  }
0x478: {  	v23 =	vld [tilespmem:s28+$0x2500]  }
0x479: {  	v3 =	vmul.bf16 v3, v4;
	v6 =	vmul.bf16 v6, v7;
	v5 =	vld [tilespmem:s28+$0x34F0]  }
0x47a: {  	v4 =	vld [tilespmem:s28+$0x34D0]  }
0x47b: {  	v3 =	vadd.bf16 v3, v6;
	v24 =	vld [tilespmem:s28+$0x24D0]  }
0x47c: {  	v8 =	vmul.bf16 v8, v9;
	v7 =	vmul.bf16 v10, v11;
	v6 =	vld [tilespmem:s28+$0x34C0]  }
0x47d: {  	v10 =	vunpack.i.u.bf16.f32 v3;
	v3 =	vunpack.i.l.bf16.f32 v3;
	v9 =	vld [tilespmem:s28+$0x24C0]  }
0x47e: {  	v3 =	vadd.f32 v3, v10;
	v7 =	vadd.bf16 v8, v7;
	v11 =	vld [tilespmem:s28+$0x34B0]  }
0x47f: {  	v12 =	vmul.bf16 v12, v13;
	v8 =	vmul.bf16 v14, v15;
	v10 =	vld [tilespmem:s28+$0x24B0]  }
0x480: {  	v14 =	vunpack.i.u.bf16.f32 v7;
	v7 =	vunpack.i.l.bf16.f32 v7;
	v13 =	vld [tilespmem:s28+$0x34A0];
	(xrf2) =	vadd.scan.msk.f32 $0xffff, v3  }
0x481: {  	v3 =	vadd.bf16 v12, v8;
	v8 =	vadd.f32 v7, v14;
	v15 =	vld [tilespmem:s28+$0x24A0]  }
0x482: {  	v12 =	vmul.bf16 v18, v19;
	v14 =	vmul.bf16 v16, v17;
	v7 =	vld [tilespmem:s28+$0x3490]  }
0x483: {  	v17 =	vunpack.i.u.bf16.f32 v3;
	v3 =	vunpack.i.l.bf16.f32 v3;
	v16 =	vld [tilespmem:s28+$0x3470];
	(xrf2) =	vadd.scan.msk.f32 $0xffff, v8  }
0x484: {  	v8 =	vadd.bf16 v14, v12;
	v3 =	vadd.f32 v3, v17;
	v18 =	vld [tilespmem:s28+$0x2470]  }
0x485: {  	v14 =	vmul.bf16 v22, v23;
	v17 =	vmul.bf16 v20, v21;
	v12 =	vld [tilespmem:s28+$0x3460]  }
0x486: {  	v20 =	vunpack.i.u.bf16.f32 v8;
	v8 =	vunpack.i.l.bf16.f32 v8;
	v19 =	vld [tilespmem:s28+$0x2460];
	(xrf2) =	vadd.scan.msk.f32 $0xffff, v3  }
0x487: {  	v23 =	vadd.bf16 v17, v14;
	v8 =	vadd.f32 v8, v20;
	v21 =	vld [tilespmem:s28+$0x3450]  }
0x488: {  	v4 =	vmul.bf16 v4, v24;
	v6 =	vmul.bf16 v6, v9;
	v20 =	vld [tilespmem:s28+$0x2450]  }
0x489: {  	v9 =	vunpack.i.u.bf16.f32 v23;
	v14 =	vunpack.i.l.bf16.f32 v23;
	v17 =	vld [tilespmem:s28+$0x3440];
	(xrf2) =	vadd.scan.msk.f32 $0xffff, v8  }
0x48a: {  	v23 =	vadd.bf16 v4, v6;
	v6 =	vadd.f32 v14, v9;
	v22 =	vld [tilespmem:s28+$0x2440];
	v3, _, _ =	vpop (xrf2)  }
0x48b: {  	v10 =	vmul.bf16 v11, v10;
	v13 =	vmul.bf16 v13, v15;
	v8 =	vld [tilespmem:s28+$0x3410]  }
0x48c: {  	v14 =	vunpack.i.u.bf16.f32 v23;
	v15 =	vunpack.i.l.bf16.f32 v23;
	v9 =	vld [tilespmem:s28+$0x2410];
	(xrf2) =	vadd.scan.msk.f32 $0xffff, v6  }
.Ltmp7:
0x48d: {  	v23 =	vadd.bf16 v10, v13;
	v14 =	vadd.f32 v15, v14;
	v11 =	vld [tilespmem:s28+$0x3400];
	v4, _, _ =	vpop (xrf2);
	(pc) =	sbr.rel @p1 .LBB2_12-.Ltmp7, $4  }
0x48e: {  	v16 =	vmul.bf16 v16, v18;
	v15 =	vmul.bf16 v12, v19;
	v13 =	vld [tilespmem:s28+$0x2400]  }
0x48f: {  	v18 =	vunpack.i.u.bf16.f32 v23;
	v19 =	vunpack.i.l.bf16.f32 v23;
	v10 =	vld [tilespmem:s28+$0x3430];
	(xrf2) =	vadd.scan.msk.f32 $0xffff, v14  }
0x490: {  	v16 =	vadd.bf16 v16, v15;
	v15 =	vadd.f32 v19, v18;
	v12 =	vld [tilespmem:s28+$0x2430];
	v6, _, _ =	vpop (xrf2)  }
0x491: {  	s29 =	sadd.s32 $0x800, s29;
	v18 =	vmul.bf16 v21, v20;
	v17 =	vmul.bf16 v17, v22;
	v14 =	vld [tilespmem:s28+$0x3420]  }
0x492: {  	v19 =	vld [tilespmem:s28+$0x2420]  }
0x493: {  	v20 =	vld [tilespmem:s28+$0x2490]  }
0x494: {  	v53 =	vld [tilespmem:s28+$0x3480]  }
0x495: {  	v8 =	vmul.bf16 v8, v9;
	v54 =	vld [tilespmem:s28+$0x2480];
	v11 =	vmul.bf16 v11, v13  }
0x496: {  	v55 =	vunpack.i.u.bf16.f32 v16;
	v56 =	vld [tilespmem:s28+$0x24F0];
	v57 =	vunpack.i.l.bf16.f32 v16;
	v17 =	vadd.bf16 v18, v17  }
0x497: {  	v58 =	vld [tilespmem:s28+$0x34E0];
	v8 =	vadd.bf16 v8, v11;
	v10 =	vmul.bf16 v10, v12;
	v14 =	vmul.bf16 v14, v19  }
0x498: {  	v61 =	vld [tilespmem:s28+$0x24E0];
	v59 =	vadd.f32 v57, v55;
	v60 =	vunpack.i.u.bf16.f32 v17;
	v17 =	vunpack.i.l.bf16.f32 v17  }
0x499: {  	v63 =	vld [tilespmem:s28+$0x2550];
	v16 =	vadd.f32 v17, v60;
	v62 =	vunpack.i.u.bf16.f32 v8;
	v10 =	vadd.bf16 v10, v14  }
0x49a: {  	(xrf2) =	vadd.scan.msk.f32 $0xffff, v15;
	v22 =	vld [tilespmem:s28+$0x2540];
	v8 =	vunpack.i.l.bf16.f32 v8;
	v9 =	vmul.bf16 v53, v54;
	v7 =	vmul.bf16 v7, v20  }
0x49b: {  	(xrf2) =	vadd.scan.msk.f32 $0xffff, v59;
	v20 =	vld [tilespmem:s28+$0x3540];
	v8 =	vadd.f32 v8, v62;
	v21 =	vunpack.i.u.bf16.f32 v10;
	v10 =	vunpack.i.l.bf16.f32 v10  }
0x49c: {  	v24 =	vld [tilespmem:s28+$0x25B0];
	(xrf2) =	vadd.scan.msk.f32 $0xffff, v16;
	v7 =	vadd.bf16 v7, v9;
	v23 =	vadd.f32 v10, v21  }
0x49d: {  	v26 =	vld [tilespmem:s28+$0x35A0];
	v25 =	vmul.bf16 v58, v61;
	v5 =	vmul.bf16 v5, v56;
	(xrf2) =	vadd.scan.msk.f32 $0xffff, v8  }
0x49e: {  	v28 =	vld [tilespmem:s28+$0x25A0];
	v27 =	vunpack.i.u.bf16.f32 v7;
	v7 =	vunpack.i.l.bf16.f32 v7;
	(xrf2) =	vadd.scan.msk.f32 $0xffff, v23  }
0x49f: {  	v29 =	vld [tilespmem:s28+$0x25F0];
	v5 =	vadd.bf16 v5, v25;
	v7 =	vadd.f32 v7, v27  }
0x4a0: {  	v30 =	vld [tilespmem:s28+$0x35E0];
	v2 =	vmul.bf16 v2, v63;
	v31 =	vmul.bf16 v20, v22  }
0x4a1: {  	v34 =	vld [tilespmem:s28+$0x25E0];
	v32, _, _ =	vpop (xrf2);
	v33 =	vunpack.i.u.bf16.f32 v5;
	v5 =	vunpack.i.l.bf16.f32 v5;
	(xrf2) =	vadd.scan.msk.f32 $0xffff, v7  }
0x4a2: {  	v35, _, _ =	vpop (xrf2);
	v5 =	vadd.f32 v5, v33;
	v2 =	vadd.bf16 v2, v31  }
0x4a3: {  	v11 =	vmul.bf16 v26, v28;
	v1 =	vmul.bf16 v1, v24;
	v36, _, _ =	vpop (xrf2)  }
0x4a4: {  	v37, _, _ =	vpop (xrf2);
	v38 =	vunpack.i.u.bf16.f32 v2;
	v2 =	vunpack.i.l.bf16.f32 v2;
	(xrf2) =	vadd.scan.msk.f32 $0xffff, v5  }
0x4a5: {  	v1 =	vadd.bf16 v1, v11;
	v39, _, _ =	vpop (xrf2);
	v2 =	vadd.f32 v2, v38  }
0x4a6: {  	v0 =	vmul.bf16 v0, v29;
	v9 =	vmul.bf16 v30, v34;
	v40, _, _ =	vpop (xrf2)  }
0x4a7: {  	v42 =	vunpack.i.u.bf16.f32 v1;
	v1 =	vunpack.i.l.bf16.f32 v1;
	(xrf2) =	vadd.scan.msk.f32 $0xffff, v2;
	v41, _, _ =	vpop (xrf2)  }
0x4a8: {  	v0 =	vadd.bf16 v0, v9;
	v1 =	vadd.f32 v1, v42;
	v43, _, _ =	vpop (xrf2)  }
0x4a9: {  	v8 =	vbroadcast v41, $0xF;
	v2 =	vbroadcast v43, $0xF  }
0x4aa: {  	v45 =	vunpack.i.u.bf16.f32 v0;
	v44 =	vbroadcast v40, $0xF;
	(xrf2) =	vadd.scan.msk.f32 $0xffff, v1  }
0x4ab: {  	v0 =	vunpack.i.l.bf16.f32 v0;
	v47 =	vbroadcast v39, $0xF;
	v48, _, _ =	vpop (xrf2);
	v46 =	vsel vm0, v8, v2  }
0x4ac: {  	v0 =	vadd.f32 v0, v45;
	v5 =	vbroadcast v48, $0xF;
	v1 =	vsel vm1, v46, v44  }
0x4ad: {  	v49 =	vbroadcast v37, $0xF;
	v1 =	vsel vm2, v1, v47  }
0x4ae: {  	v50 =	vbroadcast v36, $0xF;
	v51, _, _ =	vpop (xrf2);
	(xrf2) =	vadd.scan.msk.f32 $0xffff, v0;
	v1 =	vsel vm3, v1, v5  }
0x4af: {  	v53 =	vbroadcast v51, $0xF;
	v52 =	vsel vm4, v1, v49  }
0x4b0: {  	v54 =	vbroadcast v35, $0xF;
	v0 =	vsel vm5, v52, v50  }
0x4b1: {  	v55 =	vbroadcast v32, $0xF;
	v56, _, _ =	vpop (xrf2);
	v0 =	vsel vm6, v0, v53  }
0x4b2: {  	v57 =	vbroadcast v56, $0xF;
	v0 =	vsel vm7, v0, v54  }
0x4b3: {  	v58 =	vbroadcast v6, $0xF;
	v0 =	vsel vm8, v0, v55  }
0x4b4: {  	v59 =	vbroadcast v4, $0xF;
	v60, _, _ =	vpop (xrf2);
	v0 =	vsel vm9, v0, v57  }
0x4b5: {  	v61 =	vbroadcast v60, $0xF;
	v0 =	vsel vm10, v0, v58  }
0x4b6: {  	v62 =	vbroadcast v3, $0xF;
	v0 =	vsel vm11, v0, v59  }
.Ltmp8:
0x4b7: {  	s22 =	sadd.s32 s22, s19;
	v0 =	vsel vm12, v0, v61;
	(pc) =	sbr.rel @p0 .LBB2_15-.Ltmp8, $4  }
0x4b8: {  	s22 =	sshll.u32 s22, $0x4;
	v63, _, _ =	vpop (xrf2);
	v0 =	vsel vm13, v0, v62  }
0x4b9: {  	s23 =	sadd.s32 $0x10, s23;
	s22 =	sand.u32 $0x1FFFFFF0, s22;
	v0 =	vsel vm14, v0, v63  }
0x4ba: {  	s22 =	sadd.s32 s6, s22;
	[tilespmem:s23+$0x0] =	vst v0  }
0x4bb: {  	[hbm4b:s22+s3] =	stream.linear.scatter [tilespmem:s9], [sflag:$0xA], $0x80, $0x38;
	[tilespmem:$0x1CBA0] =	vst v63  }
0x4bc: {  	_ =	swait.ge [sflag:s30], $0x100  }
.Ltmp9:
0x4bd: {  	[sflag:s30] =	ssyncset.done $0x0;
	(pc) =	sbr.rel .LBB2_2-.Ltmp9, $4  }
0x4be: {  	s22 =	simm.s32 $0x100;
	[sflag:s30] =	ssyncadd.s32 $0xFFFFFF00  }
0x4bf: {  	[tilespmem:s31], [sflag:$0x7] =	stream.indirect.gather [spmem:s2], $0x20, s22, s26, $0xb8;
	[tilespmem:$0x1CBA0] =	vst v63  }
0x4c0: {  	s29 =	simm.s32 $0x180;
	s21 =	sadd.s32 $0x1, s21  }
0x4c1: {  	[tilespmem:s1], [sflag:$0x8] =	stream.indirect.gather [spmem:s2], $0x20, s29, s26, $0xb8;
	[tilespmem:$0x1CBA0] =	vst v63  }
.LBB2_16:
0x4c2: {  	_ =	sfence.sel $0x180000  }
0x4c3: {  	[bflag:$0x0] =	sbarrier.arrive $0xFFFF  }
0x4c4: {  	_ =	strace $0x90000047  }
0x4c5: {  	s0 =	stileid.u32;
	[bflag:$0x2] =	sbarrier.arrive $0xFFFF  }
0x4c6: {  	p0 =	sne.s32 s0, $0x0;
	s0 =	rddreg [dreg:$0x2]  }
0x4c7: {  	s0 =	sadd.s32 @!p0 $0x100000, s0  }
0x4c8: {  	[sflag:s0] =	ssyncadd.tile.s32 @!p0 $0x1;
	_ =	shalt  }
.Lfunc_end2:
_tile_overlayer_lowered:
.L_overlay_start_2:
0x4c9: {  	(tag) =	ssettag $0x2  }
0x4ca: {  	s0 =	rddreg [dreg:$0x0];
	s2 =	stileid.u32  }
0x4cb: {  	s1 =	rddreg [dreg:$0x1];
	p0 =	sne.s32 s2, $0x0  }
0x4cc: {  	s3 =	rddreg [dreg:$0x2];
	[bflag:$0x3] =	sbarrier.arrive $0xFFFF;
	s2 =	simm.s32 @!p0 $0x1C0B  }
0x4cd: {  	[timem:s3], [sflag:s2] =	dma.local @!p0 [hbm:s0], s1  }
0x4ce: {  	s0 =	simm.s32 @!p0 $0xB  }
0x4cf: {  	_ =	swait.ge @!p0 [sflag:s0], s1  }
0x4d0: {  	s1 =	ssub.s32 @!p0 $0x0, s1;
	[sflag:s0] =	ssyncset.done @!p0 $0x0  }
0x4d1: {  	[sflag:s0] =	ssyncadd.s32 @!p0 s1  }
0x4d2: {  	[bflag:$0x3] =	sbarrier.arrive $0xFFFF  }
0x4d3: {  	_ =	shalt  }

</sc_bundles>
